<compile_context>
chip_gen: v7x
topology: tpu7x:2x2x1
jax: 0.10.2.dev20260603
libtpu: 0.0.44.dev20260713+nightly
codegen_flags: <defaults>
</compile_context>

<pallas_src>
import dataclasses
import functools
import math

import numpy as np
import jax
import jax.numpy as jnp
from jax.experimental import pallas as pl
from jax.experimental.pallas import tpu as pltpu
from jax.experimental.pallas import tpu_sc as plsc

B, M, L = 128, 32, 256
PROJ, CNN_OUT, DM, NH, NLAYERS = 32, 32, 64, 4, 2
E, TOPK, EH, MOE_OUT = 64, 2, 128, 64
PREDH, FAILH = 8, 3
K = 3
DILS = (1, 2, 4)
NB = 8
NBM = NB * M
R = NBM * L


def _pe(length, d):
    pe = np.zeros((length, d), dtype=np.float32)
    pos = np.arange(length, dtype=np.float32)[:, None]
    div = np.exp(np.arange(0, d, 2, dtype=np.float32) * (-math.log(10000.0) / d))
    pe[:, 0::2] = np.sin(pos * div)
    pe[:, 1::2] = np.cos(pos * div)
    return pe


def _lnk(x, g, b, eps=1e-5):
    mu = jnp.mean(x, -1, keepdims=True)
    var = jnp.mean((x - mu) ** 2, -1, keepdims=True)
    return (x - mu) * jax.lax.rsqrt(var + eps) * g + b


def _encoder_body(xt_ref, mask_ref, maskr_ref, mt_ref, mb_ref, bd_ref,
                  revw_ref, revb_ref, pw_ref,
                  petb_ref, wc0_ref, cb0_ref, wc1_ref, cb1_ref, wc2_ref,
                  cb2_ref, encg_ref, encb_ref, poolw_ref, poolb_ref, pos_ref,
                  tw_ref, outg_ref, outb_ref, hwlf_ref, hwt_ref, hb_ref,
                  gw_ref, gb_ref,
                  g_ref, logits_ref, head_ref, sd_ref):
    xt = xt_ref[...]
    mu = jnp.mean(xt, axis=0, keepdims=True)
    var = jnp.mean((xt - mu) ** 2, axis=0, keepdims=True)
    sd = jnp.sqrt(var + 1e-5)
    sd_ref[...] = sd.reshape(1, 1, NBM)
    xn = (xt - mu) / sd * revw_ref[...] + revb_ref[...]

    h0 = (xn[None, :, :] * pw_ref[...][:, :, None]
          + petb_ref[...][:, :, None])
    h = h0.reshape(PROJ, R).astype(jnp.bfloat16)
    hf = None
    for wc_ref, cb_ref, dil in ((wc0_ref, cb0_ref, 1), (wc1_ref, cb1_ref, 2),
                                (wc2_ref, cb2_ref, 4)):
        s1, s2 = dil * NBM, 2 * dil * NBM
        sh2 = jnp.concatenate(
            [jnp.zeros((PROJ, s2), jnp.bfloat16), h[:, :R - s2]], axis=1)
        sh1 = jnp.concatenate(
            [jnp.zeros((PROJ, s1), jnp.bfloat16), h[:, :R - s1]], axis=1)
        cat = jnp.concatenate([sh2, sh1, h], axis=0)
        hf = jnp.maximum(jnp.dot(wc_ref[...], cat,
                                 preferred_element_type=jnp.float32)
                         + cb_ref[...], 0.0)
        h = hf.astype(jnp.bfloat16)

    mu_c = jnp.mean(hf, axis=0, keepdims=True)
    var_c = jnp.mean((hf - mu_c) ** 2, axis=0, keepdims=True)
    hn = ((hf - mu_c) * jax.lax.rsqrt(var_c + 1e-5) * encg_ref[...]
          + encb_ref[...])
    h3 = hn.reshape(CNN_OUT, L, NBM)
    mt = mt_ref[0]
    pooled_cm = jnp.mean(h3, axis=1) * mt
    lastf_cm = h3[:, L - 1, :] * mt
    pooled = pooled_cm.T
    lastf = lastf_cm.T
    maskr = maskr_ref[...]

    ts = (jnp.dot(pooled, poolw_ref[...], preferred_element_type=jnp.float32)
          + poolb_ref[...] + pos_ref[...])

    tw = tw_ref[...]
    maskv = mask_ref[0]
    bias = bd_ref[...] + mb_ref[0]
    off = 0
    dh = DM // NH
    for _ in range(NLAYERS):
        ln1g = tw[off + 0:off + 1, :DM]; ln1b = tw[off + 1:off + 2, :DM]
        wq = tw[off + 2:off + 2 + DM, :DM];   bq = tw[off + 66:off + 67, :DM]
        wk = tw[off + 67:off + 67 + DM, :DM]; bk = tw[off + 131:off + 132, :DM]
        wv = tw[off + 132:off + 132 + DM, :DM]; bv = tw[off + 196:off + 197, :DM]
        wo = tw[off + 197:off + 197 + DM, :DM]; bo = tw[off + 261:off + 262, :DM]
        ln2g = tw[off + 262:off + 263, :DM]; ln2b = tw[off + 263:off + 264, :DM]
        ff1w = tw[off + 264:off + 264 + DM, :]
        ff1b = tw[off + 328:off + 329, :]
        ff2w = tw[off + 329:off + 329 + 2 * DM, :DM]
        ff2b = tw[off + 457:off + 458, :DM]
        off += 458

        a = _lnk(ts, ln1g, ln1b)
        q = jnp.dot(a, wq, preferred_element_type=jnp.float32) + bq
        k = jnp.dot(a, wk, preferred_element_type=jnp.float32) + bk
        v = jnp.dot(a, wv, preferred_element_type=jnp.float32) + bv
        ohs = []
        for hd in range(NH):
            sl = slice(hd * dh, (hd + 1) * dh)
            sc = jax.lax.dot_general(
                q[:, sl], k[:, sl], (((1,), (1,)), ((), ())),
                preferred_element_type=jnp.float32) * (1.0 / math.sqrt(dh))
            sc = sc + bias
            pa = jax.nn.softmax(sc, axis=-1)
            ohs.append(jnp.dot(pa, v[:, sl],
                               preferred_element_type=jnp.float32))
        o = jnp.dot(jnp.concatenate(ohs, axis=1), wo,
                    preferred_element_type=jnp.float32) + bo
        ts = ts + o
        hh = _lnk(ts, ln2g, ln2b)
        ts = ts + jnp.dot(
            jnp.maximum(jnp.dot(hh, ff1w,
                                preferred_element_type=jnp.float32) + ff1b,
                        0.0),
            ff2w, preferred_element_type=jnp.float32) + ff2b

    tl = _lnk(ts, outg_ref[...], outb_ref[...]) * maskr
    cnt = jnp.maximum(jnp.sum(maskv, axis=1, keepdims=True), 1.0)
    g = jnp.sum(tl.reshape(NB, M, DM), axis=1) / cnt
    g_ref[...] = g.reshape(1, NB, DM)
    logits_ref[...] = (jnp.dot(g, gw_ref[...],
                               preferred_element_type=jnp.float32)
                       + gb_ref[...]).reshape(1, NB, 3 * E)
    hp = (jnp.dot(lastf, hwlf_ref[...], preferred_element_type=jnp.float32)
          + jnp.dot(tl, hwt_ref[...], preferred_element_type=jnp.float32)
          + hb_ref[...])
    head_ref[...] = hp.reshape(NB, M, PREDH + 1)


_SC_NC, _SC_NS, _SC_LN = 2, 16, 16
_SC_NW = _SC_NC * _SC_NS
_SC_RPW = B // _SC_NW


def _routing_sc(logits):
    mesh = plsc.VectorSubcoreMesh(core_axis_name="c", subcore_axis_name="s")
    cp = pltpu.CompilerParams()
    if "needs_layout_passes" in pltpu.CompilerParams.__dataclass_fields__:
        cp = dataclasses.replace(cp, needs_layout_passes=False)

    @functools.partial(
        pl.kernel,
        out_type=jax.ShapeDtypeStruct((B, 3 * E), jnp.float32),
        mesh=mesh,
        compiler_params=cp,
        scratch_types=[
            pltpu.VMEM((_SC_RPW, 3 * E), jnp.float32),
            pltpu.VMEM((_SC_RPW, 3 * E), jnp.float32),
            pltpu.SemaphoreType.DMA,
        ],
    )
    def rk(lg_hbm, w_hbm, lg_v, w_v, sem):
        wid = jax.lax.axis_index("s") * _SC_NC + jax.lax.axis_index("c")
        base = wid * _SC_RPW
        pltpu.async_copy(lg_hbm.at[pl.ds(base, _SC_RPW)], lg_v, sem).wait()
        iota = jax.lax.iota(jnp.int32, _SC_LN)
        for r in range(_SC_RPW):
            for gi in range(3):
                vs = [lg_v[r, pl.ds(gi * E + j * _SC_LN, _SC_LN)]
                      for j in range(4)]
                poss = [iota + j * _SC_LN for j in range(4)]
                m1 = jnp.max(jnp.maximum(jnp.maximum(vs[0], vs[1]),
                                         jnp.maximum(vs[2], vs[3])))
                cands = [jnp.where(vs[j] == m1, poss[j], E) for j in range(4)]
                i1 = jnp.min(jnp.minimum(jnp.minimum(cands[0], cands[1]),
                                         jnp.minimum(cands[2], cands[3])))
                v2s = [jnp.where(poss[j] == i1, -1e30, vs[j])
                       for j in range(4)]
                m2 = jnp.max(jnp.maximum(jnp.maximum(v2s[0], v2s[1]),
                                         jnp.maximum(v2s[2], v2s[3])))
                c2s = [jnp.where(v2s[j] == m2, poss[j], E) for j in range(4)]
                i2 = jnp.min(jnp.minimum(jnp.minimum(c2s[0], c2s[1]),
                                         jnp.minimum(c2s[2], c2s[3])))
                dv = jnp.full((_SC_LN,), m2 - m1, jnp.float32)
                g1 = 1.0 / (1.0 + jnp.exp(dv))
                g2 = 1.0 - g1
                for j in range(4):
                    wj = (jnp.where(poss[j] == i1, g1, 0.0)
                          + jnp.where(poss[j] == i2, g2, 0.0))
                    w_v[r, pl.ds(gi * E + j * _SC_LN, _SC_LN)] = wj
        pltpu.async_copy(w_v, w_hbm.at[pl.ds(base, _SC_RPW)], sem).wait()

    return rk(logits)


def _h1_body(g_ref, w1_ref, b1_ref, h1_ref):
    h1_ref[...] = jnp.maximum(
        jnp.dot(g_ref[...], w1_ref[...], preferred_element_type=jnp.float32)
        + b1_ref[...], 0.0)


def _moe_body(h1_ref, wts_ref, head_ref, sd_ref, last_ref,
              w2_ref, b2_ref, exp_ref, pwm_ref, pb_ref, failw_ref, failb_ref,
              rwm_ref, pred_ref, fail_ref, rca_ref):
    h1 = h1_ref[...]
    wts = wts_ref[...]
    w2b = w2_ref[...]
    hws, wss = [], []
    for gi in range(3):
        w = wts[:, gi * E:(gi + 1) * E]
        wexp = jnp.dot(w.astype(jnp.bfloat16), exp_ref[...],
                       preferred_element_type=jnp.float32)
        hws.append((h1 * wexp).astype(jnp.bfloat16))
        wss.append(w)
    hw3 = jnp.concatenate(hws, axis=0)
    w3 = jnp.concatenate(wss, axis=0)
    moe3 = (jnp.dot(hw3, w2b, preferred_element_type=jnp.float32)
            + jnp.dot(w3, b2_ref[...], preferred_element_type=jnp.float32))
    moe_f, moe_l, moe_r = moe3[:B], moe3[B:2 * B], moe3[2 * B:]

    hp = head_ref[...]
    predm = jnp.dot(moe_f, pwm_ref[...],
                    preferred_element_type=jnp.float32) + pb_ref[...]
    pred_delta = hp[:, :, 0:PREDH] + predm[:, None, :]
    pred_ref[...] = pred_delta * sd_ref[...] + last_ref[...]
    fail_ref[...] = (jnp.dot(moe_l, failw_ref[...],
                             preferred_element_type=jnp.float32)
                     + failb_ref[...])
    rcam = jnp.dot(moe_r, rwm_ref[...], preferred_element_type=jnp.float32)
    rca_ref[...] = hp[:, :, PREDH:PREDH + 1] + rcam[:, None, :]


def _const_spec(shape):
    nd = len(shape)
    return pl.BlockSpec(shape, lambda i, _n=nd: (0,) * _n)


@jax.jit
def kernel(x_features_orig_scale, sensor_mask, last_known_values_orig, params):
    p = params
    x = x_features_orig_scale
    mask = sensor_mask

    xt = x.transpose(2, 0, 1).reshape(L, B * M)
    petb = (jnp.asarray(_pe(L, PROJ)) + p['proj_b'][None, :]).T
    pwc = p['proj_W'].reshape(PROJ, 1)
    wcs = [p['conv%d_W' % i].transpose(0, 2, 1).reshape(-1, K * PROJ)
           .astype(jnp.bfloat16) for i in range(3)]
    cbs = [p['conv%d_b' % i][:, None] for i in range(3)]
    revw_t = jnp.tile(p['revin_w'][0, :, 0], NB)[None, :]
    revb_t = jnp.tile(p['revin_b'][0, :, 0], NB)[None, :]
    maskr = mask.reshape(B * M, 1)
    mask_t = mask.reshape(B // NB, 1, NBM)
    pos_t = jnp.tile(p['pos'][0], (NB, 1))
    bd = jnp.asarray(np.where(
        (np.arange(NBM)[:, None] // M) == (np.arange(NBM)[None, :] // M),
        np.float32(0.0), np.float32(-1e9)))
    mb = ((mask - 1.0) * 1e9).reshape(B // NB, 1, NBM)

    tw_rows = []
    for l in range(NLAYERS):
        pr = 't%d_' % l
        def pad(a):
            a = a if a.ndim == 2 else a[None, :]
            return jnp.pad(a, ((0, 0), (0, 2 * DM - a.shape[1])))
        tw_rows += [pad(p[pr + 'ln1_g']), pad(p[pr + 'ln1_b']),
                    pad(p[pr + 'Wq']), pad(p[pr + 'bq']),
                    pad(p[pr + 'Wk']), pad(p[pr + 'bk']),
                    pad(p[pr + 'Wv']), pad(p[pr + 'bv']),
                    pad(p[pr + 'Wo']), pad(p[pr + 'bo']),
                    pad(p[pr + 'ln2_g']), pad(p[pr + 'ln2_b']),
                    p[pr + 'ff1_W'], p[pr + 'ff1_b'][None, :],
                    pad(p[pr + 'ff2_W']), pad(p[pr + 'ff2_b'])]
    tw = jnp.concatenate(tw_rows, axis=0)

    hwlf = jnp.concatenate([p['pred_W'][:CNN_OUT], p['rca_W'][:CNN_OUT]], 1)
    hwt = jnp.concatenate([p['pred_W'][CNN_OUT:CNN_OUT + DM],
                           p['rca_W'][CNN_OUT:CNN_OUT + DM]], 1)
    hb = jnp.concatenate([p['pred_b'], p['rca_b']])[None, :]
    gw = jnp.concatenate([p['gf_W'], p['gl_W'], p['gr_W']], axis=1)
    gb = jnp.concatenate([p['gf_b'], p['gl_b'], p['gr_b']])[None, :]

    w1cat = p['e_W1'].transpose(1, 0, 2).reshape(DM, E * EH)
    b1cat = p['e_b1'].reshape(1, E * EH)
    w2stack = p['e_W2'].reshape(E * EH, MOE_OUT).astype(jnp.bfloat16)
    b2mat = p['e_b2']
    expand = jnp.asarray(np.repeat(np.eye(E, dtype=np.float32), EH,
                                   axis=1)).astype(jnp.bfloat16)
    pwm = p['pred_W'][CNN_OUT + DM:]
    rwm = p['rca_W'][CNN_OUT + DM:]
    last3 = last_known_values_orig[:, :, None]

    grid = B // NB
    mask3 = mask.reshape(grid, NB, M)
    g3, logits3, head_part, sd3 = pl.pallas_call(
        _encoder_body,
        grid=(grid,),
        in_specs=[
            pl.BlockSpec((L, NBM), lambda i: (0, i)),
            pl.BlockSpec((1, NB, M), lambda i: (i, 0, 0)),
            pl.BlockSpec((NBM, 1), lambda i: (i, 0)),
            pl.BlockSpec((1, 1, NBM), lambda i: (i, 0, 0)),
            pl.BlockSpec((1, 1, NBM), lambda i: (i, 0, 0)),
            _const_spec((NBM, NBM)),
            _const_spec((1, NBM)), _const_spec((1, NBM)),
            _const_spec((PROJ, 1)), _const_spec((PROJ, L)),
            _const_spec((PROJ, K * PROJ)), _const_spec((PROJ, 1)),
            _const_spec((PROJ, K * PROJ)), _const_spec((PROJ, 1)),
            _const_spec((CNN_OUT, K * PROJ)), _const_spec((CNN_OUT, 1)),
            _const_spec((CNN_OUT, 1)), _const_spec((CNN_OUT, 1)),
            _const_spec((CNN_OUT, DM)), _const_spec((1, DM)),
            _const_spec((NBM, DM)),
            _const_spec(tuple(tw.shape)),
            _const_spec((1, DM)), _const_spec((1, DM)),
            _const_spec((CNN_OUT, PREDH + 1)), _const_spec((DM, PREDH + 1)),
            _const_spec((1, PREDH + 1)),
            _const_spec((DM, 3 * E)), _const_spec((1, 3 * E)),
        ],
        out_specs=[
            pl.BlockSpec((1, NB, DM), lambda i: (i, 0, 0)),
            pl.BlockSpec((1, NB, 3 * E), lambda i: (i, 0, 0)),
            pl.BlockSpec((NB, M, PREDH + 1), lambda i: (i, 0, 0)),
            pl.BlockSpec((1, 1, NBM), lambda i: (i, 0, 0)),
        ],
        out_shape=[
            jax.ShapeDtypeStruct((grid, NB, DM), jnp.float32),
            jax.ShapeDtypeStruct((grid, NB, 3 * E), jnp.float32),
            jax.ShapeDtypeStruct((B, M, PREDH + 1), jnp.float32),
            jax.ShapeDtypeStruct((grid, 1, NBM), jnp.float32),
        ],
        compiler_params=pltpu.CompilerParams(
            dimension_semantics=("parallel",)),
    )(xt, mask3, maskr, mask_t, mb, bd, revw_t, revb_t, pwc, petb,
      wcs[0], cbs[0], wcs[1], cbs[1], wcs[2], cbs[2],
      p['enc_ln_g'][:, None], p['enc_ln_b'][:, None],
      p['pool_W'], p['pool_b'][None, :], pos_t, tw,
      p['out_ln_g'][None, :], p['out_ln_b'][None, :], hwlf, hwt, hb, gw, gb)
    g = g3.reshape(B, DM)
    logits = logits3.reshape(B, 3 * E)
    sd = sd3.reshape(B, M)[:, :, None]

    wts = _routing_sc(logits)
    h1 = pl.pallas_call(
        _h1_body,
        out_shape=jax.ShapeDtypeStruct((B, E * EH), jnp.float32),
    )(g, w1cat, b1cat)

    pred, fail, rca3 = pl.pallas_call(
        _moe_body,
        out_shape=[
            jax.ShapeDtypeStruct((B, M, PREDH), jnp.float32),
            jax.ShapeDtypeStruct((B, FAILH), jnp.float32),
            jax.ShapeDtypeStruct((B, M, 1), jnp.float32),
        ],
    )(h1, wts, head_part, sd, last3, w2stack, b2mat, expand,
      pwm, p['pred_b'][None, :], p['fail_W'], p['fail_b'][None, :], rwm)

    return pred, fail, rca3[..., 0]

# --- scband reference (transcript-rebuilt; emitter-appended) ---
"""Pipeline reference for scband-foundational-time-series-model-v4-35278861369698 (READ-ONLY COPY).

The authoritative reference and input builder live on the scoring server;
editing this copy changes nothing except your own understanding.
"""

import jax, jax.numpy as jnp
import numpy as np
import math

B, M, L = 128, 32, 256
PROJ, CNN_OUT, DM, NH, NLAYERS = 32, 32, 64, 4, 2
E, TOPK, EH, MOE_OUT = 64, 2, 128, 64
PREDH, FAILH = 8, 3
K = 3
DILS = (1, 2, 4)

def _pe(length, d):
    pe = np.zeros((length, d), dtype=np.float32)
    pos = np.arange(length, dtype=np.float32)[:, None]
    div = np.exp(np.arange(0, d, 2, dtype=np.float32) * (-math.log(10000.0) / d))
    pe[:, 0::2] = np.sin(pos * div)
    pe[:, 1::2] = np.cos(pos * div)
    return jnp.asarray(pe)

def _ln(x, g, b, eps=1e-5):
    mu = x.mean(-1, keepdims=True)
    var = ((x - mu) ** 2).mean(-1, keepdims=True)
    return (x - mu) / jnp.sqrt(var + eps) * g + b

def _mha(x, padm, p, pr):
    Bq, Mq, _ = x.shape
    dh = DM // NH
    q = (x @ p[pr + 'Wq'] + p[pr + 'bq']).reshape(Bq, Mq, NH, dh).transpose(0, 2, 1, 3)
    k = (x @ p[pr + 'Wk'] + p[pr + 'bk']).reshape(Bq, Mq, NH, dh).transpose(0, 2, 1, 3)
    v = (x @ p[pr + 'Wv'] + p[pr + 'bv']).reshape(Bq, Mq, NH, dh).transpose(0, 2, 1, 3)
    s = jnp.einsum('bhqd,bhkd->bhqk', q, k) / math.sqrt(dh)
    s = jnp.where(padm[:, None, None, :], -1e9, s)
    a = jax.nn.softmax(s, axis=-1)
    o = jnp.einsum('bhqk,bhkd->bhqd', a, v).transpose(0, 2, 1, 3).reshape(Bq, Mq, DM)
    return o @ p[pr + 'Wo'] + p[pr + 'bo']

def _apply_moe(g, W, b, eo):
    logits = g @ W + b
    vals, idx = jax.lax.top_k(logits, TOPK)
    gates = jax.nn.softmax(vals, axis=-1)
    chosen = jnp.take_along_axis(eo, idx[:, :, None], axis=1)
    return jnp.sum(chosen * gates[:, :, None], axis=1)

def _forward(x, mask, last, p):
    mean = x.mean(-1, keepdims=True)
    stdev = jnp.sqrt(x.var(-1, keepdims=True) + 1e-5)
    xn = (x - mean) / stdev * p['revin_w'] + p['revin_b']
    h = xn.reshape(B * M, L, 1) @ p['proj_W'] + p['proj_b']
    h = h + _pe(L, PROJ)[None, :, :]
    h = h.transpose(0, 2, 1)
    for i, dil in enumerate(DILS):
        pad = (K - 1) * dil
        h = jax.lax.conv_general_dilated(h, p['conv%d_W' % i], (1,), [(pad, 0)], rhs_dilation=(dil,), dimension_numbers=('NCH', 'OIH', 'NCH')) + p['conv%d_b' % i][None, :, None]
        h = jax.nn.relu(h)
    h = h.transpose(0, 2, 1)
    h = _ln(h, p['enc_ln_g'], p['enc_ln_b'])
    feats = h.reshape(B, M, L, CNN_OUT) * mask[:, :, None, None]
    pooled = feats.mean(2)
    t = pooled @ p['pool_W'] + p['pool_b']
    t = t + p['pos'][:, :M, :]
    padm = mask == 0
    for l in range(NLAYERS):
        pr = 't%d_' % l
        t = t + _mha(_ln(t, p[pr + 'ln1_g'], p[pr + 'ln1_b']), padm, p, pr)
        hh = _ln(t, p[pr + 'ln2_g'], p[pr + 'ln2_b'])
        t = t + (jax.nn.relu(hh @ p[pr + 'ff1_W'] + p[pr + 'ff1_b']) @ p[pr + 'ff2_W'] + p[pr + 'ff2_b'])
    t = _ln(t, p['out_ln_g'], p['out_ln_b'])
    t = t * mask[:, :, None]
    cnt = jnp.maximum(mask.sum(1, keepdims=True), 1.0)
    g = t.sum(1) / cnt
    h1 = jax.nn.relu(jnp.einsum('bd,edh->beh', g, p['e_W1']) + p['e_b1'][None])
    eo = jnp.einsum('beh,eho->beo', h1, p['e_W2']) + p['e_b2'][None]
    moe_f = _apply_moe(g, p['gf_W'], p['gf_b'], eo)
    moe_l = _apply_moe(g, p['gl_W'], p['gl_b'], eo)
    moe_r = _apply_moe(g, p['gr_W'], p['gr_b'], eo)
    lastf = feats[:, :, -1, :]
    comb = jnp.concatenate([lastf, t], axis=-1)
    pred_in = jnp.concatenate([comb, jnp.broadcast_to(moe_f[:, None, :], (B, M, MOE_OUT))], axis=-1)
    pred_delta = pred_in @ p['pred_W'] + p['pred_b']
    pred_abs = pred_delta * stdev + last[:, :, None]
    fail = moe_l @ p['fail_W'] + p['fail_b']
    rca_in = jnp.concatenate([comb, jnp.broadcast_to(moe_r[:, None, :], (B, M, MOE_OUT))], axis=-1)
    rca = (rca_in @ p['rca_W'] + p['rca_b'])[..., 0]
    return pred_abs, fail, rca

def setup_inputs(seed: int = 0):
    key = jax.random.key(seed)
    ks = iter(jax.random.split(key, 64))
    def rn(shape, s=0.05):
        return jax.random.normal(next(ks), shape, dtype=jnp.float32) * s
    p = {}
    p['revin_w'] = jnp.ones((1, M, 1), jnp.float32)
    p['revin_b'] = jnp.zeros((1, M, 1), jnp.float32)
    p['proj_W'] = rn((1, PROJ)); p['proj_b'] = jnp.zeros((PROJ,), jnp.float32)
    for i in range(3):
        od = CNN_OUT if i == 2 else PROJ
        p['conv%d_W' % i] = rn((od, PROJ, K))
        p['conv%d_b' % i] = jnp.zeros((od,), jnp.float32)
    p['enc_ln_g'] = jnp.ones((CNN_OUT,), jnp.float32); p['enc_ln_b'] = jnp.zeros((CNN_OUT,), jnp.float32)
    p['pool_W'] = rn((CNN_OUT, DM)); p['pool_b'] = jnp.zeros((DM,), jnp.float32)
    p['pos'] = rn((1, M, DM))
    for l in range(NLAYERS):
        pr = 't%d_' % l
        p[pr + 'ln1_g'] = jnp.ones((DM,), jnp.float32); p[pr + 'ln1_b'] = jnp.zeros((DM,), jnp.float32)
        p[pr + 'Wq'] = rn((DM, DM)); p[pr + 'bq'] = jnp.zeros((DM,), jnp.float32)
        p[pr + 'Wk'] = rn((DM, DM)); p[pr + 'bk'] = jnp.zeros((DM,), jnp.float32)
        p[pr + 'Wv'] = rn((DM, DM)); p[pr + 'bv'] = jnp.zeros((DM,), jnp.float32)
        p[pr + 'Wo'] = rn((DM, DM)); p[pr + 'bo'] = jnp.zeros((DM,), jnp.float32)
        p[pr + 'ln2_g'] = jnp.ones((DM,), jnp.float32); p[pr + 'ln2_b'] = jnp.zeros((DM,), jnp.float32)
        p[pr + 'ff1_W'] = rn((DM, 2 * DM)); p[pr + 'ff1_b'] = jnp.zeros((2 * DM,), jnp.float32)
        p[pr + 'ff2_W'] = rn((2 * DM, DM)); p[pr + 'ff2_b'] = jnp.zeros((DM,), jnp.float32)
    p['out_ln_g'] = jnp.ones((DM,), jnp.float32); p['out_ln_b'] = jnp.zeros((DM,), jnp.float32)
    p['e_W1'] = rn((E, DM, EH)); p['e_b1'] = jnp.zeros((E, EH), jnp.float32)
    p['e_W2'] = rn((E, EH, MOE_OUT)); p['e_b2'] = jnp.zeros((E, MOE_OUT), jnp.float32)
    for gn in ('gf', 'gl', 'gr'):
        p[gn + '_W'] = rn((DM, E)); p[gn + '_b'] = jnp.zeros((E,), jnp.float32)
    p['pred_W'] = rn((CNN_OUT + DM + MOE_OUT, PREDH)); p['pred_b'] = jnp.zeros((PREDH,), jnp.float32)
    p['fail_W'] = rn((MOE_OUT, FAILH)); p['fail_b'] = jnp.zeros((FAILH,), jnp.float32)
    p['rca_W'] = rn((CNN_OUT + DM + MOE_OUT, 1)); p['rca_b'] = jnp.zeros((1,), jnp.float32)
    x = jax.random.normal(next(ks), (B, M, L), dtype=jnp.float32)
    mask = jnp.ones((B, M), jnp.float32)
    last = jax.random.normal(next(ks), (B, M), dtype=jnp.float32)
    return {'x_features_orig_scale': x, 'sensor_mask': mask, 'last_known_values_orig': last, 'params': p}

def reference(x_features_orig_scale, sensor_mask, last_known_values_orig, params):
    return _forward(x_features_orig_scale, sensor_mask, last_known_values_orig, params)

if __name__ == "__main__":
    import jax
    _d = setup_inputs()
    print(jax.jit(kernel)(*tuple(_d.values())))

</pallas_src>

<mosaic_0001>
#map = affine_map<(d0, d1) -> (0, 0)>
module attributes {stable_mosaic.version = 14 : i64} {
  func.func @rk(%arg0: i32, %arg1: i32, %arg2: memref<128x192xf32, #tpu.memory_space<hbm>>, %arg3: memref<128x192xf32, #tpu.memory_space<hbm>>, %arg4: memref<4x192xf32, #tpu.memory_space<vmem>>, %arg5: memref<4x192xf32, #tpu.memory_space<vmem>>, %arg6: memref<!tpu.dma_semaphore, #tpu.memory_space<semaphore_mem>>) attributes {dimension_semantics = [#tpu.dimension_semantics<core_parallel>, #tpu.dimension_semantics<subcore_parallel>], iteration_bounds = array<i64: 2, 16>, scalar_prefetch = 0 : i64, scratch_operands = 3 : i64, tpu.core_type = #tpu.core_type<sc_vector_subcore>, window_params = [{transform_indices = #map}, {transform_indices = #map}]} {
    %mul3A = arith.constant 2 : i32
    %mul3A_0 = arith.muli %arg1, %mul3A : i32
    %add3A = arith.addi %mul3A_0, %arg0 : i32
    %mul3A_1 = arith.constant 4 : i32
    %mul3A_2 = arith.muli %add3A, %mul3A_1 : i32
    %dma_start3A = arith.constant 0 : i32
    %dma_start3A_3 = tpu.memref_slice %arg2[%mul3A_2, %dma_start3A] : memref<128x192xf32, #tpu.memory_space<hbm>> -> memref<4x192xf32, #tpu.memory_space<hbm>>
    %dma_start3A_4 = arith.constant 0 : i32
    %dma_start3A_5 = tpu.memref_slice %arg2[%mul3A_2, %dma_start3A_4] : memref<128x192xf32, #tpu.memory_space<hbm>> -> memref<4x192xf32, #tpu.memory_space<hbm>>
    tpu.enqueue_dma source(%dma_start3A_5 : memref<4x192xf32, #tpu.memory_space<hbm>>) target(%arg4 : memref<4x192xf32, #tpu.memory_space<vmem>>) target_semaphore(%arg6 : memref<!tpu.dma_semaphore, #tpu.memory_space<semaphore_mem>>)
    %dma_wait3A = arith.constant 0 : i32
    %dma_wait3A_6 = tpu.memref_slice %arg2[%mul3A_2, %dma_wait3A] : memref<128x192xf32, #tpu.memory_space<hbm>> -> memref<4x192xf32, #tpu.memory_space<hbm>>
    %dma_wait3A_7 = arith.constant 0 : i32
    %dma_wait3A_8 = tpu.memref_slice %arg2[%mul3A_2, %dma_wait3A_7] : memref<128x192xf32, #tpu.memory_space<hbm>> -> memref<4x192xf32, #tpu.memory_space<hbm>>
    tpu.wait_dma2 semaphore(%arg6 : memref<!tpu.dma_semaphore, #tpu.memory_space<semaphore_mem>>) src(%dma_wait3A_8 : memref<4x192xf32, #tpu.memory_space<hbm>>) dst(%arg4 : memref<4x192xf32, #tpu.memory_space<vmem>>)
    %iota3A = tpu.iota {dimensions = array<i32: 0>} : vector<16xi32>
    %get3A = arith.constant 0 : i32
    %get3A_9 = arith.index_cast %get3A : i32 to index
    %get3A_10 = arith.constant 0 : index
    %get3A_11 = tpu.vector_load %arg4[%get3A_9, %get3A_10] {strides = array<i32>} : memref<4x192xf32, #tpu.memory_space<vmem>>, vector<16xf32>,
    %get3A_12 = arith.constant 0 : i32
    %get3A_13 = arith.index_cast %get3A_12 : i32 to index
    %get3A_14 = arith.constant 16 : index
    %get3A_15 = tpu.vector_load %arg4[%get3A_13, %get3A_14] {strides = array<i32>} : memref<4x192xf32, #tpu.memory_space<vmem>>, vector<16xf32>,
    %get3A_16 = arith.constant 0 : i32
    %get3A_17 = arith.index_cast %get3A_16 : i32 to index
    %get3A_18 = arith.constant 32 : index
    %get3A_19 = tpu.vector_load %arg4[%get3A_17, %get3A_18] {strides = array<i32>} : memref<4x192xf32, #tpu.memory_space<vmem>>, vector<16xf32>,
    %get3A_20 = arith.constant 0 : i32
    %get3A_21 = arith.index_cast %get3A_20 : i32 to index
    %get3A_22 = arith.constant 48 : index
    %get3A_23 = tpu.vector_load %arg4[%get3A_21, %get3A_22] {strides = array<i32>} : memref<4x192xf32, #tpu.memory_space<vmem>>, vector<16xf32>,
    %add3A_24 = arith.constant 0 : i32
    %add3A_25 = vector.broadcast %add3A_24 : i32 to vector<16xi32>
    %add3A_26 = arith.addi %iota3A, %add3A_25 : vector<16xi32>
    %add3A_27 = arith.constant 16 : i32
    %add3A_28 = vector.broadcast %add3A_27 : i32 to vector<16xi32>
    %add3A_29 = arith.addi %iota3A, %add3A_28 : vector<16xi32>
    %add3A_30 = arith.constant 32 : i32
    %add3A_31 = vector.broadcast %add3A_30 : i32 to vector<16xi32>
    %add3A_32 = arith.addi %iota3A, %add3A_31 : vector<16xi32>
    %add3A_33 = arith.constant 48 : i32
    %add3A_34 = vector.broadcast %add3A_33 : i32 to vector<16xi32>
    %add3A_35 = arith.addi %iota3A, %add3A_34 : vector<16xi32>
    %max3A = arith.maximumf %get3A_11, %get3A_15 : vector<16xf32>
    %max3A_36 = arith.maximumf %get3A_19, %get3A_23 : vector<16xf32>
    %max3A_37 = arith.maximumf %max3A, %max3A_36 : vector<16xf32>
    %reduce_max3A = arith.constant true
    %reduce_max3A_38 = vector.broadcast %reduce_max3A : i1 to vector<16xi1>
    %reduce_max3A_39 = tpu.scan <max>, %max3A_37 masked %reduce_max3A_38 : vector<16xf32>, vector<16xi1> -> vector<16xf32>
    %reduce_max3A_40 = vector.extract %reduce_max3A_39[15] : f32 from vector<16xf32>
    %eq3A = vector.broadcast %reduce_max3A_40 : f32 to vector<16xf32>
    %eq3A_41 = arith.cmpf oeq, %get3A_11, %eq3A : vector<16xf32>
    %jit3A = arith.constant 64 : i32
    %broadcast_in_dim3A = vector.broadcast %jit3A : i32 to vector<16xi32>
    %select_n3A = arith.select %eq3A_41, %add3A_26, %broadcast_in_dim3A : vector<16xi1>, vector<16xi32>
    %eq3A_42 = vector.broadcast %reduce_max3A_40 : f32 to vector<16xf32>
    %eq3A_43 = arith.cmpf oeq, %get3A_15, %eq3A_42 : vector<16xf32>
    %jit3A_44 = arith.constant 64 : i32
    %broadcast_in_dim3A_45 = vector.broadcast %jit3A_44 : i32 to vector<16xi32>
    %select_n3A_46 = arith.select %eq3A_43, %add3A_29, %broadcast_in_dim3A_45 : vector<16xi1>, vector<16xi32>
    %eq3A_47 = vector.broadcast %reduce_max3A_40 : f32 to vector<16xf32>
    %eq3A_48 = arith.cmpf oeq, %get3A_19, %eq3A_47 : vector<16xf32>
    %jit3A_49 = arith.constant 64 : i32
    %broadcast_in_dim3A_50 = vector.broadcast %jit3A_49 : i32 to vector<16xi32>
    %select_n3A_51 = arith.select %eq3A_48, %add3A_32, %broadcast_in_dim3A_50 : vector<16xi1>, vector<16xi32>
    %eq3A_52 = vector.broadcast %reduce_max3A_40 : f32 to vector<16xf32>
    %eq3A_53 = arith.cmpf oeq, %get3A_23, %eq3A_52 : vector<16xf32>
    %jit3A_54 = arith.constant 64 : i32
    %broadcast_in_dim3A_55 = vector.broadcast %jit3A_54 : i32 to vector<16xi32>
    %select_n3A_56 = arith.select %eq3A_53, %add3A_35, %broadcast_in_dim3A_55 : vector<16xi1>, vector<16xi32>
    %min3A = arith.minsi %select_n3A, %select_n3A_46 : vector<16xi32>
    %min3A_57 = arith.minsi %select_n3A_51, %select_n3A_56 : vector<16xi32>
    %min3A_58 = arith.minsi %min3A, %min3A_57 : vector<16xi32>
    %reduce_min3A = arith.constant true
    %reduce_min3A_59 = vector.broadcast %reduce_min3A : i1 to vector<16xi1>
    %reduce_min3A_60 = arith.constant -2147483648 : i32
    %reduce_min3A_61 = vector.broadcast %reduce_min3A_60 : i32 to vector<16xi32>
    %reduce_min3A_62 = arith.xori %min3A_58, %reduce_min3A_61 : vector<16xi32>
    %reduce_min3A_63 = tpu.scan <min>, %reduce_min3A_62 masked %reduce_min3A_59 : vector<16xi32>, vector<16xi1> -> vector<16xi32>
    %reduce_min3A_64 = arith.xori %reduce_min3A_63, %reduce_min3A_61 : vector<16xi32>
    %reduce_min3A_65 = vector.extract %reduce_min3A_64[15] : i32 from vector<16xi32>
    %eq3A_66 = vector.broadcast %reduce_min3A_65 : i32 to vector<16xi32>
    %eq3A_67 = arith.cmpi eq, %add3A_26, %eq3A_66 : vector<16xi32>
    %jit3A_68 = arith.constant -1.000000e+30 : f32
    %broadcast_in_dim3A_69 = vector.broadcast %jit3A_68 : f32 to vector<16xf32>
    %select_n3A_70 = arith.select %eq3A_67, %broadcast_in_dim3A_69, %get3A_11 : vector<16xi1>, vector<16xf32>
    %eq3A_71 = vector.broadcast %reduce_min3A_65 : i32 to vector<16xi32>
    %eq3A_72 = arith.cmpi eq, %add3A_29, %eq3A_71 : vector<16xi32>
    %jit3A_73 = arith.constant -1.000000e+30 : f32
    %broadcast_in_dim3A_74 = vector.broadcast %jit3A_73 : f32 to vector<16xf32>
    %select_n3A_75 = arith.select %eq3A_72, %broadcast_in_dim3A_74, %get3A_15 : vector<16xi1>, vector<16xf32>
    %eq3A_76 = vector.broadcast %reduce_min3A_65 : i32 to vector<16xi32>
    %eq3A_77 = arith.cmpi eq, %add3A_32, %eq3A_76 : vector<16xi32>
    %jit3A_78 = arith.constant -1.000000e+30 : f32
    %broadcast_in_dim3A_79 = vector.broadcast %jit3A_78 : f32 to vector<16xf32>
    %select_n3A_80 = arith.select %eq3A_77, %broadcast_in_dim3A_79, %get3A_19 : vector<16xi1>, vector<16xf32>
    %eq3A_81 = vector.broadcast %reduce_min3A_65 : i32 to vector<16xi32>
    %eq3A_82 = arith.cmpi eq, %add3A_35, %eq3A_81 : vector<16xi32>
    %jit3A_83 = arith.constant -1.000000e+30 : f32
    %broadcast_in_dim3A_84 = vector.broadcast %jit3A_83 : f32 to vector<16xf32>
    %select_n3A_85 = arith.select %eq3A_82, %broadcast_in_dim3A_84, %get3A_23 : vector<16xi1>, vector<16xf32>
    %max3A_86 = arith.maximumf %select_n3A_70, %select_n3A_75 : vector<16xf32>
    %max3A_87 = arith.maximumf %select_n3A_80, %select_n3A_85 : vector<16xf32>
    %max3A_88 = arith.maximumf %max3A_86, %max3A_87 : vector<16xf32>
    %reduce_max3A_89 = arith.constant true
    %reduce_max3A_90 = vector.broadcast %reduce_max3A_89 : i1 to vector<16xi1>
    %reduce_max3A_91 = tpu.scan <max>, %max3A_88 masked %reduce_max3A_90 : vector<16xf32>, vector<16xi1> -> vector<16xf32>
    %reduce_max3A_92 = vector.extract %reduce_max3A_91[15] : f32 from vector<16xf32>
    %eq3A_93 = vector.broadcast %reduce_max3A_92 : f32 to vector<16xf32>
    %eq3A_94 = arith.cmpf oeq, %select_n3A_70, %eq3A_93 : vector<16xf32>
    %jit3A_95 = arith.constant 64 : i32
    %broadcast_in_dim3A_96 = vector.broadcast %jit3A_95 : i32 to vector<16xi32>
    %select_n3A_97 = arith.select %eq3A_94, %add3A_26, %broadcast_in_dim3A_96 : vector<16xi1>, vector<16xi32>
    %eq3A_98 = vector.broadcast %reduce_max3A_92 : f32 to vector<16xf32>
    %eq3A_99 = arith.cmpf oeq, %select_n3A_75, %eq3A_98 : vector<16xf32>
    %jit3A_100 = arith.constant 64 : i32
    %broadcast_in_dim3A_101 = vector.broadcast %jit3A_100 : i32 to vector<16xi32>
    %select_n3A_102 = arith.select %eq3A_99, %add3A_29, %broadcast_in_dim3A_101 : vector<16xi1>, vector<16xi32>
    %eq3A_103 = vector.broadcast %reduce_max3A_92 : f32 to vector<16xf32>
    %eq3A_104 = arith.cmpf oeq, %select_n3A_80, %eq3A_103 : vector<16xf32>
    %jit3A_105 = arith.constant 64 : i32
    %broadcast_in_dim3A_106 = vector.broadcast %jit3A_105 : i32 to vector<16xi32>
    %select_n3A_107 = arith.select %eq3A_104, %add3A_32, %broadcast_in_dim3A_106 : vector<16xi1>, vector<16xi32>
    %eq3A_108 = vector.broadcast %reduce_max3A_92 : f32 to vector<16xf32>
    %eq3A_109 = arith.cmpf oeq, %select_n3A_85, %eq3A_108 : vector<16xf32>
    %jit3A_110 = arith.constant 64 : i32
    %broadcast_in_dim3A_111 = vector.broadcast %jit3A_110 : i32 to vector<16xi32>
    %select_n3A_112 = arith.select %eq3A_109, %add3A_35, %broadcast_in_dim3A_111 : vector<16xi1>, vector<16xi32>
    %min3A_113 = arith.minsi %select_n3A_97, %select_n3A_102 : vector<16xi32>
    %min3A_114 = arith.minsi %select_n3A_107, %select_n3A_112 : vector<16xi32>
    %min3A_115 = arith.minsi %min3A_113, %min3A_114 : vector<16xi32>
    %reduce_min3A_116 = arith.constant true
    %reduce_min3A_117 = vector.broadcast %reduce_min3A_116 : i1 to vector<16xi1>
    %reduce_min3A_118 = arith.constant -2147483648 : i32
    %reduce_min3A_119 = vector.broadcast %reduce_min3A_118 : i32 to vector<16xi32>
    %reduce_min3A_120 = arith.xori %min3A_115, %reduce_min3A_119 : vector<16xi32>
    %reduce_min3A_121 = tpu.scan <min>, %reduce_min3A_120 masked %reduce_min3A_117 : vector<16xi32>, vector<16xi1> -> vector<16xi32>
    %reduce_min3A_122 = arith.xori %reduce_min3A_121, %reduce_min3A_119 : vector<16xi32>
    %reduce_min3A_123 = vector.extract %reduce_min3A_122[15] : i32 from vector<16xi32>
    %sub3A = arith.subf %reduce_max3A_92, %reduce_max3A_40 : f32
    %broadcast_in_dim3A_124 = vector.broadcast %sub3A : f32 to vector<16xf32>
    %exp3A = math.exp %broadcast_in_dim3A_124 : vector<16xf32>
    %add3A_125 = arith.constant 1.000000e+00 : f32
    %add3A_126 = vector.broadcast %add3A_125 : f32 to vector<16xf32>
    %add3A_127 = arith.addf %add3A_126, %exp3A : vector<16xf32>
    %div3A = arith.constant 1.000000e+00 : f32
    %div3A_128 = vector.broadcast %div3A : f32 to vector<16xf32>
    %div3A_129 = arith.divf %div3A_128, %add3A_127 : vector<16xf32>
    %sub3A_130 = arith.constant 1.000000e+00 : f32
    %sub3A_131 = vector.broadcast %sub3A_130 : f32 to vector<16xf32>
    %sub3A_132 = arith.subf %sub3A_131, %div3A_129 : vector<16xf32>
    %eq3A_133 = vector.broadcast %reduce_min3A_65 : i32 to vector<16xi32>
    %eq3A_134 = arith.cmpi eq, %add3A_26, %eq3A_133 : vector<16xi32>
    %jit3A_135 = arith.constant 0.000000e+00 : f32
    %broadcast_in_dim3A_136 = vector.broadcast %jit3A_135 : f32 to vector<16xf32>
    %select_n3A_137 = arith.select %eq3A_134, %div3A_129, %broadcast_in_dim3A_136 : vector<16xi1>, vector<16xf32>
    %eq3A_138 = vector.broadcast %reduce_min3A_123 : i32 to vector<16xi32>
    %eq3A_139 = arith.cmpi eq, %add3A_26, %eq3A_138 : vector<16xi32>
    %jit3A_140 = arith.constant 0.000000e+00 : f32
    %broadcast_in_dim3A_141 = vector.broadcast %jit3A_140 : f32 to vector<16xf32>
    %select_n3A_142 = arith.select %eq3A_139, %sub3A_132, %broadcast_in_dim3A_141 : vector<16xi1>, vector<16xf32>
    %add3A_143 = arith.addf %select_n3A_137, %select_n3A_142 : vector<16xf32>
    %swap3A = arith.constant 0 : i32
    %swap3A_144 = arith.index_cast %swap3A : i32 to index
    %swap3A_145 = arith.constant 0 : index
    %swap3A_146 = tpu.vector_load %arg5[%swap3A_144, %swap3A_145] {strides = array<i32>} : memref<4x192xf32, #tpu.memory_space<vmem>>, vector<16xf32>,
    tpu.vector_store %arg5[%swap3A_144, %swap3A_145], %add3A_143 {strides = array<i32>} : memref<4x192xf32, #tpu.memory_space<vmem>>, vector<16xf32>,
    %eq3A_147 = vector.broadcast %reduce_min3A_65 : i32 to vector<16xi32>
    %eq3A_148 = arith.cmpi eq, %add3A_29, %eq3A_147 : vector<16xi32>
    %jit3A_149 = arith.constant 0.000000e+00 : f32
    %broadcast_in_dim3A_150 = vector.broadcast %jit3A_149 : f32 to vector<16xf32>
    %select_n3A_151 = arith.select %eq3A_148, %div3A_129, %broadcast_in_dim3A_150 : vector<16xi1>, vector<16xf32>
    %eq3A_152 = vector.broadcast %reduce_min3A_123 : i32 to vector<16xi32>
    %eq3A_153 = arith.cmpi eq, %add3A_29, %eq3A_152 : vector<16xi32>
    %jit3A_154 = arith.constant 0.000000e+00 : f32
    %broadcast_in_dim3A_155 = vector.broadcast %jit3A_154 : f32 to vector<16xf32>
    %select_n3A_156 = arith.select %eq3A_153, %sub3A_132, %broadcast_in_dim3A_155 : vector<16xi1>, vector<16xf32>
    %add3A_157 = arith.addf %select_n3A_151, %select_n3A_156 : vector<16xf32>
    %swap3A_158 = arith.constant 0 : i32
    %swap3A_159 = arith.index_cast %swap3A_158 : i32 to index
    %swap3A_160 = arith.constant 16 : index
    %swap3A_161 = tpu.vector_load %arg5[%swap3A_159, %swap3A_160] {strides = array<i32>} : memref<4x192xf32, #tpu.memory_space<vmem>>, vector<16xf32>,
    tpu.vector_store %arg5[%swap3A_159, %swap3A_160], %add3A_157 {strides = array<i32>} : memref<4x192xf32, #tpu.memory_space<vmem>>, vector<16xf32>,
    %eq3A_162 = vector.broadcast %reduce_min3A_65 : i32 to vector<16xi32>
    %eq3A_163 = arith.cmpi eq, %add3A_32, %eq3A_162 : vector<16xi32>
    %jit3A_164 = arith.constant 0.000000e+00 : f32
    %broadcast_in_dim3A_165 = vector.broadcast %jit3A_164 : f32 to vector<16xf32>
    %select_n3A_166 = arith.select %eq3A_163, %div3A_129, %broadcast_in_dim3A_165 : vector<16xi1>, vector<16xf32>
    %eq3A_167 = vector.broadcast %reduce_min3A_123 : i32 to vector<16xi32>
    %eq3A_168 = arith.cmpi eq, %add3A_32, %eq3A_167 : vector<16xi32>
    %jit3A_169 = arith.constant 0.000000e+00 : f32
    %broadcast_in_dim3A_170 = vector.broadcast %jit3A_169 : f32 to vector<16xf32>
    %select_n3A_171 = arith.select %eq3A_168, %sub3A_132, %broadcast_in_dim3A_170 : vector<16xi1>, vector<16xf32>
    %add3A_172 = arith.addf %select_n3A_166, %select_n3A_171 : vector<16xf32>
    %swap3A_173 = arith.constant 0 : i32
    %swap3A_174 = arith.index_cast %swap3A_173 : i32 to index
    %swap3A_175 = arith.constant 32 : index
    %swap3A_176 = tpu.vector_load %arg5[%swap3A_174, %swap3A_175] {strides = array<i32>} : memref<4x192xf32, #tpu.memory_space<vmem>>, vector<16xf32>,
    tpu.vector_store %arg5[%swap3A_174, %swap3A_175], %add3A_172 {strides = array<i32>} : memref<4x192xf32, #tpu.memory_space<vmem>>, vector<16xf32>,
    %eq3A_177 = vector.broadcast %reduce_min3A_65 : i32 to vector<16xi32>
    %eq3A_178 = arith.cmpi eq, %add3A_35, %eq3A_177 : vector<16xi32>
    %jit3A_179 = arith.constant 0.000000e+00 : f32
    %broadcast_in_dim3A_180 = vector.broadcast %jit3A_179 : f32 to vector<16xf32>
    %select_n3A_181 = arith.select %eq3A_178, %div3A_129, %broadcast_in_dim3A_180 : vector<16xi1>, vector<16xf32>
    %eq3A_182 = vector.broadcast %reduce_min3A_123 : i32 to vector<16xi32>
    %eq3A_183 = arith.cmpi eq, %add3A_35, %eq3A_182 : vector<16xi32>
    %jit3A_184 = arith.constant 0.000000e+00 : f32
    %broadcast_in_dim3A_185 = vector.broadcast %jit3A_184 : f32 to vector<16xf32>
    %select_n3A_186 = arith.select %eq3A_183, %sub3A_132, %broadcast_in_dim3A_185 : vector<16xi1>, vector<16xf32>
    %add3A_187 = arith.addf %select_n3A_181, %select_n3A_186 : vector<16xf32>
    %swap3A_188 = arith.constant 0 : i32
    %swap3A_189 = arith.index_cast %swap3A_188 : i32 to index
    %swap3A_190 = arith.constant 48 : index
    %swap3A_191 = tpu.vector_load %arg5[%swap3A_189, %swap3A_190] {strides = array<i32>} : memref<4x192xf32, #tpu.memory_space<vmem>>, vector<16xf32>,
    tpu.vector_store %arg5[%swap3A_189, %swap3A_190], %add3A_187 {strides = array<i32>} : memref<4x192xf32, #tpu.memory_space<vmem>>, vector<16xf32>,
    %get3A_192 = arith.constant 0 : i32
    %get3A_193 = arith.index_cast %get3A_192 : i32 to index
    %get3A_194 = arith.constant 64 : index
    %get3A_195 = tpu.vector_load %arg4[%get3A_193, %get3A_194] {strides = array<i32>} : memref<4x192xf32, #tpu.memory_space<vmem>>, vector<16xf32>,
    %get3A_196 = arith.constant 0 : i32
    %get3A_197 = arith.index_cast %get3A_196 : i32 to index
    %get3A_198 = arith.constant 80 : index
    %get3A_199 = tpu.vector_load %arg4[%get3A_197, %get3A_198] {strides = array<i32>} : memref<4x192xf32, #tpu.memory_space<vmem>>, vector<16xf32>,
    %get3A_200 = arith.constant 0 : i32
    %get3A_201 = arith.index_cast %get3A_200 : i32 to index
    %get3A_202 = arith.constant 96 : index
    %get3A_203 = tpu.vector_load %arg4[%get3A_201, %get3A_202] {strides = array<i32>} : memref<4x192xf32, #tpu.memory_space<vmem>>, vector<16xf32>,
    %get3A_204 = arith.constant 0 : i32
    %get3A_205 = arith.index_cast %get3A_204 : i32 to index
    %get3A_206 = arith.constant 112 : index
    %get3A_207 = tpu.vector_load %arg4[%get3A_205, %get3A_206] {strides = array<i32>} : memref<4x192xf32, #tpu.memory_space<vmem>>, vector<16xf32>,
    %add3A_208 = arith.constant 0 : i32
    %add3A_209 = vector.broadcast %add3A_208 : i32 to vector<16xi32>
    %add3A_210 = arith.addi %iota3A, %add3A_209 : vector<16xi32>
    %add3A_211 = arith.constant 16 : i32
    %add3A_212 = vector.broadcast %add3A_211 : i32 to vector<16xi32>
    %add3A_213 = arith.addi %iota3A, %add3A_212 : vector<16xi32>
    %add3A_214 = arith.constant 32 : i32
    %add3A_215 = vector.broadcast %add3A_214 : i32 to vector<16xi32>
    %add3A_216 = arith.addi %iota3A, %add3A_215 : vector<16xi32>
    %add3A_217 = arith.constant 48 : i32
    %add3A_218 = vector.broadcast %add3A_217 : i32 to vector<16xi32>
    %add3A_219 = arith.addi %iota3A, %add3A_218 : vector<16xi32>
    %max3A_220 = arith.maximumf %get3A_195, %get3A_199 : vector<16xf32>
    %max3A_221 = arith.maximumf %get3A_203, %get3A_207 : vector<16xf32>
    %max3A_222 = arith.maximumf %max3A_220, %max3A_221 : vector<16xf32>
    %reduce_max3A_223 = arith.constant true
    %reduce_max3A_224 = vector.broadcast %reduce_max3A_223 : i1 to vector<16xi1>
    %reduce_max3A_225 = tpu.scan <max>, %max3A_222 masked %reduce_max3A_224 : vector<16xf32>, vector<16xi1> -> vector<16xf32>
    %reduce_max3A_226 = vector.extract %reduce_max3A_225[15] : f32 from vector<16xf32>
    %eq3A_227 = vector.broadcast %reduce_max3A_226 : f32 to vector<16xf32>
    %eq3A_228 = arith.cmpf oeq, %get3A_195, %eq3A_227 : vector<16xf32>
    %jit3A_229 = arith.constant 64 : i32
    %broadcast_in_dim3A_230 = vector.broadcast %jit3A_229 : i32 to vector<16xi32>
    %select_n3A_231 = arith.select %eq3A_228, %add3A_210, %broadcast_in_dim3A_230 : vector<16xi1>, vector<16xi32>
    %eq3A_232 = vector.broadcast %reduce_max3A_226 : f32 to vector<16xf32>
    %eq3A_233 = arith.cmpf oeq, %get3A_199, %eq3A_232 : vector<16xf32>
    %jit3A_234 = arith.constant 64 : i32
    %broadcast_in_dim3A_235 = vector.broadcast %jit3A_234 : i32 to vector<16xi32>
    %select_n3A_236 = arith.select %eq3A_233, %add3A_213, %broadcast_in_dim3A_235 : vector<16xi1>, vector<16xi32>
    %eq3A_237 = vector.broadcast %reduce_max3A_226 : f32 to vector<16xf32>
    %eq3A_238 = arith.cmpf oeq, %get3A_203, %eq3A_237 : vector<16xf32>
    %jit3A_239 = arith.constant 64 : i32
    %broadcast_in_dim3A_240 = vector.broadcast %jit3A_239 : i32 to vector<16xi32>
    %select_n3A_241 = arith.select %eq3A_238, %add3A_216, %broadcast_in_dim3A_240 : vector<16xi1>, vector<16xi32>
    %eq3A_242 = vector.broadcast %reduce_max3A_226 : f32 to vector<16xf32>
    %eq3A_243 = arith.cmpf oeq, %get3A_207, %eq3A_242 : vector<16xf32>
    %jit3A_244 = arith.constant 64 : i32
    %broadcast_in_dim3A_245 = vector.broadcast %jit3A_244 : i32 to vector<16xi32>
    %select_n3A_246 = arith.select %eq3A_243, %add3A_219, %broadcast_in_dim3A_245 : vector<16xi1>, vector<16xi32>
    %min3A_247 = arith.minsi %select_n3A_231, %select_n3A_236 : vector<16xi32>
    %min3A_248 = arith.minsi %select_n3A_241, %select_n3A_246 : vector<16xi32>
    %min3A_249 = arith.minsi %min3A_247, %min3A_248 : vector<16xi32>
    %reduce_min3A_250 = arith.constant true
    %reduce_min3A_251 = vector.broadcast %reduce_min3A_250 : i1 to vector<16xi1>
    %reduce_min3A_252 = arith.constant -2147483648 : i32
    %reduce_min3A_253 = vector.broadcast %reduce_min3A_252 : i32 to vector<16xi32>
    %reduce_min3A_254 = arith.xori %min3A_249, %reduce_min3A_253 : vector<16xi32>
    %reduce_min3A_255 = tpu.scan <min>, %reduce_min3A_254 masked %reduce_min3A_251 : vector<16xi32>, vector<16xi1> -> vector<16xi32>
    %reduce_min3A_256 = arith.xori %reduce_min3A_255, %reduce_min3A_253 : vector<16xi32>
    %reduce_min3A_257 = vector.extract %reduce_min3A_256[15] : i32 from vector<16xi32>
    %eq3A_258 = vector.broadcast %reduce_min3A_257 : i32 to vector<16xi32>
    %eq3A_259 = arith.cmpi eq, %add3A_210, %eq3A_258 : vector<16xi32>
    %jit3A_260 = arith.constant -1.000000e+30 : f32
    %broadcast_in_dim3A_261 = vector.broadcast %jit3A_260 : f32 to vector<16xf32>
    %select_n3A_262 = arith.select %eq3A_259, %broadcast_in_dim3A_261, %get3A_195 : vector<16xi1>, vector<16xf32>
    %eq3A_263 = vector.broadcast %reduce_min3A_257 : i32 to vector<16xi32>
    %eq3A_264 = arith.cmpi eq, %add3A_213, %eq3A_263 : vector<16xi32>
    %jit3A_265 = arith.constant -1.000000e+30 : f32
    %broadcast_in_dim3A_266 = vector.broadcast %jit3A_265 : f32 to vector<16xf32>
    %select_n3A_267 = arith.select %eq3A_264, %broadcast_in_dim3A_266, %get3A_199 : vector<16xi1>, vector<16xf32>
    %eq3A_268 = vector.broadcast %reduce_min3A_257 : i32 to vector<16xi32>
    %eq3A_269 = arith.cmpi eq, %add3A_216, %eq3A_268 : vector<16xi32>
    %jit3A_270 = arith.constant -1.000000e+30 : f32
    %broadcast_in_dim3A_271 = vector.broadcast %jit3A_270 : f32 to vector<16xf32>
    %select_n3A_272 = arith.select %eq3A_269, %broadcast_in_dim3A_271, %get3A_203 : vector<16xi1>, vector<16xf32>
    %eq3A_273 = vector.broadcast %reduce_min3A_257 : i32 to vector<16xi32>
    %eq3A_274 = arith.cmpi eq, %add3A_219, %eq3A_273 : vector<16xi32>
    %jit3A_275 = arith.constant -1.000000e+30 : f32
    %broadcast_in_dim3A_276 = vector.broadcast %jit3A_275 : f32 to vector<16xf32>
    %select_n3A_277 = arith.select %eq3A_274, %broadcast_in_dim3A_276, %get3A_207 : vector<16xi1>, vector<16xf32>
    %max3A_278 = arith.maximumf %select_n3A_262, %select_n3A_267 : vector<16xf32>
    %max3A_279 = arith.maximumf %select_n3A_272, %select_n3A_277 : vector<16xf32>
    %max3A_280 = arith.maximumf %max3A_278, %max3A_279 : vector<16xf32>
    %reduce_max3A_281 = arith.constant true
    %reduce_max3A_282 = vector.broadcast %reduce_max3A_281 : i1 to vector<16xi1>
    %reduce_max3A_283 = tpu.scan <max>, %max3A_280 masked %reduce_max3A_282 : vector<16xf32>, vector<16xi1> -> vector<16xf32>
    %reduce_max3A_284 = vector.extract %reduce_max3A_283[15] : f32 from vector<16xf32>
    %eq3A_285 = vector.broadcast %reduce_max3A_284 : f32 to vector<16xf32>
    %eq3A_286 = arith.cmpf oeq, %select_n3A_262, %eq3A_285 : vector<16xf32>
    %jit3A_287 = arith.constant 64 : i32
    %broadcast_in_dim3A_288 = vector.broadcast %jit3A_287 : i32 to vector<16xi32>
    %select_n3A_289 = arith.select %eq3A_286, %add3A_210, %broadcast_in_dim3A_288 : vector<16xi1>, vector<16xi32>
    %eq3A_290 = vector.broadcast %reduce_max3A_284 : f32 to vector<16xf32>
    %eq3A_291 = arith.cmpf oeq, %select_n3A_267, %eq3A_290 : vector<16xf32>
    %jit3A_292 = arith.constant 64 : i32
    %broadcast_in_dim3A_293 = vector.broadcast %jit3A_292 : i32 to vector<16xi32>
    %select_n3A_294 = arith.select %eq3A_291, %add3A_213, %broadcast_in_dim3A_293 : vector<16xi1>, vector<16xi32>
    %eq3A_295 = vector.broadcast %reduce_max3A_284 : f32 to vector<16xf32>
    %eq3A_296 = arith.cmpf oeq, %select_n3A_272, %eq3A_295 : vector<16xf32>
    %jit3A_297 = arith.constant 64 : i32
    %broadcast_in_dim3A_298 = vector.broadcast %jit3A_297 : i32 to vector<16xi32>
    %select_n3A_299 = arith.select %eq3A_296, %add3A_216, %broadcast_in_dim3A_298 : vector<16xi1>, vector<16xi32>
    %eq3A_300 = vector.broadcast %reduce_max3A_284 : f32 to vector<16xf32>
    %eq3A_301 = arith.cmpf oeq, %select_n3A_277, %eq3A_300 : vector<16xf32>
    %jit3A_302 = arith.constant 64 : i32
    %broadcast_in_dim3A_303 = vector.broadcast %jit3A_302 : i32 to vector<16xi32>
    %select_n3A_304 = arith.select %eq3A_301, %add3A_219, %broadcast_in_dim3A_303 : vector<16xi1>, vector<16xi32>
    %min3A_305 = arith.minsi %select_n3A_289, %select_n3A_294 : vector<16xi32>
    %min3A_306 = arith.minsi %select_n3A_299, %select_n3A_304 : vector<16xi32>
    %min3A_307 = arith.minsi %min3A_305, %min3A_306 : vector<16xi32>
    %reduce_min3A_308 = arith.constant true
    %reduce_min3A_309 = vector.broadcast %reduce_min3A_308 : i1 to vector<16xi1>
    %reduce_min3A_310 = arith.constant -2147483648 : i32
    %reduce_min3A_311 = vector.broadcast %reduce_min3A_310 : i32 to vector<16xi32>
    %reduce_min3A_312 = arith.xori %min3A_307, %reduce_min3A_311 : vector<16xi32>
    %reduce_min3A_313 = tpu.scan <min>, %reduce_min3A_312 masked %reduce_min3A_309 : vector<16xi32>, vector<16xi1> -> vector<16xi32>
    %reduce_min3A_314 = arith.xori %reduce_min3A_313, %reduce_min3A_311 : vector<16xi32>
    %reduce_min3A_315 = vector.extract %reduce_min3A_314[15] : i32 from vector<16xi32>
    %sub3A_316 = arith.subf %reduce_max3A_284, %reduce_max3A_226 : f32
    %broadcast_in_dim3A_317 = vector.broadcast %sub3A_316 : f32 to vector<16xf32>
    %exp3A_318 = math.exp %broadcast_in_dim3A_317 : vector<16xf32>
    %add3A_319 = arith.constant 1.000000e+00 : f32
    %add3A_320 = vector.broadcast %add3A_319 : f32 to vector<16xf32>
    %add3A_321 = arith.addf %add3A_320, %exp3A_318 : vector<16xf32>
    %div3A_322 = arith.constant 1.000000e+00 : f32
    %div3A_323 = vector.broadcast %div3A_322 : f32 to vector<16xf32>
    %div3A_324 = arith.divf %div3A_323, %add3A_321 : vector<16xf32>
    %sub3A_325 = arith.constant 1.000000e+00 : f32
    %sub3A_326 = vector.broadcast %sub3A_325 : f32 to vector<16xf32>
    %sub3A_327 = arith.subf %sub3A_326, %div3A_324 : vector<16xf32>
    %eq3A_328 = vector.broadcast %reduce_min3A_257 : i32 to vector<16xi32>
    %eq3A_329 = arith.cmpi eq, %add3A_210, %eq3A_328 : vector<16xi32>
    %jit3A_330 = arith.constant 0.000000e+00 : f32
    %broadcast_in_dim3A_331 = vector.broadcast %jit3A_330 : f32 to vector<16xf32>
    %select_n3A_332 = arith.select %eq3A_329, %div3A_324, %broadcast_in_dim3A_331 : vector<16xi1>, vector<16xf32>
    %eq3A_333 = vector.broadcast %reduce_min3A_315 : i32 to vector<16xi32>
    %eq3A_334 = arith.cmpi eq, %add3A_210, %eq3A_333 : vector<16xi32>
    %jit3A_335 = arith.constant 0.000000e+00 : f32
    %broadcast_in_dim3A_336 = vector.broadcast %jit3A_335 : f32 to vector<16xf32>
    %select_n3A_337 = arith.select %eq3A_334, %sub3A_327, %broadcast_in_dim3A_336 : vector<16xi1>, vector<16xf32>
    %add3A_338 = arith.addf %select_n3A_332, %select_n3A_337 : vector<16xf32>
    %swap3A_339 = arith.constant 0 : i32
    %swap3A_340 = arith.index_cast %swap3A_339 : i32 to index
    %swap3A_341 = arith.constant 64 : index
    %swap3A_342 = tpu.vector_load %arg5[%swap3A_340, %swap3A_341] {strides = array<i32>} : memref<4x192xf32, #tpu.memory_space<vmem>>, vector<16xf32>,
    tpu.vector_store %arg5[%swap3A_340, %swap3A_341], %add3A_338 {strides = array<i32>} : memref<4x192xf32, #tpu.memory_space<vmem>>, vector<16xf32>,
    %eq3A_343 = vector.broadcast %reduce_min3A_257 : i32 to vector<16xi32>
    %eq3A_344 = arith.cmpi eq, %add3A_213, %eq3A_343 : vector<16xi32>
    %jit3A_345 = arith.constant 0.000000e+00 : f32
    %broadcast_in_dim3A_346 = vector.broadcast %jit3A_345 : f32 to vector<16xf32>
    %select_n3A_347 = arith.select %eq3A_344, %div3A_324, %broadcast_in_dim3A_346 : vector<16xi1>, vector<16xf32>
    %eq3A_348 = vector.broadcast %reduce_min3A_315 : i32 to vector<16xi32>
    %eq3A_349 = arith.cmpi eq, %add3A_213, %eq3A_348 : vector<16xi32>
    %jit3A_350 = arith.constant 0.000000e+00 : f32
    %broadcast_in_dim3A_351 = vector.broadcast %jit3A_350 : f32 to vector<16xf32>
    %select_n3A_352 = arith.select %eq3A_349, %sub3A_327, %broadcast_in_dim3A_351 : vector<16xi1>, vector<16xf32>
    %add3A_353 = arith.addf %select_n3A_347, %select_n3A_352 : vector<16xf32>
    %swap3A_354 = arith.constant 0 : i32
    %swap3A_355 = arith.index_cast %swap3A_354 : i32 to index
    %swap3A_356 = arith.constant 80 : index
    %swap3A_357 = tpu.vector_load %arg5[%swap3A_355, %swap3A_356] {strides = array<i32>} : memref<4x192xf32, #tpu.memory_space<vmem>>, vector<16xf32>,
    tpu.vector_store %arg5[%swap3A_355, %swap3A_356], %add3A_353 {strides = array<i32>} : memref<4x192xf32, #tpu.memory_space<vmem>>, vector<16xf32>,
    %eq3A_358 = vector.broadcast %reduce_min3A_257 : i32 to vector<16xi32>
    %eq3A_359 = arith.cmpi eq, %add3A_216, %eq3A_358 : vector<16xi32>
    %jit3A_360 = arith.constant 0.000000e+00 : f32
    %broadcast_in_dim3A_361 = vector.broadcast %jit3A_360 : f32 to vector<16xf32>
    %select_n3A_362 = arith.select %eq3A_359, %div3A_324, %broadcast_in_dim3A_361 : vector<16xi1>, vector<16xf32>
    %eq3A_363 = vector.broadcast %reduce_min3A_315 : i32 to vector<16xi32>
    %eq3A_364 = arith.cmpi eq, %add3A_216, %eq3A_363 : vector<16xi32>
    %jit3A_365 = arith.constant 0.000000e+00 : f32
    %broadcast_in_dim3A_366 = vector.broadcast %jit3A_365 : f32 to vector<16xf32>
    %select_n3A_367 = arith.select %eq3A_364, %sub3A_327, %broadcast_in_dim3A_366 : vector<16xi1>, vector<16xf32>
    %add3A_368 = arith.addf %select_n3A_362, %select_n3A_367 : vector<16xf32>
    %swap3A_369 = arith.constant 0 : i32
    %swap3A_370 = arith.index_cast %swap3A_369 : i32 to index
    %swap3A_371 = arith.constant 96 : index
    %swap3A_372 = tpu.vector_load %arg5[%swap3A_370, %swap3A_371] {strides = array<i32>} : memref<4x192xf32, #tpu.memory_space<vmem>>, vector<16xf32>,
    tpu.vector_store %arg5[%swap3A_370, %swap3A_371], %add3A_368 {strides = array<i32>} : memref<4x192xf32, #tpu.memory_space<vmem>>, vector<16xf32>,
    %eq3A_373 = vector.broadcast %reduce_min3A_257 : i32 to vector<16xi32>
    %eq3A_374 = arith.cmpi eq, %add3A_219, %eq3A_373 : vector<16xi32>
    %jit3A_375 = arith.constant 0.000000e+00 : f32
    %broadcast_in_dim3A_376 = vector.broadcast %jit3A_375 : f32 to vector<16xf32>
    %select_n3A_377 = arith.select %eq3A_374, %div3A_324, %broadcast_in_dim3A_376 : vector<16xi1>, vector<16xf32>
    %eq3A_378 = vector.broadcast %reduce_min3A_315 : i32 to vector<16xi32>
    %eq3A_379 = arith.cmpi eq, %add3A_219, %eq3A_378 : vector<16xi32>
    %jit3A_380 = arith.constant 0.000000e+00 : f32
    %broadcast_in_dim3A_381 = vector.broadcast %jit3A_380 : f32 to vector<16xf32>
    %select_n3A_382 = arith.select %eq3A_379, %sub3A_327, %broadcast_in_dim3A_381 : vector<16xi1>, vector<16xf32>
    %add3A_383 = arith.addf %select_n3A_377, %select_n3A_382 : vector<16xf32>
    %swap3A_384 = arith.constant 0 : i32
    %swap3A_385 = arith.index_cast %swap3A_384 : i32 to index
    %swap3A_386 = arith.constant 112 : index
    %swap3A_387 = tpu.vector_load %arg5[%swap3A_385, %swap3A_386] {strides = array<i32>} : memref<4x192xf32, #tpu.memory_space<vmem>>, vector<16xf32>,
    tpu.vector_store %arg5[%swap3A_385, %swap3A_386], %add3A_383 {strides = array<i32>} : memref<4x192xf32, #tpu.memory_space<vmem>>, vector<16xf32>,
    %get3A_388 = arith.constant 0 : i32
    %get3A_389 = arith.index_cast %get3A_388 : i32 to index
    %get3A_390 = arith.constant 128 : index
    %get3A_391 = tpu.vector_load %arg4[%get3A_389, %get3A_390] {strides = array<i32>} : memref<4x192xf32, #tpu.memory_space<vmem>>, vector<16xf32>,
    %get3A_392 = arith.constant 0 : i32
    %get3A_393 = arith.index_cast %get3A_392 : i32 to index
    %get3A_394 = arith.constant 144 : index
    %get3A_395 = tpu.vector_load %arg4[%get3A_393, %get3A_394] {strides = array<i32>} : memref<4x192xf32, #tpu.memory_space<vmem>>, vector<16xf32>,
    %get3A_396 = arith.constant 0 : i32
    %get3A_397 = arith.index_cast %get3A_396 : i32 to index
    %get3A_398 = arith.constant 160 : index
    %get3A_399 = tpu.vector_load %arg4[%get3A_397, %get3A_398] {strides = array<i32>} : memref<4x192xf32, #tpu.memory_space<vmem>>, vector<16xf32>,
    %get3A_400 = arith.constant 0 : i32
    %get3A_401 = arith.index_cast %get3A_400 : i32 to index
    %get3A_402 = arith.constant 176 : index
    %get3A_403 = tpu.vector_load %arg4[%get3A_401, %get3A_402] {strides = array<i32>} : memref<4x192xf32, #tpu.memory_space<vmem>>, vector<16xf32>,
    %add3A_404 = arith.constant 0 : i32
    %add3A_405 = vector.broadcast %add3A_404 : i32 to vector<16xi32>
    %add3A_406 = arith.addi %iota3A, %add3A_405 : vector<16xi32>
    %add3A_407 = arith.constant 16 : i32
    %add3A_408 = vector.broadcast %add3A_407 : i32 to vector<16xi32>
    %add3A_409 = arith.addi %iota3A, %add3A_408 : vector<16xi32>
    %add3A_410 = arith.constant 32 : i32
    %add3A_411 = vector.broadcast %add3A_410 : i32 to vector<16xi32>
    %add3A_412 = arith.addi %iota3A, %add3A_411 : vector<16xi32>
    %add3A_413 = arith.constant 48 : i32
    %add3A_414 = vector.broadcast %add3A_413 : i32 to vector<16xi32>
    %add3A_415 = arith.addi %iota3A, %add3A_414 : vector<16xi32>
    %max3A_416 = arith.maximumf %get3A_391, %get3A_395 : vector<16xf32>
    %max3A_417 = arith.maximumf %get3A_399, %get3A_403 : vector<16xf32>
    %max3A_418 = arith.maximumf %max3A_416, %max3A_417 : vector<16xf32>
    %reduce_max3A_419 = arith.constant true
    %reduce_max3A_420 = vector.broadcast %reduce_max3A_419 : i1 to vector<16xi1>
    %reduce_max3A_421 = tpu.scan <max>, %max3A_418 masked %reduce_max3A_420 : vector<16xf32>, vector<16xi1> -> vector<16xf32>
    %reduce_max3A_422 = vector.extract %reduce_max3A_421[15] : f32 from vector<16xf32>
    %eq3A_423 = vector.broadcast %reduce_max3A_422 : f32 to vector<16xf32>
    %eq3A_424 = arith.cmpf oeq, %get3A_391, %eq3A_423 : vector<16xf32>
    %jit3A_425 = arith.constant 64 : i32
    %broadcast_in_dim3A_426 = vector.broadcast %jit3A_425 : i32 to vector<16xi32>
    %select_n3A_427 = arith.select %eq3A_424, %add3A_406, %broadcast_in_dim3A_426 : vector<16xi1>, vector<16xi32>
    %eq3A_428 = vector.broadcast %reduce_max3A_422 : f32 to vector<16xf32>
    %eq3A_429 = arith.cmpf oeq, %get3A_395, %eq3A_428 : vector<16xf32>
    %jit3A_430 = arith.constant 64 : i32
    %broadcast_in_dim3A_431 = vector.broadcast %jit3A_430 : i32 to vector<16xi32>
    %select_n3A_432 = arith.select %eq3A_429, %add3A_409, %broadcast_in_dim3A_431 : vector<16xi1>, vector<16xi32>
    %eq3A_433 = vector.broadcast %reduce_max3A_422 : f32 to vector<16xf32>
    %eq3A_434 = arith.cmpf oeq, %get3A_399, %eq3A_433 : vector<16xf32>
    %jit3A_435 = arith.constant 64 : i32
    %broadcast_in_dim3A_436 = vector.broadcast %jit3A_435 : i32 to vector<16xi32>
    %select_n3A_437 = arith.select %eq3A_434, %add3A_412, %broadcast_in_dim3A_436 : vector<16xi1>, vector<16xi32>
    %eq3A_438 = vector.broadcast %reduce_max3A_422 : f32 to vector<16xf32>
    %eq3A_439 = arith.cmpf oeq, %get3A_403, %eq3A_438 : vector<16xf32>
    %jit3A_440 = arith.constant 64 : i32
    %broadcast_in_dim3A_441 = vector.broadcast %jit3A_440 : i32 to vector<16xi32>
    %select_n3A_442 = arith.select %eq3A_439, %add3A_415, %broadcast_in_dim3A_441 : vector<16xi1>, vector<16xi32>
    %min3A_443 = arith.minsi %select_n3A_427, %select_n3A_432 : vector<16xi32>
    %min3A_444 = arith.minsi %select_n3A_437, %select_n3A_442 : vector<16xi32>
    %min3A_445 = arith.minsi %min3A_443, %min3A_444 : vector<16xi32>
    %reduce_min3A_446 = arith.constant true
    %reduce_min3A_447 = vector.broadcast %reduce_min3A_446 : i1 to vector<16xi1>
    %reduce_min3A_448 = arith.constant -2147483648 : i32
    %reduce_min3A_449 = vector.broadcast %reduce_min3A_448 : i32 to vector<16xi32>
    %reduce_min3A_450 = arith.xori %min3A_445, %reduce_min3A_449 : vector<16xi32>
    %reduce_min3A_451 = tpu.scan <min>, %reduce_min3A_450 masked %reduce_min3A_447 : vector<16xi32>, vector<16xi1> -> vector<16xi32>
    %reduce_min3A_452 = arith.xori %reduce_min3A_451, %reduce_min3A_449 : vector<16xi32>
    %reduce_min3A_453 = vector.extract %reduce_min3A_452[15] : i32 from vector<16xi32>
    %eq3A_454 = vector.broadcast %reduce_min3A_453 : i32 to vector<16xi32>
    %eq3A_455 = arith.cmpi eq, %add3A_406, %eq3A_454 : vector<16xi32>
    %jit3A_456 = arith.constant -1.000000e+30 : f32
    %broadcast_in_dim3A_457 = vector.broadcast %jit3A_456 : f32 to vector<16xf32>
    %select_n3A_458 = arith.select %eq3A_455, %broadcast_in_dim3A_457, %get3A_391 : vector<16xi1>, vector<16xf32>
    %eq3A_459 = vector.broadcast %reduce_min3A_453 : i32 to vector<16xi32>
    %eq3A_460 = arith.cmpi eq, %add3A_409, %eq3A_459 : vector<16xi32>
    %jit3A_461 = arith.constant -1.000000e+30 : f32
    %broadcast_in_dim3A_462 = vector.broadcast %jit3A_461 : f32 to vector<16xf32>
    %select_n3A_463 = arith.select %eq3A_460, %broadcast_in_dim3A_462, %get3A_395 : vector<16xi1>, vector<16xf32>
    %eq3A_464 = vector.broadcast %reduce_min3A_453 : i32 to vector<16xi32>
    %eq3A_465 = arith.cmpi eq, %add3A_412, %eq3A_464 : vector<16xi32>
    %jit3A_466 = arith.constant -1.000000e+30 : f32
    %broadcast_in_dim3A_467 = vector.broadcast %jit3A_466 : f32 to vector<16xf32>
    %select_n3A_468 = arith.select %eq3A_465, %broadcast_in_dim3A_467, %get3A_399 : vector<16xi1>, vector<16xf32>
    %eq3A_469 = vector.broadcast %reduce_min3A_453 : i32 to vector<16xi32>
    %eq3A_470 = arith.cmpi eq, %add3A_415, %eq3A_469 : vector<16xi32>
    %jit3A_471 = arith.constant -1.000000e+30 : f32
    %broadcast_in_dim3A_472 = vector.broadcast %jit3A_471 : f32 to vector<16xf32>
    %select_n3A_473 = arith.select %eq3A_470, %broadcast_in_dim3A_472, %get3A_403 : vector<16xi1>, vector<16xf32>
    %max3A_474 = arith.maximumf %select_n3A_458, %select_n3A_463 : vector<16xf32>
    %max3A_475 = arith.maximumf %select_n3A_468, %select_n3A_473 : vector<16xf32>
    %max3A_476 = arith.maximumf %max3A_474, %max3A_475 : vector<16xf32>
    %reduce_max3A_477 = arith.constant true
    %reduce_max3A_478 = vector.broadcast %reduce_max3A_477 : i1 to vector<16xi1>
    %reduce_max3A_479 = tpu.scan <max>, %max3A_476 masked %reduce_max3A_478 : vector<16xf32>, vector<16xi1> -> vector<16xf32>
    %reduce_max3A_480 = vector.extract %reduce_max3A_479[15] : f32 from vector<16xf32>
    %eq3A_481 = vector.broadcast %reduce_max3A_480 : f32 to vector<16xf32>
    %eq3A_482 = arith.cmpf oeq, %select_n3A_458, %eq3A_481 : vector<16xf32>
    %jit3A_483 = arith.constant 64 : i32
    %broadcast_in_dim3A_484 = vector.broadcast %jit3A_483 : i32 to vector<16xi32>
    %select_n3A_485 = arith.select %eq3A_482, %add3A_406, %broadcast_in_dim3A_484 : vector<16xi1>, vector<16xi32>
    %eq3A_486 = vector.broadcast %reduce_max3A_480 : f32 to vector<16xf32>
    %eq3A_487 = arith.cmpf oeq, %select_n3A_463, %eq3A_486 : vector<16xf32>
    %jit3A_488 = arith.constant 64 : i32
    %broadcast_in_dim3A_489 = vector.broadcast %jit3A_488 : i32 to vector<16xi32>
    %select_n3A_490 = arith.select %eq3A_487, %add3A_409, %broadcast_in_dim3A_489 : vector<16xi1>, vector<16xi32>
    %eq3A_491 = vector.broadcast %reduce_max3A_480 : f32 to vector<16xf32>
    %eq3A_492 = arith.cmpf oeq, %select_n3A_468, %eq3A_491 : vector<16xf32>
    %jit3A_493 = arith.constant 64 : i32
    %broadcast_in_dim3A_494 = vector.broadcast %jit3A_493 : i32 to vector<16xi32>
    %select_n3A_495 = arith.select %eq3A_492, %add3A_412, %broadcast_in_dim3A_494 : vector<16xi1>, vector<16xi32>
    %eq3A_496 = vector.broadcast %reduce_max3A_480 : f32 to vector<16xf32>
    %eq3A_497 = arith.cmpf oeq, %select_n3A_473, %eq3A_496 : vector<16xf32>
    %jit3A_498 = arith.constant 64 : i32
    %broadcast_in_dim3A_499 = vector.broadcast %jit3A_498 : i32 to vector<16xi32>
    %select_n3A_500 = arith.select %eq3A_497, %add3A_415, %broadcast_in_dim3A_499 : vector<16xi1>, vector<16xi32>
    %min3A_501 = arith.minsi %select_n3A_485, %select_n3A_490 : vector<16xi32>
    %min3A_502 = arith.minsi %select_n3A_495, %select_n3A_500 : vector<16xi32>
    %min3A_503 = arith.minsi %min3A_501, %min3A_502 : vector<16xi32>
    %reduce_min3A_504 = arith.constant true
    %reduce_min3A_505 = vector.broadcast %reduce_min3A_504 : i1 to vector<16xi1>
    %reduce_min3A_506 = arith.constant -2147483648 : i32
    %reduce_min3A_507 = vector.broadcast %reduce_min3A_506 : i32 to vector<16xi32>
    %reduce_min3A_508 = arith.xori %min3A_503, %reduce_min3A_507 : vector<16xi32>
    %reduce_min3A_509 = tpu.scan <min>, %reduce_min3A_508 masked %reduce_min3A_505 : vector<16xi32>, vector<16xi1> -> vector<16xi32>
    %reduce_min3A_510 = arith.xori %reduce_min3A_509, %reduce_min3A_507 : vector<16xi32>
    %reduce_min3A_511 = vector.extract %reduce_min3A_510[15] : i32 from vector<16xi32>
    %sub3A_512 = arith.subf %reduce_max3A_480, %reduce_max3A_422 : f32
    %broadcast_in_dim3A_513 = vector.broadcast %sub3A_512 : f32 to vector<16xf32>
    %exp3A_514 = math.exp %broadcast_in_dim3A_513 : vector<16xf32>
    %add3A_515 = arith.constant 1.000000e+00 : f32
    %add3A_516 = vector.broadcast %add3A_515 : f32 to vector<16xf32>
    %add3A_517 = arith.addf %add3A_516, %exp3A_514 : vector<16xf32>
    %div3A_518 = arith.constant 1.000000e+00 : f32
    %div3A_519 = vector.broadcast %div3A_518 : f32 to vector<16xf32>
    %div3A_520 = arith.divf %div3A_519, %add3A_517 : vector<16xf32>
    %sub3A_521 = arith.constant 1.000000e+00 : f32
    %sub3A_522 = vector.broadcast %sub3A_521 : f32 to vector<16xf32>
    %sub3A_523 = arith.subf %sub3A_522, %div3A_520 : vector<16xf32>
    %eq3A_524 = vector.broadcast %reduce_min3A_453 : i32 to vector<16xi32>
    %eq3A_525 = arith.cmpi eq, %add3A_406, %eq3A_524 : vector<16xi32>
    %jit3A_526 = arith.constant 0.000000e+00 : f32
    %broadcast_in_dim3A_527 = vector.broadcast %jit3A_526 : f32 to vector<16xf32>
    %select_n3A_528 = arith.select %eq3A_525, %div3A_520, %broadcast_in_dim3A_527 : vector<16xi1>, vector<16xf32>
    %eq3A_529 = vector.broadcast %reduce_min3A_511 : i32 to vector<16xi32>
    %eq3A_530 = arith.cmpi eq, %add3A_406, %eq3A_529 : vector<16xi32>
    %jit3A_531 = arith.constant 0.000000e+00 : f32
    %broadcast_in_dim3A_532 = vector.broadcast %jit3A_531 : f32 to vector<16xf32>
    %select_n3A_533 = arith.select %eq3A_530, %sub3A_523, %broadcast_in_dim3A_532 : vector<16xi1>, vector<16xf32>
    %add3A_534 = arith.addf %select_n3A_528, %select_n3A_533 : vector<16xf32>
    %swap3A_535 = arith.constant 0 : i32
    %swap3A_536 = arith.index_cast %swap3A_535 : i32 to index
    %swap3A_537 = arith.constant 128 : index
    %swap3A_538 = tpu.vector_load %arg5[%swap3A_536, %swap3A_537] {strides = array<i32>} : memref<4x192xf32, #tpu.memory_space<vmem>>, vector<16xf32>,
    tpu.vector_store %arg5[%swap3A_536, %swap3A_537], %add3A_534 {strides = array<i32>} : memref<4x192xf32, #tpu.memory_space<vmem>>, vector<16xf32>,
    %eq3A_539 = vector.broadcast %reduce_min3A_453 : i32 to vector<16xi32>
    %eq3A_540 = arith.cmpi eq, %add3A_409, %eq3A_539 : vector<16xi32>
    %jit3A_541 = arith.constant 0.000000e+00 : f32
    %broadcast_in_dim3A_542 = vector.broadcast %jit3A_541 : f32 to vector<16xf32>
    %select_n3A_543 = arith.select %eq3A_540, %div3A_520, %broadcast_in_dim3A_542 : vector<16xi1>, vector<16xf32>
    %eq3A_544 = vector.broadcast %reduce_min3A_511 : i32 to vector<16xi32>
    %eq3A_545 = arith.cmpi eq, %add3A_409, %eq3A_544 : vector<16xi32>
    %jit3A_546 = arith.constant 0.000000e+00 : f32
    %broadcast_in_dim3A_547 = vector.broadcast %jit3A_546 : f32 to vector<16xf32>
    %select_n3A_548 = arith.select %eq3A_545, %sub3A_523, %broadcast_in_dim3A_547 : vector<16xi1>, vector<16xf32>
    %add3A_549 = arith.addf %select_n3A_543, %select_n3A_548 : vector<16xf32>
    %swap3A_550 = arith.constant 0 : i32
    %swap3A_551 = arith.index_cast %swap3A_550 : i32 to index
    %swap3A_552 = arith.constant 144 : index
    %swap3A_553 = tpu.vector_load %arg5[%swap3A_551, %swap3A_552] {strides = array<i32>} : memref<4x192xf32, #tpu.memory_space<vmem>>, vector<16xf32>,
    tpu.vector_store %arg5[%swap3A_551, %swap3A_552], %add3A_549 {strides = array<i32>} : memref<4x192xf32, #tpu.memory_space<vmem>>, vector<16xf32>,
    %eq3A_554 = vector.broadcast %reduce_min3A_453 : i32 to vector<16xi32>
    %eq3A_555 = arith.cmpi eq, %add3A_412, %eq3A_554 : vector<16xi32>
    %jit3A_556 = arith.constant 0.000000e+00 : f32
    %broadcast_in_dim3A_557 = vector.broadcast %jit3A_556 : f32 to vector<16xf32>
    %select_n3A_558 = arith.select %eq3A_555, %div3A_520, %broadcast_in_dim3A_557 : vector<16xi1>, vector<16xf32>
    %eq3A_559 = vector.broadcast %reduce_min3A_511 : i32 to vector<16xi32>
    %eq3A_560 = arith.cmpi eq, %add3A_412, %eq3A_559 : vector<16xi32>
    %jit3A_561 = arith.constant 0.000000e+00 : f32
    %broadcast_in_dim3A_562 = vector.broadcast %jit3A_561 : f32 to vector<16xf32>
    %select_n3A_563 = arith.select %eq3A_560, %sub3A_523, %broadcast_in_dim3A_562 : vector<16xi1>, vector<16xf32>
    %add3A_564 = arith.addf %select_n3A_558, %select_n3A_563 : vector<16xf32>
    %swap3A_565 = arith.constant 0 : i32
    %swap3A_566 = arith.index_cast %swap3A_565 : i32 to index
    %swap3A_567 = arith.constant 160 : index
    %swap3A_568 = tpu.vector_load %arg5[%swap3A_566, %swap3A_567] {strides = array<i32>} : memref<4x192xf32, #tpu.memory_space<vmem>>, vector<16xf32>,
    tpu.vector_store %arg5[%swap3A_566, %swap3A_567], %add3A_564 {strides = array<i32>} : memref<4x192xf32, #tpu.memory_space<vmem>>, vector<16xf32>,
    %eq3A_569 = vector.broadcast %reduce_min3A_453 : i32 to vector<16xi32>
    %eq3A_570 = arith.cmpi eq, %add3A_415, %eq3A_569 : vector<16xi32>
    %jit3A_571 = arith.constant 0.000000e+00 : f32
    %broadcast_in_dim3A_572 = vector.broadcast %jit3A_571 : f32 to vector<16xf32>
    %select_n3A_573 = arith.select %eq3A_570, %div3A_520, %broadcast_in_dim3A_572 : vector<16xi1>, vector<16xf32>
    %eq3A_574 = vector.broadcast %reduce_min3A_511 : i32 to vector<16xi32>
    %eq3A_575 = arith.cmpi eq, %add3A_415, %eq3A_574 : vector<16xi32>
    %jit3A_576 = arith.constant 0.000000e+00 : f32
    %broadcast_in_dim3A_577 = vector.broadcast %jit3A_576 : f32 to vector<16xf32>
    %select_n3A_578 = arith.select %eq3A_575, %sub3A_523, %broadcast_in_dim3A_577 : vector<16xi1>, vector<16xf32>
    %add3A_579 = arith.addf %select_n3A_573, %select_n3A_578 : vector<16xf32>
    %swap3A_580 = arith.constant 0 : i32
    %swap3A_581 = arith.index_cast %swap3A_580 : i32 to index
    %swap3A_582 = arith.constant 176 : index
    %swap3A_583 = tpu.vector_load %arg5[%swap3A_581, %swap3A_582] {strides = array<i32>} : memref<4x192xf32, #tpu.memory_space<vmem>>, vector<16xf32>,
    tpu.vector_store %arg5[%swap3A_581, %swap3A_582], %add3A_579 {strides = array<i32>} : memref<4x192xf32, #tpu.memory_space<vmem>>, vector<16xf32>,
    %get3A_584 = arith.constant 1 : i32
    %get3A_585 = arith.index_cast %get3A_584 : i32 to index
    %get3A_586 = arith.constant 0 : index
    %get3A_587 = tpu.vector_load %arg4[%get3A_585, %get3A_586] {strides = array<i32>} : memref<4x192xf32, #tpu.memory_space<vmem>>, vector<16xf32>,
    %get3A_588 = arith.constant 1 : i32
    %get3A_589 = arith.index_cast %get3A_588 : i32 to index
    %get3A_590 = arith.constant 16 : index
    %get3A_591 = tpu.vector_load %arg4[%get3A_589, %get3A_590] {strides = array<i32>} : memref<4x192xf32, #tpu.memory_space<vmem>>, vector<16xf32>,
    %get3A_592 = arith.constant 1 : i32
    %get3A_593 = arith.index_cast %get3A_592 : i32 to index
    %get3A_594 = arith.constant 32 : index
    %get3A_595 = tpu.vector_load %arg4[%get3A_593, %get3A_594] {strides = array<i32>} : memref<4x192xf32, #tpu.memory_space<vmem>>, vector<16xf32>,
    %get3A_596 = arith.constant 1 : i32
    %get3A_597 = arith.index_cast %get3A_596 : i32 to index
    %get3A_598 = arith.constant 48 : index
    %get3A_599 = tpu.vector_load %arg4[%get3A_597, %get3A_598] {strides = array<i32>} : memref<4x192xf32, #tpu.memory_space<vmem>>, vector<16xf32>,
    %add3A_600 = arith.constant 0 : i32
    %add3A_601 = vector.broadcast %add3A_600 : i32 to vector<16xi32>
    %add3A_602 = arith.addi %iota3A, %add3A_601 : vector<16xi32>
    %add3A_603 = arith.constant 16 : i32
    %add3A_604 = vector.broadcast %add3A_603 : i32 to vector<16xi32>
    %add3A_605 = arith.addi %iota3A, %add3A_604 : vector<16xi32>
    %add3A_606 = arith.constant 32 : i32
    %add3A_607 = vector.broadcast %add3A_606 : i32 to vector<16xi32>
    %add3A_608 = arith.addi %iota3A, %add3A_607 : vector<16xi32>
    %add3A_609 = arith.constant 48 : i32
    %add3A_610 = vector.broadcast %add3A_609 : i32 to vector<16xi32>
    %add3A_611 = arith.addi %iota3A, %add3A_610 : vector<16xi32>
    %max3A_612 = arith.maximumf %get3A_587, %get3A_591 : vector<16xf32>
    %max3A_613 = arith.maximumf %get3A_595, %get3A_599 : vector<16xf32>
    %max3A_614 = arith.maximumf %max3A_612, %max3A_613 : vector<16xf32>
    %reduce_max3A_615 = arith.constant true
    %reduce_max3A_616 = vector.broadcast %reduce_max3A_615 : i1 to vector<16xi1>
    %reduce_max3A_617 = tpu.scan <max>, %max3A_614 masked %reduce_max3A_616 : vector<16xf32>, vector<16xi1> -> vector<16xf32>
    %reduce_max3A_618 = vector.extract %reduce_max3A_617[15] : f32 from vector<16xf32>
    %eq3A_619 = vector.broadcast %reduce_max3A_618 : f32 to vector<16xf32>
    %eq3A_620 = arith.cmpf oeq, %get3A_587, %eq3A_619 : vector<16xf32>
    %jit3A_621 = arith.constant 64 : i32
    %broadcast_in_dim3A_622 = vector.broadcast %jit3A_621 : i32 to vector<16xi32>
    %select_n3A_623 = arith.select %eq3A_620, %add3A_602, %broadcast_in_dim3A_622 : vector<16xi1>, vector<16xi32>
    %eq3A_624 = vector.broadcast %reduce_max3A_618 : f32 to vector<16xf32>
    %eq3A_625 = arith.cmpf oeq, %get3A_591, %eq3A_624 : vector<16xf32>
    %jit3A_626 = arith.constant 64 : i32
    %broadcast_in_dim3A_627 = vector.broadcast %jit3A_626 : i32 to vector<16xi32>
    %select_n3A_628 = arith.select %eq3A_625, %add3A_605, %broadcast_in_dim3A_627 : vector<16xi1>, vector<16xi32>
    %eq3A_629 = vector.broadcast %reduce_max3A_618 : f32 to vector<16xf32>
    %eq3A_630 = arith.cmpf oeq, %get3A_595, %eq3A_629 : vector<16xf32>
    %jit3A_631 = arith.constant 64 : i32
    %broadcast_in_dim3A_632 = vector.broadcast %jit3A_631 : i32 to vector<16xi32>
    %select_n3A_633 = arith.select %eq3A_630, %add3A_608, %broadcast_in_dim3A_632 : vector<16xi1>, vector<16xi32>
    %eq3A_634 = vector.broadcast %reduce_max3A_618 : f32 to vector<16xf32>
    %eq3A_635 = arith.cmpf oeq, %get3A_599, %eq3A_634 : vector<16xf32>
    %jit3A_636 = arith.constant 64 : i32
    %broadcast_in_dim3A_637 = vector.broadcast %jit3A_636 : i32 to vector<16xi32>
    %select_n3A_638 = arith.select %eq3A_635, %add3A_611, %broadcast_in_dim3A_637 : vector<16xi1>, vector<16xi32>
    %min3A_639 = arith.minsi %select_n3A_623, %select_n3A_628 : vector<16xi32>
    %min3A_640 = arith.minsi %select_n3A_633, %select_n3A_638 : vector<16xi32>
    %min3A_641 = arith.minsi %min3A_639, %min3A_640 : vector<16xi32>
    %reduce_min3A_642 = arith.constant true
    %reduce_min3A_643 = vector.broadcast %reduce_min3A_642 : i1 to vector<16xi1>
    %reduce_min3A_644 = arith.constant -2147483648 : i32
    %reduce_min3A_645 = vector.broadcast %reduce_min3A_644 : i32 to vector<16xi32>
    %reduce_min3A_646 = arith.xori %min3A_641, %reduce_min3A_645 : vector<16xi32>
    %reduce_min3A_647 = tpu.scan <min>, %reduce_min3A_646 masked %reduce_min3A_643 : vector<16xi32>, vector<16xi1> -> vector<16xi32>
    %reduce_min3A_648 = arith.xori %reduce_min3A_647, %reduce_min3A_645 : vector<16xi32>
    %reduce_min3A_649 = vector.extract %reduce_min3A_648[15] : i32 from vector<16xi32>
    %eq3A_650 = vector.broadcast %reduce_min3A_649 : i32 to vector<16xi32>
    %eq3A_651 = arith.cmpi eq, %add3A_602, %eq3A_650 : vector<16xi32>
    %jit3A_652 = arith.constant -1.000000e+30 : f32
    %broadcast_in_dim3A_653 = vector.broadcast %jit3A_652 : f32 to vector<16xf32>
    %select_n3A_654 = arith.select %eq3A_651, %broadcast_in_dim3A_653, %get3A_587 : vector<16xi1>, vector<16xf32>
    %eq3A_655 = vector.broadcast %reduce_min3A_649 : i32 to vector<16xi32>
    %eq3A_656 = arith.cmpi eq, %add3A_605, %eq3A_655 : vector<16xi32>
    %jit3A_657 = arith.constant -1.000000e+30 : f32
    %broadcast_in_dim3A_658 = vector.broadcast %jit3A_657 : f32 to vector<16xf32>
    %select_n3A_659 = arith.select %eq3A_656, %broadcast_in_dim3A_658, %get3A_591 : vector<16xi1>, vector<16xf32>
    %eq3A_660 = vector.broadcast %reduce_min3A_649 : i32 to vector<16xi32>
    %eq3A_661 = arith.cmpi eq, %add3A_608, %eq3A_660 : vector<16xi32>
    %jit3A_662 = arith.constant -1.000000e+30 : f32
    %broadcast_in_dim3A_663 = vector.broadcast %jit3A_662 : f32 to vector<16xf32>
    %select_n3A_664 = arith.select %eq3A_661, %broadcast_in_dim3A_663, %get3A_595 : vector<16xi1>, vector<16xf32>
    %eq3A_665 = vector.broadcast %reduce_min3A_649 : i32 to vector<16xi32>
    %eq3A_666 = arith.cmpi eq, %add3A_611, %eq3A_665 : vector<16xi32>
    %jit3A_667 = arith.constant -1.000000e+30 : f32
    %broadcast_in_dim3A_668 = vector.broadcast %jit3A_667 : f32 to vector<16xf32>
    %select_n3A_669 = arith.select %eq3A_666, %broadcast_in_dim3A_668, %get3A_599 : vector<16xi1>, vector<16xf32>
    %max3A_670 = arith.maximumf %select_n3A_654, %select_n3A_659 : vector<16xf32>
    %max3A_671 = arith.maximumf %select_n3A_664, %select_n3A_669 : vector<16xf32>
    %max3A_672 = arith.maximumf %max3A_670, %max3A_671 : vector<16xf32>
    %reduce_max3A_673 = arith.constant true
    %reduce_max3A_674 = vector.broadcast %reduce_max3A_673 : i1 to vector<16xi1>
    %reduce_max3A_675 = tpu.scan <max>, %max3A_672 masked %reduce_max3A_674 : vector<16xf32>, vector<16xi1> -> vector<16xf32>
    %reduce_max3A_676 = vector.extract %reduce_max3A_675[15] : f32 from vector<16xf32>
    %eq3A_677 = vector.broadcast %reduce_max3A_676 : f32 to vector<16xf32>
    %eq3A_678 = arith.cmpf oeq, %select_n3A_654, %eq3A_677 : vector<16xf32>
    %jit3A_679 = arith.constant 64 : i32
    %broadcast_in_dim3A_680 = vector.broadcast %jit3A_679 : i32 to vector<16xi32>
    %select_n3A_681 = arith.select %eq3A_678, %add3A_602, %broadcast_in_dim3A_680 : vector<16xi1>, vector<16xi32>
    %eq3A_682 = vector.broadcast %reduce_max3A_676 : f32 to vector<16xf32>
    %eq3A_683 = arith.cmpf oeq, %select_n3A_659, %eq3A_682 : vector<16xf32>
    %jit3A_684 = arith.constant 64 : i32
    %broadcast_in_dim3A_685 = vector.broadcast %jit3A_684 : i32 to vector<16xi32>
    %select_n3A_686 = arith.select %eq3A_683, %add3A_605, %broadcast_in_dim3A_685 : vector<16xi1>, vector<16xi32>
    %eq3A_687 = vector.broadcast %reduce_max3A_676 : f32 to vector<16xf32>
    %eq3A_688 = arith.cmpf oeq, %select_n3A_664, %eq3A_687 : vector<16xf32>
    %jit3A_689 = arith.constant 64 : i32
    %broadcast_in_dim3A_690 = vector.broadcast %jit3A_689 : i32 to vector<16xi32>
    %select_n3A_691 = arith.select %eq3A_688, %add3A_608, %broadcast_in_dim3A_690 : vector<16xi1>, vector<16xi32>
    %eq3A_692 = vector.broadcast %reduce_max3A_676 : f32 to vector<16xf32>
    %eq3A_693 = arith.cmpf oeq, %select_n3A_669, %eq3A_692 : vector<16xf32>
    %jit3A_694 = arith.constant 64 : i32
    %broadcast_in_dim3A_695 = vector.broadcast %jit3A_694 : i32 to vector<16xi32>
    %select_n3A_696 = arith.select %eq3A_693, %add3A_611, %broadcast_in_dim3A_695 : vector<16xi1>, vector<16xi32>
    %min3A_697 = arith.minsi %select_n3A_681, %select_n3A_686 : vector<16xi32>
    %min3A_698 = arith.minsi %select_n3A_691, %select_n3A_696 : vector<16xi32>
    %min3A_699 = arith.minsi %min3A_697, %min3A_698 : vector<16xi32>
    %reduce_min3A_700 = arith.constant true
    %reduce_min3A_701 = vector.broadcast %reduce_min3A_700 : i1 to vector<16xi1>
    %reduce_min3A_702 = arith.constant -2147483648 : i32
    %reduce_min3A_703 = vector.broadcast %reduce_min3A_702 : i32 to vector<16xi32>
    %reduce_min3A_704 = arith.xori %min3A_699, %reduce_min3A_703 : vector<16xi32>
    %reduce_min3A_705 = tpu.scan <min>, %reduce_min3A_704 masked %reduce_min3A_701 : vector<16xi32>, vector<16xi1> -> vector<16xi32>
    %reduce_min3A_706 = arith.xori %reduce_min3A_705, %reduce_min3A_703 : vector<16xi32>
    %reduce_min3A_707 = vector.extract %reduce_min3A_706[15] : i32 from vector<16xi32>
    %sub3A_708 = arith.subf %reduce_max3A_676, %reduce_max3A_618 : f32
    %broadcast_in_dim3A_709 = vector.broadcast %sub3A_708 : f32 to vector<16xf32>
    %exp3A_710 = math.exp %broadcast_in_dim3A_709 : vector<16xf32>
    %add3A_711 = arith.constant 1.000000e+00 : f32
    %add3A_712 = vector.broadcast %add3A_711 : f32 to vector<16xf32>
    %add3A_713 = arith.addf %add3A_712, %exp3A_710 : vector<16xf32>
    %div3A_714 = arith.constant 1.000000e+00 : f32
    %div3A_715 = vector.broadcast %div3A_714 : f32 to vector<16xf32>
    %div3A_716 = arith.divf %div3A_715, %add3A_713 : vector<16xf32>
    %sub3A_717 = arith.constant 1.000000e+00 : f32
    %sub3A_718 = vector.broadcast %sub3A_717 : f32 to vector<16xf32>
    %sub3A_719 = arith.subf %sub3A_718, %div3A_716 : vector<16xf32>
    %eq3A_720 = vector.broadcast %reduce_min3A_649 : i32 to vector<16xi32>
    %eq3A_721 = arith.cmpi eq, %add3A_602, %eq3A_720 : vector<16xi32>
    %jit3A_722 = arith.constant 0.000000e+00 : f32
    %broadcast_in_dim3A_723 = vector.broadcast %jit3A_722 : f32 to vector<16xf32>
    %select_n3A_724 = arith.select %eq3A_721, %div3A_716, %broadcast_in_dim3A_723 : vector<16xi1>, vector<16xf32>
    %eq3A_725 = vector.broadcast %reduce_min3A_707 : i32 to vector<16xi32>
    %eq3A_726 = arith.cmpi eq, %add3A_602, %eq3A_725 : vector<16xi32>
    %jit3A_727 = arith.constant 0.000000e+00 : f32
    %broadcast_in_dim3A_728 = vector.broadcast %jit3A_727 : f32 to vector<16xf32>
    %select_n3A_729 = arith.select %eq3A_726, %sub3A_719, %broadcast_in_dim3A_728 : vector<16xi1>, vector<16xf32>
    %add3A_730 = arith.addf %select_n3A_724, %select_n3A_729 : vector<16xf32>
    %swap3A_731 = arith.constant 1 : i32
    %swap3A_732 = arith.index_cast %swap3A_731 : i32 to index
    %swap3A_733 = arith.constant 0 : index
    %swap3A_734 = tpu.vector_load %arg5[%swap3A_732, %swap3A_733] {strides = array<i32>} : memref<4x192xf32, #tpu.memory_space<vmem>>, vector<16xf32>,
    tpu.vector_store %arg5[%swap3A_732, %swap3A_733], %add3A_730 {strides = array<i32>} : memref<4x192xf32, #tpu.memory_space<vmem>>, vector<16xf32>,
    %eq3A_735 = vector.broadcast %reduce_min3A_649 : i32 to vector<16xi32>
    %eq3A_736 = arith.cmpi eq, %add3A_605, %eq3A_735 : vector<16xi32>
    %jit3A_737 = arith.constant 0.000000e+00 : f32
    %broadcast_in_dim3A_738 = vector.broadcast %jit3A_737 : f32 to vector<16xf32>
    %select_n3A_739 = arith.select %eq3A_736, %div3A_716, %broadcast_in_dim3A_738 : vector<16xi1>, vector<16xf32>
    %eq3A_740 = vector.broadcast %reduce_min3A_707 : i32 to vector<16xi32>
    %eq3A_741 = arith.cmpi eq, %add3A_605, %eq3A_740 : vector<16xi32>
    %jit3A_742 = arith.constant 0.000000e+00 : f32
    %broadcast_in_dim3A_743 = vector.broadcast %jit3A_742 : f32 to vector<16xf32>
    %select_n3A_744 = arith.select %eq3A_741, %sub3A_719, %broadcast_in_dim3A_743 : vector<16xi1>, vector<16xf32>
    %add3A_745 = arith.addf %select_n3A_739, %select_n3A_744 : vector<16xf32>
    %swap3A_746 = arith.constant 1 : i32
    %swap3A_747 = arith.index_cast %swap3A_746 : i32 to index
    %swap3A_748 = arith.constant 16 : index
    %swap3A_749 = tpu.vector_load %arg5[%swap3A_747, %swap3A_748] {strides = array<i32>} : memref<4x192xf32, #tpu.memory_space<vmem>>, vector<16xf32>,
    tpu.vector_store %arg5[%swap3A_747, %swap3A_748], %add3A_745 {strides = array<i32>} : memref<4x192xf32, #tpu.memory_space<vmem>>, vector<16xf32>,
    %eq3A_750 = vector.broadcast %reduce_min3A_649 : i32 to vector<16xi32>
    %eq3A_751 = arith.cmpi eq, %add3A_608, %eq3A_750 : vector<16xi32>
    %jit3A_752 = arith.constant 0.000000e+00 : f32
    %broadcast_in_dim3A_753 = vector.broadcast %jit3A_752 : f32 to vector<16xf32>
    %select_n3A_754 = arith.select %eq3A_751, %div3A_716, %broadcast_in_dim3A_753 : vector<16xi1>, vector<16xf32>
    %eq3A_755 = vector.broadcast %reduce_min3A_707 : i32 to vector<16xi32>
    %eq3A_756 = arith.cmpi eq, %add3A_608, %eq3A_755 : vector<16xi32>
    %jit3A_757 = arith.constant 0.000000e+00 : f32
    %broadcast_in_dim3A_758 = vector.broadcast %jit3A_757 : f32 to vector<16xf32>
    %select_n3A_759 = arith.select %eq3A_756, %sub3A_719, %broadcast_in_dim3A_758 : vector<16xi1>, vector<16xf32>
    %add3A_760 = arith.addf %select_n3A_754, %select_n3A_759 : vector<16xf32>
    %swap3A_761 = arith.constant 1 : i32
    %swap3A_762 = arith.index_cast %swap3A_761 : i32 to index
    %swap3A_763 = arith.constant 32 : index
    %swap3A_764 = tpu.vector_load %arg5[%swap3A_762, %swap3A_763] {strides = array<i32>} : memref<4x192xf32, #tpu.memory_space<vmem>>, vector<16xf32>,
    tpu.vector_store %arg5[%swap3A_762, %swap3A_763], %add3A_760 {strides = array<i32>} : memref<4x192xf32, #tpu.memory_space<vmem>>, vector<16xf32>,
    %eq3A_765 = vector.broadcast %reduce_min3A_649 : i32 to vector<16xi32>
    %eq3A_766 = arith.cmpi eq, %add3A_611, %eq3A_765 : vector<16xi32>
    %jit3A_767 = arith.constant 0.000000e+00 : f32
    %broadcast_in_dim3A_768 = vector.broadcast %jit3A_767 : f32 to vector<16xf32>
    %select_n3A_769 = arith.select %eq3A_766, %div3A_716, %broadcast_in_dim3A_768 : vector<16xi1>, vector<16xf32>
    %eq3A_770 = vector.broadcast %reduce_min3A_707 : i32 to vector<16xi32>
    %eq3A_771 = arith.cmpi eq, %add3A_611, %eq3A_770 : vector<16xi32>
    %jit3A_772 = arith.constant 0.000000e+00 : f32
    %broadcast_in_dim3A_773 = vector.broadcast %jit3A_772 : f32 to vector<16xf32>
    %select_n3A_774 = arith.select %eq3A_771, %sub3A_719, %broadcast_in_dim3A_773 : vector<16xi1>, vector<16xf32>
    %add3A_775 = arith.addf %select_n3A_769, %select_n3A_774 : vector<16xf32>
    %swap3A_776 = arith.constant 1 : i32
    %swap3A_777 = arith.index_cast %swap3A_776 : i32 to index
    %swap3A_778 = arith.constant 48 : index
    %swap3A_779 = tpu.vector_load %arg5[%swap3A_777, %swap3A_778] {strides = array<i32>} : memref<4x192xf32, #tpu.memory_space<vmem>>, vector<16xf32>,
    tpu.vector_store %arg5[%swap3A_777, %swap3A_778], %add3A_775 {strides = array<i32>} : memref<4x192xf32, #tpu.memory_space<vmem>>, vector<16xf32>,
    %get3A_780 = arith.constant 1 : i32
    %get3A_781 = arith.index_cast %get3A_780 : i32 to index
    %get3A_782 = arith.constant 64 : index
    %get3A_783 = tpu.vector_load %arg4[%get3A_781, %get3A_782] {strides = array<i32>} : memref<4x192xf32, #tpu.memory_space<vmem>>, vector<16xf32>,
    %get3A_784 = arith.constant 1 : i32
    %get3A_785 = arith.index_cast %get3A_784 : i32 to index
    %get3A_786 = arith.constant 80 : index
    %get3A_787 = tpu.vector_load %arg4[%get3A_785, %get3A_786] {strides = array<i32>} : memref<4x192xf32, #tpu.memory_space<vmem>>, vector<16xf32>,
    %get3A_788 = arith.constant 1 : i32
    %get3A_789 = arith.index_cast %get3A_788 : i32 to index
    %get3A_790 = arith.constant 96 : index
    %get3A_791 = tpu.vector_load %arg4[%get3A_789, %get3A_790] {strides = array<i32>} : memref<4x192xf32, #tpu.memory_space<vmem>>, vector<16xf32>,
    %get3A_792 = arith.constant 1 : i32
    %get3A_793 = arith.index_cast %get3A_792 : i32 to index
    %get3A_794 = arith.constant 112 : index
    %get3A_795 = tpu.vector_load %arg4[%get3A_793, %get3A_794] {strides = array<i32>} : memref<4x192xf32, #tpu.memory_space<vmem>>, vector<16xf32>,
    %add3A_796 = arith.constant 0 : i32
    %add3A_797 = vector.broadcast %add3A_796 : i32 to vector<16xi32>
    %add3A_798 = arith.addi %iota3A, %add3A_797 : vector<16xi32>
    %add3A_799 = arith.constant 16 : i32
    %add3A_800 = vector.broadcast %add3A_799 : i32 to vector<16xi32>
    %add3A_801 = arith.addi %iota3A, %add3A_800 : vector<16xi32>
    %add3A_802 = arith.constant 32 : i32
    %add3A_803 = vector.broadcast %add3A_802 : i32 to vector<16xi32>
    %add3A_804 = arith.addi %iota3A, %add3A_803 : vector<16xi32>
    %add3A_805 = arith.constant 48 : i32
    %add3A_806 = vector.broadcast %add3A_805 : i32 to vector<16xi32>
    %add3A_807 = arith.addi %iota3A, %add3A_806 : vector<16xi32>
    %max3A_808 = arith.maximumf %get3A_783, %get3A_787 : vector<16xf32>
    %max3A_809 = arith.maximumf %get3A_791, %get3A_795 : vector<16xf32>
    %max3A_810 = arith.maximumf %max3A_808, %max3A_809 : vector<16xf32>
    %reduce_max3A_811 = arith.constant true
    %reduce_max3A_812 = vector.broadcast %reduce_max3A_811 : i1 to vector<16xi1>
    %reduce_max3A_813 = tpu.scan <max>, %max3A_810 masked %reduce_max3A_812 : vector<16xf32>, vector<16xi1> -> vector<16xf32>
    %reduce_max3A_814 = vector.extract %reduce_max3A_813[15] : f32 from vector<16xf32>
    %eq3A_815 = vector.broadcast %reduce_max3A_814 : f32 to vector<16xf32>
    %eq3A_816 = arith.cmpf oeq, %get3A_783, %eq3A_815 : vector<16xf32>
    %jit3A_817 = arith.constant 64 : i32
    %broadcast_in_dim3A_818 = vector.broadcast %jit3A_817 : i32 to vector<16xi32>
    %select_n3A_819 = arith.select %eq3A_816, %add3A_798, %broadcast_in_dim3A_818 : vector<16xi1>, vector<16xi32>
    %eq3A_820 = vector.broadcast %reduce_max3A_814 : f32 to vector<16xf32>
    %eq3A_821 = arith.cmpf oeq, %get3A_787, %eq3A_820 : vector<16xf32>
    %jit3A_822 = arith.constant 64 : i32
    %broadcast_in_dim3A_823 = vector.broadcast %jit3A_822 : i32 to vector<16xi32>
    %select_n3A_824 = arith.select %eq3A_821, %add3A_801, %broadcast_in_dim3A_823 : vector<16xi1>, vector<16xi32>
    %eq3A_825 = vector.broadcast %reduce_max3A_814 : f32 to vector<16xf32>
    %eq3A_826 = arith.cmpf oeq, %get3A_791, %eq3A_825 : vector<16xf32>
    %jit3A_827 = arith.constant 64 : i32
    %broadcast_in_dim3A_828 = vector.broadcast %jit3A_827 : i32 to vector<16xi32>
    %select_n3A_829 = arith.select %eq3A_826, %add3A_804, %broadcast_in_dim3A_828 : vector<16xi1>, vector<16xi32>
    %eq3A_830 = vector.broadcast %reduce_max3A_814 : f32 to vector<16xf32>
    %eq3A_831 = arith.cmpf oeq, %get3A_795, %eq3A_830 : vector<16xf32>
    %jit3A_832 = arith.constant 64 : i32
    %broadcast_in_dim3A_833 = vector.broadcast %jit3A_832 : i32 to vector<16xi32>
    %select_n3A_834 = arith.select %eq3A_831, %add3A_807, %broadcast_in_dim3A_833 : vector<16xi1>, vector<16xi32>
    %min3A_835 = arith.minsi %select_n3A_819, %select_n3A_824 : vector<16xi32>
    %min3A_836 = arith.minsi %select_n3A_829, %select_n3A_834 : vector<16xi32>
    %min3A_837 = arith.minsi %min3A_835, %min3A_836 : vector<16xi32>
    %reduce_min3A_838 = arith.constant true
    %reduce_min3A_839 = vector.broadcast %reduce_min3A_838 : i1 to vector<16xi1>
    %reduce_min3A_840 = arith.constant -2147483648 : i32
    %reduce_min3A_841 = vector.broadcast %reduce_min3A_840 : i32 to vector<16xi32>
    %reduce_min3A_842 = arith.xori %min3A_837, %reduce_min3A_841 : vector<16xi32>
    %reduce_min3A_843 = tpu.scan <min>, %reduce_min3A_842 masked %reduce_min3A_839 : vector<16xi32>, vector<16xi1> -> vector<16xi32>
    %reduce_min3A_844 = arith.xori %reduce_min3A_843, %reduce_min3A_841 : vector<16xi32>
    %reduce_min3A_845 = vector.extract %reduce_min3A_844[15] : i32 from vector<16xi32>
    %eq3A_846 = vector.broadcast %reduce_min3A_845 : i32 to vector<16xi32>
    %eq3A_847 = arith.cmpi eq, %add3A_798, %eq3A_846 : vector<16xi32>
    %jit3A_848 = arith.constant -1.000000e+30 : f32
    %broadcast_in_dim3A_849 = vector.broadcast %jit3A_848 : f32 to vector<16xf32>
    %select_n3A_850 = arith.select %eq3A_847, %broadcast_in_dim3A_849, %get3A_783 : vector<16xi1>, vector<16xf32>
    %eq3A_851 = vector.broadcast %reduce_min3A_845 : i32 to vector<16xi32>
    %eq3A_852 = arith.cmpi eq, %add3A_801, %eq3A_851 : vector<16xi32>
    %jit3A_853 = arith.constant -1.000000e+30 : f32
    %broadcast_in_dim3A_854 = vector.broadcast %jit3A_853 : f32 to vector<16xf32>
    %select_n3A_855 = arith.select %eq3A_852, %broadcast_in_dim3A_854, %get3A_787 : vector<16xi1>, vector<16xf32>
    %eq3A_856 = vector.broadcast %reduce_min3A_845 : i32 to vector<16xi32>
    %eq3A_857 = arith.cmpi eq, %add3A_804, %eq3A_856 : vector<16xi32>
    %jit3A_858 = arith.constant -1.000000e+30 : f32
    %broadcast_in_dim3A_859 = vector.broadcast %jit3A_858 : f32 to vector<16xf32>
    %select_n3A_860 = arith.select %eq3A_857, %broadcast_in_dim3A_859, %get3A_791 : vector<16xi1>, vector<16xf32>
    %eq3A_861 = vector.broadcast %reduce_min3A_845 : i32 to vector<16xi32>
    %eq3A_862 = arith.cmpi eq, %add3A_807, %eq3A_861 : vector<16xi32>
    %jit3A_863 = arith.constant -1.000000e+30 : f32
    %broadcast_in_dim3A_864 = vector.broadcast %jit3A_863 : f32 to vector<16xf32>
    %select_n3A_865 = arith.select %eq3A_862, %broadcast_in_dim3A_864, %get3A_795 : vector<16xi1>, vector<16xf32>
    %max3A_866 = arith.maximumf %select_n3A_850, %select_n3A_855 : vector<16xf32>
    %max3A_867 = arith.maximumf %select_n3A_860, %select_n3A_865 : vector<16xf32>
    %max3A_868 = arith.maximumf %max3A_866, %max3A_867 : vector<16xf32>
    %reduce_max3A_869 = arith.constant true
    %reduce_max3A_870 = vector.broadcast %reduce_max3A_869 : i1 to vector<16xi1>
    %reduce_max3A_871 = tpu.scan <max>, %max3A_868 masked %reduce_max3A_870 : vector<16xf32>, vector<16xi1> -> vector<16xf32>
    %reduce_max3A_872 = vector.extract %reduce_max3A_871[15] : f32 from vector<16xf32>
    %eq3A_873 = vector.broadcast %reduce_max3A_872 : f32 to vector<16xf32>
    %eq3A_874 = arith.cmpf oeq, %select_n3A_850, %eq3A_873 : vector<16xf32>
    %jit3A_875 = arith.constant 64 : i32
    %broadcast_in_dim3A_876 = vector.broadcast %jit3A_875 : i32 to vector<16xi32>
    %select_n3A_877 = arith.select %eq3A_874, %add3A_798, %broadcast_in_dim3A_876 : vector<16xi1>, vector<16xi32>
    %eq3A_878 = vector.broadcast %reduce_max3A_872 : f32 to vector<16xf32>
    %eq3A_879 = arith.cmpf oeq, %select_n3A_855, %eq3A_878 : vector<16xf32>
    %jit3A_880 = arith.constant 64 : i32
    %broadcast_in_dim3A_881 = vector.broadcast %jit3A_880 : i32 to vector<16xi32>
    %select_n3A_882 = arith.select %eq3A_879, %add3A_801, %broadcast_in_dim3A_881 : vector<16xi1>, vector<16xi32>
    %eq3A_883 = vector.broadcast %reduce_max3A_872 : f32 to vector<16xf32>
    %eq3A_884 = arith.cmpf oeq, %select_n3A_860, %eq3A_883 : vector<16xf32>
    %jit3A_885 = arith.constant 64 : i32
    %broadcast_in_dim3A_886 = vector.broadcast %jit3A_885 : i32 to vector<16xi32>
    %select_n3A_887 = arith.select %eq3A_884, %add3A_804, %broadcast_in_dim3A_886 : vector<16xi1>, vector<16xi32>
    %eq3A_888 = vector.broadcast %reduce_max3A_872 : f32 to vector<16xf32>
    %eq3A_889 = arith.cmpf oeq, %select_n3A_865, %eq3A_888 : vector<16xf32>
    %jit3A_890 = arith.constant 64 : i32
    %broadcast_in_dim3A_891 = vector.broadcast %jit3A_890 : i32 to vector<16xi32>
    %select_n3A_892 = arith.select %eq3A_889, %add3A_807, %broadcast_in_dim3A_891 : vector<16xi1>, vector<16xi32>
    %min3A_893 = arith.minsi %select_n3A_877, %select_n3A_882 : vector<16xi32>
    %min3A_894 = arith.minsi %select_n3A_887, %select_n3A_892 : vector<16xi32>
    %min3A_895 = arith.minsi %min3A_893, %min3A_894 : vector<16xi32>
    %reduce_min3A_896 = arith.constant true
    %reduce_min3A_897 = vector.broadcast %reduce_min3A_896 : i1 to vector<16xi1>
    %reduce_min3A_898 = arith.constant -2147483648 : i32
    %reduce_min3A_899 = vector.broadcast %reduce_min3A_898 : i32 to vector<16xi32>
    %reduce_min3A_900 = arith.xori %min3A_895, %reduce_min3A_899 : vector<16xi32>
    %reduce_min3A_901 = tpu.scan <min>, %reduce_min3A_900 masked %reduce_min3A_897 : vector<16xi32>, vector<16xi1> -> vector<16xi32>
    %reduce_min3A_902 = arith.xori %reduce_min3A_901, %reduce_min3A_899 : vector<16xi32>
    %reduce_min3A_903 = vector.extract %reduce_min3A_902[15] : i32 from vector<16xi32>
    %sub3A_904 = arith.subf %reduce_max3A_872, %reduce_max3A_814 : f32
    %broadcast_in_dim3A_905 = vector.broadcast %sub3A_904 : f32 to vector<16xf32>
    %exp3A_906 = math.exp %broadcast_in_dim3A_905 : vector<16xf32>
    %add3A_907 = arith.constant 1.000000e+00 : f32
    %add3A_908 = vector.broadcast %add3A_907 : f32 to vector<16xf32>
    %add3A_909 = arith.addf %add3A_908, %exp3A_906 : vector<16xf32>
    %div3A_910 = arith.constant 1.000000e+00 : f32
    %div3A_911 = vector.broadcast %div3A_910 : f32 to vector<16xf32>
    %div3A_912 = arith.divf %div3A_911, %add3A_909 : vector<16xf32>
    %sub3A_913 = arith.constant 1.000000e+00 : f32
    %sub3A_914 = vector.broadcast %sub3A_913 : f32 to vector<16xf32>
    %sub3A_915 = arith.subf %sub3A_914, %div3A_912 : vector<16xf32>
    %eq3A_916 = vector.broadcast %reduce_min3A_845 : i32 to vector<16xi32>
    %eq3A_917 = arith.cmpi eq, %add3A_798, %eq3A_916 : vector<16xi32>
    %jit3A_918 = arith.constant 0.000000e+00 : f32
    %broadcast_in_dim3A_919 = vector.broadcast %jit3A_918 : f32 to vector<16xf32>
    %select_n3A_920 = arith.select %eq3A_917, %div3A_912, %broadcast_in_dim3A_919 : vector<16xi1>, vector<16xf32>
    %eq3A_921 = vector.broadcast %reduce_min3A_903 : i32 to vector<16xi32>
    %eq3A_922 = arith.cmpi eq, %add3A_798, %eq3A_921 : vector<16xi32>
    %jit3A_923 = arith.constant 0.000000e+00 : f32
    %broadcast_in_dim3A_924 = vector.broadcast %jit3A_923 : f32 to vector<16xf32>
    %select_n3A_925 = arith.select %eq3A_922, %sub3A_915, %broadcast_in_dim3A_924 : vector<16xi1>, vector<16xf32>
    %add3A_926 = arith.addf %select_n3A_920, %select_n3A_925 : vector<16xf32>
    %swap3A_927 = arith.constant 1 : i32
    %swap3A_928 = arith.index_cast %swap3A_927 : i32 to index
    %swap3A_929 = arith.constant 64 : index
    %swap3A_930 = tpu.vector_load %arg5[%swap3A_928, %swap3A_929] {strides = array<i32>} : memref<4x192xf32, #tpu.memory_space<vmem>>, vector<16xf32>,
    tpu.vector_store %arg5[%swap3A_928, %swap3A_929], %add3A_926 {strides = array<i32>} : memref<4x192xf32, #tpu.memory_space<vmem>>, vector<16xf32>,
    %eq3A_931 = vector.broadcast %reduce_min3A_845 : i32 to vector<16xi32>
    %eq3A_932 = arith.cmpi eq, %add3A_801, %eq3A_931 : vector<16xi32>
    %jit3A_933 = arith.constant 0.000000e+00 : f32
    %broadcast_in_dim3A_934 = vector.broadcast %jit3A_933 : f32 to vector<16xf32>
    %select_n3A_935 = arith.select %eq3A_932, %div3A_912, %broadcast_in_dim3A_934 : vector<16xi1>, vector<16xf32>
    %eq3A_936 = vector.broadcast %reduce_min3A_903 : i32 to vector<16xi32>
    %eq3A_937 = arith.cmpi eq, %add3A_801, %eq3A_936 : vector<16xi32>
    %jit3A_938 = arith.constant 0.000000e+00 : f32
    %broadcast_in_dim3A_939 = vector.broadcast %jit3A_938 : f32 to vector<16xf32>
    %select_n3A_940 = arith.select %eq3A_937, %sub3A_915, %broadcast_in_dim3A_939 : vector<16xi1>, vector<16xf32>
    %add3A_941 = arith.addf %select_n3A_935, %select_n3A_940 : vector<16xf32>
    %swap3A_942 = arith.constant 1 : i32
    %swap3A_943 = arith.index_cast %swap3A_942 : i32 to index
    %swap3A_944 = arith.constant 80 : index
    %swap3A_945 = tpu.vector_load %arg5[%swap3A_943, %swap3A_944] {strides = array<i32>} : memref<4x192xf32, #tpu.memory_space<vmem>>, vector<16xf32>,
    tpu.vector_store %arg5[%swap3A_943, %swap3A_944], %add3A_941 {strides = array<i32>} : memref<4x192xf32, #tpu.memory_space<vmem>>, vector<16xf32>,
    %eq3A_946 = vector.broadcast %reduce_min3A_845 : i32 to vector<16xi32>
    %eq3A_947 = arith.cmpi eq, %add3A_804, %eq3A_946 : vector<16xi32>
    %jit3A_948 = arith.constant 0.000000e+00 : f32
    %broadcast_in_dim3A_949 = vector.broadcast %jit3A_948 : f32 to vector<16xf32>
    %select_n3A_950 = arith.select %eq3A_947, %div3A_912, %broadcast_in_dim3A_949 : vector<16xi1>, vector<16xf32>
    %eq3A_951 = vector.broadcast %reduce_min3A_903 : i32 to vector<16xi32>
    %eq3A_952 = arith.cmpi eq, %add3A_804, %eq3A_951 : vector<16xi32>
    %jit3A_953 = arith.constant 0.000000e+00 : f32
    %broadcast_in_dim3A_954 = vector.broadcast %jit3A_953 : f32 to vector<16xf32>
    %select_n3A_955 = arith.select %eq3A_952, %sub3A_915, %broadcast_in_dim3A_954 : vector<16xi1>, vector<16xf32>
    %add3A_956 = arith.addf %select_n3A_950, %select_n3A_955 : vector<16xf32>
    %swap3A_957 = arith.constant 1 : i32
    %swap3A_958 = arith.index_cast %swap3A_957 : i32 to index
    %swap3A_959 = arith.constant 96 : index
    %swap3A_960 = tpu.vector_load %arg5[%swap3A_958, %swap3A_959] {strides = array<i32>} : memref<4x192xf32, #tpu.memory_space<vmem>>, vector<16xf32>,
    tpu.vector_store %arg5[%swap3A_958, %swap3A_959], %add3A_956 {strides = array<i32>} : memref<4x192xf32, #tpu.memory_space<vmem>>, vector<16xf32>,
    %eq3A_961 = vector.broadcast %reduce_min3A_845 : i32 to vector<16xi32>
    %eq3A_962 = arith.cmpi eq, %add3A_807, %eq3A_961 : vector<16xi32>
    %jit3A_963 = arith.constant 0.000000e+00 : f32
    %broadcast_in_dim3A_964 = vector.broadcast %jit3A_963 : f32 to vector<16xf32>
    %select_n3A_965 = arith.select %eq3A_962, %div3A_912, %broadcast_in_dim3A_964 : vector<16xi1>, vector<16xf32>
    %eq3A_966 = vector.broadcast %reduce_min3A_903 : i32 to vector<16xi32>
    %eq3A_967 = arith.cmpi eq, %add3A_807, %eq3A_966 : vector<16xi32>
    %jit3A_968 = arith.constant 0.000000e+00 : f32
    %broadcast_in_dim3A_969 = vector.broadcast %jit3A_968 : f32 to vector<16xf32>
    %select_n3A_970 = arith.select %eq3A_967, %sub3A_915, %broadcast_in_dim3A_969 : vector<16xi1>, vector<16xf32>
    %add3A_971 = arith.addf %select_n3A_965, %select_n3A_970 : vector<16xf32>
    %swap3A_972 = arith.constant 1 : i32
    %swap3A_973 = arith.index_cast %swap3A_972 : i32 to index
    %swap3A_974 = arith.constant 112 : index
    %swap3A_975 = tpu.vector_load %arg5[%swap3A_973, %swap3A_974] {strides = array<i32>} : memref<4x192xf32, #tpu.memory_space<vmem>>, vector<16xf32>,
    tpu.vector_store %arg5[%swap3A_973, %swap3A_974], %add3A_971 {strides = array<i32>} : memref<4x192xf32, #tpu.memory_space<vmem>>, vector<16xf32>,
    %get3A_976 = arith.constant 1 : i32
    %get3A_977 = arith.index_cast %get3A_976 : i32 to index
    %get3A_978 = arith.constant 128 : index
    %get3A_979 = tpu.vector_load %arg4[%get3A_977, %get3A_978] {strides = array<i32>} : memref<4x192xf32, #tpu.memory_space<vmem>>, vector<16xf32>,
    %get3A_980 = arith.constant 1 : i32
    %get3A_981 = arith.index_cast %get3A_980 : i32 to index
    %get3A_982 = arith.constant 144 : index
    %get3A_983 = tpu.vector_load %arg4[%get3A_981, %get3A_982] {strides = array<i32>} : memref<4x192xf32, #tpu.memory_space<vmem>>, vector<16xf32>,
    %get3A_984 = arith.constant 1 : i32
    %get3A_985 = arith.index_cast %get3A_984 : i32 to index
    %get3A_986 = arith.constant 160 : index
    %get3A_987 = tpu.vector_load %arg4[%get3A_985, %get3A_986] {strides = array<i32>} : memref<4x192xf32, #tpu.memory_space<vmem>>, vector<16xf32>,
    %get3A_988 = arith.constant 1 : i32
    %get3A_989 = arith.index_cast %get3A_988 : i32 to index
    %get3A_990 = arith.constant 176 : index
    %get3A_991 = tpu.vector_load %arg4[%get3A_989, %get3A_990] {strides = array<i32>} : memref<4x192xf32, #tpu.memory_space<vmem>>, vector<16xf32>,
    %add3A_992 = arith.constant 0 : i32
    %add3A_993 = vector.broadcast %add3A_992 : i32 to vector<16xi32>
    %add3A_994 = arith.addi %iota3A, %add3A_993 : vector<16xi32>
    %add3A_995 = arith.constant 16 : i32
    %add3A_996 = vector.broadcast %add3A_995 : i32 to vector<16xi32>
    %add3A_997 = arith.addi %iota3A, %add3A_996 : vector<16xi32>
    %add3A_998 = arith.constant 32 : i32
    %add3A_999 = vector.broadcast %add3A_998 : i32 to vector<16xi32>
    %add3A_1000 = arith.addi %iota3A, %add3A_999 : vector<16xi32>
    %add3A_1001 = arith.constant 48 : i32
    %add3A_1002 = vector.broadcast %add3A_1001 : i32 to vector<16xi32>
    %add3A_1003 = arith.addi %iota3A, %add3A_1002 : vector<16xi32>
    %max3A_1004 = arith.maximumf %get3A_979, %get3A_983 : vector<16xf32>
    %max3A_1005 = arith.maximumf %get3A_987, %get3A_991 : vector<16xf32>
    %max3A_1006 = arith.maximumf %max3A_1004, %max3A_1005 : vector<16xf32>
    %reduce_max3A_1007 = arith.constant true
    %reduce_max3A_1008 = vector.broadcast %reduce_max3A_1007 : i1 to vector<16xi1>
    %reduce_max3A_1009 = tpu.scan <max>, %max3A_1006 masked %reduce_max3A_1008 : vector<16xf32>, vector<16xi1> -> vector<16xf32>
    %reduce_max3A_1010 = vector.extract %reduce_max3A_1009[15] : f32 from vector<16xf32>
    %eq3A_1011 = vector.broadcast %reduce_max3A_1010 : f32 to vector<16xf32>
    %eq3A_1012 = arith.cmpf oeq, %get3A_979, %eq3A_1011 : vector<16xf32>
    %jit3A_1013 = arith.constant 64 : i32
    %broadcast_in_dim3A_1014 = vector.broadcast %jit3A_1013 : i32 to vector<16xi32>
    %select_n3A_1015 = arith.select %eq3A_1012, %add3A_994, %broadcast_in_dim3A_1014 : vector<16xi1>, vector<16xi32>
    %eq3A_1016 = vector.broadcast %reduce_max3A_1010 : f32 to vector<16xf32>
    %eq3A_1017 = arith.cmpf oeq, %get3A_983, %eq3A_1016 : vector<16xf32>
    %jit3A_1018 = arith.constant 64 : i32
    %broadcast_in_dim3A_1019 = vector.broadcast %jit3A_1018 : i32 to vector<16xi32>
    %select_n3A_1020 = arith.select %eq3A_1017, %add3A_997, %broadcast_in_dim3A_1019 : vector<16xi1>, vector<16xi32>
    %eq3A_1021 = vector.broadcast %reduce_max3A_1010 : f32 to vector<16xf32>
    %eq3A_1022 = arith.cmpf oeq, %get3A_987, %eq3A_1021 : vector<16xf32>
    %jit3A_1023 = arith.constant 64 : i32
    %broadcast_in_dim3A_1024 = vector.broadcast %jit3A_1023 : i32 to vector<16xi32>
    %select_n3A_1025 = arith.select %eq3A_1022, %add3A_1000, %broadcast_in_dim3A_1024 : vector<16xi1>, vector<16xi32>
    %eq3A_1026 = vector.broadcast %reduce_max3A_1010 : f32 to vector<16xf32>
    %eq3A_1027 = arith.cmpf oeq, %get3A_991, %eq3A_1026 : vector<16xf32>
    %jit3A_1028 = arith.constant 64 : i32
    %broadcast_in_dim3A_1029 = vector.broadcast %jit3A_1028 : i32 to vector<16xi32>
    %select_n3A_1030 = arith.select %eq3A_1027, %add3A_1003, %broadcast_in_dim3A_1029 : vector<16xi1>, vector<16xi32>
    %min3A_1031 = arith.minsi %select_n3A_1015, %select_n3A_1020 : vector<16xi32>
    %min3A_1032 = arith.minsi %select_n3A_1025, %select_n3A_1030 : vector<16xi32>
    %min3A_1033 = arith.minsi %min3A_1031, %min3A_1032 : vector<16xi32>
    %reduce_min3A_1034 = arith.constant true
    %reduce_min3A_1035 = vector.broadcast %reduce_min3A_1034 : i1 to vector<16xi1>
    %reduce_min3A_1036 = arith.constant -2147483648 : i32
    %reduce_min3A_1037 = vector.broadcast %reduce_min3A_1036 : i32 to vector<16xi32>
    %reduce_min3A_1038 = arith.xori %min3A_1033, %reduce_min3A_1037 : vector<16xi32>
    %reduce_min3A_1039 = tpu.scan <min>, %reduce_min3A_1038 masked %reduce_min3A_1035 : vector<16xi32>, vector<16xi1> -> vector<16xi32>
    %reduce_min3A_1040 = arith.xori %reduce_min3A_1039, %reduce_min3A_1037 : vector<16xi32>
    %reduce_min3A_1041 = vector.extract %reduce_min3A_1040[15] : i32 from vector<16xi32>
    %eq3A_1042 = vector.broadcast %reduce_min3A_1041 : i32 to vector<16xi32>
    %eq3A_1043 = arith.cmpi eq, %add3A_994, %eq3A_1042 : vector<16xi32>
    %jit3A_1044 = arith.constant -1.000000e+30 : f32
    %broadcast_in_dim3A_1045 = vector.broadcast %jit3A_1044 : f32 to vector<16xf32>
    %select_n3A_1046 = arith.select %eq3A_1043, %broadcast_in_dim3A_1045, %get3A_979 : vector<16xi1>, vector<16xf32>
    %eq3A_1047 = vector.broadcast %reduce_min3A_1041 : i32 to vector<16xi32>
    %eq3A_1048 = arith.cmpi eq, %add3A_997, %eq3A_1047 : vector<16xi32>
    %jit3A_1049 = arith.constant -1.000000e+30 : f32
    %broadcast_in_dim3A_1050 = vector.broadcast %jit3A_1049 : f32 to vector<16xf32>
    %select_n3A_1051 = arith.select %eq3A_1048, %broadcast_in_dim3A_1050, %get3A_983 : vector<16xi1>, vector<16xf32>
    %eq3A_1052 = vector.broadcast %reduce_min3A_1041 : i32 to vector<16xi32>
    %eq3A_1053 = arith.cmpi eq, %add3A_1000, %eq3A_1052 : vector<16xi32>
    %jit3A_1054 = arith.constant -1.000000e+30 : f32
    %broadcast_in_dim3A_1055 = vector.broadcast %jit3A_1054 : f32 to vector<16xf32>
    %select_n3A_1056 = arith.select %eq3A_1053, %broadcast_in_dim3A_1055, %get3A_987 : vector<16xi1>, vector<16xf32>
    %eq3A_1057 = vector.broadcast %reduce_min3A_1041 : i32 to vector<16xi32>
    %eq3A_1058 = arith.cmpi eq, %add3A_1003, %eq3A_1057 : vector<16xi32>
    %jit3A_1059 = arith.constant -1.000000e+30 : f32
    %broadcast_in_dim3A_1060 = vector.broadcast %jit3A_1059 : f32 to vector<16xf32>
    %select_n3A_1061 = arith.select %eq3A_1058, %broadcast_in_dim3A_1060, %get3A_991 : vector<16xi1>, vector<16xf32>
    %max3A_1062 = arith.maximumf %select_n3A_1046, %select_n3A_1051 : vector<16xf32>
    %max3A_1063 = arith.maximumf %select_n3A_1056, %select_n3A_1061 : vector<16xf32>
    %max3A_1064 = arith.maximumf %max3A_1062, %max3A_1063 : vector<16xf32>
    %reduce_max3A_1065 = arith.constant true
    %reduce_max3A_1066 = vector.broadcast %reduce_max3A_1065 : i1 to vector<16xi1>
    %reduce_max3A_1067 = tpu.scan <max>, %max3A_1064 masked %reduce_max3A_1066 : vector<16xf32>, vector<16xi1> -> vector<16xf32>
    %reduce_max3A_1068 = vector.extract %reduce_max3A_1067[15] : f32 from vector<16xf32>
    %eq3A_1069 = vector.broadcast %reduce_max3A_1068 : f32 to vector<16xf32>
    %eq3A_1070 = arith.cmpf oeq, %select_n3A_1046, %eq3A_1069 : vector<16xf32>
    %jit3A_1071 = arith.constant 64 : i32
    %broadcast_in_dim3A_1072 = vector.broadcast %jit3A_1071 : i32 to vector<16xi32>
    %select_n3A_1073 = arith.select %eq3A_1070, %add3A_994, %broadcast_in_dim3A_1072 : vector<16xi1>, vector<16xi32>
    %eq3A_1074 = vector.broadcast %reduce_max3A_1068 : f32 to vector<16xf32>
    %eq3A_1075 = arith.cmpf oeq, %select_n3A_1051, %eq3A_1074 : vector<16xf32>
    %jit3A_1076 = arith.constant 64 : i32
    %broadcast_in_dim3A_1077 = vector.broadcast %jit3A_1076 : i32 to vector<16xi32>
    %select_n3A_1078 = arith.select %eq3A_1075, %add3A_997, %broadcast_in_dim3A_1077 : vector<16xi1>, vector<16xi32>
    %eq3A_1079 = vector.broadcast %reduce_max3A_1068 : f32 to vector<16xf32>
    %eq3A_1080 = arith.cmpf oeq, %select_n3A_1056, %eq3A_1079 : vector<16xf32>
    %jit3A_1081 = arith.constant 64 : i32
    %broadcast_in_dim3A_1082 = vector.broadcast %jit3A_1081 : i32 to vector<16xi32>
    %select_n3A_1083 = arith.select %eq3A_1080, %add3A_1000, %broadcast_in_dim3A_1082 : vector<16xi1>, vector<16xi32>
    %eq3A_1084 = vector.broadcast %reduce_max3A_1068 : f32 to vector<16xf32>
    %eq3A_1085 = arith.cmpf oeq, %select_n3A_1061, %eq3A_1084 : vector<16xf32>
    %jit3A_1086 = arith.constant 64 : i32
    %broadcast_in_dim3A_1087 = vector.broadcast %jit3A_1086 : i32 to vector<16xi32>
    %select_n3A_1088 = arith.select %eq3A_1085, %add3A_1003, %broadcast_in_dim3A_1087 : vector<16xi1>, vector<16xi32>
    %min3A_1089 = arith.minsi %select_n3A_1073, %select_n3A_1078 : vector<16xi32>
    %min3A_1090 = arith.minsi %select_n3A_1083, %select_n3A_1088 : vector<16xi32>
    %min3A_1091 = arith.minsi %min3A_1089, %min3A_1090 : vector<16xi32>
    %reduce_min3A_1092 = arith.constant true
    %reduce_min3A_1093 = vector.broadcast %reduce_min3A_1092 : i1 to vector<16xi1>
    %reduce_min3A_1094 = arith.constant -2147483648 : i32
    %reduce_min3A_1095 = vector.broadcast %reduce_min3A_1094 : i32 to vector<16xi32>
    %reduce_min3A_1096 = arith.xori %min3A_1091, %reduce_min3A_1095 : vector<16xi32>
    %reduce_min3A_1097 = tpu.scan <min>, %reduce_min3A_1096 masked %reduce_min3A_1093 : vector<16xi32>, vector<16xi1> -> vector<16xi32>
    %reduce_min3A_1098 = arith.xori %reduce_min3A_1097, %reduce_min3A_1095 : vector<16xi32>
    %reduce_min3A_1099 = vector.extract %reduce_min3A_1098[15] : i32 from vector<16xi32>
    %sub3A_1100 = arith.subf %reduce_max3A_1068, %reduce_max3A_1010 : f32
    %broadcast_in_dim3A_1101 = vector.broadcast %sub3A_1100 : f32 to vector<16xf32>
    %exp3A_1102 = math.exp %broadcast_in_dim3A_1101 : vector<16xf32>
    %add3A_1103 = arith.constant 1.000000e+00 : f32
    %add3A_1104 = vector.broadcast %add3A_1103 : f32 to vector<16xf32>
    %add3A_1105 = arith.addf %add3A_1104, %exp3A_1102 : vector<16xf32>
    %div3A_1106 = arith.constant 1.000000e+00 : f32
    %div3A_1107 = vector.broadcast %div3A_1106 : f32 to vector<16xf32>
    %div3A_1108 = arith.divf %div3A_1107, %add3A_1105 : vector<16xf32>
    %sub3A_1109 = arith.constant 1.000000e+00 : f32
    %sub3A_1110 = vector.broadcast %sub3A_1109 : f32 to vector<16xf32>
    %sub3A_1111 = arith.subf %sub3A_1110, %div3A_1108 : vector<16xf32>
    %eq3A_1112 = vector.broadcast %reduce_min3A_1041 : i32 to vector<16xi32>
    %eq3A_1113 = arith.cmpi eq, %add3A_994, %eq3A_1112 : vector<16xi32>
    %jit3A_1114 = arith.constant 0.000000e+00 : f32
    %broadcast_in_dim3A_1115 = vector.broadcast %jit3A_1114 : f32 to vector<16xf32>
    %select_n3A_1116 = arith.select %eq3A_1113, %div3A_1108, %broadcast_in_dim3A_1115 : vector<16xi1>, vector<16xf32>
    %eq3A_1117 = vector.broadcast %reduce_min3A_1099 : i32 to vector<16xi32>
    %eq3A_1118 = arith.cmpi eq, %add3A_994, %eq3A_1117 : vector<16xi32>
    %jit3A_1119 = arith.constant 0.000000e+00 : f32
    %broadcast_in_dim3A_1120 = vector.broadcast %jit3A_1119 : f32 to vector<16xf32>
    %select_n3A_1121 = arith.select %eq3A_1118, %sub3A_1111, %broadcast_in_dim3A_1120 : vector<16xi1>, vector<16xf32>
    %add3A_1122 = arith.addf %select_n3A_1116, %select_n3A_1121 : vector<16xf32>
    %swap3A_1123 = arith.constant 1 : i32
    %swap3A_1124 = arith.index_cast %swap3A_1123 : i32 to index
    %swap3A_1125 = arith.constant 128 : index
    %swap3A_1126 = tpu.vector_load %arg5[%swap3A_1124, %swap3A_1125] {strides = array<i32>} : memref<4x192xf32, #tpu.memory_space<vmem>>, vector<16xf32>,
    tpu.vector_store %arg5[%swap3A_1124, %swap3A_1125], %add3A_1122 {strides = array<i32>} : memref<4x192xf32, #tpu.memory_space<vmem>>, vector<16xf32>,
    %eq3A_1127 = vector.broadcast %reduce_min3A_1041 : i32 to vector<16xi32>
    %eq3A_1128 = arith.cmpi eq, %add3A_997, %eq3A_1127 : vector<16xi32>
    %jit3A_1129 = arith.constant 0.000000e+00 : f32
    %broadcast_in_dim3A_1130 = vector.broadcast %jit3A_1129 : f32 to vector<16xf32>
    %select_n3A_1131 = arith.select %eq3A_1128, %div3A_1108, %broadcast_in_dim3A_1130 : vector<16xi1>, vector<16xf32>
    %eq3A_1132 = vector.broadcast %reduce_min3A_1099 : i32 to vector<16xi32>
    %eq3A_1133 = arith.cmpi eq, %add3A_997, %eq3A_1132 : vector<16xi32>
    %jit3A_1134 = arith.constant 0.000000e+00 : f32
    %broadcast_in_dim3A_1135 = vector.broadcast %jit3A_1134 : f32 to vector<16xf32>
    %select_n3A_1136 = arith.select %eq3A_1133, %sub3A_1111, %broadcast_in_dim3A_1135 : vector<16xi1>, vector<16xf32>
    %add3A_1137 = arith.addf %select_n3A_1131, %select_n3A_1136 : vector<16xf32>
    %swap3A_1138 = arith.constant 1 : i32
    %swap3A_1139 = arith.index_cast %swap3A_1138 : i32 to index
    %swap3A_1140 = arith.constant 144 : index
    %swap3A_1141 = tpu.vector_load %arg5[%swap3A_1139, %swap3A_1140] {strides = array<i32>} : memref<4x192xf32, #tpu.memory_space<vmem>>, vector<16xf32>,
    tpu.vector_store %arg5[%swap3A_1139, %swap3A_1140], %add3A_1137 {strides = array<i32>} : memref<4x192xf32, #tpu.memory_space<vmem>>, vector<16xf32>,
    %eq3A_1142 = vector.broadcast %reduce_min3A_1041 : i32 to vector<16xi32>
    %eq3A_1143 = arith.cmpi eq, %add3A_1000, %eq3A_1142 : vector<16xi32>
    %jit3A_1144 = arith.constant 0.000000e+00 : f32
    %broadcast_in_dim3A_1145 = vector.broadcast %jit3A_1144 : f32 to vector<16xf32>
    %select_n3A_1146 = arith.select %eq3A_1143, %div3A_1108, %broadcast_in_dim3A_1145 : vector<16xi1>, vector<16xf32>
    %eq3A_1147 = vector.broadcast %reduce_min3A_1099 : i32 to vector<16xi32>
    %eq3A_1148 = arith.cmpi eq, %add3A_1000, %eq3A_1147 : vector<16xi32>
    %jit3A_1149 = arith.constant 0.000000e+00 : f32
    %broadcast_in_dim3A_1150 = vector.broadcast %jit3A_1149 : f32 to vector<16xf32>
    %select_n3A_1151 = arith.select %eq3A_1148, %sub3A_1111, %broadcast_in_dim3A_1150 : vector<16xi1>, vector<16xf32>
    %add3A_1152 = arith.addf %select_n3A_1146, %select_n3A_1151 : vector<16xf32>
    %swap3A_1153 = arith.constant 1 : i32
    %swap3A_1154 = arith.index_cast %swap3A_1153 : i32 to index
    %swap3A_1155 = arith.constant 160 : index
    %swap3A_1156 = tpu.vector_load %arg5[%swap3A_1154, %swap3A_1155] {strides = array<i32>} : memref<4x192xf32, #tpu.memory_space<vmem>>, vector<16xf32>,
    tpu.vector_store %arg5[%swap3A_1154, %swap3A_1155], %add3A_1152 {strides = array<i32>} : memref<4x192xf32, #tpu.memory_space<vmem>>, vector<16xf32>,
    %eq3A_1157 = vector.broadcast %reduce_min3A_1041 : i32 to vector<16xi32>
    %eq3A_1158 = arith.cmpi eq, %add3A_1003, %eq3A_1157 : vector<16xi32>
    %jit3A_1159 = arith.constant 0.000000e+00 : f32
    %broadcast_in_dim3A_1160 = vector.broadcast %jit3A_1159 : f32 to vector<16xf32>
    %select_n3A_1161 = arith.select %eq3A_1158, %div3A_1108, %broadcast_in_dim3A_1160 : vector<16xi1>, vector<16xf32>
    %eq3A_1162 = vector.broadcast %reduce_min3A_1099 : i32 to vector<16xi32>
    %eq3A_1163 = arith.cmpi eq, %add3A_1003, %eq3A_1162 : vector<16xi32>
    %jit3A_1164 = arith.constant 0.000000e+00 : f32
    %broadcast_in_dim3A_1165 = vector.broadcast %jit3A_1164 : f32 to vector<16xf32>
    %select_n3A_1166 = arith.select %eq3A_1163, %sub3A_1111, %broadcast_in_dim3A_1165 : vector<16xi1>, vector<16xf32>
    %add3A_1167 = arith.addf %select_n3A_1161, %select_n3A_1166 : vector<16xf32>
    %swap3A_1168 = arith.constant 1 : i32
    %swap3A_1169 = arith.index_cast %swap3A_1168 : i32 to index
    %swap3A_1170 = arith.constant 176 : index
    %swap3A_1171 = tpu.vector_load %arg5[%swap3A_1169, %swap3A_1170] {strides = array<i32>} : memref<4x192xf32, #tpu.memory_space<vmem>>, vector<16xf32>,
    tpu.vector_store %arg5[%swap3A_1169, %swap3A_1170], %add3A_1167 {strides = array<i32>} : memref<4x192xf32, #tpu.memory_space<vmem>>, vector<16xf32>,
    %get3A_1172 = arith.constant 2 : i32
    %get3A_1173 = arith.index_cast %get3A_1172 : i32 to index
    %get3A_1174 = arith.constant 0 : index
    %get3A_1175 = tpu.vector_load %arg4[%get3A_1173, %get3A_1174] {strides = array<i32>} : memref<4x192xf32, #tpu.memory_space<vmem>>, vector<16xf32>,
    %get3A_1176 = arith.constant 2 : i32
    %get3A_1177 = arith.index_cast %get3A_1176 : i32 to index
    %get3A_1178 = arith.constant 16 : index
    %get3A_1179 = tpu.vector_load %arg4[%get3A_1177, %get3A_1178] {strides = array<i32>} : memref<4x192xf32, #tpu.memory_space<vmem>>, vector<16xf32>,
    %get3A_1180 = arith.constant 2 : i32
    %get3A_1181 = arith.index_cast %get3A_1180 : i32 to index
    %get3A_1182 = arith.constant 32 : index
    %get3A_1183 = tpu.vector_load %arg4[%get3A_1181, %get3A_1182] {strides = array<i32>} : memref<4x192xf32, #tpu.memory_space<vmem>>, vector<16xf32>,
    %get3A_1184 = arith.constant 2 : i32
    %get3A_1185 = arith.index_cast %get3A_1184 : i32 to index
    %get3A_1186 = arith.constant 48 : index
    %get3A_1187 = tpu.vector_load %arg4[%get3A_1185, %get3A_1186] {strides = array<i32>} : memref<4x192xf32, #tpu.memory_space<vmem>>, vector<16xf32>,
    %add3A_1188 = arith.constant 0 : i32
    %add3A_1189 = vector.broadcast %add3A_1188 : i32 to vector<16xi32>
    %add3A_1190 = arith.addi %iota3A, %add3A_1189 : vector<16xi32>
    %add3A_1191 = arith.constant 16 : i32
    %add3A_1192 = vector.broadcast %add3A_1191 : i32 to vector<16xi32>
    %add3A_1193 = arith.addi %iota3A, %add3A_1192 : vector<16xi32>
    %add3A_1194 = arith.constant 32 : i32
    %add3A_1195 = vector.broadcast %add3A_1194 : i32 to vector<16xi32>
    %add3A_1196 = arith.addi %iota3A, %add3A_1195 : vector<16xi32>
    %add3A_1197 = arith.constant 48 : i32
    %add3A_1198 = vector.broadcast %add3A_1197 : i32 to vector<16xi32>
    %add3A_1199 = arith.addi %iota3A, %add3A_1198 : vector<16xi32>
    %max3A_1200 = arith.maximumf %get3A_1175, %get3A_1179 : vector<16xf32>
    %max3A_1201 = arith.maximumf %get3A_1183, %get3A_1187 : vector<16xf32>
    %max3A_1202 = arith.maximumf %max3A_1200, %max3A_1201 : vector<16xf32>
    %reduce_max3A_1203 = arith.constant true
    %reduce_max3A_1204 = vector.broadcast %reduce_max3A_1203 : i1 to vector<16xi1>
    %reduce_max3A_1205 = tpu.scan <max>, %max3A_1202 masked %reduce_max3A_1204 : vector<16xf32>, vector<16xi1> -> vector<16xf32>
    %reduce_max3A_1206 = vector.extract %reduce_max3A_1205[15] : f32 from vector<16xf32>
    %eq3A_1207 = vector.broadcast %reduce_max3A_1206 : f32 to vector<16xf32>
    %eq3A_1208 = arith.cmpf oeq, %get3A_1175, %eq3A_1207 : vector<16xf32>
    %jit3A_1209 = arith.constant 64 : i32
    %broadcast_in_dim3A_1210 = vector.broadcast %jit3A_1209 : i32 to vector<16xi32>
    %select_n3A_1211 = arith.select %eq3A_1208, %add3A_1190, %broadcast_in_dim3A_1210 : vector<16xi1>, vector<16xi32>
    %eq3A_1212 = vector.broadcast %reduce_max3A_1206 : f32 to vector<16xf32>
    %eq3A_1213 = arith.cmpf oeq, %get3A_1179, %eq3A_1212 : vector<16xf32>
    %jit3A_1214 = arith.constant 64 : i32
    %broadcast_in_dim3A_1215 = vector.broadcast %jit3A_1214 : i32 to vector<16xi32>
    %select_n3A_1216 = arith.select %eq3A_1213, %add3A_1193, %broadcast_in_dim3A_1215 : vector<16xi1>, vector<16xi32>
    %eq3A_1217 = vector.broadcast %reduce_max3A_1206 : f32 to vector<16xf32>
    %eq3A_1218 = arith.cmpf oeq, %get3A_1183, %eq3A_1217 : vector<16xf32>
    %jit3A_1219 = arith.constant 64 : i32
    %broadcast_in_dim3A_1220 = vector.broadcast %jit3A_1219 : i32 to vector<16xi32>
    %select_n3A_1221 = arith.select %eq3A_1218, %add3A_1196, %broadcast_in_dim3A_1220 : vector<16xi1>, vector<16xi32>
    %eq3A_1222 = vector.broadcast %reduce_max3A_1206 : f32 to vector<16xf32>
    %eq3A_1223 = arith.cmpf oeq, %get3A_1187, %eq3A_1222 : vector<16xf32>
    %jit3A_1224 = arith.constant 64 : i32
    %broadcast_in_dim3A_1225 = vector.broadcast %jit3A_1224 : i32 to vector<16xi32>
    %select_n3A_1226 = arith.select %eq3A_1223, %add3A_1199, %broadcast_in_dim3A_1225 : vector<16xi1>, vector<16xi32>
    %min3A_1227 = arith.minsi %select_n3A_1211, %select_n3A_1216 : vector<16xi32>
    %min3A_1228 = arith.minsi %select_n3A_1221, %select_n3A_1226 : vector<16xi32>
    %min3A_1229 = arith.minsi %min3A_1227, %min3A_1228 : vector<16xi32>
    %reduce_min3A_1230 = arith.constant true
    %reduce_min3A_1231 = vector.broadcast %reduce_min3A_1230 : i1 to vector<16xi1>
    %reduce_min3A_1232 = arith.constant -2147483648 : i32
    %reduce_min3A_1233 = vector.broadcast %reduce_min3A_1232 : i32 to vector<16xi32>
    %reduce_min3A_1234 = arith.xori %min3A_1229, %reduce_min3A_1233 : vector<16xi32>
    %reduce_min3A_1235 = tpu.scan <min>, %reduce_min3A_1234 masked %reduce_min3A_1231 : vector<16xi32>, vector<16xi1> -> vector<16xi32>
    %reduce_min3A_1236 = arith.xori %reduce_min3A_1235, %reduce_min3A_1233 : vector<16xi32>
    %reduce_min3A_1237 = vector.extract %reduce_min3A_1236[15] : i32 from vector<16xi32>
    %eq3A_1238 = vector.broadcast %reduce_min3A_1237 : i32 to vector<16xi32>
    %eq3A_1239 = arith.cmpi eq, %add3A_1190, %eq3A_1238 : vector<16xi32>
    %jit3A_1240 = arith.constant -1.000000e+30 : f32
    %broadcast_in_dim3A_1241 = vector.broadcast %jit3A_1240 : f32 to vector<16xf32>
    %select_n3A_1242 = arith.select %eq3A_1239, %broadcast_in_dim3A_1241, %get3A_1175 : vector<16xi1>, vector<16xf32>
    %eq3A_1243 = vector.broadcast %reduce_min3A_1237 : i32 to vector<16xi32>
    %eq3A_1244 = arith.cmpi eq, %add3A_1193, %eq3A_1243 : vector<16xi32>
    %jit3A_1245 = arith.constant -1.000000e+30 : f32
    %broadcast_in_dim3A_1246 = vector.broadcast %jit3A_1245 : f32 to vector<16xf32>
    %select_n3A_1247 = arith.select %eq3A_1244, %broadcast_in_dim3A_1246, %get3A_1179 : vector<16xi1>, vector<16xf32>
    %eq3A_1248 = vector.broadcast %reduce_min3A_1237 : i32 to vector<16xi32>
    %eq3A_1249 = arith.cmpi eq, %add3A_1196, %eq3A_1248 : vector<16xi32>
    %jit3A_1250 = arith.constant -1.000000e+30 : f32
    %broadcast_in_dim3A_1251 = vector.broadcast %jit3A_1250 : f32 to vector<16xf32>
    %select_n3A_1252 = arith.select %eq3A_1249, %broadcast_in_dim3A_1251, %get3A_1183 : vector<16xi1>, vector<16xf32>
    %eq3A_1253 = vector.broadcast %reduce_min3A_1237 : i32 to vector<16xi32>
    %eq3A_1254 = arith.cmpi eq, %add3A_1199, %eq3A_1253 : vector<16xi32>
    %jit3A_1255 = arith.constant -1.000000e+30 : f32
    %broadcast_in_dim3A_1256 = vector.broadcast %jit3A_1255 : f32 to vector<16xf32>
    %select_n3A_1257 = arith.select %eq3A_1254, %broadcast_in_dim3A_1256, %get3A_1187 : vector<16xi1>, vector<16xf32>
    %max3A_1258 = arith.maximumf %select_n3A_1242, %select_n3A_1247 : vector<16xf32>
    %max3A_1259 = arith.maximumf %select_n3A_1252, %select_n3A_1257 : vector<16xf32>
    %max3A_1260 = arith.maximumf %max3A_1258, %max3A_1259 : vector<16xf32>
    %reduce_max3A_1261 = arith.constant true
    %reduce_max3A_1262 = vector.broadcast %reduce_max3A_1261 : i1 to vector<16xi1>
    %reduce_max3A_1263 = tpu.scan <max>, %max3A_1260 masked %reduce_max3A_1262 : vector<16xf32>, vector<16xi1> -> vector<16xf32>
    %reduce_max3A_1264 = vector.extract %reduce_max3A_1263[15] : f32 from vector<16xf32>
    %eq3A_1265 = vector.broadcast %reduce_max3A_1264 : f32 to vector<16xf32>
    %eq3A_1266 = arith.cmpf oeq, %select_n3A_1242, %eq3A_1265 : vector<16xf32>
    %jit3A_1267 = arith.constant 64 : i32
    %broadcast_in_dim3A_1268 = vector.broadcast %jit3A_1267 : i32 to vector<16xi32>
    %select_n3A_1269 = arith.select %eq3A_1266, %add3A_1190, %broadcast_in_dim3A_1268 : vector<16xi1>, vector<16xi32>
    %eq3A_1270 = vector.broadcast %reduce_max3A_1264 : f32 to vector<16xf32>
    %eq3A_1271 = arith.cmpf oeq, %select_n3A_1247, %eq3A_1270 : vector<16xf32>
    %jit3A_1272 = arith.constant 64 : i32
    %broadcast_in_dim3A_1273 = vector.broadcast %jit3A_1272 : i32 to vector<16xi32>
    %select_n3A_1274 = arith.select %eq3A_1271, %add3A_1193, %broadcast_in_dim3A_1273 : vector<16xi1>, vector<16xi32>
    %eq3A_1275 = vector.broadcast %reduce_max3A_1264 : f32 to vector<16xf32>
    %eq3A_1276 = arith.cmpf oeq, %select_n3A_1252, %eq3A_1275 : vector<16xf32>
    %jit3A_1277 = arith.constant 64 : i32
    %broadcast_in_dim3A_1278 = vector.broadcast %jit3A_1277 : i32 to vector<16xi32>
    %select_n3A_1279 = arith.select %eq3A_1276, %add3A_1196, %broadcast_in_dim3A_1278 : vector<16xi1>, vector<16xi32>
    %eq3A_1280 = vector.broadcast %reduce_max3A_1264 : f32 to vector<16xf32>
    %eq3A_1281 = arith.cmpf oeq, %select_n3A_1257, %eq3A_1280 : vector<16xf32>
    %jit3A_1282 = arith.constant 64 : i32
    %broadcast_in_dim3A_1283 = vector.broadcast %jit3A_1282 : i32 to vector<16xi32>
    %select_n3A_1284 = arith.select %eq3A_1281, %add3A_1199, %broadcast_in_dim3A_1283 : vector<16xi1>, vector<16xi32>
    %min3A_1285 = arith.minsi %select_n3A_1269, %select_n3A_1274 : vector<16xi32>
    %min3A_1286 = arith.minsi %select_n3A_1279, %select_n3A_1284 : vector<16xi32>
    %min3A_1287 = arith.minsi %min3A_1285, %min3A_1286 : vector<16xi32>
    %reduce_min3A_1288 = arith.constant true
    %reduce_min3A_1289 = vector.broadcast %reduce_min3A_1288 : i1 to vector<16xi1>
    %reduce_min3A_1290 = arith.constant -2147483648 : i32
    %reduce_min3A_1291 = vector.broadcast %reduce_min3A_1290 : i32 to vector<16xi32>
    %reduce_min3A_1292 = arith.xori %min3A_1287, %reduce_min3A_1291 : vector<16xi32>
    %reduce_min3A_1293 = tpu.scan <min>, %reduce_min3A_1292 masked %reduce_min3A_1289 : vector<16xi32>, vector<16xi1> -> vector<16xi32>
    %reduce_min3A_1294 = arith.xori %reduce_min3A_1293, %reduce_min3A_1291 : vector<16xi32>
    %reduce_min3A_1295 = vector.extract %reduce_min3A_1294[15] : i32 from vector<16xi32>
    %sub3A_1296 = arith.subf %reduce_max3A_1264, %reduce_max3A_1206 : f32
    %broadcast_in_dim3A_1297 = vector.broadcast %sub3A_1296 : f32 to vector<16xf32>
    %exp3A_1298 = math.exp %broadcast_in_dim3A_1297 : vector<16xf32>
    %add3A_1299 = arith.constant 1.000000e+00 : f32
    %add3A_1300 = vector.broadcast %add3A_1299 : f32 to vector<16xf32>
    %add3A_1301 = arith.addf %add3A_1300, %exp3A_1298 : vector<16xf32>
    %div3A_1302 = arith.constant 1.000000e+00 : f32
    %div3A_1303 = vector.broadcast %div3A_1302 : f32 to vector<16xf32>
    %div3A_1304 = arith.divf %div3A_1303, %add3A_1301 : vector<16xf32>
    %sub3A_1305 = arith.constant 1.000000e+00 : f32
    %sub3A_1306 = vector.broadcast %sub3A_1305 : f32 to vector<16xf32>
    %sub3A_1307 = arith.subf %sub3A_1306, %div3A_1304 : vector<16xf32>
    %eq3A_1308 = vector.broadcast %reduce_min3A_1237 : i32 to vector<16xi32>
    %eq3A_1309 = arith.cmpi eq, %add3A_1190, %eq3A_1308 : vector<16xi32>
    %jit3A_1310 = arith.constant 0.000000e+00 : f32
    %broadcast_in_dim3A_1311 = vector.broadcast %jit3A_1310 : f32 to vector<16xf32>
    %select_n3A_1312 = arith.select %eq3A_1309, %div3A_1304, %broadcast_in_dim3A_1311 : vector<16xi1>, vector<16xf32>
    %eq3A_1313 = vector.broadcast %reduce_min3A_1295 : i32 to vector<16xi32>
    %eq3A_1314 = arith.cmpi eq, %add3A_1190, %eq3A_1313 : vector<16xi32>
    %jit3A_1315 = arith.constant 0.000000e+00 : f32
    %broadcast_in_dim3A_1316 = vector.broadcast %jit3A_1315 : f32 to vector<16xf32>
    %select_n3A_1317 = arith.select %eq3A_1314, %sub3A_1307, %broadcast_in_dim3A_1316 : vector<16xi1>, vector<16xf32>
    %add3A_1318 = arith.addf %select_n3A_1312, %select_n3A_1317 : vector<16xf32>
    %swap3A_1319 = arith.constant 2 : i32
    %swap3A_1320 = arith.index_cast %swap3A_1319 : i32 to index
    %swap3A_1321 = arith.constant 0 : index
    %swap3A_1322 = tpu.vector_load %arg5[%swap3A_1320, %swap3A_1321] {strides = array<i32>} : memref<4x192xf32, #tpu.memory_space<vmem>>, vector<16xf32>,
    tpu.vector_store %arg5[%swap3A_1320, %swap3A_1321], %add3A_1318 {strides = array<i32>} : memref<4x192xf32, #tpu.memory_space<vmem>>, vector<16xf32>,
    %eq3A_1323 = vector.broadcast %reduce_min3A_1237 : i32 to vector<16xi32>
    %eq3A_1324 = arith.cmpi eq, %add3A_1193, %eq3A_1323 : vector<16xi32>
    %jit3A_1325 = arith.constant 0.000000e+00 : f32
    %broadcast_in_dim3A_1326 = vector.broadcast %jit3A_1325 : f32 to vector<16xf32>
    %select_n3A_1327 = arith.select %eq3A_1324, %div3A_1304, %broadcast_in_dim3A_1326 : vector<16xi1>, vector<16xf32>
    %eq3A_1328 = vector.broadcast %reduce_min3A_1295 : i32 to vector<16xi32>
    %eq3A_1329 = arith.cmpi eq, %add3A_1193, %eq3A_1328 : vector<16xi32>
    %jit3A_1330 = arith.constant 0.000000e+00 : f32
    %broadcast_in_dim3A_1331 = vector.broadcast %jit3A_1330 : f32 to vector<16xf32>
    %select_n3A_1332 = arith.select %eq3A_1329, %sub3A_1307, %broadcast_in_dim3A_1331 : vector<16xi1>, vector<16xf32>
    %add3A_1333 = arith.addf %select_n3A_1327, %select_n3A_1332 : vector<16xf32>
    %swap3A_1334 = arith.constant 2 : i32
    %swap3A_1335 = arith.index_cast %swap3A_1334 : i32 to index
    %swap3A_1336 = arith.constant 16 : index
    %swap3A_1337 = tpu.vector_load %arg5[%swap3A_1335, %swap3A_1336] {strides = array<i32>} : memref<4x192xf32, #tpu.memory_space<vmem>>, vector<16xf32>,
    tpu.vector_store %arg5[%swap3A_1335, %swap3A_1336], %add3A_1333 {strides = array<i32>} : memref<4x192xf32, #tpu.memory_space<vmem>>, vector<16xf32>,
    %eq3A_1338 = vector.broadcast %reduce_min3A_1237 : i32 to vector<16xi32>
    %eq3A_1339 = arith.cmpi eq, %add3A_1196, %eq3A_1338 : vector<16xi32>
    %jit3A_1340 = arith.constant 0.000000e+00 : f32
    %broadcast_in_dim3A_1341 = vector.broadcast %jit3A_1340 : f32 to vector<16xf32>
    %select_n3A_1342 = arith.select %eq3A_1339, %div3A_1304, %broadcast_in_dim3A_1341 : vector<16xi1>, vector<16xf32>
    %eq3A_1343 = vector.broadcast %reduce_min3A_1295 : i32 to vector<16xi32>
    %eq3A_1344 = arith.cmpi eq, %add3A_1196, %eq3A_1343 : vector<16xi32>
    %jit3A_1345 = arith.constant 0.000000e+00 : f32
    %broadcast_in_dim3A_1346 = vector.broadcast %jit3A_1345 : f32 to vector<16xf32>
    %select_n3A_1347 = arith.select %eq3A_1344, %sub3A_1307, %broadcast_in_dim3A_1346 : vector<16xi1>, vector<16xf32>
    %add3A_1348 = arith.addf %select_n3A_1342, %select_n3A_1347 : vector<16xf32>
    %swap3A_1349 = arith.constant 2 : i32
    %swap3A_1350 = arith.index_cast %swap3A_1349 : i32 to index
    %swap3A_1351 = arith.constant 32 : index
    %swap3A_1352 = tpu.vector_load %arg5[%swap3A_1350, %swap3A_1351] {strides = array<i32>} : memref<4x192xf32, #tpu.memory_space<vmem>>, vector<16xf32>,
    tpu.vector_store %arg5[%swap3A_1350, %swap3A_1351], %add3A_1348 {strides = array<i32>} : memref<4x192xf32, #tpu.memory_space<vmem>>, vector<16xf32>,
    %eq3A_1353 = vector.broadcast %reduce_min3A_1237 : i32 to vector<16xi32>
    %eq3A_1354 = arith.cmpi eq, %add3A_1199, %eq3A_1353 : vector<16xi32>
    %jit3A_1355 = arith.constant 0.000000e+00 : f32
    %broadcast_in_dim3A_1356 = vector.broadcast %jit3A_1355 : f32 to vector<16xf32>
    %select_n3A_1357 = arith.select %eq3A_1354, %div3A_1304, %broadcast_in_dim3A_1356 : vector<16xi1>, vector<16xf32>
    %eq3A_1358 = vector.broadcast %reduce_min3A_1295 : i32 to vector<16xi32>
    %eq3A_1359 = arith.cmpi eq, %add3A_1199, %eq3A_1358 : vector<16xi32>
    %jit3A_1360 = arith.constant 0.000000e+00 : f32
    %broadcast_in_dim3A_1361 = vector.broadcast %jit3A_1360 : f32 to vector<16xf32>
    %select_n3A_1362 = arith.select %eq3A_1359, %sub3A_1307, %broadcast_in_dim3A_1361 : vector<16xi1>, vector<16xf32>
    %add3A_1363 = arith.addf %select_n3A_1357, %select_n3A_1362 : vector<16xf32>
    %swap3A_1364 = arith.constant 2 : i32
    %swap3A_1365 = arith.index_cast %swap3A_1364 : i32 to index
    %swap3A_1366 = arith.constant 48 : index
    %swap3A_1367 = tpu.vector_load %arg5[%swap3A_1365, %swap3A_1366] {strides = array<i32>} : memref<4x192xf32, #tpu.memory_space<vmem>>, vector<16xf32>,
    tpu.vector_store %arg5[%swap3A_1365, %swap3A_1366], %add3A_1363 {strides = array<i32>} : memref<4x192xf32, #tpu.memory_space<vmem>>, vector<16xf32>,
    %get3A_1368 = arith.constant 2 : i32
    %get3A_1369 = arith.index_cast %get3A_1368 : i32 to index
    %get3A_1370 = arith.constant 64 : index
    %get3A_1371 = tpu.vector_load %arg4[%get3A_1369, %get3A_1370] {strides = array<i32>} : memref<4x192xf32, #tpu.memory_space<vmem>>, vector<16xf32>,
    %get3A_1372 = arith.constant 2 : i32
    %get3A_1373 = arith.index_cast %get3A_1372 : i32 to index
    %get3A_1374 = arith.constant 80 : index
    %get3A_1375 = tpu.vector_load %arg4[%get3A_1373, %get3A_1374] {strides = array<i32>} : memref<4x192xf32, #tpu.memory_space<vmem>>, vector<16xf32>,
    %get3A_1376 = arith.constant 2 : i32
    %get3A_1377 = arith.index_cast %get3A_1376 : i32 to index
    %get3A_1378 = arith.constant 96 : index
    %get3A_1379 = tpu.vector_load %arg4[%get3A_1377, %get3A_1378] {strides = array<i32>} : memref<4x192xf32, #tpu.memory_space<vmem>>, vector<16xf32>,
    %get3A_1380 = arith.constant 2 : i32
    %get3A_1381 = arith.index_cast %get3A_1380 : i32 to index
    %get3A_1382 = arith.constant 112 : index
    %get3A_1383 = tpu.vector_load %arg4[%get3A_1381, %get3A_1382] {strides = array<i32>} : memref<4x192xf32, #tpu.memory_space<vmem>>, vector<16xf32>,
    %add3A_1384 = arith.constant 0 : i32
    %add3A_1385 = vector.broadcast %add3A_1384 : i32 to vector<16xi32>
    %add3A_1386 = arith.addi %iota3A, %add3A_1385 : vector<16xi32>
    %add3A_1387 = arith.constant 16 : i32
    %add3A_1388 = vector.broadcast %add3A_1387 : i32 to vector<16xi32>
    %add3A_1389 = arith.addi %iota3A, %add3A_1388 : vector<16xi32>
    %add3A_1390 = arith.constant 32 : i32
    %add3A_1391 = vector.broadcast %add3A_1390 : i32 to vector<16xi32>
    %add3A_1392 = arith.addi %iota3A, %add3A_1391 : vector<16xi32>
    %add3A_1393 = arith.constant 48 : i32
    %add3A_1394 = vector.broadcast %add3A_1393 : i32 to vector<16xi32>
    %add3A_1395 = arith.addi %iota3A, %add3A_1394 : vector<16xi32>
    %max3A_1396 = arith.maximumf %get3A_1371, %get3A_1375 : vector<16xf32>
    %max3A_1397 = arith.maximumf %get3A_1379, %get3A_1383 : vector<16xf32>
    %max3A_1398 = arith.maximumf %max3A_1396, %max3A_1397 : vector<16xf32>
    %reduce_max3A_1399 = arith.constant true
    %reduce_max3A_1400 = vector.broadcast %reduce_max3A_1399 : i1 to vector<16xi1>
    %reduce_max3A_1401 = tpu.scan <max>, %max3A_1398 masked %reduce_max3A_1400 : vector<16xf32>, vector<16xi1> -> vector<16xf32>
    %reduce_max3A_1402 = vector.extract %reduce_max3A_1401[15] : f32 from vector<16xf32>
    %eq3A_1403 = vector.broadcast %reduce_max3A_1402 : f32 to vector<16xf32>
    %eq3A_1404 = arith.cmpf oeq, %get3A_1371, %eq3A_1403 : vector<16xf32>
    %jit3A_1405 = arith.constant 64 : i32
    %broadcast_in_dim3A_1406 = vector.broadcast %jit3A_1405 : i32 to vector<16xi32>
    %select_n3A_1407 = arith.select %eq3A_1404, %add3A_1386, %broadcast_in_dim3A_1406 : vector<16xi1>, vector<16xi32>
    %eq3A_1408 = vector.broadcast %reduce_max3A_1402 : f32 to vector<16xf32>
    %eq3A_1409 = arith.cmpf oeq, %get3A_1375, %eq3A_1408 : vector<16xf32>
    %jit3A_1410 = arith.constant 64 : i32
    %broadcast_in_dim3A_1411 = vector.broadcast %jit3A_1410 : i32 to vector<16xi32>
    %select_n3A_1412 = arith.select %eq3A_1409, %add3A_1389, %broadcast_in_dim3A_1411 : vector<16xi1>, vector<16xi32>
    %eq3A_1413 = vector.broadcast %reduce_max3A_1402 : f32 to vector<16xf32>
    %eq3A_1414 = arith.cmpf oeq, %get3A_1379, %eq3A_1413 : vector<16xf32>
    %jit3A_1415 = arith.constant 64 : i32
    %broadcast_in_dim3A_1416 = vector.broadcast %jit3A_1415 : i32 to vector<16xi32>
    %select_n3A_1417 = arith.select %eq3A_1414, %add3A_1392, %broadcast_in_dim3A_1416 : vector<16xi1>, vector<16xi32>
    %eq3A_1418 = vector.broadcast %reduce_max3A_1402 : f32 to vector<16xf32>
    %eq3A_1419 = arith.cmpf oeq, %get3A_1383, %eq3A_1418 : vector<16xf32>
    %jit3A_1420 = arith.constant 64 : i32
    %broadcast_in_dim3A_1421 = vector.broadcast %jit3A_1420 : i32 to vector<16xi32>
    %select_n3A_1422 = arith.select %eq3A_1419, %add3A_1395, %broadcast_in_dim3A_1421 : vector<16xi1>, vector<16xi32>
    %min3A_1423 = arith.minsi %select_n3A_1407, %select_n3A_1412 : vector<16xi32>
    %min3A_1424 = arith.minsi %select_n3A_1417, %select_n3A_1422 : vector<16xi32>
    %min3A_1425 = arith.minsi %min3A_1423, %min3A_1424 : vector<16xi32>
    %reduce_min3A_1426 = arith.constant true
    %reduce_min3A_1427 = vector.broadcast %reduce_min3A_1426 : i1 to vector<16xi1>
    %reduce_min3A_1428 = arith.constant -2147483648 : i32
    %reduce_min3A_1429 = vector.broadcast %reduce_min3A_1428 : i32 to vector<16xi32>
    %reduce_min3A_1430 = arith.xori %min3A_1425, %reduce_min3A_1429 : vector<16xi32>
    %reduce_min3A_1431 = tpu.scan <min>, %reduce_min3A_1430 masked %reduce_min3A_1427 : vector<16xi32>, vector<16xi1> -> vector<16xi32>
    %reduce_min3A_1432 = arith.xori %reduce_min3A_1431, %reduce_min3A_1429 : vector<16xi32>
    %reduce_min3A_1433 = vector.extract %reduce_min3A_1432[15] : i32 from vector<16xi32>
    %eq3A_1434 = vector.broadcast %reduce_min3A_1433 : i32 to vector<16xi32>
    %eq3A_1435 = arith.cmpi eq, %add3A_1386, %eq3A_1434 : vector<16xi32>
    %jit3A_1436 = arith.constant -1.000000e+30 : f32
    %broadcast_in_dim3A_1437 = vector.broadcast %jit3A_1436 : f32 to vector<16xf32>
    %select_n3A_1438 = arith.select %eq3A_1435, %broadcast_in_dim3A_1437, %get3A_1371 : vector<16xi1>, vector<16xf32>
    %eq3A_1439 = vector.broadcast %reduce_min3A_1433 : i32 to vector<16xi32>
    %eq3A_1440 = arith.cmpi eq, %add3A_1389, %eq3A_1439 : vector<16xi32>
    %jit3A_1441 = arith.constant -1.000000e+30 : f32
    %broadcast_in_dim3A_1442 = vector.broadcast %jit3A_1441 : f32 to vector<16xf32>
    %select_n3A_1443 = arith.select %eq3A_1440, %broadcast_in_dim3A_1442, %get3A_1375 : vector<16xi1>, vector<16xf32>
    %eq3A_1444 = vector.broadcast %reduce_min3A_1433 : i32 to vector<16xi32>
    %eq3A_1445 = arith.cmpi eq, %add3A_1392, %eq3A_1444 : vector<16xi32>
    %jit3A_1446 = arith.constant -1.000000e+30 : f32
    %broadcast_in_dim3A_1447 = vector.broadcast %jit3A_1446 : f32 to vector<16xf32>
    %select_n3A_1448 = arith.select %eq3A_1445, %broadcast_in_dim3A_1447, %get3A_1379 : vector<16xi1>, vector<16xf32>
    %eq3A_1449 = vector.broadcast %reduce_min3A_1433 : i32 to vector<16xi32>
    %eq3A_1450 = arith.cmpi eq, %add3A_1395, %eq3A_1449 : vector<16xi32>
    %jit3A_1451 = arith.constant -1.000000e+30 : f32
    %broadcast_in_dim3A_1452 = vector.broadcast %jit3A_1451 : f32 to vector<16xf32>
    %select_n3A_1453 = arith.select %eq3A_1450, %broadcast_in_dim3A_1452, %get3A_1383 : vector<16xi1>, vector<16xf32>
    %max3A_1454 = arith.maximumf %select_n3A_1438, %select_n3A_1443 : vector<16xf32>
    %max3A_1455 = arith.maximumf %select_n3A_1448, %select_n3A_1453 : vector<16xf32>
    %max3A_1456 = arith.maximumf %max3A_1454, %max3A_1455 : vector<16xf32>
    %reduce_max3A_1457 = arith.constant true
    %reduce_max3A_1458 = vector.broadcast %reduce_max3A_1457 : i1 to vector<16xi1>
    %reduce_max3A_1459 = tpu.scan <max>, %max3A_1456 masked %reduce_max3A_1458 : vector<16xf32>, vector<16xi1> -> vector<16xf32>
    %reduce_max3A_1460 = vector.extract %reduce_max3A_1459[15] : f32 from vector<16xf32>
    %eq3A_1461 = vector.broadcast %reduce_max3A_1460 : f32 to vector<16xf32>
    %eq3A_1462 = arith.cmpf oeq, %select_n3A_1438, %eq3A_1461 : vector<16xf32>
    %jit3A_1463 = arith.constant 64 : i32
    %broadcast_in_dim3A_1464 = vector.broadcast %jit3A_1463 : i32 to vector<16xi32>
    %select_n3A_1465 = arith.select %eq3A_1462, %add3A_1386, %broadcast_in_dim3A_1464 : vector<16xi1>, vector<16xi32>
    %eq3A_1466 = vector.broadcast %reduce_max3A_1460 : f32 to vector<16xf32>
    %eq3A_1467 = arith.cmpf oeq, %select_n3A_1443, %eq3A_1466 : vector<16xf32>
    %jit3A_1468 = arith.constant 64 : i32
    %broadcast_in_dim3A_1469 = vector.broadcast %jit3A_1468 : i32 to vector<16xi32>
    %select_n3A_1470 = arith.select %eq3A_1467, %add3A_1389, %broadcast_in_dim3A_1469 : vector<16xi1>, vector<16xi32>
    %eq3A_1471 = vector.broadcast %reduce_max3A_1460 : f32 to vector<16xf32>
    %eq3A_1472 = arith.cmpf oeq, %select_n3A_1448, %eq3A_1471 : vector<16xf32>
    %jit3A_1473 = arith.constant 64 : i32
    %broadcast_in_dim3A_1474 = vector.broadcast %jit3A_1473 : i32 to vector<16xi32>
    %select_n3A_1475 = arith.select %eq3A_1472, %add3A_1392, %broadcast_in_dim3A_1474 : vector<16xi1>, vector<16xi32>
    %eq3A_1476 = vector.broadcast %reduce_max3A_1460 : f32 to vector<16xf32>
    %eq3A_1477 = arith.cmpf oeq, %select_n3A_1453, %eq3A_1476 : vector<16xf32>
    %jit3A_1478 = arith.constant 64 : i32
    %broadcast_in_dim3A_1479 = vector.broadcast %jit3A_1478 : i32 to vector<16xi32>
    %select_n3A_1480 = arith.select %eq3A_1477, %add3A_1395, %broadcast_in_dim3A_1479 : vector<16xi1>, vector<16xi32>
    %min3A_1481 = arith.minsi %select_n3A_1465, %select_n3A_1470 : vector<16xi32>
    %min3A_1482 = arith.minsi %select_n3A_1475, %select_n3A_1480 : vector<16xi32>
    %min3A_1483 = arith.minsi %min3A_1481, %min3A_1482 : vector<16xi32>
    %reduce_min3A_1484 = arith.constant true
    %reduce_min3A_1485 = vector.broadcast %reduce_min3A_1484 : i1 to vector<16xi1>
    %reduce_min3A_1486 = arith.constant -2147483648 : i32
    %reduce_min3A_1487 = vector.broadcast %reduce_min3A_1486 : i32 to vector<16xi32>
    %reduce_min3A_1488 = arith.xori %min3A_1483, %reduce_min3A_1487 : vector<16xi32>
    %reduce_min3A_1489 = tpu.scan <min>, %reduce_min3A_1488 masked %reduce_min3A_1485 : vector<16xi32>, vector<16xi1> -> vector<16xi32>
    %reduce_min3A_1490 = arith.xori %reduce_min3A_1489, %reduce_min3A_1487 : vector<16xi32>
    %reduce_min3A_1491 = vector.extract %reduce_min3A_1490[15] : i32 from vector<16xi32>
    %sub3A_1492 = arith.subf %reduce_max3A_1460, %reduce_max3A_1402 : f32
    %broadcast_in_dim3A_1493 = vector.broadcast %sub3A_1492 : f32 to vector<16xf32>
    %exp3A_1494 = math.exp %broadcast_in_dim3A_1493 : vector<16xf32>
    %add3A_1495 = arith.constant 1.000000e+00 : f32
    %add3A_1496 = vector.broadcast %add3A_1495 : f32 to vector<16xf32>
    %add3A_1497 = arith.addf %add3A_1496, %exp3A_1494 : vector<16xf32>
    %div3A_1498 = arith.constant 1.000000e+00 : f32
    %div3A_1499 = vector.broadcast %div3A_1498 : f32 to vector<16xf32>
    %div3A_1500 = arith.divf %div3A_1499, %add3A_1497 : vector<16xf32>
    %sub3A_1501 = arith.constant 1.000000e+00 : f32
    %sub3A_1502 = vector.broadcast %sub3A_1501 : f32 to vector<16xf32>
    %sub3A_1503 = arith.subf %sub3A_1502, %div3A_1500 : vector<16xf32>
    %eq3A_1504 = vector.broadcast %reduce_min3A_1433 : i32 to vector<16xi32>
    %eq3A_1505 = arith.cmpi eq, %add3A_1386, %eq3A_1504 : vector<16xi32>
    %jit3A_1506 = arith.constant 0.000000e+00 : f32
    %broadcast_in_dim3A_1507 = vector.broadcast %jit3A_1506 : f32 to vector<16xf32>
    %select_n3A_1508 = arith.select %eq3A_1505, %div3A_1500, %broadcast_in_dim3A_1507 : vector<16xi1>, vector<16xf32>
    %eq3A_1509 = vector.broadcast %reduce_min3A_1491 : i32 to vector<16xi32>
    %eq3A_1510 = arith.cmpi eq, %add3A_1386, %eq3A_1509 : vector<16xi32>
    %jit3A_1511 = arith.constant 0.000000e+00 : f32
    %broadcast_in_dim3A_1512 = vector.broadcast %jit3A_1511 : f32 to vector<16xf32>
    %select_n3A_1513 = arith.select %eq3A_1510, %sub3A_1503, %broadcast_in_dim3A_1512 : vector<16xi1>, vector<16xf32>
    %add3A_1514 = arith.addf %select_n3A_1508, %select_n3A_1513 : vector<16xf32>
    %swap3A_1515 = arith.constant 2 : i32
    %swap3A_1516 = arith.index_cast %swap3A_1515 : i32 to index
    %swap3A_1517 = arith.constant 64 : index
    %swap3A_1518 = tpu.vector_load %arg5[%swap3A_1516, %swap3A_1517] {strides = array<i32>} : memref<4x192xf32, #tpu.memory_space<vmem>>, vector<16xf32>,
    tpu.vector_store %arg5[%swap3A_1516, %swap3A_1517], %add3A_1514 {strides = array<i32>} : memref<4x192xf32, #tpu.memory_space<vmem>>, vector<16xf32>,
    %eq3A_1519 = vector.broadcast %reduce_min3A_1433 : i32 to vector<16xi32>
    %eq3A_1520 = arith.cmpi eq, %add3A_1389, %eq3A_1519 : vector<16xi32>
    %jit3A_1521 = arith.constant 0.000000e+00 : f32
    %broadcast_in_dim3A_1522 = vector.broadcast %jit3A_1521 : f32 to vector<16xf32>
    %select_n3A_1523 = arith.select %eq3A_1520, %div3A_1500, %broadcast_in_dim3A_1522 : vector<16xi1>, vector<16xf32>
    %eq3A_1524 = vector.broadcast %reduce_min3A_1491 : i32 to vector<16xi32>
    %eq3A_1525 = arith.cmpi eq, %add3A_1389, %eq3A_1524 : vector<16xi32>
    %jit3A_1526 = arith.constant 0.000000e+00 : f32
    %broadcast_in_dim3A_1527 = vector.broadcast %jit3A_1526 : f32 to vector<16xf32>
    %select_n3A_1528 = arith.select %eq3A_1525, %sub3A_1503, %broadcast_in_dim3A_1527 : vector<16xi1>, vector<16xf32>
    %add3A_1529 = arith.addf %select_n3A_1523, %select_n3A_1528 : vector<16xf32>
    %swap3A_1530 = arith.constant 2 : i32
    %swap3A_1531 = arith.index_cast %swap3A_1530 : i32 to index
    %swap3A_1532 = arith.constant 80 : index
    %swap3A_1533 = tpu.vector_load %arg5[%swap3A_1531, %swap3A_1532] {strides = array<i32>} : memref<4x192xf32, #tpu.memory_space<vmem>>, vector<16xf32>,
    tpu.vector_store %arg5[%swap3A_1531, %swap3A_1532], %add3A_1529 {strides = array<i32>} : memref<4x192xf32, #tpu.memory_space<vmem>>, vector<16xf32>,
    %eq3A_1534 = vector.broadcast %reduce_min3A_1433 : i32 to vector<16xi32>
    %eq3A_1535 = arith.cmpi eq, %add3A_1392, %eq3A_1534 : vector<16xi32>
    %jit3A_1536 = arith.constant 0.000000e+00 : f32
    %broadcast_in_dim3A_1537 = vector.broadcast %jit3A_1536 : f32 to vector<16xf32>
    %select_n3A_1538 = arith.select %eq3A_1535, %div3A_1500, %broadcast_in_dim3A_1537 : vector<16xi1>, vector<16xf32>
    %eq3A_1539 = vector.broadcast %reduce_min3A_1491 : i32 to vector<16xi32>
    %eq3A_1540 = arith.cmpi eq, %add3A_1392, %eq3A_1539 : vector<16xi32>
    %jit3A_1541 = arith.constant 0.000000e+00 : f32
    %broadcast_in_dim3A_1542 = vector.broadcast %jit3A_1541 : f32 to vector<16xf32>
    %select_n3A_1543 = arith.select %eq3A_1540, %sub3A_1503, %broadcast_in_dim3A_1542 : vector<16xi1>, vector<16xf32>
    %add3A_1544 = arith.addf %select_n3A_1538, %select_n3A_1543 : vector<16xf32>
    %swap3A_1545 = arith.constant 2 : i32
    %swap3A_1546 = arith.index_cast %swap3A_1545 : i32 to index
    %swap3A_1547 = arith.constant 96 : index
    %swap3A_1548 = tpu.vector_load %arg5[%swap3A_1546, %swap3A_1547] {strides = array<i32>} : memref<4x192xf32, #tpu.memory_space<vmem>>, vector<16xf32>,
    tpu.vector_store %arg5[%swap3A_1546, %swap3A_1547], %add3A_1544 {strides = array<i32>} : memref<4x192xf32, #tpu.memory_space<vmem>>, vector<16xf32>,
    %eq3A_1549 = vector.broadcast %reduce_min3A_1433 : i32 to vector<16xi32>
    %eq3A_1550 = arith.cmpi eq, %add3A_1395, %eq3A_1549 : vector<16xi32>
    %jit3A_1551 = arith.constant 0.000000e+00 : f32
    %broadcast_in_dim3A_1552 = vector.broadcast %jit3A_1551 : f32 to vector<16xf32>
    %select_n3A_1553 = arith.select %eq3A_1550, %div3A_1500, %broadcast_in_dim3A_1552 : vector<16xi1>, vector<16xf32>
    %eq3A_1554 = vector.broadcast %reduce_min3A_1491 : i32 to vector<16xi32>
    %eq3A_1555 = arith.cmpi eq, %add3A_1395, %eq3A_1554 : vector<16xi32>
    %jit3A_1556 = arith.constant 0.000000e+00 : f32
    %broadcast_in_dim3A_1557 = vector.broadcast %jit3A_1556 : f32 to vector<16xf32>
    %select_n3A_1558 = arith.select %eq3A_1555, %sub3A_1503, %broadcast_in_dim3A_1557 : vector<16xi1>, vector<16xf32>
    %add3A_1559 = arith.addf %select_n3A_1553, %select_n3A_1558 : vector<16xf32>
    %swap3A_1560 = arith.constant 2 : i32
    %swap3A_1561 = arith.index_cast %swap3A_1560 : i32 to index
    %swap3A_1562 = arith.constant 112 : index
    %swap3A_1563 = tpu.vector_load %arg5[%swap3A_1561, %swap3A_1562] {strides = array<i32>} : memref<4x192xf32, #tpu.memory_space<vmem>>, vector<16xf32>,
    tpu.vector_store %arg5[%swap3A_1561, %swap3A_1562], %add3A_1559 {strides = array<i32>} : memref<4x192xf32, #tpu.memory_space<vmem>>, vector<16xf32>,
    %get3A_1564 = arith.constant 2 : i32
    %get3A_1565 = arith.index_cast %get3A_1564 : i32 to index
    %get3A_1566 = arith.constant 128 : index
    %get3A_1567 = tpu.vector_load %arg4[%get3A_1565, %get3A_1566] {strides = array<i32>} : memref<4x192xf32, #tpu.memory_space<vmem>>, vector<16xf32>,
    %get3A_1568 = arith.constant 2 : i32
    %get3A_1569 = arith.index_cast %get3A_1568 : i32 to index
    %get3A_1570 = arith.constant 144 : index
    %get3A_1571 = tpu.vector_load %arg4[%get3A_1569, %get3A_1570] {strides = array<i32>} : memref<4x192xf32, #tpu.memory_space<vmem>>, vector<16xf32>,
    %get3A_1572 = arith.constant 2 : i32
    %get3A_1573 = arith.index_cast %get3A_1572 : i32 to index
    %get3A_1574 = arith.constant 160 : index
    %get3A_1575 = tpu.vector_load %arg4[%get3A_1573, %get3A_1574] {strides = array<i32>} : memref<4x192xf32, #tpu.memory_space<vmem>>, vector<16xf32>,
    %get3A_1576 = arith.constant 2 : i32
    %get3A_1577 = arith.index_cast %get3A_1576 : i32 to index
    %get3A_1578 = arith.constant 176 : index
    %get3A_1579 = tpu.vector_load %arg4[%get3A_1577, %get3A_1578] {strides = array<i32>} : memref<4x192xf32, #tpu.memory_space<vmem>>, vector<16xf32>,
    %add3A_1580 = arith.constant 0 : i32
    %add3A_1581 = vector.broadcast %add3A_1580 : i32 to vector<16xi32>
    %add3A_1582 = arith.addi %iota3A, %add3A_1581 : vector<16xi32>
    %add3A_1583 = arith.constant 16 : i32
    %add3A_1584 = vector.broadcast %add3A_1583 : i32 to vector<16xi32>
    %add3A_1585 = arith.addi %iota3A, %add3A_1584 : vector<16xi32>
    %add3A_1586 = arith.constant 32 : i32
    %add3A_1587 = vector.broadcast %add3A_1586 : i32 to vector<16xi32>
    %add3A_1588 = arith.addi %iota3A, %add3A_1587 : vector<16xi32>
    %add3A_1589 = arith.constant 48 : i32
    %add3A_1590 = vector.broadcast %add3A_1589 : i32 to vector<16xi32>
    %add3A_1591 = arith.addi %iota3A, %add3A_1590 : vector<16xi32>
    %max3A_1592 = arith.maximumf %get3A_1567, %get3A_1571 : vector<16xf32>
    %max3A_1593 = arith.maximumf %get3A_1575, %get3A_1579 : vector<16xf32>
    %max3A_1594 = arith.maximumf %max3A_1592, %max3A_1593 : vector<16xf32>
    %reduce_max3A_1595 = arith.constant true
    %reduce_max3A_1596 = vector.broadcast %reduce_max3A_1595 : i1 to vector<16xi1>
    %reduce_max3A_1597 = tpu.scan <max>, %max3A_1594 masked %reduce_max3A_1596 : vector<16xf32>, vector<16xi1> -> vector<16xf32>
    %reduce_max3A_1598 = vector.extract %reduce_max3A_1597[15] : f32 from vector<16xf32>
    %eq3A_1599 = vector.broadcast %reduce_max3A_1598 : f32 to vector<16xf32>
    %eq3A_1600 = arith.cmpf oeq, %get3A_1567, %eq3A_1599 : vector<16xf32>
    %jit3A_1601 = arith.constant 64 : i32
    %broadcast_in_dim3A_1602 = vector.broadcast %jit3A_1601 : i32 to vector<16xi32>
    %select_n3A_1603 = arith.select %eq3A_1600, %add3A_1582, %broadcast_in_dim3A_1602 : vector<16xi1>, vector<16xi32>
    %eq3A_1604 = vector.broadcast %reduce_max3A_1598 : f32 to vector<16xf32>
    %eq3A_1605 = arith.cmpf oeq, %get3A_1571, %eq3A_1604 : vector<16xf32>
    %jit3A_1606 = arith.constant 64 : i32
    %broadcast_in_dim3A_1607 = vector.broadcast %jit3A_1606 : i32 to vector<16xi32>
    %select_n3A_1608 = arith.select %eq3A_1605, %add3A_1585, %broadcast_in_dim3A_1607 : vector<16xi1>, vector<16xi32>
    %eq3A_1609 = vector.broadcast %reduce_max3A_1598 : f32 to vector<16xf32>
    %eq3A_1610 = arith.cmpf oeq, %get3A_1575, %eq3A_1609 : vector<16xf32>
    %jit3A_1611 = arith.constant 64 : i32
    %broadcast_in_dim3A_1612 = vector.broadcast %jit3A_1611 : i32 to vector<16xi32>
    %select_n3A_1613 = arith.select %eq3A_1610, %add3A_1588, %broadcast_in_dim3A_1612 : vector<16xi1>, vector<16xi32>
    %eq3A_1614 = vector.broadcast %reduce_max3A_1598 : f32 to vector<16xf32>
    %eq3A_1615 = arith.cmpf oeq, %get3A_1579, %eq3A_1614 : vector<16xf32>
    %jit3A_1616 = arith.constant 64 : i32
    %broadcast_in_dim3A_1617 = vector.broadcast %jit3A_1616 : i32 to vector<16xi32>
    %select_n3A_1618 = arith.select %eq3A_1615, %add3A_1591, %broadcast_in_dim3A_1617 : vector<16xi1>, vector<16xi32>
    %min3A_1619 = arith.minsi %select_n3A_1603, %select_n3A_1608 : vector<16xi32>
    %min3A_1620 = arith.minsi %select_n3A_1613, %select_n3A_1618 : vector<16xi32>
    %min3A_1621 = arith.minsi %min3A_1619, %min3A_1620 : vector<16xi32>
    %reduce_min3A_1622 = arith.constant true
    %reduce_min3A_1623 = vector.broadcast %reduce_min3A_1622 : i1 to vector<16xi1>
    %reduce_min3A_1624 = arith.constant -2147483648 : i32
    %reduce_min3A_1625 = vector.broadcast %reduce_min3A_1624 : i32 to vector<16xi32>
    %reduce_min3A_1626 = arith.xori %min3A_1621, %reduce_min3A_1625 : vector<16xi32>
    %reduce_min3A_1627 = tpu.scan <min>, %reduce_min3A_1626 masked %reduce_min3A_1623 : vector<16xi32>, vector<16xi1> -> vector<16xi32>
    %reduce_min3A_1628 = arith.xori %reduce_min3A_1627, %reduce_min3A_1625 : vector<16xi32>
    %reduce_min3A_1629 = vector.extract %reduce_min3A_1628[15] : i32 from vector<16xi32>
    %eq3A_1630 = vector.broadcast %reduce_min3A_1629 : i32 to vector<16xi32>
    %eq3A_1631 = arith.cmpi eq, %add3A_1582, %eq3A_1630 : vector<16xi32>
    %jit3A_1632 = arith.constant -1.000000e+30 : f32
    %broadcast_in_dim3A_1633 = vector.broadcast %jit3A_1632 : f32 to vector<16xf32>
    %select_n3A_1634 = arith.select %eq3A_1631, %broadcast_in_dim3A_1633, %get3A_1567 : vector<16xi1>, vector<16xf32>
    %eq3A_1635 = vector.broadcast %reduce_min3A_1629 : i32 to vector<16xi32>
    %eq3A_1636 = arith.cmpi eq, %add3A_1585, %eq3A_1635 : vector<16xi32>
    %jit3A_1637 = arith.constant -1.000000e+30 : f32
    %broadcast_in_dim3A_1638 = vector.broadcast %jit3A_1637 : f32 to vector<16xf32>
    %select_n3A_1639 = arith.select %eq3A_1636, %broadcast_in_dim3A_1638, %get3A_1571 : vector<16xi1>, vector<16xf32>
    %eq3A_1640 = vector.broadcast %reduce_min3A_1629 : i32 to vector<16xi32>
    %eq3A_1641 = arith.cmpi eq, %add3A_1588, %eq3A_1640 : vector<16xi32>
    %jit3A_1642 = arith.constant -1.000000e+30 : f32
    %broadcast_in_dim3A_1643 = vector.broadcast %jit3A_1642 : f32 to vector<16xf32>
    %select_n3A_1644 = arith.select %eq3A_1641, %broadcast_in_dim3A_1643, %get3A_1575 : vector<16xi1>, vector<16xf32>
    %eq3A_1645 = vector.broadcast %reduce_min3A_1629 : i32 to vector<16xi32>
    %eq3A_1646 = arith.cmpi eq, %add3A_1591, %eq3A_1645 : vector<16xi32>
    %jit3A_1647 = arith.constant -1.000000e+30 : f32
    %broadcast_in_dim3A_1648 = vector.broadcast %jit3A_1647 : f32 to vector<16xf32>
    %select_n3A_1649 = arith.select %eq3A_1646, %broadcast_in_dim3A_1648, %get3A_1579 : vector<16xi1>, vector<16xf32>
    %max3A_1650 = arith.maximumf %select_n3A_1634, %select_n3A_1639 : vector<16xf32>
    %max3A_1651 = arith.maximumf %select_n3A_1644, %select_n3A_1649 : vector<16xf32>
    %max3A_1652 = arith.maximumf %max3A_1650, %max3A_1651 : vector<16xf32>
    %reduce_max3A_1653 = arith.constant true
    %reduce_max3A_1654 = vector.broadcast %reduce_max3A_1653 : i1 to vector<16xi1>
    %reduce_max3A_1655 = tpu.scan <max>, %max3A_1652 masked %reduce_max3A_1654 : vector<16xf32>, vector<16xi1> -> vector<16xf32>
    %reduce_max3A_1656 = vector.extract %reduce_max3A_1655[15] : f32 from vector<16xf32>
    %eq3A_1657 = vector.broadcast %reduce_max3A_1656 : f32 to vector<16xf32>
    %eq3A_1658 = arith.cmpf oeq, %select_n3A_1634, %eq3A_1657 : vector<16xf32>
    %jit3A_1659 = arith.constant 64 : i32
    %broadcast_in_dim3A_1660 = vector.broadcast %jit3A_1659 : i32 to vector<16xi32>
    %select_n3A_1661 = arith.select %eq3A_1658, %add3A_1582, %broadcast_in_dim3A_1660 : vector<16xi1>, vector<16xi32>
    %eq3A_1662 = vector.broadcast %reduce_max3A_1656 : f32 to vector<16xf32>
    %eq3A_1663 = arith.cmpf oeq, %select_n3A_1639, %eq3A_1662 : vector<16xf32>
    %jit3A_1664 = arith.constant 64 : i32
    %broadcast_in_dim3A_1665 = vector.broadcast %jit3A_1664 : i32 to vector<16xi32>
    %select_n3A_1666 = arith.select %eq3A_1663, %add3A_1585, %broadcast_in_dim3A_1665 : vector<16xi1>, vector<16xi32>
    %eq3A_1667 = vector.broadcast %reduce_max3A_1656 : f32 to vector<16xf32>
    %eq3A_1668 = arith.cmpf oeq, %select_n3A_1644, %eq3A_1667 : vector<16xf32>
    %jit3A_1669 = arith.constant 64 : i32
    %broadcast_in_dim3A_1670 = vector.broadcast %jit3A_1669 : i32 to vector<16xi32>
    %select_n3A_1671 = arith.select %eq3A_1668, %add3A_1588, %broadcast_in_dim3A_1670 : vector<16xi1>, vector<16xi32>
    %eq3A_1672 = vector.broadcast %reduce_max3A_1656 : f32 to vector<16xf32>
    %eq3A_1673 = arith.cmpf oeq, %select_n3A_1649, %eq3A_1672 : vector<16xf32>
    %jit3A_1674 = arith.constant 64 : i32
    %broadcast_in_dim3A_1675 = vector.broadcast %jit3A_1674 : i32 to vector<16xi32>
    %select_n3A_1676 = arith.select %eq3A_1673, %add3A_1591, %broadcast_in_dim3A_1675 : vector<16xi1>, vector<16xi32>
    %min3A_1677 = arith.minsi %select_n3A_1661, %select_n3A_1666 : vector<16xi32>
    %min3A_1678 = arith.minsi %select_n3A_1671, %select_n3A_1676 : vector<16xi32>
    %min3A_1679 = arith.minsi %min3A_1677, %min3A_1678 : vector<16xi32>
    %reduce_min3A_1680 = arith.constant true
    %reduce_min3A_1681 = vector.broadcast %reduce_min3A_1680 : i1 to vector<16xi1>
    %reduce_min3A_1682 = arith.constant -2147483648 : i32
    %reduce_min3A_1683 = vector.broadcast %reduce_min3A_1682 : i32 to vector<16xi32>
    %reduce_min3A_1684 = arith.xori %min3A_1679, %reduce_min3A_1683 : vector<16xi32>
    %reduce_min3A_1685 = tpu.scan <min>, %reduce_min3A_1684 masked %reduce_min3A_1681 : vector<16xi32>, vector<16xi1> -> vector<16xi32>
    %reduce_min3A_1686 = arith.xori %reduce_min3A_1685, %reduce_min3A_1683 : vector<16xi32>
    %reduce_min3A_1687 = vector.extract %reduce_min3A_1686[15] : i32 from vector<16xi32>
    %sub3A_1688 = arith.subf %reduce_max3A_1656, %reduce_max3A_1598 : f32
    %broadcast_in_dim3A_1689 = vector.broadcast %sub3A_1688 : f32 to vector<16xf32>
    %exp3A_1690 = math.exp %broadcast_in_dim3A_1689 : vector<16xf32>
    %add3A_1691 = arith.constant 1.000000e+00 : f32
    %add3A_1692 = vector.broadcast %add3A_1691 : f32 to vector<16xf32>
    %add3A_1693 = arith.addf %add3A_1692, %exp3A_1690 : vector<16xf32>
    %div3A_1694 = arith.constant 1.000000e+00 : f32
    %div3A_1695 = vector.broadcast %div3A_1694 : f32 to vector<16xf32>
    %div3A_1696 = arith.divf %div3A_1695, %add3A_1693 : vector<16xf32>
    %sub3A_1697 = arith.constant 1.000000e+00 : f32
    %sub3A_1698 = vector.broadcast %sub3A_1697 : f32 to vector<16xf32>
    %sub3A_1699 = arith.subf %sub3A_1698, %div3A_1696 : vector<16xf32>
    %eq3A_1700 = vector.broadcast %reduce_min3A_1629 : i32 to vector<16xi32>
    %eq3A_1701 = arith.cmpi eq, %add3A_1582, %eq3A_1700 : vector<16xi32>
    %jit3A_1702 = arith.constant 0.000000e+00 : f32
    %broadcast_in_dim3A_1703 = vector.broadcast %jit3A_1702 : f32 to vector<16xf32>
    %select_n3A_1704 = arith.select %eq3A_1701, %div3A_1696, %broadcast_in_dim3A_1703 : vector<16xi1>, vector<16xf32>
    %eq3A_1705 = vector.broadcast %reduce_min3A_1687 : i32 to vector<16xi32>
    %eq3A_1706 = arith.cmpi eq, %add3A_1582, %eq3A_1705 : vector<16xi32>
    %jit3A_1707 = arith.constant 0.000000e+00 : f32
    %broadcast_in_dim3A_1708 = vector.broadcast %jit3A_1707 : f32 to vector<16xf32>
    %select_n3A_1709 = arith.select %eq3A_1706, %sub3A_1699, %broadcast_in_dim3A_1708 : vector<16xi1>, vector<16xf32>
    %add3A_1710 = arith.addf %select_n3A_1704, %select_n3A_1709 : vector<16xf32>
    %swap3A_1711 = arith.constant 2 : i32
    %swap3A_1712 = arith.index_cast %swap3A_1711 : i32 to index
    %swap3A_1713 = arith.constant 128 : index
    %swap3A_1714 = tpu.vector_load %arg5[%swap3A_1712, %swap3A_1713] {strides = array<i32>} : memref<4x192xf32, #tpu.memory_space<vmem>>, vector<16xf32>,
    tpu.vector_store %arg5[%swap3A_1712, %swap3A_1713], %add3A_1710 {strides = array<i32>} : memref<4x192xf32, #tpu.memory_space<vmem>>, vector<16xf32>,
    %eq3A_1715 = vector.broadcast %reduce_min3A_1629 : i32 to vector<16xi32>
    %eq3A_1716 = arith.cmpi eq, %add3A_1585, %eq3A_1715 : vector<16xi32>
    %jit3A_1717 = arith.constant 0.000000e+00 : f32
    %broadcast_in_dim3A_1718 = vector.broadcast %jit3A_1717 : f32 to vector<16xf32>
    %select_n3A_1719 = arith.select %eq3A_1716, %div3A_1696, %broadcast_in_dim3A_1718 : vector<16xi1>, vector<16xf32>
    %eq3A_1720 = vector.broadcast %reduce_min3A_1687 : i32 to vector<16xi32>
    %eq3A_1721 = arith.cmpi eq, %add3A_1585, %eq3A_1720 : vector<16xi32>
    %jit3A_1722 = arith.constant 0.000000e+00 : f32
    %broadcast_in_dim3A_1723 = vector.broadcast %jit3A_1722 : f32 to vector<16xf32>
    %select_n3A_1724 = arith.select %eq3A_1721, %sub3A_1699, %broadcast_in_dim3A_1723 : vector<16xi1>, vector<16xf32>
    %add3A_1725 = arith.addf %select_n3A_1719, %select_n3A_1724 : vector<16xf32>
    %swap3A_1726 = arith.constant 2 : i32
    %swap3A_1727 = arith.index_cast %swap3A_1726 : i32 to index
    %swap3A_1728 = arith.constant 144 : index
    %swap3A_1729 = tpu.vector_load %arg5[%swap3A_1727, %swap3A_1728] {strides = array<i32>} : memref<4x192xf32, #tpu.memory_space<vmem>>, vector<16xf32>,
    tpu.vector_store %arg5[%swap3A_1727, %swap3A_1728], %add3A_1725 {strides = array<i32>} : memref<4x192xf32, #tpu.memory_space<vmem>>, vector<16xf32>,
    %eq3A_1730 = vector.broadcast %reduce_min3A_1629 : i32 to vector<16xi32>
    %eq3A_1731 = arith.cmpi eq, %add3A_1588, %eq3A_1730 : vector<16xi32>
    %jit3A_1732 = arith.constant 0.000000e+00 : f32
    %broadcast_in_dim3A_1733 = vector.broadcast %jit3A_1732 : f32 to vector<16xf32>
    %select_n3A_1734 = arith.select %eq3A_1731, %div3A_1696, %broadcast_in_dim3A_1733 : vector<16xi1>, vector<16xf32>
    %eq3A_1735 = vector.broadcast %reduce_min3A_1687 : i32 to vector<16xi32>
    %eq3A_1736 = arith.cmpi eq, %add3A_1588, %eq3A_1735 : vector<16xi32>
    %jit3A_1737 = arith.constant 0.000000e+00 : f32
    %broadcast_in_dim3A_1738 = vector.broadcast %jit3A_1737 : f32 to vector<16xf32>
    %select_n3A_1739 = arith.select %eq3A_1736, %sub3A_1699, %broadcast_in_dim3A_1738 : vector<16xi1>, vector<16xf32>
    %add3A_1740 = arith.addf %select_n3A_1734, %select_n3A_1739 : vector<16xf32>
    %swap3A_1741 = arith.constant 2 : i32
    %swap3A_1742 = arith.index_cast %swap3A_1741 : i32 to index
    %swap3A_1743 = arith.constant 160 : index
    %swap3A_1744 = tpu.vector_load %arg5[%swap3A_1742, %swap3A_1743] {strides = array<i32>} : memref<4x192xf32, #tpu.memory_space<vmem>>, vector<16xf32>,
    tpu.vector_store %arg5[%swap3A_1742, %swap3A_1743], %add3A_1740 {strides = array<i32>} : memref<4x192xf32, #tpu.memory_space<vmem>>, vector<16xf32>,
    %eq3A_1745 = vector.broadcast %reduce_min3A_1629 : i32 to vector<16xi32>
    %eq3A_1746 = arith.cmpi eq, %add3A_1591, %eq3A_1745 : vector<16xi32>
    %jit3A_1747 = arith.constant 0.000000e+00 : f32
    %broadcast_in_dim3A_1748 = vector.broadcast %jit3A_1747 : f32 to vector<16xf32>
    %select_n3A_1749 = arith.select %eq3A_1746, %div3A_1696, %broadcast_in_dim3A_1748 : vector<16xi1>, vector<16xf32>
    %eq3A_1750 = vector.broadcast %reduce_min3A_1687 : i32 to vector<16xi32>
    %eq3A_1751 = arith.cmpi eq, %add3A_1591, %eq3A_1750 : vector<16xi32>
    %jit3A_1752 = arith.constant 0.000000e+00 : f32
    %broadcast_in_dim3A_1753 = vector.broadcast %jit3A_1752 : f32 to vector<16xf32>
    %select_n3A_1754 = arith.select %eq3A_1751, %sub3A_1699, %broadcast_in_dim3A_1753 : vector<16xi1>, vector<16xf32>
    %add3A_1755 = arith.addf %select_n3A_1749, %select_n3A_1754 : vector<16xf32>
    %swap3A_1756 = arith.constant 2 : i32
    %swap3A_1757 = arith.index_cast %swap3A_1756 : i32 to index
    %swap3A_1758 = arith.constant 176 : index
    %swap3A_1759 = tpu.vector_load %arg5[%swap3A_1757, %swap3A_1758] {strides = array<i32>} : memref<4x192xf32, #tpu.memory_space<vmem>>, vector<16xf32>,
    tpu.vector_store %arg5[%swap3A_1757, %swap3A_1758], %add3A_1755 {strides = array<i32>} : memref<4x192xf32, #tpu.memory_space<vmem>>, vector<16xf32>,
    %get3A_1760 = arith.constant 3 : i32
    %get3A_1761 = arith.index_cast %get3A_1760 : i32 to index
    %get3A_1762 = arith.constant 0 : index
    %get3A_1763 = tpu.vector_load %arg4[%get3A_1761, %get3A_1762] {strides = array<i32>} : memref<4x192xf32, #tpu.memory_space<vmem>>, vector<16xf32>,
    %get3A_1764 = arith.constant 3 : i32
    %get3A_1765 = arith.index_cast %get3A_1764 : i32 to index
    %get3A_1766 = arith.constant 16 : index
    %get3A_1767 = tpu.vector_load %arg4[%get3A_1765, %get3A_1766] {strides = array<i32>} : memref<4x192xf32, #tpu.memory_space<vmem>>, vector<16xf32>,
    %get3A_1768 = arith.constant 3 : i32
    %get3A_1769 = arith.index_cast %get3A_1768 : i32 to index
    %get3A_1770 = arith.constant 32 : index
    %get3A_1771 = tpu.vector_load %arg4[%get3A_1769, %get3A_1770] {strides = array<i32>} : memref<4x192xf32, #tpu.memory_space<vmem>>, vector<16xf32>,
    %get3A_1772 = arith.constant 3 : i32
    %get3A_1773 = arith.index_cast %get3A_1772 : i32 to index
    %get3A_1774 = arith.constant 48 : index
    %get3A_1775 = tpu.vector_load %arg4[%get3A_1773, %get3A_1774] {strides = array<i32>} : memref<4x192xf32, #tpu.memory_space<vmem>>, vector<16xf32>,
    %add3A_1776 = arith.constant 0 : i32
    %add3A_1777 = vector.broadcast %add3A_1776 : i32 to vector<16xi32>
    %add3A_1778 = arith.addi %iota3A, %add3A_1777 : vector<16xi32>
    %add3A_1779 = arith.constant 16 : i32
    %add3A_1780 = vector.broadcast %add3A_1779 : i32 to vector<16xi32>
    %add3A_1781 = arith.addi %iota3A, %add3A_1780 : vector<16xi32>
    %add3A_1782 = arith.constant 32 : i32
    %add3A_1783 = vector.broadcast %add3A_1782 : i32 to vector<16xi32>
    %add3A_1784 = arith.addi %iota3A, %add3A_1783 : vector<16xi32>
    %add3A_1785 = arith.constant 48 : i32
    %add3A_1786 = vector.broadcast %add3A_1785 : i32 to vector<16xi32>
    %add3A_1787 = arith.addi %iota3A, %add3A_1786 : vector<16xi32>
    %max3A_1788 = arith.maximumf %get3A_1763, %get3A_1767 : vector<16xf32>
    %max3A_1789 = arith.maximumf %get3A_1771, %get3A_1775 : vector<16xf32>
    %max3A_1790 = arith.maximumf %max3A_1788, %max3A_1789 : vector<16xf32>
    %reduce_max3A_1791 = arith.constant true
    %reduce_max3A_1792 = vector.broadcast %reduce_max3A_1791 : i1 to vector<16xi1>
    %reduce_max3A_1793 = tpu.scan <max>, %max3A_1790 masked %reduce_max3A_1792 : vector<16xf32>, vector<16xi1> -> vector<16xf32>
    %reduce_max3A_1794 = vector.extract %reduce_max3A_1793[15] : f32 from vector<16xf32>
    %eq3A_1795 = vector.broadcast %reduce_max3A_1794 : f32 to vector<16xf32>
    %eq3A_1796 = arith.cmpf oeq, %get3A_1763, %eq3A_1795 : vector<16xf32>
    %jit3A_1797 = arith.constant 64 : i32
    %broadcast_in_dim3A_1798 = vector.broadcast %jit3A_1797 : i32 to vector<16xi32>
    %select_n3A_1799 = arith.select %eq3A_1796, %add3A_1778, %broadcast_in_dim3A_1798 : vector<16xi1>, vector<16xi32>
    %eq3A_1800 = vector.broadcast %reduce_max3A_1794 : f32 to vector<16xf32>
    %eq3A_1801 = arith.cmpf oeq, %get3A_1767, %eq3A_1800 : vector<16xf32>
    %jit3A_1802 = arith.constant 64 : i32
    %broadcast_in_dim3A_1803 = vector.broadcast %jit3A_1802 : i32 to vector<16xi32>
    %select_n3A_1804 = arith.select %eq3A_1801, %add3A_1781, %broadcast_in_dim3A_1803 : vector<16xi1>, vector<16xi32>
    %eq3A_1805 = vector.broadcast %reduce_max3A_1794 : f32 to vector<16xf32>
    %eq3A_1806 = arith.cmpf oeq, %get3A_1771, %eq3A_1805 : vector<16xf32>
    %jit3A_1807 = arith.constant 64 : i32
    %broadcast_in_dim3A_1808 = vector.broadcast %jit3A_1807 : i32 to vector<16xi32>
    %select_n3A_1809 = arith.select %eq3A_1806, %add3A_1784, %broadcast_in_dim3A_1808 : vector<16xi1>, vector<16xi32>
    %eq3A_1810 = vector.broadcast %reduce_max3A_1794 : f32 to vector<16xf32>
    %eq3A_1811 = arith.cmpf oeq, %get3A_1775, %eq3A_1810 : vector<16xf32>
    %jit3A_1812 = arith.constant 64 : i32
    %broadcast_in_dim3A_1813 = vector.broadcast %jit3A_1812 : i32 to vector<16xi32>
    %select_n3A_1814 = arith.select %eq3A_1811, %add3A_1787, %broadcast_in_dim3A_1813 : vector<16xi1>, vector<16xi32>
    %min3A_1815 = arith.minsi %select_n3A_1799, %select_n3A_1804 : vector<16xi32>
    %min3A_1816 = arith.minsi %select_n3A_1809, %select_n3A_1814 : vector<16xi32>
    %min3A_1817 = arith.minsi %min3A_1815, %min3A_1816 : vector<16xi32>
    %reduce_min3A_1818 = arith.constant true
    %reduce_min3A_1819 = vector.broadcast %reduce_min3A_1818 : i1 to vector<16xi1>
    %reduce_min3A_1820 = arith.constant -2147483648 : i32
    %reduce_min3A_1821 = vector.broadcast %reduce_min3A_1820 : i32 to vector<16xi32>
    %reduce_min3A_1822 = arith.xori %min3A_1817, %reduce_min3A_1821 : vector<16xi32>
    %reduce_min3A_1823 = tpu.scan <min>, %reduce_min3A_1822 masked %reduce_min3A_1819 : vector<16xi32>, vector<16xi1> -> vector<16xi32>
    %reduce_min3A_1824 = arith.xori %reduce_min3A_1823, %reduce_min3A_1821 : vector<16xi32>
    %reduce_min3A_1825 = vector.extract %reduce_min3A_1824[15] : i32 from vector<16xi32>
    %eq3A_1826 = vector.broadcast %reduce_min3A_1825 : i32 to vector<16xi32>
    %eq3A_1827 = arith.cmpi eq, %add3A_1778, %eq3A_1826 : vector<16xi32>
    %jit3A_1828 = arith.constant -1.000000e+30 : f32
    %broadcast_in_dim3A_1829 = vector.broadcast %jit3A_1828 : f32 to vector<16xf32>
    %select_n3A_1830 = arith.select %eq3A_1827, %broadcast_in_dim3A_1829, %get3A_1763 : vector<16xi1>, vector<16xf32>
    %eq3A_1831 = vector.broadcast %reduce_min3A_1825 : i32 to vector<16xi32>
    %eq3A_1832 = arith.cmpi eq, %add3A_1781, %eq3A_1831 : vector<16xi32>
    %jit3A_1833 = arith.constant -1.000000e+30 : f32
    %broadcast_in_dim3A_1834 = vector.broadcast %jit3A_1833 : f32 to vector<16xf32>
    %select_n3A_1835 = arith.select %eq3A_1832, %broadcast_in_dim3A_1834, %get3A_1767 : vector<16xi1>, vector<16xf32>
    %eq3A_1836 = vector.broadcast %reduce_min3A_1825 : i32 to vector<16xi32>
    %eq3A_1837 = arith.cmpi eq, %add3A_1784, %eq3A_1836 : vector<16xi32>
    %jit3A_1838 = arith.constant -1.000000e+30 : f32
    %broadcast_in_dim3A_1839 = vector.broadcast %jit3A_1838 : f32 to vector<16xf32>
    %select_n3A_1840 = arith.select %eq3A_1837, %broadcast_in_dim3A_1839, %get3A_1771 : vector<16xi1>, vector<16xf32>
    %eq3A_1841 = vector.broadcast %reduce_min3A_1825 : i32 to vector<16xi32>
    %eq3A_1842 = arith.cmpi eq, %add3A_1787, %eq3A_1841 : vector<16xi32>
    %jit3A_1843 = arith.constant -1.000000e+30 : f32
    %broadcast_in_dim3A_1844 = vector.broadcast %jit3A_1843 : f32 to vector<16xf32>
    %select_n3A_1845 = arith.select %eq3A_1842, %broadcast_in_dim3A_1844, %get3A_1775 : vector<16xi1>, vector<16xf32>
    %max3A_1846 = arith.maximumf %select_n3A_1830, %select_n3A_1835 : vector<16xf32>
    %max3A_1847 = arith.maximumf %select_n3A_1840, %select_n3A_1845 : vector<16xf32>
    %max3A_1848 = arith.maximumf %max3A_1846, %max3A_1847 : vector<16xf32>
    %reduce_max3A_1849 = arith.constant true
    %reduce_max3A_1850 = vector.broadcast %reduce_max3A_1849 : i1 to vector<16xi1>
    %reduce_max3A_1851 = tpu.scan <max>, %max3A_1848 masked %reduce_max3A_1850 : vector<16xf32>, vector<16xi1> -> vector<16xf32>
    %reduce_max3A_1852 = vector.extract %reduce_max3A_1851[15] : f32 from vector<16xf32>
    %eq3A_1853 = vector.broadcast %reduce_max3A_1852 : f32 to vector<16xf32>
    %eq3A_1854 = arith.cmpf oeq, %select_n3A_1830, %eq3A_1853 : vector<16xf32>
    %jit3A_1855 = arith.constant 64 : i32
    %broadcast_in_dim3A_1856 = vector.broadcast %jit3A_1855 : i32 to vector<16xi32>
    %select_n3A_1857 = arith.select %eq3A_1854, %add3A_1778, %broadcast_in_dim3A_1856 : vector<16xi1>, vector<16xi32>
    %eq3A_1858 = vector.broadcast %reduce_max3A_1852 : f32 to vector<16xf32>
    %eq3A_1859 = arith.cmpf oeq, %select_n3A_1835, %eq3A_1858 : vector<16xf32>
    %jit3A_1860 = arith.constant 64 : i32
    %broadcast_in_dim3A_1861 = vector.broadcast %jit3A_1860 : i32 to vector<16xi32>
    %select_n3A_1862 = arith.select %eq3A_1859, %add3A_1781, %broadcast_in_dim3A_1861 : vector<16xi1>, vector<16xi32>
    %eq3A_1863 = vector.broadcast %reduce_max3A_1852 : f32 to vector<16xf32>
    %eq3A_1864 = arith.cmpf oeq, %select_n3A_1840, %eq3A_1863 : vector<16xf32>
    %jit3A_1865 = arith.constant 64 : i32
    %broadcast_in_dim3A_1866 = vector.broadcast %jit3A_1865 : i32 to vector<16xi32>
    %select_n3A_1867 = arith.select %eq3A_1864, %add3A_1784, %broadcast_in_dim3A_1866 : vector<16xi1>, vector<16xi32>
    %eq3A_1868 = vector.broadcast %reduce_max3A_1852 : f32 to vector<16xf32>
    %eq3A_1869 = arith.cmpf oeq, %select_n3A_1845, %eq3A_1868 : vector<16xf32>
    %jit3A_1870 = arith.constant 64 : i32
    %broadcast_in_dim3A_1871 = vector.broadcast %jit3A_1870 : i32 to vector<16xi32>
    %select_n3A_1872 = arith.select %eq3A_1869, %add3A_1787, %broadcast_in_dim3A_1871 : vector<16xi1>, vector<16xi32>
    %min3A_1873 = arith.minsi %select_n3A_1857, %select_n3A_1862 : vector<16xi32>
    %min3A_1874 = arith.minsi %select_n3A_1867, %select_n3A_1872 : vector<16xi32>
    %min3A_1875 = arith.minsi %min3A_1873, %min3A_1874 : vector<16xi32>
    %reduce_min3A_1876 = arith.constant true
    %reduce_min3A_1877 = vector.broadcast %reduce_min3A_1876 : i1 to vector<16xi1>
    %reduce_min3A_1878 = arith.constant -2147483648 : i32
    %reduce_min3A_1879 = vector.broadcast %reduce_min3A_1878 : i32 to vector<16xi32>
    %reduce_min3A_1880 = arith.xori %min3A_1875, %reduce_min3A_1879 : vector<16xi32>
    %reduce_min3A_1881 = tpu.scan <min>, %reduce_min3A_1880 masked %reduce_min3A_1877 : vector<16xi32>, vector<16xi1> -> vector<16xi32>
    %reduce_min3A_1882 = arith.xori %reduce_min3A_1881, %reduce_min3A_1879 : vector<16xi32>
    %reduce_min3A_1883 = vector.extract %reduce_min3A_1882[15] : i32 from vector<16xi32>
    %sub3A_1884 = arith.subf %reduce_max3A_1852, %reduce_max3A_1794 : f32
    %broadcast_in_dim3A_1885 = vector.broadcast %sub3A_1884 : f32 to vector<16xf32>
    %exp3A_1886 = math.exp %broadcast_in_dim3A_1885 : vector<16xf32>
    %add3A_1887 = arith.constant 1.000000e+00 : f32
    %add3A_1888 = vector.broadcast %add3A_1887 : f32 to vector<16xf32>
    %add3A_1889 = arith.addf %add3A_1888, %exp3A_1886 : vector<16xf32>
    %div3A_1890 = arith.constant 1.000000e+00 : f32
    %div3A_1891 = vector.broadcast %div3A_1890 : f32 to vector<16xf32>
    %div3A_1892 = arith.divf %div3A_1891, %add3A_1889 : vector<16xf32>
    %sub3A_1893 = arith.constant 1.000000e+00 : f32
    %sub3A_1894 = vector.broadcast %sub3A_1893 : f32 to vector<16xf32>
    %sub3A_1895 = arith.subf %sub3A_1894, %div3A_1892 : vector<16xf32>
    %eq3A_1896 = vector.broadcast %reduce_min3A_1825 : i32 to vector<16xi32>
    %eq3A_1897 = arith.cmpi eq, %add3A_1778, %eq3A_1896 : vector<16xi32>
    %jit3A_1898 = arith.constant 0.000000e+00 : f32
    %broadcast_in_dim3A_1899 = vector.broadcast %jit3A_1898 : f32 to vector<16xf32>
    %select_n3A_1900 = arith.select %eq3A_1897, %div3A_1892, %broadcast_in_dim3A_1899 : vector<16xi1>, vector<16xf32>
    %eq3A_1901 = vector.broadcast %reduce_min3A_1883 : i32 to vector<16xi32>
    %eq3A_1902 = arith.cmpi eq, %add3A_1778, %eq3A_1901 : vector<16xi32>
    %jit3A_1903 = arith.constant 0.000000e+00 : f32
    %broadcast_in_dim3A_1904 = vector.broadcast %jit3A_1903 : f32 to vector<16xf32>
    %select_n3A_1905 = arith.select %eq3A_1902, %sub3A_1895, %broadcast_in_dim3A_1904 : vector<16xi1>, vector<16xf32>
    %add3A_1906 = arith.addf %select_n3A_1900, %select_n3A_1905 : vector<16xf32>
    %swap3A_1907 = arith.constant 3 : i32
    %swap3A_1908 = arith.index_cast %swap3A_1907 : i32 to index
    %swap3A_1909 = arith.constant 0 : index
    %swap3A_1910 = tpu.vector_load %arg5[%swap3A_1908, %swap3A_1909] {strides = array<i32>} : memref<4x192xf32, #tpu.memory_space<vmem>>, vector<16xf32>,
    tpu.vector_store %arg5[%swap3A_1908, %swap3A_1909], %add3A_1906 {strides = array<i32>} : memref<4x192xf32, #tpu.memory_space<vmem>>, vector<16xf32>,
    %eq3A_1911 = vector.broadcast %reduce_min3A_1825 : i32 to vector<16xi32>
    %eq3A_1912 = arith.cmpi eq, %add3A_1781, %eq3A_1911 : vector<16xi32>
    %jit3A_1913 = arith.constant 0.000000e+00 : f32
    %broadcast_in_dim3A_1914 = vector.broadcast %jit3A_1913 : f32 to vector<16xf32>
    %select_n3A_1915 = arith.select %eq3A_1912, %div3A_1892, %broadcast_in_dim3A_1914 : vector<16xi1>, vector<16xf32>
    %eq3A_1916 = vector.broadcast %reduce_min3A_1883 : i32 to vector<16xi32>
    %eq3A_1917 = arith.cmpi eq, %add3A_1781, %eq3A_1916 : vector<16xi32>
    %jit3A_1918 = arith.constant 0.000000e+00 : f32
    %broadcast_in_dim3A_1919 = vector.broadcast %jit3A_1918 : f32 to vector<16xf32>
    %select_n3A_1920 = arith.select %eq3A_1917, %sub3A_1895, %broadcast_in_dim3A_1919 : vector<16xi1>, vector<16xf32>
    %add3A_1921 = arith.addf %select_n3A_1915, %select_n3A_1920 : vector<16xf32>
    %swap3A_1922 = arith.constant 3 : i32
    %swap3A_1923 = arith.index_cast %swap3A_1922 : i32 to index
    %swap3A_1924 = arith.constant 16 : index
    %swap3A_1925 = tpu.vector_load %arg5[%swap3A_1923, %swap3A_1924] {strides = array<i32>} : memref<4x192xf32, #tpu.memory_space<vmem>>, vector<16xf32>,
    tpu.vector_store %arg5[%swap3A_1923, %swap3A_1924], %add3A_1921 {strides = array<i32>} : memref<4x192xf32, #tpu.memory_space<vmem>>, vector<16xf32>,
    %eq3A_1926 = vector.broadcast %reduce_min3A_1825 : i32 to vector<16xi32>
    %eq3A_1927 = arith.cmpi eq, %add3A_1784, %eq3A_1926 : vector<16xi32>
    %jit3A_1928 = arith.constant 0.000000e+00 : f32
    %broadcast_in_dim3A_1929 = vector.broadcast %jit3A_1928 : f32 to vector<16xf32>
    %select_n3A_1930 = arith.select %eq3A_1927, %div3A_1892, %broadcast_in_dim3A_1929 : vector<16xi1>, vector<16xf32>
    %eq3A_1931 = vector.broadcast %reduce_min3A_1883 : i32 to vector<16xi32>
    %eq3A_1932 = arith.cmpi eq, %add3A_1784, %eq3A_1931 : vector<16xi32>
    %jit3A_1933 = arith.constant 0.000000e+00 : f32
    %broadcast_in_dim3A_1934 = vector.broadcast %jit3A_1933 : f32 to vector<16xf32>
    %select_n3A_1935 = arith.select %eq3A_1932, %sub3A_1895, %broadcast_in_dim3A_1934 : vector<16xi1>, vector<16xf32>
    %add3A_1936 = arith.addf %select_n3A_1930, %select_n3A_1935 : vector<16xf32>
    %swap3A_1937 = arith.constant 3 : i32
    %swap3A_1938 = arith.index_cast %swap3A_1937 : i32 to index
    %swap3A_1939 = arith.constant 32 : index
    %swap3A_1940 = tpu.vector_load %arg5[%swap3A_1938, %swap3A_1939] {strides = array<i32>} : memref<4x192xf32, #tpu.memory_space<vmem>>, vector<16xf32>,
    tpu.vector_store %arg5[%swap3A_1938, %swap3A_1939], %add3A_1936 {strides = array<i32>} : memref<4x192xf32, #tpu.memory_space<vmem>>, vector<16xf32>,
    %eq3A_1941 = vector.broadcast %reduce_min3A_1825 : i32 to vector<16xi32>
    %eq3A_1942 = arith.cmpi eq, %add3A_1787, %eq3A_1941 : vector<16xi32>
    %jit3A_1943 = arith.constant 0.000000e+00 : f32
    %broadcast_in_dim3A_1944 = vector.broadcast %jit3A_1943 : f32 to vector<16xf32>
    %select_n3A_1945 = arith.select %eq3A_1942, %div3A_1892, %broadcast_in_dim3A_1944 : vector<16xi1>, vector<16xf32>
    %eq3A_1946 = vector.broadcast %reduce_min3A_1883 : i32 to vector<16xi32>
    %eq3A_1947 = arith.cmpi eq, %add3A_1787, %eq3A_1946 : vector<16xi32>
    %jit3A_1948 = arith.constant 0.000000e+00 : f32
    %broadcast_in_dim3A_1949 = vector.broadcast %jit3A_1948 : f32 to vector<16xf32>
    %select_n3A_1950 = arith.select %eq3A_1947, %sub3A_1895, %broadcast_in_dim3A_1949 : vector<16xi1>, vector<16xf32>
    %add3A_1951 = arith.addf %select_n3A_1945, %select_n3A_1950 : vector<16xf32>
    %swap3A_1952 = arith.constant 3 : i32
    %swap3A_1953 = arith.index_cast %swap3A_1952 : i32 to index
    %swap3A_1954 = arith.constant 48 : index
    %swap3A_1955 = tpu.vector_load %arg5[%swap3A_1953, %swap3A_1954] {strides = array<i32>} : memref<4x192xf32, #tpu.memory_space<vmem>>, vector<16xf32>,
    tpu.vector_store %arg5[%swap3A_1953, %swap3A_1954], %add3A_1951 {strides = array<i32>} : memref<4x192xf32, #tpu.memory_space<vmem>>, vector<16xf32>,
    %get3A_1956 = arith.constant 3 : i32
    %get3A_1957 = arith.index_cast %get3A_1956 : i32 to index
    %get3A_1958 = arith.constant 64 : index
    %get3A_1959 = tpu.vector_load %arg4[%get3A_1957, %get3A_1958] {strides = array<i32>} : memref<4x192xf32, #tpu.memory_space<vmem>>, vector<16xf32>,
    %get3A_1960 = arith.constant 3 : i32
    %get3A_1961 = arith.index_cast %get3A_1960 : i32 to index
    %get3A_1962 = arith.constant 80 : index
    %get3A_1963 = tpu.vector_load %arg4[%get3A_1961, %get3A_1962] {strides = array<i32>} : memref<4x192xf32, #tpu.memory_space<vmem>>, vector<16xf32>,
    %get3A_1964 = arith.constant 3 : i32
    %get3A_1965 = arith.index_cast %get3A_1964 : i32 to index
    %get3A_1966 = arith.constant 96 : index
    %get3A_1967 = tpu.vector_load %arg4[%get3A_1965, %get3A_1966] {strides = array<i32>} : memref<4x192xf32, #tpu.memory_space<vmem>>, vector<16xf32>,
    %get3A_1968 = arith.constant 3 : i32
    %get3A_1969 = arith.index_cast %get3A_1968 : i32 to index
    %get3A_1970 = arith.constant 112 : index
    %get3A_1971 = tpu.vector_load %arg4[%get3A_1969, %get3A_1970] {strides = array<i32>} : memref<4x192xf32, #tpu.memory_space<vmem>>, vector<16xf32>,
    %add3A_1972 = arith.constant 0 : i32
    %add3A_1973 = vector.broadcast %add3A_1972 : i32 to vector<16xi32>
    %add3A_1974 = arith.addi %iota3A, %add3A_1973 : vector<16xi32>
    %add3A_1975 = arith.constant 16 : i32
    %add3A_1976 = vector.broadcast %add3A_1975 : i32 to vector<16xi32>
    %add3A_1977 = arith.addi %iota3A, %add3A_1976 : vector<16xi32>
    %add3A_1978 = arith.constant 32 : i32
    %add3A_1979 = vector.broadcast %add3A_1978 : i32 to vector<16xi32>
    %add3A_1980 = arith.addi %iota3A, %add3A_1979 : vector<16xi32>
    %add3A_1981 = arith.constant 48 : i32
    %add3A_1982 = vector.broadcast %add3A_1981 : i32 to vector<16xi32>
    %add3A_1983 = arith.addi %iota3A, %add3A_1982 : vector<16xi32>
    %max3A_1984 = arith.maximumf %get3A_1959, %get3A_1963 : vector<16xf32>
    %max3A_1985 = arith.maximumf %get3A_1967, %get3A_1971 : vector<16xf32>
    %max3A_1986 = arith.maximumf %max3A_1984, %max3A_1985 : vector<16xf32>
    %reduce_max3A_1987 = arith.constant true
    %reduce_max3A_1988 = vector.broadcast %reduce_max3A_1987 : i1 to vector<16xi1>
    %reduce_max3A_1989 = tpu.scan <max>, %max3A_1986 masked %reduce_max3A_1988 : vector<16xf32>, vector<16xi1> -> vector<16xf32>
    %reduce_max3A_1990 = vector.extract %reduce_max3A_1989[15] : f32 from vector<16xf32>
    %eq3A_1991 = vector.broadcast %reduce_max3A_1990 : f32 to vector<16xf32>
    %eq3A_1992 = arith.cmpf oeq, %get3A_1959, %eq3A_1991 : vector<16xf32>
    %jit3A_1993 = arith.constant 64 : i32
    %broadcast_in_dim3A_1994 = vector.broadcast %jit3A_1993 : i32 to vector<16xi32>
    %select_n3A_1995 = arith.select %eq3A_1992, %add3A_1974, %broadcast_in_dim3A_1994 : vector<16xi1>, vector<16xi32>
    %eq3A_1996 = vector.broadcast %reduce_max3A_1990 : f32 to vector<16xf32>
    %eq3A_1997 = arith.cmpf oeq, %get3A_1963, %eq3A_1996 : vector<16xf32>
    %jit3A_1998 = arith.constant 64 : i32
    %broadcast_in_dim3A_1999 = vector.broadcast %jit3A_1998 : i32 to vector<16xi32>
    %select_n3A_2000 = arith.select %eq3A_1997, %add3A_1977, %broadcast_in_dim3A_1999 : vector<16xi1>, vector<16xi32>
    %eq3A_2001 = vector.broadcast %reduce_max3A_1990 : f32 to vector<16xf32>
    %eq3A_2002 = arith.cmpf oeq, %get3A_1967, %eq3A_2001 : vector<16xf32>
    %jit3A_2003 = arith.constant 64 : i32
    %broadcast_in_dim3A_2004 = vector.broadcast %jit3A_2003 : i32 to vector<16xi32>
    %select_n3A_2005 = arith.select %eq3A_2002, %add3A_1980, %broadcast_in_dim3A_2004 : vector<16xi1>, vector<16xi32>
    %eq3A_2006 = vector.broadcast %reduce_max3A_1990 : f32 to vector<16xf32>
    %eq3A_2007 = arith.cmpf oeq, %get3A_1971, %eq3A_2006 : vector<16xf32>
    %jit3A_2008 = arith.constant 64 : i32
    %broadcast_in_dim3A_2009 = vector.broadcast %jit3A_2008 : i32 to vector<16xi32>
    %select_n3A_2010 = arith.select %eq3A_2007, %add3A_1983, %broadcast_in_dim3A_2009 : vector<16xi1>, vector<16xi32>
    %min3A_2011 = arith.minsi %select_n3A_1995, %select_n3A_2000 : vector<16xi32>
    %min3A_2012 = arith.minsi %select_n3A_2005, %select_n3A_2010 : vector<16xi32>
    %min3A_2013 = arith.minsi %min3A_2011, %min3A_2012 : vector<16xi32>
    %reduce_min3A_2014 = arith.constant true
    %reduce_min3A_2015 = vector.broadcast %reduce_min3A_2014 : i1 to vector<16xi1>
    %reduce_min3A_2016 = arith.constant -2147483648 : i32
    %reduce_min3A_2017 = vector.broadcast %reduce_min3A_2016 : i32 to vector<16xi32>
    %reduce_min3A_2018 = arith.xori %min3A_2013, %reduce_min3A_2017 : vector<16xi32>
    %reduce_min3A_2019 = tpu.scan <min>, %reduce_min3A_2018 masked %reduce_min3A_2015 : vector<16xi32>, vector<16xi1> -> vector<16xi32>
    %reduce_min3A_2020 = arith.xori %reduce_min3A_2019, %reduce_min3A_2017 : vector<16xi32>
    %reduce_min3A_2021 = vector.extract %reduce_min3A_2020[15] : i32 from vector<16xi32>
    %eq3A_2022 = vector.broadcast %reduce_min3A_2021 : i32 to vector<16xi32>
    %eq3A_2023 = arith.cmpi eq, %add3A_1974, %eq3A_2022 : vector<16xi32>
    %jit3A_2024 = arith.constant -1.000000e+30 : f32
    %broadcast_in_dim3A_2025 = vector.broadcast %jit3A_2024 : f32 to vector<16xf32>
    %select_n3A_2026 = arith.select %eq3A_2023, %broadcast_in_dim3A_2025, %get3A_1959 : vector<16xi1>, vector<16xf32>
    %eq3A_2027 = vector.broadcast %reduce_min3A_2021 : i32 to vector<16xi32>
    %eq3A_2028 = arith.cmpi eq, %add3A_1977, %eq3A_2027 : vector<16xi32>
    %jit3A_2029 = arith.constant -1.000000e+30 : f32
    %broadcast_in_dim3A_2030 = vector.broadcast %jit3A_2029 : f32 to vector<16xf32>
    %select_n3A_2031 = arith.select %eq3A_2028, %broadcast_in_dim3A_2030, %get3A_1963 : vector<16xi1>, vector<16xf32>
    %eq3A_2032 = vector.broadcast %reduce_min3A_2021 : i32 to vector<16xi32>
    %eq3A_2033 = arith.cmpi eq, %add3A_1980, %eq3A_2032 : vector<16xi32>
    %jit3A_2034 = arith.constant -1.000000e+30 : f32
    %broadcast_in_dim3A_2035 = vector.broadcast %jit3A_2034 : f32 to vector<16xf32>
    %select_n3A_2036 = arith.select %eq3A_2033, %broadcast_in_dim3A_2035, %get3A_1967 : vector<16xi1>, vector<16xf32>
    %eq3A_2037 = vector.broadcast %reduce_min3A_2021 : i32 to vector<16xi32>
    %eq3A_2038 = arith.cmpi eq, %add3A_1983, %eq3A_2037 : vector<16xi32>
    %jit3A_2039 = arith.constant -1.000000e+30 : f32
    %broadcast_in_dim3A_2040 = vector.broadcast %jit3A_2039 : f32 to vector<16xf32>
    %select_n3A_2041 = arith.select %eq3A_2038, %broadcast_in_dim3A_2040, %get3A_1971 : vector<16xi1>, vector<16xf32>
    %max3A_2042 = arith.maximumf %select_n3A_2026, %select_n3A_2031 : vector<16xf32>
    %max3A_2043 = arith.maximumf %select_n3A_2036, %select_n3A_2041 : vector<16xf32>
    %max3A_2044 = arith.maximumf %max3A_2042, %max3A_2043 : vector<16xf32>
    %reduce_max3A_2045 = arith.constant true
    %reduce_max3A_2046 = vector.broadcast %reduce_max3A_2045 : i1 to vector<16xi1>
    %reduce_max3A_2047 = tpu.scan <max>, %max3A_2044 masked %reduce_max3A_2046 : vector<16xf32>, vector<16xi1> -> vector<16xf32>
    %reduce_max3A_2048 = vector.extract %reduce_max3A_2047[15] : f32 from vector<16xf32>
    %eq3A_2049 = vector.broadcast %reduce_max3A_2048 : f32 to vector<16xf32>
    %eq3A_2050 = arith.cmpf oeq, %select_n3A_2026, %eq3A_2049 : vector<16xf32>
    %jit3A_2051 = arith.constant 64 : i32
    %broadcast_in_dim3A_2052 = vector.broadcast %jit3A_2051 : i32 to vector<16xi32>
    %select_n3A_2053 = arith.select %eq3A_2050, %add3A_1974, %broadcast_in_dim3A_2052 : vector<16xi1>, vector<16xi32>
    %eq3A_2054 = vector.broadcast %reduce_max3A_2048 : f32 to vector<16xf32>
    %eq3A_2055 = arith.cmpf oeq, %select_n3A_2031, %eq3A_2054 : vector<16xf32>
    %jit3A_2056 = arith.constant 64 : i32
    %broadcast_in_dim3A_2057 = vector.broadcast %jit3A_2056 : i32 to vector<16xi32>
    %select_n3A_2058 = arith.select %eq3A_2055, %add3A_1977, %broadcast_in_dim3A_2057 : vector<16xi1>, vector<16xi32>
    %eq3A_2059 = vector.broadcast %reduce_max3A_2048 : f32 to vector<16xf32>
    %eq3A_2060 = arith.cmpf oeq, %select_n3A_2036, %eq3A_2059 : vector<16xf32>
    %jit3A_2061 = arith.constant 64 : i32
    %broadcast_in_dim3A_2062 = vector.broadcast %jit3A_2061 : i32 to vector<16xi32>
    %select_n3A_2063 = arith.select %eq3A_2060, %add3A_1980, %broadcast_in_dim3A_2062 : vector<16xi1>, vector<16xi32>
    %eq3A_2064 = vector.broadcast %reduce_max3A_2048 : f32 to vector<16xf32>
    %eq3A_2065 = arith.cmpf oeq, %select_n3A_2041, %eq3A_2064 : vector<16xf32>
    %jit3A_2066 = arith.constant 64 : i32
    %broadcast_in_dim3A_2067 = vector.broadcast %jit3A_2066 : i32 to vector<16xi32>
    %select_n3A_2068 = arith.select %eq3A_2065, %add3A_1983, %broadcast_in_dim3A_2067 : vector<16xi1>, vector<16xi32>
    %min3A_2069 = arith.minsi %select_n3A_2053, %select_n3A_2058 : vector<16xi32>
    %min3A_2070 = arith.minsi %select_n3A_2063, %select_n3A_2068 : vector<16xi32>
    %min3A_2071 = arith.minsi %min3A_2069, %min3A_2070 : vector<16xi32>
    %reduce_min3A_2072 = arith.constant true
    %reduce_min3A_2073 = vector.broadcast %reduce_min3A_2072 : i1 to vector<16xi1>
    %reduce_min3A_2074 = arith.constant -2147483648 : i32
    %reduce_min3A_2075 = vector.broadcast %reduce_min3A_2074 : i32 to vector<16xi32>
    %reduce_min3A_2076 = arith.xori %min3A_2071, %reduce_min3A_2075 : vector<16xi32>
    %reduce_min3A_2077 = tpu.scan <min>, %reduce_min3A_2076 masked %reduce_min3A_2073 : vector<16xi32>, vector<16xi1> -> vector<16xi32>
    %reduce_min3A_2078 = arith.xori %reduce_min3A_2077, %reduce_min3A_2075 : vector<16xi32>
    %reduce_min3A_2079 = vector.extract %reduce_min3A_2078[15] : i32 from vector<16xi32>
    %sub3A_2080 = arith.subf %reduce_max3A_2048, %reduce_max3A_1990 : f32
    %broadcast_in_dim3A_2081 = vector.broadcast %sub3A_2080 : f32 to vector<16xf32>
    %exp3A_2082 = math.exp %broadcast_in_dim3A_2081 : vector<16xf32>
    %add3A_2083 = arith.constant 1.000000e+00 : f32
    %add3A_2084 = vector.broadcast %add3A_2083 : f32 to vector<16xf32>
    %add3A_2085 = arith.addf %add3A_2084, %exp3A_2082 : vector<16xf32>
    %div3A_2086 = arith.constant 1.000000e+00 : f32
    %div3A_2087 = vector.broadcast %div3A_2086 : f32 to vector<16xf32>
    %div3A_2088 = arith.divf %div3A_2087, %add3A_2085 : vector<16xf32>
    %sub3A_2089 = arith.constant 1.000000e+00 : f32
    %sub3A_2090 = vector.broadcast %sub3A_2089 : f32 to vector<16xf32>
    %sub3A_2091 = arith.subf %sub3A_2090, %div3A_2088 : vector<16xf32>
    %eq3A_2092 = vector.broadcast %reduce_min3A_2021 : i32 to vector<16xi32>
    %eq3A_2093 = arith.cmpi eq, %add3A_1974, %eq3A_2092 : vector<16xi32>
    %jit3A_2094 = arith.constant 0.000000e+00 : f32
    %broadcast_in_dim3A_2095 = vector.broadcast %jit3A_2094 : f32 to vector<16xf32>
    %select_n3A_2096 = arith.select %eq3A_2093, %div3A_2088, %broadcast_in_dim3A_2095 : vector<16xi1>, vector<16xf32>
    %eq3A_2097 = vector.broadcast %reduce_min3A_2079 : i32 to vector<16xi32>
    %eq3A_2098 = arith.cmpi eq, %add3A_1974, %eq3A_2097 : vector<16xi32>
    %jit3A_2099 = arith.constant 0.000000e+00 : f32
    %broadcast_in_dim3A_2100 = vector.broadcast %jit3A_2099 : f32 to vector<16xf32>
    %select_n3A_2101 = arith.select %eq3A_2098, %sub3A_2091, %broadcast_in_dim3A_2100 : vector<16xi1>, vector<16xf32>
    %add3A_2102 = arith.addf %select_n3A_2096, %select_n3A_2101 : vector<16xf32>
    %swap3A_2103 = arith.constant 3 : i32
    %swap3A_2104 = arith.index_cast %swap3A_2103 : i32 to index
    %swap3A_2105 = arith.constant 64 : index
    %swap3A_2106 = tpu.vector_load %arg5[%swap3A_2104, %swap3A_2105] {strides = array<i32>} : memref<4x192xf32, #tpu.memory_space<vmem>>, vector<16xf32>,
    tpu.vector_store %arg5[%swap3A_2104, %swap3A_2105], %add3A_2102 {strides = array<i32>} : memref<4x192xf32, #tpu.memory_space<vmem>>, vector<16xf32>,
    %eq3A_2107 = vector.broadcast %reduce_min3A_2021 : i32 to vector<16xi32>
    %eq3A_2108 = arith.cmpi eq, %add3A_1977, %eq3A_2107 : vector<16xi32>
    %jit3A_2109 = arith.constant 0.000000e+00 : f32
    %broadcast_in_dim3A_2110 = vector.broadcast %jit3A_2109 : f32 to vector<16xf32>
    %select_n3A_2111 = arith.select %eq3A_2108, %div3A_2088, %broadcast_in_dim3A_2110 : vector<16xi1>, vector<16xf32>
    %eq3A_2112 = vector.broadcast %reduce_min3A_2079 : i32 to vector<16xi32>
    %eq3A_2113 = arith.cmpi eq, %add3A_1977, %eq3A_2112 : vector<16xi32>
    %jit3A_2114 = arith.constant 0.000000e+00 : f32
    %broadcast_in_dim3A_2115 = vector.broadcast %jit3A_2114 : f32 to vector<16xf32>
    %select_n3A_2116 = arith.select %eq3A_2113, %sub3A_2091, %broadcast_in_dim3A_2115 : vector<16xi1>, vector<16xf32>
    %add3A_2117 = arith.addf %select_n3A_2111, %select_n3A_2116 : vector<16xf32>
    %swap3A_2118 = arith.constant 3 : i32
    %swap3A_2119 = arith.index_cast %swap3A_2118 : i32 to index
    %swap3A_2120 = arith.constant 80 : index
    %swap3A_2121 = tpu.vector_load %arg5[%swap3A_2119, %swap3A_2120] {strides = array<i32>} : memref<4x192xf32, #tpu.memory_space<vmem>>, vector<16xf32>,
    tpu.vector_store %arg5[%swap3A_2119, %swap3A_2120], %add3A_2117 {strides = array<i32>} : memref<4x192xf32, #tpu.memory_space<vmem>>, vector<16xf32>,
    %eq3A_2122 = vector.broadcast %reduce_min3A_2021 : i32 to vector<16xi32>
    %eq3A_2123 = arith.cmpi eq, %add3A_1980, %eq3A_2122 : vector<16xi32>
    %jit3A_2124 = arith.constant 0.000000e+00 : f32
    %broadcast_in_dim3A_2125 = vector.broadcast %jit3A_2124 : f32 to vector<16xf32>
    %select_n3A_2126 = arith.select %eq3A_2123, %div3A_2088, %broadcast_in_dim3A_2125 : vector<16xi1>, vector<16xf32>
    %eq3A_2127 = vector.broadcast %reduce_min3A_2079 : i32 to vector<16xi32>
    %eq3A_2128 = arith.cmpi eq, %add3A_1980, %eq3A_2127 : vector<16xi32>
    %jit3A_2129 = arith.constant 0.000000e+00 : f32
    %broadcast_in_dim3A_2130 = vector.broadcast %jit3A_2129 : f32 to vector<16xf32>
    %select_n3A_2131 = arith.select %eq3A_2128, %sub3A_2091, %broadcast_in_dim3A_2130 : vector<16xi1>, vector<16xf32>
    %add3A_2132 = arith.addf %select_n3A_2126, %select_n3A_2131 : vector<16xf32>
    %swap3A_2133 = arith.constant 3 : i32
    %swap3A_2134 = arith.index_cast %swap3A_2133 : i32 to index
    %swap3A_2135 = arith.constant 96 : index
    %swap3A_2136 = tpu.vector_load %arg5[%swap3A_2134, %swap3A_2135] {strides = array<i32>} : memref<4x192xf32, #tpu.memory_space<vmem>>, vector<16xf32>,
    tpu.vector_store %arg5[%swap3A_2134, %swap3A_2135], %add3A_2132 {strides = array<i32>} : memref<4x192xf32, #tpu.memory_space<vmem>>, vector<16xf32>,
    %eq3A_2137 = vector.broadcast %reduce_min3A_2021 : i32 to vector<16xi32>
    %eq3A_2138 = arith.cmpi eq, %add3A_1983, %eq3A_2137 : vector<16xi32>
    %jit3A_2139 = arith.constant 0.000000e+00 : f32
    %broadcast_in_dim3A_2140 = vector.broadcast %jit3A_2139 : f32 to vector<16xf32>
    %select_n3A_2141 = arith.select %eq3A_2138, %div3A_2088, %broadcast_in_dim3A_2140 : vector<16xi1>, vector<16xf32>
    %eq3A_2142 = vector.broadcast %reduce_min3A_2079 : i32 to vector<16xi32>
    %eq3A_2143 = arith.cmpi eq, %add3A_1983, %eq3A_2142 : vector<16xi32>
    %jit3A_2144 = arith.constant 0.000000e+00 : f32
    %broadcast_in_dim3A_2145 = vector.broadcast %jit3A_2144 : f32 to vector<16xf32>
    %select_n3A_2146 = arith.select %eq3A_2143, %sub3A_2091, %broadcast_in_dim3A_2145 : vector<16xi1>, vector<16xf32>
    %add3A_2147 = arith.addf %select_n3A_2141, %select_n3A_2146 : vector<16xf32>
    %swap3A_2148 = arith.constant 3 : i32
    %swap3A_2149 = arith.index_cast %swap3A_2148 : i32 to index
    %swap3A_2150 = arith.constant 112 : index
    %swap3A_2151 = tpu.vector_load %arg5[%swap3A_2149, %swap3A_2150] {strides = array<i32>} : memref<4x192xf32, #tpu.memory_space<vmem>>, vector<16xf32>,
    tpu.vector_store %arg5[%swap3A_2149, %swap3A_2150], %add3A_2147 {strides = array<i32>} : memref<4x192xf32, #tpu.memory_space<vmem>>, vector<16xf32>,
    %get3A_2152 = arith.constant 3 : i32
    %get3A_2153 = arith.index_cast %get3A_2152 : i32 to index
    %get3A_2154 = arith.constant 128 : index
    %get3A_2155 = tpu.vector_load %arg4[%get3A_2153, %get3A_2154] {strides = array<i32>} : memref<4x192xf32, #tpu.memory_space<vmem>>, vector<16xf32>,
    %get3A_2156 = arith.constant 3 : i32
    %get3A_2157 = arith.index_cast %get3A_2156 : i32 to index
    %get3A_2158 = arith.constant 144 : index
    %get3A_2159 = tpu.vector_load %arg4[%get3A_2157, %get3A_2158] {strides = array<i32>} : memref<4x192xf32, #tpu.memory_space<vmem>>, vector<16xf32>,
    %get3A_2160 = arith.constant 3 : i32
    %get3A_2161 = arith.index_cast %get3A_2160 : i32 to index
    %get3A_2162 = arith.constant 160 : index
    %get3A_2163 = tpu.vector_load %arg4[%get3A_2161, %get3A_2162] {strides = array<i32>} : memref<4x192xf32, #tpu.memory_space<vmem>>, vector<16xf32>,
    %get3A_2164 = arith.constant 3 : i32
    %get3A_2165 = arith.index_cast %get3A_2164 : i32 to index
    %get3A_2166 = arith.constant 176 : index
    %get3A_2167 = tpu.vector_load %arg4[%get3A_2165, %get3A_2166] {strides = array<i32>} : memref<4x192xf32, #tpu.memory_space<vmem>>, vector<16xf32>,
    %add3A_2168 = arith.constant 0 : i32
    %add3A_2169 = vector.broadcast %add3A_2168 : i32 to vector<16xi32>
    %add3A_2170 = arith.addi %iota3A, %add3A_2169 : vector<16xi32>
    %add3A_2171 = arith.constant 16 : i32
    %add3A_2172 = vector.broadcast %add3A_2171 : i32 to vector<16xi32>
    %add3A_2173 = arith.addi %iota3A, %add3A_2172 : vector<16xi32>
    %add3A_2174 = arith.constant 32 : i32
    %add3A_2175 = vector.broadcast %add3A_2174 : i32 to vector<16xi32>
    %add3A_2176 = arith.addi %iota3A, %add3A_2175 : vector<16xi32>
    %add3A_2177 = arith.constant 48 : i32
    %add3A_2178 = vector.broadcast %add3A_2177 : i32 to vector<16xi32>
    %add3A_2179 = arith.addi %iota3A, %add3A_2178 : vector<16xi32>
    %max3A_2180 = arith.maximumf %get3A_2155, %get3A_2159 : vector<16xf32>
    %max3A_2181 = arith.maximumf %get3A_2163, %get3A_2167 : vector<16xf32>
    %max3A_2182 = arith.maximumf %max3A_2180, %max3A_2181 : vector<16xf32>
    %reduce_max3A_2183 = arith.constant true
    %reduce_max3A_2184 = vector.broadcast %reduce_max3A_2183 : i1 to vector<16xi1>
    %reduce_max3A_2185 = tpu.scan <max>, %max3A_2182 masked %reduce_max3A_2184 : vector<16xf32>, vector<16xi1> -> vector<16xf32>
    %reduce_max3A_2186 = vector.extract %reduce_max3A_2185[15] : f32 from vector<16xf32>
    %eq3A_2187 = vector.broadcast %reduce_max3A_2186 : f32 to vector<16xf32>
    %eq3A_2188 = arith.cmpf oeq, %get3A_2155, %eq3A_2187 : vector<16xf32>
    %jit3A_2189 = arith.constant 64 : i32
    %broadcast_in_dim3A_2190 = vector.broadcast %jit3A_2189 : i32 to vector<16xi32>
    %select_n3A_2191 = arith.select %eq3A_2188, %add3A_2170, %broadcast_in_dim3A_2190 : vector<16xi1>, vector<16xi32>
    %eq3A_2192 = vector.broadcast %reduce_max3A_2186 : f32 to vector<16xf32>
    %eq3A_2193 = arith.cmpf oeq, %get3A_2159, %eq3A_2192 : vector<16xf32>
    %jit3A_2194 = arith.constant 64 : i32
    %broadcast_in_dim3A_2195 = vector.broadcast %jit3A_2194 : i32 to vector<16xi32>
    %select_n3A_2196 = arith.select %eq3A_2193, %add3A_2173, %broadcast_in_dim3A_2195 : vector<16xi1>, vector<16xi32>
    %eq3A_2197 = vector.broadcast %reduce_max3A_2186 : f32 to vector<16xf32>
    %eq3A_2198 = arith.cmpf oeq, %get3A_2163, %eq3A_2197 : vector<16xf32>
    %jit3A_2199 = arith.constant 64 : i32
    %broadcast_in_dim3A_2200 = vector.broadcast %jit3A_2199 : i32 to vector<16xi32>
    %select_n3A_2201 = arith.select %eq3A_2198, %add3A_2176, %broadcast_in_dim3A_2200 : vector<16xi1>, vector<16xi32>
    %eq3A_2202 = vector.broadcast %reduce_max3A_2186 : f32 to vector<16xf32>
    %eq3A_2203 = arith.cmpf oeq, %get3A_2167, %eq3A_2202 : vector<16xf32>
    %jit3A_2204 = arith.constant 64 : i32
    %broadcast_in_dim3A_2205 = vector.broadcast %jit3A_2204 : i32 to vector<16xi32>
    %select_n3A_2206 = arith.select %eq3A_2203, %add3A_2179, %broadcast_in_dim3A_2205 : vector<16xi1>, vector<16xi32>
    %min3A_2207 = arith.minsi %select_n3A_2191, %select_n3A_2196 : vector<16xi32>
    %min3A_2208 = arith.minsi %select_n3A_2201, %select_n3A_2206 : vector<16xi32>
    %min3A_2209 = arith.minsi %min3A_2207, %min3A_2208 : vector<16xi32>
    %reduce_min3A_2210 = arith.constant true
    %reduce_min3A_2211 = vector.broadcast %reduce_min3A_2210 : i1 to vector<16xi1>
    %reduce_min3A_2212 = arith.constant -2147483648 : i32
    %reduce_min3A_2213 = vector.broadcast %reduce_min3A_2212 : i32 to vector<16xi32>
    %reduce_min3A_2214 = arith.xori %min3A_2209, %reduce_min3A_2213 : vector<16xi32>
    %reduce_min3A_2215 = tpu.scan <min>, %reduce_min3A_2214 masked %reduce_min3A_2211 : vector<16xi32>, vector<16xi1> -> vector<16xi32>
    %reduce_min3A_2216 = arith.xori %reduce_min3A_2215, %reduce_min3A_2213 : vector<16xi32>
    %reduce_min3A_2217 = vector.extract %reduce_min3A_2216[15] : i32 from vector<16xi32>
    %eq3A_2218 = vector.broadcast %reduce_min3A_2217 : i32 to vector<16xi32>
    %eq3A_2219 = arith.cmpi eq, %add3A_2170, %eq3A_2218 : vector<16xi32>
    %jit3A_2220 = arith.constant -1.000000e+30 : f32
    %broadcast_in_dim3A_2221 = vector.broadcast %jit3A_2220 : f32 to vector<16xf32>
    %select_n3A_2222 = arith.select %eq3A_2219, %broadcast_in_dim3A_2221, %get3A_2155 : vector<16xi1>, vector<16xf32>
    %eq3A_2223 = vector.broadcast %reduce_min3A_2217 : i32 to vector<16xi32>
    %eq3A_2224 = arith.cmpi eq, %add3A_2173, %eq3A_2223 : vector<16xi32>
    %jit3A_2225 = arith.constant -1.000000e+30 : f32
    %broadcast_in_dim3A_2226 = vector.broadcast %jit3A_2225 : f32 to vector<16xf32>
    %select_n3A_2227 = arith.select %eq3A_2224, %broadcast_in_dim3A_2226, %get3A_2159 : vector<16xi1>, vector<16xf32>
    %eq3A_2228 = vector.broadcast %reduce_min3A_2217 : i32 to vector<16xi32>
    %eq3A_2229 = arith.cmpi eq, %add3A_2176, %eq3A_2228 : vector<16xi32>
    %jit3A_2230 = arith.constant -1.000000e+30 : f32
    %broadcast_in_dim3A_2231 = vector.broadcast %jit3A_2230 : f32 to vector<16xf32>
    %select_n3A_2232 = arith.select %eq3A_2229, %broadcast_in_dim3A_2231, %get3A_2163 : vector<16xi1>, vector<16xf32>
    %eq3A_2233 = vector.broadcast %reduce_min3A_2217 : i32 to vector<16xi32>
    %eq3A_2234 = arith.cmpi eq, %add3A_2179, %eq3A_2233 : vector<16xi32>
    %jit3A_2235 = arith.constant -1.000000e+30 : f32
    %broadcast_in_dim3A_2236 = vector.broadcast %jit3A_2235 : f32 to vector<16xf32>
    %select_n3A_2237 = arith.select %eq3A_2234, %broadcast_in_dim3A_2236, %get3A_2167 : vector<16xi1>, vector<16xf32>
    %max3A_2238 = arith.maximumf %select_n3A_2222, %select_n3A_2227 : vector<16xf32>
    %max3A_2239 = arith.maximumf %select_n3A_2232, %select_n3A_2237 : vector<16xf32>
    %max3A_2240 = arith.maximumf %max3A_2238, %max3A_2239 : vector<16xf32>
    %reduce_max3A_2241 = arith.constant true
    %reduce_max3A_2242 = vector.broadcast %reduce_max3A_2241 : i1 to vector<16xi1>
    %reduce_max3A_2243 = tpu.scan <max>, %max3A_2240 masked %reduce_max3A_2242 : vector<16xf32>, vector<16xi1> -> vector<16xf32>
    %reduce_max3A_2244 = vector.extract %reduce_max3A_2243[15] : f32 from vector<16xf32>
    %eq3A_2245 = vector.broadcast %reduce_max3A_2244 : f32 to vector<16xf32>
    %eq3A_2246 = arith.cmpf oeq, %select_n3A_2222, %eq3A_2245 : vector<16xf32>
    %jit3A_2247 = arith.constant 64 : i32
    %broadcast_in_dim3A_2248 = vector.broadcast %jit3A_2247 : i32 to vector<16xi32>
    %select_n3A_2249 = arith.select %eq3A_2246, %add3A_2170, %broadcast_in_dim3A_2248 : vector<16xi1>, vector<16xi32>
    %eq3A_2250 = vector.broadcast %reduce_max3A_2244 : f32 to vector<16xf32>
    %eq3A_2251 = arith.cmpf oeq, %select_n3A_2227, %eq3A_2250 : vector<16xf32>
    %jit3A_2252 = arith.constant 64 : i32
    %broadcast_in_dim3A_2253 = vector.broadcast %jit3A_2252 : i32 to vector<16xi32>
    %select_n3A_2254 = arith.select %eq3A_2251, %add3A_2173, %broadcast_in_dim3A_2253 : vector<16xi1>, vector<16xi32>
    %eq3A_2255 = vector.broadcast %reduce_max3A_2244 : f32 to vector<16xf32>
    %eq3A_2256 = arith.cmpf oeq, %select_n3A_2232, %eq3A_2255 : vector<16xf32>
    %jit3A_2257 = arith.constant 64 : i32
    %broadcast_in_dim3A_2258 = vector.broadcast %jit3A_2257 : i32 to vector<16xi32>
    %select_n3A_2259 = arith.select %eq3A_2256, %add3A_2176, %broadcast_in_dim3A_2258 : vector<16xi1>, vector<16xi32>
    %eq3A_2260 = vector.broadcast %reduce_max3A_2244 : f32 to vector<16xf32>
    %eq3A_2261 = arith.cmpf oeq, %select_n3A_2237, %eq3A_2260 : vector<16xf32>
    %jit3A_2262 = arith.constant 64 : i32
    %broadcast_in_dim3A_2263 = vector.broadcast %jit3A_2262 : i32 to vector<16xi32>
    %select_n3A_2264 = arith.select %eq3A_2261, %add3A_2179, %broadcast_in_dim3A_2263 : vector<16xi1>, vector<16xi32>
    %min3A_2265 = arith.minsi %select_n3A_2249, %select_n3A_2254 : vector<16xi32>
    %min3A_2266 = arith.minsi %select_n3A_2259, %select_n3A_2264 : vector<16xi32>
    %min3A_2267 = arith.minsi %min3A_2265, %min3A_2266 : vector<16xi32>
    %reduce_min3A_2268 = arith.constant true
    %reduce_min3A_2269 = vector.broadcast %reduce_min3A_2268 : i1 to vector<16xi1>
    %reduce_min3A_2270 = arith.constant -2147483648 : i32
    %reduce_min3A_2271 = vector.broadcast %reduce_min3A_2270 : i32 to vector<16xi32>
    %reduce_min3A_2272 = arith.xori %min3A_2267, %reduce_min3A_2271 : vector<16xi32>
    %reduce_min3A_2273 = tpu.scan <min>, %reduce_min3A_2272 masked %reduce_min3A_2269 : vector<16xi32>, vector<16xi1> -> vector<16xi32>
    %reduce_min3A_2274 = arith.xori %reduce_min3A_2273, %reduce_min3A_2271 : vector<16xi32>
    %reduce_min3A_2275 = vector.extract %reduce_min3A_2274[15] : i32 from vector<16xi32>
    %sub3A_2276 = arith.subf %reduce_max3A_2244, %reduce_max3A_2186 : f32
    %broadcast_in_dim3A_2277 = vector.broadcast %sub3A_2276 : f32 to vector<16xf32>
    %exp3A_2278 = math.exp %broadcast_in_dim3A_2277 : vector<16xf32>
    %add3A_2279 = arith.constant 1.000000e+00 : f32
    %add3A_2280 = vector.broadcast %add3A_2279 : f32 to vector<16xf32>
    %add3A_2281 = arith.addf %add3A_2280, %exp3A_2278 : vector<16xf32>
    %div3A_2282 = arith.constant 1.000000e+00 : f32
    %div3A_2283 = vector.broadcast %div3A_2282 : f32 to vector<16xf32>
    %div3A_2284 = arith.divf %div3A_2283, %add3A_2281 : vector<16xf32>
    %sub3A_2285 = arith.constant 1.000000e+00 : f32
    %sub3A_2286 = vector.broadcast %sub3A_2285 : f32 to vector<16xf32>
    %sub3A_2287 = arith.subf %sub3A_2286, %div3A_2284 : vector<16xf32>
    %eq3A_2288 = vector.broadcast %reduce_min3A_2217 : i32 to vector<16xi32>
    %eq3A_2289 = arith.cmpi eq, %add3A_2170, %eq3A_2288 : vector<16xi32>
    %jit3A_2290 = arith.constant 0.000000e+00 : f32
    %broadcast_in_dim3A_2291 = vector.broadcast %jit3A_2290 : f32 to vector<16xf32>
    %select_n3A_2292 = arith.select %eq3A_2289, %div3A_2284, %broadcast_in_dim3A_2291 : vector<16xi1>, vector<16xf32>
    %eq3A_2293 = vector.broadcast %reduce_min3A_2275 : i32 to vector<16xi32>
    %eq3A_2294 = arith.cmpi eq, %add3A_2170, %eq3A_2293 : vector<16xi32>
    %jit3A_2295 = arith.constant 0.000000e+00 : f32
    %broadcast_in_dim3A_2296 = vector.broadcast %jit3A_2295 : f32 to vector<16xf32>
    %select_n3A_2297 = arith.select %eq3A_2294, %sub3A_2287, %broadcast_in_dim3A_2296 : vector<16xi1>, vector<16xf32>
    %add3A_2298 = arith.addf %select_n3A_2292, %select_n3A_2297 : vector<16xf32>
    %swap3A_2299 = arith.constant 3 : i32
    %swap3A_2300 = arith.index_cast %swap3A_2299 : i32 to index
    %swap3A_2301 = arith.constant 128 : index
    %swap3A_2302 = tpu.vector_load %arg5[%swap3A_2300, %swap3A_2301] {strides = array<i32>} : memref<4x192xf32, #tpu.memory_space<vmem>>, vector<16xf32>,
    tpu.vector_store %arg5[%swap3A_2300, %swap3A_2301], %add3A_2298 {strides = array<i32>} : memref<4x192xf32, #tpu.memory_space<vmem>>, vector<16xf32>,
    %eq3A_2303 = vector.broadcast %reduce_min3A_2217 : i32 to vector<16xi32>
    %eq3A_2304 = arith.cmpi eq, %add3A_2173, %eq3A_2303 : vector<16xi32>
    %jit3A_2305 = arith.constant 0.000000e+00 : f32
    %broadcast_in_dim3A_2306 = vector.broadcast %jit3A_2305 : f32 to vector<16xf32>
    %select_n3A_2307 = arith.select %eq3A_2304, %div3A_2284, %broadcast_in_dim3A_2306 : vector<16xi1>, vector<16xf32>
    %eq3A_2308 = vector.broadcast %reduce_min3A_2275 : i32 to vector<16xi32>
    %eq3A_2309 = arith.cmpi eq, %add3A_2173, %eq3A_2308 : vector<16xi32>
    %jit3A_2310 = arith.constant 0.000000e+00 : f32
    %broadcast_in_dim3A_2311 = vector.broadcast %jit3A_2310 : f32 to vector<16xf32>
    %select_n3A_2312 = arith.select %eq3A_2309, %sub3A_2287, %broadcast_in_dim3A_2311 : vector<16xi1>, vector<16xf32>
    %add3A_2313 = arith.addf %select_n3A_2307, %select_n3A_2312 : vector<16xf32>
    %swap3A_2314 = arith.constant 3 : i32
    %swap3A_2315 = arith.index_cast %swap3A_2314 : i32 to index
    %swap3A_2316 = arith.constant 144 : index
    %swap3A_2317 = tpu.vector_load %arg5[%swap3A_2315, %swap3A_2316] {strides = array<i32>} : memref<4x192xf32, #tpu.memory_space<vmem>>, vector<16xf32>,
    tpu.vector_store %arg5[%swap3A_2315, %swap3A_2316], %add3A_2313 {strides = array<i32>} : memref<4x192xf32, #tpu.memory_space<vmem>>, vector<16xf32>,
    %eq3A_2318 = vector.broadcast %reduce_min3A_2217 : i32 to vector<16xi32>
    %eq3A_2319 = arith.cmpi eq, %add3A_2176, %eq3A_2318 : vector<16xi32>
    %jit3A_2320 = arith.constant 0.000000e+00 : f32
    %broadcast_in_dim3A_2321 = vector.broadcast %jit3A_2320 : f32 to vector<16xf32>
    %select_n3A_2322 = arith.select %eq3A_2319, %div3A_2284, %broadcast_in_dim3A_2321 : vector<16xi1>, vector<16xf32>
    %eq3A_2323 = vector.broadcast %reduce_min3A_2275 : i32 to vector<16xi32>
    %eq3A_2324 = arith.cmpi eq, %add3A_2176, %eq3A_2323 : vector<16xi32>
    %jit3A_2325 = arith.constant 0.000000e+00 : f32
    %broadcast_in_dim3A_2326 = vector.broadcast %jit3A_2325 : f32 to vector<16xf32>
    %select_n3A_2327 = arith.select %eq3A_2324, %sub3A_2287, %broadcast_in_dim3A_2326 : vector<16xi1>, vector<16xf32>
    %add3A_2328 = arith.addf %select_n3A_2322, %select_n3A_2327 : vector<16xf32>
    %swap3A_2329 = arith.constant 3 : i32
    %swap3A_2330 = arith.index_cast %swap3A_2329 : i32 to index
    %swap3A_2331 = arith.constant 160 : index
    %swap3A_2332 = tpu.vector_load %arg5[%swap3A_2330, %swap3A_2331] {strides = array<i32>} : memref<4x192xf32, #tpu.memory_space<vmem>>, vector<16xf32>,
    tpu.vector_store %arg5[%swap3A_2330, %swap3A_2331], %add3A_2328 {strides = array<i32>} : memref<4x192xf32, #tpu.memory_space<vmem>>, vector<16xf32>,
    %eq3A_2333 = vector.broadcast %reduce_min3A_2217 : i32 to vector<16xi32>
    %eq3A_2334 = arith.cmpi eq, %add3A_2179, %eq3A_2333 : vector<16xi32>
    %jit3A_2335 = arith.constant 0.000000e+00 : f32
    %broadcast_in_dim3A_2336 = vector.broadcast %jit3A_2335 : f32 to vector<16xf32>
    %select_n3A_2337 = arith.select %eq3A_2334, %div3A_2284, %broadcast_in_dim3A_2336 : vector<16xi1>, vector<16xf32>
    %eq3A_2338 = vector.broadcast %reduce_min3A_2275 : i32 to vector<16xi32>
    %eq3A_2339 = arith.cmpi eq, %add3A_2179, %eq3A_2338 : vector<16xi32>
    %jit3A_2340 = arith.constant 0.000000e+00 : f32
    %broadcast_in_dim3A_2341 = vector.broadcast %jit3A_2340 : f32 to vector<16xf32>
    %select_n3A_2342 = arith.select %eq3A_2339, %sub3A_2287, %broadcast_in_dim3A_2341 : vector<16xi1>, vector<16xf32>
    %add3A_2343 = arith.addf %select_n3A_2337, %select_n3A_2342 : vector<16xf32>
    %swap3A_2344 = arith.constant 3 : i32
    %swap3A_2345 = arith.index_cast %swap3A_2344 : i32 to index
    %swap3A_2346 = arith.constant 176 : index
    %swap3A_2347 = tpu.vector_load %arg5[%swap3A_2345, %swap3A_2346] {strides = array<i32>} : memref<4x192xf32, #tpu.memory_space<vmem>>, vector<16xf32>,
    tpu.vector_store %arg5[%swap3A_2345, %swap3A_2346], %add3A_2343 {strides = array<i32>} : memref<4x192xf32, #tpu.memory_space<vmem>>, vector<16xf32>,
    %dma_start3A_2348 = arith.constant 0 : i32
    %dma_start3A_2349 = tpu.memref_slice %arg3[%mul3A_2, %dma_start3A_2348] : memref<128x192xf32, #tpu.memory_space<hbm>> -> memref<4x192xf32, #tpu.memory_space<hbm>>
    %dma_start3A_2350 = arith.constant 0 : i32
    %dma_start3A_2351 = tpu.memref_slice %arg3[%mul3A_2, %dma_start3A_2350] : memref<128x192xf32, #tpu.memory_space<hbm>> -> memref<4x192xf32, #tpu.memory_space<hbm>>
    tpu.enqueue_dma source(%arg5 : memref<4x192xf32, #tpu.memory_space<vmem>>) target(%dma_start3A_2351 : memref<4x192xf32, #tpu.memory_space<hbm>>) target_semaphore(%arg6 : memref<!tpu.dma_semaphore, #tpu.memory_space<semaphore_mem>>)
    %dma_wait3A_2352 = arith.constant 0 : i32
    %dma_wait3A_2353 = tpu.memref_slice %arg3[%mul3A_2, %dma_wait3A_2352] : memref<128x192xf32, #tpu.memory_space<hbm>> -> memref<4x192xf32, #tpu.memory_space<hbm>>
    %dma_wait3A_2354 = arith.constant 0 : i32
    %dma_wait3A_2355 = tpu.memref_slice %arg3[%mul3A_2, %dma_wait3A_2354] : memref<128x192xf32, #tpu.memory_space<hbm>> -> memref<4x192xf32, #tpu.memory_space<hbm>>
    tpu.wait_dma2 semaphore(%arg6 : memref<!tpu.dma_semaphore, #tpu.memory_space<semaphore_mem>>) src(%arg5 : memref<4x192xf32, #tpu.memory_space<vmem>>) dst(%dma_wait3A_2355 : memref<4x192xf32, #tpu.memory_space<hbm>>)
    return
  }
}

module attributes {stable_mosaic.version = 14 : i64} {
  func.func @_encoder_body(%arg0: i32, %arg1: memref<256x256xf32, #tpu.memory_space<vmem>>, %arg2: memref<1x8x32xf32, #tpu.memory_space<vmem>>, %arg3: memref<256x1xf32, #tpu.memory_space<vmem>>, %arg4: memref<1x1x256xf32, #tpu.memory_space<vmem>>, %arg5: memref<1x1x256xf32, #tpu.memory_space<vmem>>, %arg6: memref<256x256xf32, #tpu.memory_space<vmem>>, %arg7: memref<1x256xf32, #tpu.memory_space<vmem>>, %arg8: memref<1x256xf32, #tpu.memory_space<vmem>>, %arg9: memref<32x1xf32, #tpu.memory_space<vmem>>, %arg10: memref<32x256xf32, #tpu.memory_space<vmem>>, %arg11: memref<32x96xbf16, #tpu.memory_space<vmem>>, %arg12: memref<32x1xf32, #tpu.memory_space<vmem>>, %arg13: memref<32x96xbf16, #tpu.memory_space<vmem>>, %arg14: memref<32x1xf32, #tpu.memory_space<vmem>>, %arg15: memref<32x96xbf16, #tpu.memory_space<vmem>>, %arg16: memref<32x1xf32, #tpu.memory_space<vmem>>, %arg17: memref<32x1xf32, #tpu.memory_space<vmem>>, %arg18: memref<32x1xf32, #tpu.memory_space<vmem>>, %arg19: memref<32x64xf32, #tpu.memory_space<vmem>>, %arg20: memref<1x64xf32, #tpu.memory_space<vmem>>, %arg21: memref<256x64xf32, #tpu.memory_space<vmem>>, %arg22: memref<916x128xf32, #tpu.memory_space<vmem>>, %arg23: memref<1x64xf32, #tpu.memory_space<vmem>>, %arg24: memref<1x64xf32, #tpu.memory_space<vmem>>, %arg25: memref<32x9xf32, #tpu.memory_space<vmem>>, %arg26: memref<64x9xf32, #tpu.memory_space<vmem>>, %arg27: memref<1x9xf32, #tpu.memory_space<vmem>>, %arg28: memref<64x192xf32, #tpu.memory_space<vmem>>, %arg29: memref<1x192xf32, #tpu.memory_space<vmem>>, %arg30: memref<1x8x64xf32, #tpu.memory_space<vmem>>, %arg31: memref<1x8x192xf32, #tpu.memory_space<vmem>>, %arg32: memref<8x32x9xf32, #tpu.memory_space<vmem>>, %arg33: memref<1x1x256xf32, #tpu.memory_space<vmem>>) attributes {dimension_semantics = [#tpu.dimension_semantics<parallel>], iteration_bounds = array<i64: 16>, scalar_prefetch = 0 : i64, scratch_operands = 0 : i64, tpu.core_type = #tpu.core_type<tc>, window_params = [{transform_indices = @transform_0, window_bounds = array<i64: 256, 256>}, {transform_indices = @transform_1, window_bounds = array<i64: 1, 8, 32>}, {transform_indices = @transform_2, window_bounds = array<i64: 256, 1>}, {transform_indices = @transform_3, window_bounds = array<i64: 1, 1, 256>}, {transform_indices = @transform_4, window_bounds = array<i64: 1, 1, 256>}, {pipeline_mode = #tpu.pipeline_mode<synchronous>, transform_indices = @transform_5, window_bounds = array<i64: 256, 256>}, {pipeline_mode = #tpu.pipeline_mode<synchronous>, transform_indices = @transform_6, window_bounds = array<i64: 1, 256>}, {pipeline_mode = #tpu.pipeline_mode<synchronous>, transform_indices = @transform_7, window_bounds = array<i64: 1, 256>}, {pipeline_mode = #tpu.pipeline_mode<synchronous>, transform_indices = @transform_8, window_bounds = array<i64: 32, 1>}, {pipeline_mode = #tpu.pipeline_mode<synchronous>, transform_indices = @transform_9, window_bounds = array<i64: 32, 256>}, {pipeline_mode = #tpu.pipeline_mode<synchronous>, transform_indices = @transform_10, window_bounds = array<i64: 32, 96>}, {pipeline_mode = #tpu.pipeline_mode<synchronous>, transform_indices = @transform_11, window_bounds = array<i64: 32, 1>}, {pipeline_mode = #tpu.pipeline_mode<synchronous>, transform_indices = @transform_12, window_bounds = array<i64: 32, 96>}, {pipeline_mode = #tpu.pipeline_mode<synchronous>, transform_indices = @transform_13, window_bounds = array<i64: 32, 1>}, {pipeline_mode = #tpu.pipeline_mode<synchronous>, transform_indices = @transform_14, window_bounds = array<i64: 32, 96>}, {pipeline_mode = #tpu.pipeline_mode<synchronous>, transform_indices = @transform_15, window_bounds = array<i64: 32, 1>}, {pipeline_mode = #tpu.pipeline_mode<synchronous>, transform_indices = @transform_16, window_bounds = array<i64: 32, 1>}, {pipeline_mode = #tpu.pipeline_mode<synchronous>, transform_indices = @transform_17, window_bounds = array<i64: 32, 1>}, {pipeline_mode = #tpu.pipeline_mode<synchronous>, transform_indices = @transform_18, window_bounds = array<i64: 32, 64>}, {pipeline_mode = #tpu.pipeline_mode<synchronous>, transform_indices = @transform_19, window_bounds = array<i64: 1, 64>}, {pipeline_mode = #tpu.pipeline_mode<synchronous>, transform_indices = @transform_20, window_bounds = array<i64: 256, 64>}, {pipeline_mode = #tpu.pipeline_mode<synchronous>, transform_indices = @transform_21, window_bounds = array<i64: 916, 128>}, {pipeline_mode = #tpu.pipeline_mode<synchronous>, transform_indices = @transform_22, window_bounds = array<i64: 1, 64>}, {pipeline_mode = #tpu.pipeline_mode<synchronous>, transform_indices = @transform_23, window_bounds = array<i64: 1, 64>}, {pipeline_mode = #tpu.pipeline_mode<synchronous>, transform_indices = @transform_24, window_bounds = array<i64: 32, 9>}, {pipeline_mode = #tpu.pipeline_mode<synchronous>, transform_indices = @transform_25, window_bounds = array<i64: 64, 9>}, {pipeline_mode = #tpu.pipeline_mode<synchronous>, transform_indices = @transform_26, window_bounds = array<i64: 1, 9>}, {pipeline_mode = #tpu.pipeline_mode<synchronous>, transform_indices = @transform_27, window_bounds = array<i64: 64, 192>}, {pipeline_mode = #tpu.pipeline_mode<synchronous>, transform_indices = @transform_28, window_bounds = array<i64: 1, 192>}, {transform_indices = @transform_29, window_bounds = array<i64: 1, 8, 64>}, {transform_indices = @transform_30, window_bounds = array<i64: 1, 8, 192>}, {transform_indices = @transform_31, window_bounds = array<i64: 8, 32, 9>}, {transform_indices = @transform_32, window_bounds = array<i64: 1, 1, 256>}]} {
    %get3A = arith.constant 0 : index
    %get3A_0 = arith.constant 0 : index
    %get3A_1 = vector.load %arg1[%get3A, %get3A_0] : memref<256x256xf32, #tpu.memory_space<vmem>>, vector<256x256xf32>
    %reduce_sum3A = arith.constant dense<0.000000e+00> : vector<256xf32>
    %reduce_sum3A_2 = vector.multi_reduction <add>, %get3A_1, %reduce_sum3A [0] : vector<256x256xf32> to vector<256xf32>
    %broadcast_in_dim3A = vector.shape_cast %reduce_sum3A_2 : vector<256xf32> to vector<1x256xf32>
    %div3A = arith.constant 2.560000e+02 : f32
    %div3A_3 = vector.broadcast %div3A : f32 to vector<1x256xf32>
    %div3A_4 = arith.divf %broadcast_in_dim3A, %div3A_3 : vector<1x256xf32>
    %sub3A = vector.broadcast %div3A_4 : vector<1x256xf32> to vector<256x256xf32>
    %sub3A_5 = arith.subf %get3A_1, %sub3A : vector<256x256xf32>
    %integer_pow3A = arith.mulf %sub3A_5, %sub3A_5 : vector<256x256xf32>
    %reduce_sum3A_6 = arith.constant dense<0.000000e+00> : vector<256xf32>
    %reduce_sum3A_7 = vector.multi_reduction <add>, %integer_pow3A, %reduce_sum3A_6 [0] : vector<256x256xf32> to vector<256xf32>
    %broadcast_in_dim3A_8 = vector.shape_cast %reduce_sum3A_7 : vector<256xf32> to vector<1x256xf32>
    %div3A_9 = arith.constant 2.560000e+02 : f32
    %div3A_10 = vector.broadcast %div3A_9 : f32 to vector<1x256xf32>
    %div3A_11 = arith.divf %broadcast_in_dim3A_8, %div3A_10 : vector<1x256xf32>
    %add3A = arith.constant 9.99999974E-6 : f32
    %add3A_12 = vector.broadcast %add3A : f32 to vector<1x256xf32>
    %add3A_13 = arith.addf %div3A_11, %add3A_12 : vector<1x256xf32>
    %sqrt3A = math.sqrt %add3A_13 : vector<1x256xf32>
    %reshape3A = vector.shape_cast %sqrt3A : vector<1x256xf32> to vector<1x1x256xf32>
    %swap3A = arith.constant 0 : index
    %swap3A_14 = arith.constant 0 : index
    %swap3A_15 = arith.constant 0 : index
    %swap3A_16 = vector.load %arg33[%swap3A, %swap3A_14, %swap3A_15] : memref<1x1x256xf32, #tpu.memory_space<vmem>>, vector<1x1x256xf32>
    tpu.vector_store %arg33[%swap3A, %swap3A_14, %swap3A_15], %reshape3A {strides = array<i32>} : memref<1x1x256xf32, #tpu.memory_space<vmem>>, vector<1x1x256xf32>,
    %sub3A_17 = vector.broadcast %div3A_4 : vector<1x256xf32> to vector<256x256xf32>
    %sub3A_18 = arith.subf %get3A_1, %sub3A_17 : vector<256x256xf32>
    %div3A_19 = vector.broadcast %sqrt3A : vector<1x256xf32> to vector<256x256xf32>
    %div3A_20 = arith.divf %sub3A_18, %div3A_19 : vector<256x256xf32>
    %get3A_21 = arith.constant 0 : index
    %get3A_22 = arith.constant 0 : index
    %get3A_23 = vector.load %arg7[%get3A_21, %get3A_22] : memref<1x256xf32, #tpu.memory_space<vmem>>, vector<1x256xf32>
    %mul3A = vector.broadcast %get3A_23 : vector<1x256xf32> to vector<256x256xf32>
    %mul3A_24 = arith.mulf %div3A_20, %mul3A : vector<256x256xf32>
    %get3A_25 = arith.constant 0 : index
    %get3A_26 = arith.constant 0 : index
    %get3A_27 = vector.load %arg8[%get3A_25, %get3A_26] : memref<1x256xf32, #tpu.memory_space<vmem>>, vector<1x256xf32>
    %add3A_28 = vector.broadcast %get3A_27 : vector<1x256xf32> to vector<256x256xf32>
    %add3A_29 = arith.addf %mul3A_24, %add3A_28 : vector<256x256xf32>
    %broadcast_in_dim3A_30 = vector.shape_cast %add3A_29 : vector<256x256xf32> to vector<1x256x256xf32>
    %get3A_31 = arith.constant 0 : index
    %get3A_32 = arith.constant 0 : index
    %get3A_33 = vector.load %arg9[%get3A_31, %get3A_32] : memref<32x1xf32, #tpu.memory_space<vmem>>, vector<32x1xf32>
    %broadcast_in_dim3A_34 = vector.shape_cast %get3A_33 : vector<32x1xf32> to vector<32x1x1xf32>
    %mul3A_35 = vector.broadcast %broadcast_in_dim3A_30 : vector<1x256x256xf32> to vector<32x256x256xf32>
    %mul3A_36 = vector.broadcast %broadcast_in_dim3A_34 : vector<32x1x1xf32> to vector<32x256x256xf32>
    %mul3A_37 = arith.mulf %mul3A_35, %mul3A_36 : vector<32x256x256xf32>
    %get3A_38 = arith.constant 0 : index
    %get3A_39 = arith.constant 0 : index
    %get3A_40 = vector.load %arg10[%get3A_38, %get3A_39] : memref<32x256xf32, #tpu.memory_space<vmem>>, vector<32x256xf32>
    %broadcast_in_dim3A_41 = vector.shape_cast %get3A_40 : vector<32x256xf32> to vector<32x256x1xf32>
    %add3A_42 = vector.broadcast %broadcast_in_dim3A_41 : vector<32x256x1xf32> to vector<32x256x256xf32>
    %add3A_43 = arith.addf %mul3A_37, %add3A_42 : vector<32x256x256xf32>
    %reshape3A_44 = vector.shape_cast %add3A_43 : vector<32x256x256xf32> to vector<32x65536xf32>
    %convert_element_type3A = arith.truncf %reshape3A_44 : vector<32x65536xf32> to vector<32x65536xbf16>
    %broadcast_in_dim3A_45 = arith.constant 0.000000e+00 : bf16
    %broadcast_in_dim3A_46 = vector.broadcast %broadcast_in_dim3A_45 : bf16 to vector<32x512xbf16>
    %slice3A = vector.extract_strided_slice %convert_element_type3A {offsets = [0, 0], sizes = [32, 65024], strides = [1, 1]} : vector<32x65536xbf16> to vector<32x65024xbf16>
    %concatenate3A = tpu.concatenate %broadcast_in_dim3A_46, %slice3A in 1 : vector<32x512xbf16>, vector<32x65024xbf16> -> vector<32x65536xbf16>
    %broadcast_in_dim3A_47 = arith.constant 0.000000e+00 : bf16
    %broadcast_in_dim3A_48 = vector.broadcast %broadcast_in_dim3A_47 : bf16 to vector<32x256xbf16>
    %slice3A_49 = vector.extract_strided_slice %convert_element_type3A {offsets = [0, 0], sizes = [32, 65280], strides = [1, 1]} : vector<32x65536xbf16> to vector<32x65280xbf16>
    %concatenate3A_50 = tpu.concatenate %broadcast_in_dim3A_48, %slice3A_49 in 1 : vector<32x256xbf16>, vector<32x65280xbf16> -> vector<32x65536xbf16>
    %concatenate3A_51 = tpu.concatenate %concatenate3A, %concatenate3A_50, %convert_element_type3A in 0 : vector<32x65536xbf16>, vector<32x65536xbf16>, vector<32x65536xbf16> -> vector<96x65536xbf16>
    %get3A_52 = arith.constant 0 : index
    %get3A_53 = arith.constant 0 : index
    %get3A_54 = vector.load %arg11[%get3A_52, %get3A_53] : memref<32x96xbf16, #tpu.memory_space<vmem>>, vector<32x96xbf16>
    %dot_general3A = arith.constant dense<0.000000e+00> : vector<32x65536xf32>
    %dot_general3A_55 = tpu.matmul %get3A_54, %concatenate3A_51, %dot_general3A {dimension_numbers = #tpu.dot_dimension_numbers<[1], [0], [0], [1], [0, 0, 1, 1], [], []>, transpose_lhs_hint = false} : vector<32x96xbf16>, vector<96x65536xbf16>, vector<32x65536xf32> -> vector<32x65536xf32>
    %get3A_56 = arith.constant 0 : index
    %get3A_57 = arith.constant 0 : index
    %get3A_58 = vector.load %arg12[%get3A_56, %get3A_57] : memref<32x1xf32, #tpu.memory_space<vmem>>, vector<32x1xf32>
    %add3A_59 = vector.broadcast %get3A_58 : vector<32x1xf32> to vector<32x65536xf32>
    %add3A_60 = arith.addf %dot_general3A_55, %add3A_59 : vector<32x65536xf32>
    %max3A = arith.constant 0.000000e+00 : f32
    %max3A_61 = vector.broadcast %max3A : f32 to vector<32x65536xf32>
    %max3A_62 = arith.maximumf %add3A_60, %max3A_61 : vector<32x65536xf32>
    %convert_element_type3A_63 = arith.truncf %max3A_62 : vector<32x65536xf32> to vector<32x65536xbf16>
    %broadcast_in_dim3A_64 = arith.constant 0.000000e+00 : bf16
    %broadcast_in_dim3A_65 = vector.broadcast %broadcast_in_dim3A_64 : bf16 to vector<32x1024xbf16>
    %slice3A_66 = vector.extract_strided_slice %convert_element_type3A_63 {offsets = [0, 0], sizes = [32, 64512], strides = [1, 1]} : vector<32x65536xbf16> to vector<32x64512xbf16>
    %concatenate3A_67 = tpu.concatenate %broadcast_in_dim3A_65, %slice3A_66 in 1 : vector<32x1024xbf16>, vector<32x64512xbf16> -> vector<32x65536xbf16>
    %broadcast_in_dim3A_68 = arith.constant 0.000000e+00 : bf16
    %broadcast_in_dim3A_69 = vector.broadcast %broadcast_in_dim3A_68 : bf16 to vector<32x512xbf16>
    %slice3A_70 = vector.extract_strided_slice %convert_element_type3A_63 {offsets = [0, 0], sizes = [32, 65024], strides = [1, 1]} : vector<32x65536xbf16> to vector<32x65024xbf16>
    %concatenate3A_71 = tpu.concatenate %broadcast_in_dim3A_69, %slice3A_70 in 1 : vector<32x512xbf16>, vector<32x65024xbf16> -> vector<32x65536xbf16>
    %concatenate3A_72 = tpu.concatenate %concatenate3A_67, %concatenate3A_71, %convert_element_type3A_63 in 0 : vector<32x65536xbf16>, vector<32x65536xbf16>, vector<32x65536xbf16> -> vector<96x65536xbf16>
    %get3A_73 = arith.constant 0 : index
    %get3A_74 = arith.constant 0 : index
    %get3A_75 = vector.load %arg13[%get3A_73, %get3A_74] : memref<32x96xbf16, #tpu.memory_space<vmem>>, vector<32x96xbf16>
    %dot_general3A_76 = arith.constant dense<0.000000e+00> : vector<32x65536xf32>
    %dot_general3A_77 = tpu.matmul %get3A_75, %concatenate3A_72, %dot_general3A_76 {dimension_numbers = #tpu.dot_dimension_numbers<[1], [0], [0], [1], [0, 0, 1, 1], [], []>, transpose_lhs_hint = false} : vector<32x96xbf16>, vector<96x65536xbf16>, vector<32x65536xf32> -> vector<32x65536xf32>
    %get3A_78 = arith.constant 0 : index
    %get3A_79 = arith.constant 0 : index
    %get3A_80 = vector.load %arg14[%get3A_78, %get3A_79] : memref<32x1xf32, #tpu.memory_space<vmem>>, vector<32x1xf32>
    %add3A_81 = vector.broadcast %get3A_80 : vector<32x1xf32> to vector<32x65536xf32>
    %add3A_82 = arith.addf %dot_general3A_77, %add3A_81 : vector<32x65536xf32>
    %max3A_83 = arith.constant 0.000000e+00 : f32
    %max3A_84 = vector.broadcast %max3A_83 : f32 to vector<32x65536xf32>
    %max3A_85 = arith.maximumf %add3A_82, %max3A_84 : vector<32x65536xf32>
    %convert_element_type3A_86 = arith.truncf %max3A_85 : vector<32x65536xf32> to vector<32x65536xbf16>
    %broadcast_in_dim3A_87 = arith.constant 0.000000e+00 : bf16
    %broadcast_in_dim3A_88 = vector.broadcast %broadcast_in_dim3A_87 : bf16 to vector<32x2048xbf16>
    %slice3A_89 = vector.extract_strided_slice %convert_element_type3A_86 {offsets = [0, 0], sizes = [32, 63488], strides = [1, 1]} : vector<32x65536xbf16> to vector<32x63488xbf16>
    %concatenate3A_90 = tpu.concatenate %broadcast_in_dim3A_88, %slice3A_89 in 1 : vector<32x2048xbf16>, vector<32x63488xbf16> -> vector<32x65536xbf16>
    %broadcast_in_dim3A_91 = arith.constant 0.000000e+00 : bf16
    %broadcast_in_dim3A_92 = vector.broadcast %broadcast_in_dim3A_91 : bf16 to vector<32x1024xbf16>
    %slice3A_93 = vector.extract_strided_slice %convert_element_type3A_86 {offsets = [0, 0], sizes = [32, 64512], strides = [1, 1]} : vector<32x65536xbf16> to vector<32x64512xbf16>
    %concatenate3A_94 = tpu.concatenate %broadcast_in_dim3A_92, %slice3A_93 in 1 : vector<32x1024xbf16>, vector<32x64512xbf16> -> vector<32x65536xbf16>
    %concatenate3A_95 = tpu.concatenate %concatenate3A_90, %concatenate3A_94, %convert_element_type3A_86 in 0 : vector<32x65536xbf16>, vector<32x65536xbf16>, vector<32x65536xbf16> -> vector<96x65536xbf16>
    %get3A_96 = arith.constant 0 : index
    %get3A_97 = arith.constant 0 : index
    %get3A_98 = vector.load %arg15[%get3A_96, %get3A_97] : memref<32x96xbf16, #tpu.memory_space<vmem>>, vector<32x96xbf16>
    %dot_general3A_99 = arith.constant dense<0.000000e+00> : vector<32x65536xf32>
    %dot_general3A_100 = tpu.matmul %get3A_98, %concatenate3A_95, %dot_general3A_99 {dimension_numbers = #tpu.dot_dimension_numbers<[1], [0], [0], [1], [0, 0, 1, 1], [], []>, transpose_lhs_hint = false} : vector<32x96xbf16>, vector<96x65536xbf16>, vector<32x65536xf32> -> vector<32x65536xf32>
    %get3A_101 = arith.constant 0 : index
    %get3A_102 = arith.constant 0 : index
    %get3A_103 = vector.load %arg16[%get3A_101, %get3A_102] : memref<32x1xf32, #tpu.memory_space<vmem>>, vector<32x1xf32>
    %add3A_104 = vector.broadcast %get3A_103 : vector<32x1xf32> to vector<32x65536xf32>
    %add3A_105 = arith.addf %dot_general3A_100, %add3A_104 : vector<32x65536xf32>
    %max3A_106 = arith.constant 0.000000e+00 : f32
    %max3A_107 = vector.broadcast %max3A_106 : f32 to vector<32x65536xf32>
    %max3A_108 = arith.maximumf %add3A_105, %max3A_107 : vector<32x65536xf32>
    %reduce_sum3A_109 = arith.constant dense<0.000000e+00> : vector<65536xf32>
    %reduce_sum3A_110 = vector.multi_reduction <add>, %max3A_108, %reduce_sum3A_109 [0] : vector<32x65536xf32> to vector<65536xf32>
    %broadcast_in_dim3A_111 = vector.shape_cast %reduce_sum3A_110 : vector<65536xf32> to vector<1x65536xf32>
    %div3A_112 = arith.constant 3.200000e+01 : f32
    %div3A_113 = vector.broadcast %div3A_112 : f32 to vector<1x65536xf32>
    %div3A_114 = arith.divf %broadcast_in_dim3A_111, %div3A_113 : vector<1x65536xf32>
    %sub3A_115 = vector.broadcast %div3A_114 : vector<1x65536xf32> to vector<32x65536xf32>
    %sub3A_116 = arith.subf %max3A_108, %sub3A_115 : vector<32x65536xf32>
    %integer_pow3A_117 = arith.mulf %sub3A_116, %sub3A_116 : vector<32x65536xf32>
    %reduce_sum3A_118 = arith.constant dense<0.000000e+00> : vector<65536xf32>
    %reduce_sum3A_119 = vector.multi_reduction <add>, %integer_pow3A_117, %reduce_sum3A_118 [0] : vector<32x65536xf32> to vector<65536xf32>
    %broadcast_in_dim3A_120 = vector.shape_cast %reduce_sum3A_119 : vector<65536xf32> to vector<1x65536xf32>
    %div3A_121 = arith.constant 3.200000e+01 : f32
    %div3A_122 = vector.broadcast %div3A_121 : f32 to vector<1x65536xf32>
    %div3A_123 = arith.divf %broadcast_in_dim3A_120, %div3A_122 : vector<1x65536xf32>
    %sub3A_124 = vector.broadcast %div3A_114 : vector<1x65536xf32> to vector<32x65536xf32>
    %sub3A_125 = arith.subf %max3A_108, %sub3A_124 : vector<32x65536xf32>
    %add3A_126 = arith.constant 9.99999974E-6 : f32
    %add3A_127 = vector.broadcast %add3A_126 : f32 to vector<1x65536xf32>
    %add3A_128 = arith.addf %div3A_123, %add3A_127 : vector<1x65536xf32>
    %rsqrt3A = math.rsqrt %add3A_128 : vector<1x65536xf32>
    %mul3A_129 = vector.broadcast %rsqrt3A : vector<1x65536xf32> to vector<32x65536xf32>
    %mul3A_130 = arith.mulf %sub3A_125, %mul3A_129 : vector<32x65536xf32>
    %get3A_131 = arith.constant 0 : index
    %get3A_132 = arith.constant 0 : index
    %get3A_133 = vector.load %arg17[%get3A_131, %get3A_132] : memref<32x1xf32, #tpu.memory_space<vmem>>, vector<32x1xf32>
    %mul3A_134 = vector.broadcast %get3A_133 : vector<32x1xf32> to vector<32x65536xf32>
    %mul3A_135 = arith.mulf %mul3A_130, %mul3A_134 : vector<32x65536xf32>
    %get3A_136 = arith.constant 0 : index
    %get3A_137 = arith.constant 0 : index
    %get3A_138 = vector.load %arg18[%get3A_136, %get3A_137] : memref<32x1xf32, #tpu.memory_space<vmem>>, vector<32x1xf32>
    %add3A_139 = vector.broadcast %get3A_138 : vector<32x1xf32> to vector<32x65536xf32>
    %add3A_140 = arith.addf %mul3A_135, %add3A_139 : vector<32x65536xf32>
    %reshape3A_141 = vector.shape_cast %add3A_140 : vector<32x65536xf32> to vector<32x256x256xf32>
    %get3A_142 = arith.constant 0 : index
    %get3A_143 = arith.constant 0 : index
    %get3A_144 = arith.constant 0 : index
    %get3A_145 = vector.load %arg4[%get3A_142, %get3A_143, %get3A_144] : memref<1x1x256xf32, #tpu.memory_space<vmem>>, vector<1x1x256xf32>
    %get3A_146 = vector.shape_cast %get3A_145 : vector<1x1x256xf32> to vector<1x256xf32>
    %reduce_sum3A_147 = arith.constant dense<0.000000e+00> : vector<32x256xf32>
    %reduce_sum3A_148 = vector.multi_reduction <add>, %reshape3A_141, %reduce_sum3A_147 [1] : vector<32x256x256xf32> to vector<32x256xf32>
    %div3A_149 = arith.constant 2.560000e+02 : f32
    %div3A_150 = vector.broadcast %div3A_149 : f32 to vector<32x256xf32>
    %div3A_151 = arith.divf %reduce_sum3A_148, %div3A_150 : vector<32x256xf32>
    %mul3A_152 = vector.broadcast %get3A_146 : vector<1x256xf32> to vector<32x256xf32>
    %mul3A_153 = arith.mulf %div3A_151, %mul3A_152 : vector<32x256xf32>
    %slice3A_154 = vector.extract_strided_slice %reshape3A_141 {offsets = [0, 255, 0], sizes = [32, 1, 256], strides = [1, 1, 1]} : vector<32x256x256xf32> to vector<32x1x256xf32>
    %squeeze3A = vector.shape_cast %slice3A_154 : vector<32x1x256xf32> to vector<32x256xf32>
    %mul3A_155 = vector.broadcast %get3A_146 : vector<1x256xf32> to vector<32x256xf32>
    %mul3A_156 = arith.mulf %squeeze3A, %mul3A_155 : vector<32x256xf32>
    %transpose3A = tpu.transpose %mul3A_153, [1, 0] : vector<32x256xf32> -> vector<256x32xf32>
    %transpose3A_157 = tpu.transpose %mul3A_156, [1, 0] : vector<32x256xf32> -> vector<256x32xf32>
    %get3A_158 = arith.constant 0 : index
    %get3A_159 = arith.constant 0 : index
    %get3A_160 = vector.load %arg3[%get3A_158, %get3A_159] : memref<256x1xf32, #tpu.memory_space<vmem>>, vector<256x1xf32>
    %get3A_161 = arith.constant 0 : index
    %get3A_162 = arith.constant 0 : index
    %get3A_163 = vector.load %arg19[%get3A_161, %get3A_162] : memref<32x64xf32, #tpu.memory_space<vmem>>, vector<32x64xf32>
    %dot_general3A_164 = arith.constant dense<0.000000e+00> : vector<256x64xf32>
    %dot_general3A_165 = tpu.matmul %transpose3A, %get3A_163, %dot_general3A_164 {dimension_numbers = #tpu.dot_dimension_numbers<[1], [0], [0], [1], [0, 0, 1, 1], [], []>, transpose_lhs_hint = false} : vector<256x32xf32>, vector<32x64xf32>, vector<256x64xf32> -> vector<256x64xf32>
    %get3A_166 = arith.constant 0 : index
    %get3A_167 = arith.constant 0 : index
    %get3A_168 = vector.load %arg20[%get3A_166, %get3A_167] : memref<1x64xf32, #tpu.memory_space<vmem>>, vector<1x64xf32>
    %add3A_169 = vector.broadcast %get3A_168 : vector<1x64xf32> to vector<256x64xf32>
    %add3A_170 = arith.addf %dot_general3A_165, %add3A_169 : vector<256x64xf32>
    %get3A_171 = arith.constant 0 : index
    %get3A_172 = arith.constant 0 : index
    %get3A_173 = vector.load %arg21[%get3A_171, %get3A_172] : memref<256x64xf32, #tpu.memory_space<vmem>>, vector<256x64xf32>
    %add3A_174 = arith.addf %add3A_170, %get3A_173 : vector<256x64xf32>
    %get3A_175 = arith.constant 0 : index
    %get3A_176 = arith.constant 0 : index
    %get3A_177 = vector.load %arg22[%get3A_175, %get3A_176] : memref<916x128xf32, #tpu.memory_space<vmem>>, vector<916x128xf32>
    %get3A_178 = arith.constant 0 : index
    %get3A_179 = arith.constant 0 : index
    %get3A_180 = arith.constant 0 : index
    %get3A_181 = vector.load %arg2[%get3A_178, %get3A_179, %get3A_180] : memref<1x8x32xf32, #tpu.memory_space<vmem>>, vector<1x8x32xf32>
    %get3A_182 = vector.shape_cast %get3A_181 : vector<1x8x32xf32> to vector<8x32xf32>
    %get3A_183 = arith.constant 0 : index
    %get3A_184 = arith.constant 0 : index
    %get3A_185 = vector.load %arg6[%get3A_183, %get3A_184] : memref<256x256xf32, #tpu.memory_space<vmem>>, vector<256x256xf32>
    %get3A_186 = arith.constant 0 : index
    %get3A_187 = arith.constant 0 : index
    %get3A_188 = arith.constant 0 : index
    %get3A_189 = vector.load %arg5[%get3A_186, %get3A_187, %get3A_188] : memref<1x1x256xf32, #tpu.memory_space<vmem>>, vector<1x1x256xf32>
    %get3A_190 = vector.shape_cast %get3A_189 : vector<1x1x256xf32> to vector<1x256xf32>
    %add3A_191 = vector.broadcast %get3A_190 : vector<1x256xf32> to vector<256x256xf32>
    %add3A_192 = arith.addf %get3A_185, %add3A_191 : vector<256x256xf32>
    %slice3A_193 = vector.extract_strided_slice %get3A_177 {offsets = [0, 0], sizes = [1, 64], strides = [1, 1]} : vector<916x128xf32> to vector<1x64xf32>
    %slice3A_194 = vector.extract_strided_slice %get3A_177 {offsets = [1, 0], sizes = [1, 64], strides = [1, 1]} : vector<916x128xf32> to vector<1x64xf32>
    %slice3A_195 = vector.extract_strided_slice %get3A_177 {offsets = [2, 0], sizes = [64, 64], strides = [1, 1]} : vector<916x128xf32> to vector<64x64xf32>
    %slice3A_196 = vector.extract_strided_slice %get3A_177 {offsets = [66, 0], sizes = [1, 64], strides = [1, 1]} : vector<916x128xf32> to vector<1x64xf32>
    %slice3A_197 = vector.extract_strided_slice %get3A_177 {offsets = [67, 0], sizes = [64, 64], strides = [1, 1]} : vector<916x128xf32> to vector<64x64xf32>
    %slice3A_198 = vector.extract_strided_slice %get3A_177 {offsets = [131, 0], sizes = [1, 64], strides = [1, 1]} : vector<916x128xf32> to vector<1x64xf32>
    %slice3A_199 = vector.extract_strided_slice %get3A_177 {offsets = [132, 0], sizes = [64, 64], strides = [1, 1]} : vector<916x128xf32> to vector<64x64xf32>
    %slice3A_200 = vector.extract_strided_slice %get3A_177 {offsets = [196, 0], sizes = [1, 64], strides = [1, 1]} : vector<916x128xf32> to vector<1x64xf32>
    %slice3A_201 = vector.extract_strided_slice %get3A_177 {offsets = [197, 0], sizes = [64, 64], strides = [1, 1]} : vector<916x128xf32> to vector<64x64xf32>
    %slice3A_202 = vector.extract_strided_slice %get3A_177 {offsets = [261, 0], sizes = [1, 64], strides = [1, 1]} : vector<916x128xf32> to vector<1x64xf32>
    %slice3A_203 = vector.extract_strided_slice %get3A_177 {offsets = [262, 0], sizes = [1, 64], strides = [1, 1]} : vector<916x128xf32> to vector<1x64xf32>
    %slice3A_204 = vector.extract_strided_slice %get3A_177 {offsets = [263, 0], sizes = [1, 64], strides = [1, 1]} : vector<916x128xf32> to vector<1x64xf32>
    %slice3A_205 = vector.extract_strided_slice %get3A_177 {offsets = [264, 0], sizes = [64, 128], strides = [1, 1]} : vector<916x128xf32> to vector<64x128xf32>
    %slice3A_206 = vector.extract_strided_slice %get3A_177 {offsets = [328, 0], sizes = [1, 128], strides = [1, 1]} : vector<916x128xf32> to vector<1x128xf32>
    %slice3A_207 = vector.extract_strided_slice %get3A_177 {offsets = [329, 0], sizes = [128, 64], strides = [1, 1]} : vector<916x128xf32> to vector<128x64xf32>
    %slice3A_208 = vector.extract_strided_slice %get3A_177 {offsets = [457, 0], sizes = [1, 64], strides = [1, 1]} : vector<916x128xf32> to vector<1x64xf32>
    %reduce_sum3A_209 = arith.constant dense<0.000000e+00> : vector<256xf32>
    %reduce_sum3A_210 = vector.multi_reduction <add>, %add3A_174, %reduce_sum3A_209 [1] : vector<256x64xf32> to vector<256xf32>
    %broadcast_in_dim3A_211 = vector.shape_cast %reduce_sum3A_210 : vector<256xf32> to vector<256x1xf32>
    %div3A_212 = arith.constant 6.400000e+01 : f32
    %div3A_213 = vector.broadcast %div3A_212 : f32 to vector<256x1xf32>
    %div3A_214 = arith.divf %broadcast_in_dim3A_211, %div3A_213 : vector<256x1xf32>
    %sub3A_215 = vector.broadcast %div3A_214 : vector<256x1xf32> to vector<256x64xf32>
    %sub3A_216 = arith.subf %add3A_174, %sub3A_215 : vector<256x64xf32>
    %integer_pow3A_217 = arith.mulf %sub3A_216, %sub3A_216 : vector<256x64xf32>
    %reduce_sum3A_218 = arith.constant dense<0.000000e+00> : vector<256xf32>
    %reduce_sum3A_219 = vector.multi_reduction <add>, %integer_pow3A_217, %reduce_sum3A_218 [1] : vector<256x64xf32> to vector<256xf32>
    %broadcast_in_dim3A_220 = vector.shape_cast %reduce_sum3A_219 : vector<256xf32> to vector<256x1xf32>
    %div3A_221 = arith.constant 6.400000e+01 : f32
    %div3A_222 = vector.broadcast %div3A_221 : f32 to vector<256x1xf32>
    %div3A_223 = arith.divf %broadcast_in_dim3A_220, %div3A_222 : vector<256x1xf32>
    %sub3A_224 = vector.broadcast %div3A_214 : vector<256x1xf32> to vector<256x64xf32>
    %sub3A_225 = arith.subf %add3A_174, %sub3A_224 : vector<256x64xf32>
    %add3A_226 = arith.constant 9.99999974E-6 : f32
    %add3A_227 = vector.broadcast %add3A_226 : f32 to vector<256x1xf32>
    %add3A_228 = arith.addf %div3A_223, %add3A_227 : vector<256x1xf32>
    %rsqrt3A_229 = math.rsqrt %add3A_228 : vector<256x1xf32>
    %mul3A_230 = vector.broadcast %rsqrt3A_229 : vector<256x1xf32> to vector<256x64xf32>
    %mul3A_231 = arith.mulf %sub3A_225, %mul3A_230 : vector<256x64xf32>
    %mul3A_232 = vector.broadcast %slice3A_193 : vector<1x64xf32> to vector<256x64xf32>
    %mul3A_233 = arith.mulf %mul3A_231, %mul3A_232 : vector<256x64xf32>
    %add3A_234 = vector.broadcast %slice3A_194 : vector<1x64xf32> to vector<256x64xf32>
    %add3A_235 = arith.addf %mul3A_233, %add3A_234 : vector<256x64xf32>
    %dot_general3A_236 = arith.constant dense<0.000000e+00> : vector<256x64xf32>
    %dot_general3A_237 = tpu.matmul %add3A_235, %slice3A_195, %dot_general3A_236 {dimension_numbers = #tpu.dot_dimension_numbers<[1], [0], [0], [1], [0, 0, 1, 1], [], []>, transpose_lhs_hint = false} : vector<256x64xf32>, vector<64x64xf32>, vector<256x64xf32> -> vector<256x64xf32>
    %add3A_238 = vector.broadcast %slice3A_196 : vector<1x64xf32> to vector<256x64xf32>
    %add3A_239 = arith.addf %dot_general3A_237, %add3A_238 : vector<256x64xf32>
    %dot_general3A_240 = arith.constant dense<0.000000e+00> : vector<256x64xf32>
    %dot_general3A_241 = tpu.matmul %add3A_235, %slice3A_197, %dot_general3A_240 {dimension_numbers = #tpu.dot_dimension_numbers<[1], [0], [0], [1], [0, 0, 1, 1], [], []>, transpose_lhs_hint = false} : vector<256x64xf32>, vector<64x64xf32>, vector<256x64xf32> -> vector<256x64xf32>
    %add3A_242 = vector.broadcast %slice3A_198 : vector<1x64xf32> to vector<256x64xf32>
    %add3A_243 = arith.addf %dot_general3A_241, %add3A_242 : vector<256x64xf32>
    %dot_general3A_244 = arith.constant dense<0.000000e+00> : vector<256x64xf32>
    %dot_general3A_245 = tpu.matmul %add3A_235, %slice3A_199, %dot_general3A_244 {dimension_numbers = #tpu.dot_dimension_numbers<[1], [0], [0], [1], [0, 0, 1, 1], [], []>, transpose_lhs_hint = false} : vector<256x64xf32>, vector<64x64xf32>, vector<256x64xf32> -> vector<256x64xf32>
    %add3A_246 = vector.broadcast %slice3A_200 : vector<1x64xf32> to vector<256x64xf32>
    %add3A_247 = arith.addf %dot_general3A_245, %add3A_246 : vector<256x64xf32>
    %slice3A_248 = vector.extract_strided_slice %add3A_239 {offsets = [0, 0], sizes = [256, 16], strides = [1, 1]} : vector<256x64xf32> to vector<256x16xf32>
    %slice3A_249 = vector.extract_strided_slice %add3A_243 {offsets = [0, 0], sizes = [256, 16], strides = [1, 1]} : vector<256x64xf32> to vector<256x16xf32>
    %dot_general3A_250 = arith.constant dense<0.000000e+00> : vector<256x256xf32>
    %dot_general3A_251 = tpu.matmul %slice3A_248, %slice3A_249, %dot_general3A_250 {dimension_numbers = #tpu.dot_dimension_numbers<[1], [1], [0], [0], [0, 0, 1, 0], [], []>, transpose_lhs_hint = false} : vector<256x16xf32>, vector<256x16xf32>, vector<256x256xf32> -> vector<256x256xf32>
    %mul3A_252 = arith.constant 2.500000e-01 : f32
    %mul3A_253 = vector.broadcast %mul3A_252 : f32 to vector<256x256xf32>
    %mul3A_254 = arith.mulf %dot_general3A_251, %mul3A_253 : vector<256x256xf32>
    %add3A_255 = arith.addf %mul3A_254, %add3A_192 : vector<256x256xf32>
    %reduce_max3A = arith.constant dense<0xFF800000> : vector<256xf32>
    %reduce_max3A_256 = vector.multi_reduction <maximumf>, %add3A_255, %reduce_max3A [1] : vector<256x256xf32> to vector<256xf32>
    %max3A_257 = arith.constant 0xFF800000 : f32
    %max3A_258 = vector.broadcast %max3A_257 : f32 to vector<256xf32>
    %max3A_259 = arith.maximumf %max3A_258, %reduce_max3A_256 : vector<256xf32>
    %broadcast_in_dim3A_260 = vector.shape_cast %max3A_259 : vector<256xf32> to vector<256x1xf32>
    %sub3A_261 = vector.broadcast %broadcast_in_dim3A_260 : vector<256x1xf32> to vector<256x256xf32>
    %sub3A_262 = arith.subf %add3A_255, %sub3A_261 : vector<256x256xf32>
    %exp3A = math.exp %sub3A_262 : vector<256x256xf32>
    %reduce_sum3A_263 = arith.constant dense<0.000000e+00> : vector<256xf32>
    %reduce_sum3A_264 = vector.multi_reduction <add>, %exp3A, %reduce_sum3A_263 [1] : vector<256x256xf32> to vector<256xf32>
    %broadcast_in_dim3A_265 = vector.shape_cast %reduce_sum3A_264 : vector<256xf32> to vector<256x1xf32>
    %div3A_266 = vector.broadcast %broadcast_in_dim3A_265 : vector<256x1xf32> to vector<256x256xf32>
    %div3A_267 = arith.divf %exp3A, %div3A_266 : vector<256x256xf32>
    %slice3A_268 = vector.extract_strided_slice %add3A_247 {offsets = [0, 0], sizes = [256, 16], strides = [1, 1]} : vector<256x64xf32> to vector<256x16xf32>
    %dot_general3A_269 = arith.constant dense<0.000000e+00> : vector<256x16xf32>
    %dot_general3A_270 = tpu.matmul %div3A_267, %slice3A_268, %dot_general3A_269 {dimension_numbers = #tpu.dot_dimension_numbers<[1], [0], [0], [1], [0, 0, 1, 1], [], []>, transpose_lhs_hint = false} : vector<256x256xf32>, vector<256x16xf32>, vector<256x16xf32> -> vector<256x16xf32>
    %slice3A_271 = vector.extract_strided_slice %add3A_239 {offsets = [0, 16], sizes = [256, 16], strides = [1, 1]} : vector<256x64xf32> to vector<256x16xf32>
    %slice3A_272 = vector.extract_strided_slice %add3A_243 {offsets = [0, 16], sizes = [256, 16], strides = [1, 1]} : vector<256x64xf32> to vector<256x16xf32>
    %dot_general3A_273 = arith.constant dense<0.000000e+00> : vector<256x256xf32>
    %dot_general3A_274 = tpu.matmul %slice3A_271, %slice3A_272, %dot_general3A_273 {dimension_numbers = #tpu.dot_dimension_numbers<[1], [1], [0], [0], [0, 0, 1, 0], [], []>, transpose_lhs_hint = false} : vector<256x16xf32>, vector<256x16xf32>, vector<256x256xf32> -> vector<256x256xf32>
    %mul3A_275 = arith.constant 2.500000e-01 : f32
    %mul3A_276 = vector.broadcast %mul3A_275 : f32 to vector<256x256xf32>
    %mul3A_277 = arith.mulf %dot_general3A_274, %mul3A_276 : vector<256x256xf32>
    %add3A_278 = arith.addf %mul3A_277, %add3A_192 : vector<256x256xf32>
    %reduce_max3A_279 = arith.constant dense<0xFF800000> : vector<256xf32>
    %reduce_max3A_280 = vector.multi_reduction <maximumf>, %add3A_278, %reduce_max3A_279 [1] : vector<256x256xf32> to vector<256xf32>
    %max3A_281 = arith.constant 0xFF800000 : f32
    %max3A_282 = vector.broadcast %max3A_281 : f32 to vector<256xf32>
    %max3A_283 = arith.maximumf %max3A_282, %reduce_max3A_280 : vector<256xf32>
    %broadcast_in_dim3A_284 = vector.shape_cast %max3A_283 : vector<256xf32> to vector<256x1xf32>
    %sub3A_285 = vector.broadcast %broadcast_in_dim3A_284 : vector<256x1xf32> to vector<256x256xf32>
    %sub3A_286 = arith.subf %add3A_278, %sub3A_285 : vector<256x256xf32>
    %exp3A_287 = math.exp %sub3A_286 : vector<256x256xf32>
    %reduce_sum3A_288 = arith.constant dense<0.000000e+00> : vector<256xf32>
    %reduce_sum3A_289 = vector.multi_reduction <add>, %exp3A_287, %reduce_sum3A_288 [1] : vector<256x256xf32> to vector<256xf32>
    %broadcast_in_dim3A_290 = vector.shape_cast %reduce_sum3A_289 : vector<256xf32> to vector<256x1xf32>
    %div3A_291 = vector.broadcast %broadcast_in_dim3A_290 : vector<256x1xf32> to vector<256x256xf32>
    %div3A_292 = arith.divf %exp3A_287, %div3A_291 : vector<256x256xf32>
    %slice3A_293 = vector.extract_strided_slice %add3A_247 {offsets = [0, 16], sizes = [256, 16], strides = [1, 1]} : vector<256x64xf32> to vector<256x16xf32>
    %dot_general3A_294 = arith.constant dense<0.000000e+00> : vector<256x16xf32>
    %dot_general3A_295 = tpu.matmul %div3A_292, %slice3A_293, %dot_general3A_294 {dimension_numbers = #tpu.dot_dimension_numbers<[1], [0], [0], [1], [0, 0, 1, 1], [], []>, transpose_lhs_hint = false} : vector<256x256xf32>, vector<256x16xf32>, vector<256x16xf32> -> vector<256x16xf32>
    %slice3A_296 = vector.extract_strided_slice %add3A_239 {offsets = [0, 32], sizes = [256, 16], strides = [1, 1]} : vector<256x64xf32> to vector<256x16xf32>
    %slice3A_297 = vector.extract_strided_slice %add3A_243 {offsets = [0, 32], sizes = [256, 16], strides = [1, 1]} : vector<256x64xf32> to vector<256x16xf32>
    %dot_general3A_298 = arith.constant dense<0.000000e+00> : vector<256x256xf32>
    %dot_general3A_299 = tpu.matmul %slice3A_296, %slice3A_297, %dot_general3A_298 {dimension_numbers = #tpu.dot_dimension_numbers<[1], [1], [0], [0], [0, 0, 1, 0], [], []>, transpose_lhs_hint = false} : vector<256x16xf32>, vector<256x16xf32>, vector<256x256xf32> -> vector<256x256xf32>
    %mul3A_300 = arith.constant 2.500000e-01 : f32
    %mul3A_301 = vector.broadcast %mul3A_300 : f32 to vector<256x256xf32>
    %mul3A_302 = arith.mulf %dot_general3A_299, %mul3A_301 : vector<256x256xf32>
    %add3A_303 = arith.addf %mul3A_302, %add3A_192 : vector<256x256xf32>
    %reduce_max3A_304 = arith.constant dense<0xFF800000> : vector<256xf32>
    %reduce_max3A_305 = vector.multi_reduction <maximumf>, %add3A_303, %reduce_max3A_304 [1] : vector<256x256xf32> to vector<256xf32>
    %max3A_306 = arith.constant 0xFF800000 : f32
    %max3A_307 = vector.broadcast %max3A_306 : f32 to vector<256xf32>
    %max3A_308 = arith.maximumf %max3A_307, %reduce_max3A_305 : vector<256xf32>
    %broadcast_in_dim3A_309 = vector.shape_cast %max3A_308 : vector<256xf32> to vector<256x1xf32>
    %sub3A_310 = vector.broadcast %broadcast_in_dim3A_309 : vector<256x1xf32> to vector<256x256xf32>
    %sub3A_311 = arith.subf %add3A_303, %sub3A_310 : vector<256x256xf32>
    %exp3A_312 = math.exp %sub3A_311 : vector<256x256xf32>
    %reduce_sum3A_313 = arith.constant dense<0.000000e+00> : vector<256xf32>
    %reduce_sum3A_314 = vector.multi_reduction <add>, %exp3A_312, %reduce_sum3A_313 [1] : vector<256x256xf32> to vector<256xf32>
    %broadcast_in_dim3A_315 = vector.shape_cast %reduce_sum3A_314 : vector<256xf32> to vector<256x1xf32>
    %div3A_316 = vector.broadcast %broadcast_in_dim3A_315 : vector<256x1xf32> to vector<256x256xf32>
    %div3A_317 = arith.divf %exp3A_312, %div3A_316 : vector<256x256xf32>
    %slice3A_318 = vector.extract_strided_slice %add3A_247 {offsets = [0, 32], sizes = [256, 16], strides = [1, 1]} : vector<256x64xf32> to vector<256x16xf32>
    %dot_general3A_319 = arith.constant dense<0.000000e+00> : vector<256x16xf32>
    %dot_general3A_320 = tpu.matmul %div3A_317, %slice3A_318, %dot_general3A_319 {dimension_numbers = #tpu.dot_dimension_numbers<[1], [0], [0], [1], [0, 0, 1, 1], [], []>, transpose_lhs_hint = false} : vector<256x256xf32>, vector<256x16xf32>, vector<256x16xf32> -> vector<256x16xf32>
    %slice3A_321 = vector.extract_strided_slice %add3A_239 {offsets = [0, 48], sizes = [256, 16], strides = [1, 1]} : vector<256x64xf32> to vector<256x16xf32>
    %slice3A_322 = vector.extract_strided_slice %add3A_243 {offsets = [0, 48], sizes = [256, 16], strides = [1, 1]} : vector<256x64xf32> to vector<256x16xf32>
    %dot_general3A_323 = arith.constant dense<0.000000e+00> : vector<256x256xf32>
    %dot_general3A_324 = tpu.matmul %slice3A_321, %slice3A_322, %dot_general3A_323 {dimension_numbers = #tpu.dot_dimension_numbers<[1], [1], [0], [0], [0, 0, 1, 0], [], []>, transpose_lhs_hint = false} : vector<256x16xf32>, vector<256x16xf32>, vector<256x256xf32> -> vector<256x256xf32>
    %mul3A_325 = arith.constant 2.500000e-01 : f32
    %mul3A_326 = vector.broadcast %mul3A_325 : f32 to vector<256x256xf32>
    %mul3A_327 = arith.mulf %dot_general3A_324, %mul3A_326 : vector<256x256xf32>
    %add3A_328 = arith.addf %mul3A_327, %add3A_192 : vector<256x256xf32>
    %reduce_max3A_329 = arith.constant dense<0xFF800000> : vector<256xf32>
    %reduce_max3A_330 = vector.multi_reduction <maximumf>, %add3A_328, %reduce_max3A_329 [1] : vector<256x256xf32> to vector<256xf32>
    %max3A_331 = arith.constant 0xFF800000 : f32
    %max3A_332 = vector.broadcast %max3A_331 : f32 to vector<256xf32>
    %max3A_333 = arith.maximumf %max3A_332, %reduce_max3A_330 : vector<256xf32>
    %broadcast_in_dim3A_334 = vector.shape_cast %max3A_333 : vector<256xf32> to vector<256x1xf32>
    %sub3A_335 = vector.broadcast %broadcast_in_dim3A_334 : vector<256x1xf32> to vector<256x256xf32>
    %sub3A_336 = arith.subf %add3A_328, %sub3A_335 : vector<256x256xf32>
    %exp3A_337 = math.exp %sub3A_336 : vector<256x256xf32>
    %reduce_sum3A_338 = arith.constant dense<0.000000e+00> : vector<256xf32>
    %reduce_sum3A_339 = vector.multi_reduction <add>, %exp3A_337, %reduce_sum3A_338 [1] : vector<256x256xf32> to vector<256xf32>
    %broadcast_in_dim3A_340 = vector.shape_cast %reduce_sum3A_339 : vector<256xf32> to vector<256x1xf32>
    %div3A_341 = vector.broadcast %broadcast_in_dim3A_340 : vector<256x1xf32> to vector<256x256xf32>
    %div3A_342 = arith.divf %exp3A_337, %div3A_341 : vector<256x256xf32>
    %slice3A_343 = vector.extract_strided_slice %add3A_247 {offsets = [0, 48], sizes = [256, 16], strides = [1, 1]} : vector<256x64xf32> to vector<256x16xf32>
    %dot_general3A_344 = arith.constant dense<0.000000e+00> : vector<256x16xf32>
    %dot_general3A_345 = tpu.matmul %div3A_342, %slice3A_343, %dot_general3A_344 {dimension_numbers = #tpu.dot_dimension_numbers<[1], [0], [0], [1], [0, 0, 1, 1], [], []>, transpose_lhs_hint = false} : vector<256x256xf32>, vector<256x16xf32>, vector<256x16xf32> -> vector<256x16xf32>
    %concatenate3A_346 = tpu.concatenate %dot_general3A_270, %dot_general3A_295, %dot_general3A_320, %dot_general3A_345 in 1 : vector<256x16xf32>, vector<256x16xf32>, vector<256x16xf32>, vector<256x16xf32> -> vector<256x64xf32>
    %dot_general3A_347 = arith.constant dense<0.000000e+00> : vector<256x64xf32>
    %dot_general3A_348 = tpu.matmul %concatenate3A_346, %slice3A_201, %dot_general3A_347 {dimension_numbers = #tpu.dot_dimension_numbers<[1], [0], [0], [1], [0, 0, 1, 1], [], []>, transpose_lhs_hint = false} : vector<256x64xf32>, vector<64x64xf32>, vector<256x64xf32> -> vector<256x64xf32>
    %add3A_349 = vector.broadcast %slice3A_202 : vector<1x64xf32> to vector<256x64xf32>
    %add3A_350 = arith.addf %dot_general3A_348, %add3A_349 : vector<256x64xf32>
    %add3A_351 = arith.addf %add3A_174, %add3A_350 : vector<256x64xf32>
    %reduce_sum3A_352 = arith.constant dense<0.000000e+00> : vector<256xf32>
    %reduce_sum3A_353 = vector.multi_reduction <add>, %add3A_351, %reduce_sum3A_352 [1] : vector<256x64xf32> to vector<256xf32>
    %broadcast_in_dim3A_354 = vector.shape_cast %reduce_sum3A_353 : vector<256xf32> to vector<256x1xf32>
    %div3A_355 = arith.constant 6.400000e+01 : f32
    %div3A_356 = vector.broadcast %div3A_355 : f32 to vector<256x1xf32>
    %div3A_357 = arith.divf %broadcast_in_dim3A_354, %div3A_356 : vector<256x1xf32>
    %sub3A_358 = vector.broadcast %div3A_357 : vector<256x1xf32> to vector<256x64xf32>
    %sub3A_359 = arith.subf %add3A_351, %sub3A_358 : vector<256x64xf32>
    %integer_pow3A_360 = arith.mulf %sub3A_359, %sub3A_359 : vector<256x64xf32>
    %reduce_sum3A_361 = arith.constant dense<0.000000e+00> : vector<256xf32>
    %reduce_sum3A_362 = vector.multi_reduction <add>, %integer_pow3A_360, %reduce_sum3A_361 [1] : vector<256x64xf32> to vector<256xf32>
    %broadcast_in_dim3A_363 = vector.shape_cast %reduce_sum3A_362 : vector<256xf32> to vector<256x1xf32>
    %div3A_364 = arith.constant 6.400000e+01 : f32
    %div3A_365 = vector.broadcast %div3A_364 : f32 to vector<256x1xf32>
    %div3A_366 = arith.divf %broadcast_in_dim3A_363, %div3A_365 : vector<256x1xf32>
    %sub3A_367 = vector.broadcast %div3A_357 : vector<256x1xf32> to vector<256x64xf32>
    %sub3A_368 = arith.subf %add3A_351, %sub3A_367 : vector<256x64xf32>
    %add3A_369 = arith.constant 9.99999974E-6 : f32
    %add3A_370 = vector.broadcast %add3A_369 : f32 to vector<256x1xf32>
    %add3A_371 = arith.addf %div3A_366, %add3A_370 : vector<256x1xf32>
    %rsqrt3A_372 = math.rsqrt %add3A_371 : vector<256x1xf32>
    %mul3A_373 = vector.broadcast %rsqrt3A_372 : vector<256x1xf32> to vector<256x64xf32>
    %mul3A_374 = arith.mulf %sub3A_368, %mul3A_373 : vector<256x64xf32>
    %mul3A_375 = vector.broadcast %slice3A_203 : vector<1x64xf32> to vector<256x64xf32>
    %mul3A_376 = arith.mulf %mul3A_374, %mul3A_375 : vector<256x64xf32>
    %add3A_377 = vector.broadcast %slice3A_204 : vector<1x64xf32> to vector<256x64xf32>
    %add3A_378 = arith.addf %mul3A_376, %add3A_377 : vector<256x64xf32>
    %dot_general3A_379 = arith.constant dense<0.000000e+00> : vector<256x128xf32>
    %dot_general3A_380 = tpu.matmul %add3A_378, %slice3A_205, %dot_general3A_379 {dimension_numbers = #tpu.dot_dimension_numbers<[1], [0], [0], [1], [0, 0, 1, 1], [], []>, transpose_lhs_hint = false} : vector<256x64xf32>, vector<64x128xf32>, vector<256x128xf32> -> vector<256x128xf32>
    %add3A_381 = vector.broadcast %slice3A_206 : vector<1x128xf32> to vector<256x128xf32>
    %add3A_382 = arith.addf %dot_general3A_380, %add3A_381 : vector<256x128xf32>
    %max3A_383 = arith.constant 0.000000e+00 : f32
    %max3A_384 = vector.broadcast %max3A_383 : f32 to vector<256x128xf32>
    %max3A_385 = arith.maximumf %add3A_382, %max3A_384 : vector<256x128xf32>
    %dot_general3A_386 = arith.constant dense<0.000000e+00> : vector<256x64xf32>
    %dot_general3A_387 = tpu.matmul %max3A_385, %slice3A_207, %dot_general3A_386 {dimension_numbers = #tpu.dot_dimension_numbers<[1], [0], [0], [1], [0, 0, 1, 1], [], []>, transpose_lhs_hint = false} : vector<256x128xf32>, vector<128x64xf32>, vector<256x64xf32> -> vector<256x64xf32>
    %add3A_388 = arith.addf %add3A_351, %dot_general3A_387 : vector<256x64xf32>
    %add3A_389 = vector.broadcast %slice3A_208 : vector<1x64xf32> to vector<256x64xf32>
    %add3A_390 = arith.addf %add3A_388, %add3A_389 : vector<256x64xf32>
    %slice3A_391 = vector.extract_strided_slice %get3A_177 {offsets = [458, 0], sizes = [1, 64], strides = [1, 1]} : vector<916x128xf32> to vector<1x64xf32>
    %slice3A_392 = vector.extract_strided_slice %get3A_177 {offsets = [459, 0], sizes = [1, 64], strides = [1, 1]} : vector<916x128xf32> to vector<1x64xf32>
    %slice3A_393 = vector.extract_strided_slice %get3A_177 {offsets = [460, 0], sizes = [64, 64], strides = [1, 1]} : vector<916x128xf32> to vector<64x64xf32>
    %slice3A_394 = vector.extract_strided_slice %get3A_177 {offsets = [524, 0], sizes = [1, 64], strides = [1, 1]} : vector<916x128xf32> to vector<1x64xf32>
    %slice3A_395 = vector.extract_strided_slice %get3A_177 {offsets = [525, 0], sizes = [64, 64], strides = [1, 1]} : vector<916x128xf32> to vector<64x64xf32>
    %slice3A_396 = vector.extract_strided_slice %get3A_177 {offsets = [589, 0], sizes = [1, 64], strides = [1, 1]} : vector<916x128xf32> to vector<1x64xf32>
    %slice3A_397 = vector.extract_strided_slice %get3A_177 {offsets = [590, 0], sizes = [64, 64], strides = [1, 1]} : vector<916x128xf32> to vector<64x64xf32>
    %slice3A_398 = vector.extract_strided_slice %get3A_177 {offsets = [654, 0], sizes = [1, 64], strides = [1, 1]} : vector<916x128xf32> to vector<1x64xf32>
    %slice3A_399 = vector.extract_strided_slice %get3A_177 {offsets = [655, 0], sizes = [64, 64], strides = [1, 1]} : vector<916x128xf32> to vector<64x64xf32>
    %slice3A_400 = vector.extract_strided_slice %get3A_177 {offsets = [719, 0], sizes = [1, 64], strides = [1, 1]} : vector<916x128xf32> to vector<1x64xf32>
    %slice3A_401 = vector.extract_strided_slice %get3A_177 {offsets = [720, 0], sizes = [1, 64], strides = [1, 1]} : vector<916x128xf32> to vector<1x64xf32>
    %slice3A_402 = vector.extract_strided_slice %get3A_177 {offsets = [721, 0], sizes = [1, 64], strides = [1, 1]} : vector<916x128xf32> to vector<1x64xf32>
    %slice3A_403 = vector.extract_strided_slice %get3A_177 {offsets = [722, 0], sizes = [64, 128], strides = [1, 1]} : vector<916x128xf32> to vector<64x128xf32>
    %slice3A_404 = vector.extract_strided_slice %get3A_177 {offsets = [786, 0], sizes = [1, 128], strides = [1, 1]} : vector<916x128xf32> to vector<1x128xf32>
    %slice3A_405 = vector.extract_strided_slice %get3A_177 {offsets = [787, 0], sizes = [128, 64], strides = [1, 1]} : vector<916x128xf32> to vector<128x64xf32>
    %slice3A_406 = vector.extract_strided_slice %get3A_177 {offsets = [915, 0], sizes = [1, 64], strides = [1, 1]} : vector<916x128xf32> to vector<1x64xf32>
    %reduce_sum3A_407 = arith.constant dense<0.000000e+00> : vector<256xf32>
    %reduce_sum3A_408 = vector.multi_reduction <add>, %add3A_390, %reduce_sum3A_407 [1] : vector<256x64xf32> to vector<256xf32>
    %broadcast_in_dim3A_409 = vector.shape_cast %reduce_sum3A_408 : vector<256xf32> to vector<256x1xf32>
    %div3A_410 = arith.constant 6.400000e+01 : f32
    %div3A_411 = vector.broadcast %div3A_410 : f32 to vector<256x1xf32>
    %div3A_412 = arith.divf %broadcast_in_dim3A_409, %div3A_411 : vector<256x1xf32>
    %sub3A_413 = vector.broadcast %div3A_412 : vector<256x1xf32> to vector<256x64xf32>
    %sub3A_414 = arith.subf %add3A_390, %sub3A_413 : vector<256x64xf32>
    %integer_pow3A_415 = arith.mulf %sub3A_414, %sub3A_414 : vector<256x64xf32>
    %reduce_sum3A_416 = arith.constant dense<0.000000e+00> : vector<256xf32>
    %reduce_sum3A_417 = vector.multi_reduction <add>, %integer_pow3A_415, %reduce_sum3A_416 [1] : vector<256x64xf32> to vector<256xf32>
    %broadcast_in_dim3A_418 = vector.shape_cast %reduce_sum3A_417 : vector<256xf32> to vector<256x1xf32>
    %div3A_419 = arith.constant 6.400000e+01 : f32
    %div3A_420 = vector.broadcast %div3A_419 : f32 to vector<256x1xf32>
    %div3A_421 = arith.divf %broadcast_in_dim3A_418, %div3A_420 : vector<256x1xf32>
    %sub3A_422 = vector.broadcast %div3A_412 : vector<256x1xf32> to vector<256x64xf32>
    %sub3A_423 = arith.subf %add3A_390, %sub3A_422 : vector<256x64xf32>
    %add3A_424 = arith.constant 9.99999974E-6 : f32
    %add3A_425 = vector.broadcast %add3A_424 : f32 to vector<256x1xf32>
    %add3A_426 = arith.addf %div3A_421, %add3A_425 : vector<256x1xf32>
    %rsqrt3A_427 = math.rsqrt %add3A_426 : vector<256x1xf32>
    %mul3A_428 = vector.broadcast %rsqrt3A_427 : vector<256x1xf32> to vector<256x64xf32>
    %mul3A_429 = arith.mulf %sub3A_423, %mul3A_428 : vector<256x64xf32>
    %mul3A_430 = vector.broadcast %slice3A_391 : vector<1x64xf32> to vector<256x64xf32>
    %mul3A_431 = arith.mulf %mul3A_429, %mul3A_430 : vector<256x64xf32>
    %add3A_432 = vector.broadcast %slice3A_392 : vector<1x64xf32> to vector<256x64xf32>
    %add3A_433 = arith.addf %mul3A_431, %add3A_432 : vector<256x64xf32>
    %dot_general3A_434 = arith.constant dense<0.000000e+00> : vector<256x64xf32>
    %dot_general3A_435 = tpu.matmul %add3A_433, %slice3A_393, %dot_general3A_434 {dimension_numbers = #tpu.dot_dimension_numbers<[1], [0], [0], [1], [0, 0, 1, 1], [], []>, transpose_lhs_hint = false} : vector<256x64xf32>, vector<64x64xf32>, vector<256x64xf32> -> vector<256x64xf32>
    %add3A_436 = vector.broadcast %slice3A_394 : vector<1x64xf32> to vector<256x64xf32>
    %add3A_437 = arith.addf %dot_general3A_435, %add3A_436 : vector<256x64xf32>
    %dot_general3A_438 = arith.constant dense<0.000000e+00> : vector<256x64xf32>
    %dot_general3A_439 = tpu.matmul %add3A_433, %slice3A_395, %dot_general3A_438 {dimension_numbers = #tpu.dot_dimension_numbers<[1], [0], [0], [1], [0, 0, 1, 1], [], []>, transpose_lhs_hint = false} : vector<256x64xf32>, vector<64x64xf32>, vector<256x64xf32> -> vector<256x64xf32>
    %add3A_440 = vector.broadcast %slice3A_396 : vector<1x64xf32> to vector<256x64xf32>
    %add3A_441 = arith.addf %dot_general3A_439, %add3A_440 : vector<256x64xf32>
    %dot_general3A_442 = arith.constant dense<0.000000e+00> : vector<256x64xf32>
    %dot_general3A_443 = tpu.matmul %add3A_433, %slice3A_397, %dot_general3A_442 {dimension_numbers = #tpu.dot_dimension_numbers<[1], [0], [0], [1], [0, 0, 1, 1], [], []>, transpose_lhs_hint = false} : vector<256x64xf32>, vector<64x64xf32>, vector<256x64xf32> -> vector<256x64xf32>
    %add3A_444 = vector.broadcast %slice3A_398 : vector<1x64xf32> to vector<256x64xf32>
    %add3A_445 = arith.addf %dot_general3A_443, %add3A_444 : vector<256x64xf32>
    %slice3A_446 = vector.extract_strided_slice %add3A_437 {offsets = [0, 0], sizes = [256, 16], strides = [1, 1]} : vector<256x64xf32> to vector<256x16xf32>
    %slice3A_447 = vector.extract_strided_slice %add3A_441 {offsets = [0, 0], sizes = [256, 16], strides = [1, 1]} : vector<256x64xf32> to vector<256x16xf32>
    %dot_general3A_448 = arith.constant dense<0.000000e+00> : vector<256x256xf32>
    %dot_general3A_449 = tpu.matmul %slice3A_446, %slice3A_447, %dot_general3A_448 {dimension_numbers = #tpu.dot_dimension_numbers<[1], [1], [0], [0], [0, 0, 1, 0], [], []>, transpose_lhs_hint = false} : vector<256x16xf32>, vector<256x16xf32>, vector<256x256xf32> -> vector<256x256xf32>
    %mul3A_450 = arith.constant 2.500000e-01 : f32
    %mul3A_451 = vector.broadcast %mul3A_450 : f32 to vector<256x256xf32>
    %mul3A_452 = arith.mulf %dot_general3A_449, %mul3A_451 : vector<256x256xf32>
    %add3A_453 = arith.addf %mul3A_452, %add3A_192 : vector<256x256xf32>
    %reduce_max3A_454 = arith.constant dense<0xFF800000> : vector<256xf32>
    %reduce_max3A_455 = vector.multi_reduction <maximumf>, %add3A_453, %reduce_max3A_454 [1] : vector<256x256xf32> to vector<256xf32>
    %max3A_456 = arith.constant 0xFF800000 : f32
    %max3A_457 = vector.broadcast %max3A_456 : f32 to vector<256xf32>
    %max3A_458 = arith.maximumf %max3A_457, %reduce_max3A_455 : vector<256xf32>
    %broadcast_in_dim3A_459 = vector.shape_cast %max3A_458 : vector<256xf32> to vector<256x1xf32>
    %sub3A_460 = vector.broadcast %broadcast_in_dim3A_459 : vector<256x1xf32> to vector<256x256xf32>
    %sub3A_461 = arith.subf %add3A_453, %sub3A_460 : vector<256x256xf32>
    %exp3A_462 = math.exp %sub3A_461 : vector<256x256xf32>
    %reduce_sum3A_463 = arith.constant dense<0.000000e+00> : vector<256xf32>
    %reduce_sum3A_464 = vector.multi_reduction <add>, %exp3A_462, %reduce_sum3A_463 [1] : vector<256x256xf32> to vector<256xf32>
    %broadcast_in_dim3A_465 = vector.shape_cast %reduce_sum3A_464 : vector<256xf32> to vector<256x1xf32>
    %div3A_466 = vector.broadcast %broadcast_in_dim3A_465 : vector<256x1xf32> to vector<256x256xf32>
    %div3A_467 = arith.divf %exp3A_462, %div3A_466 : vector<256x256xf32>
    %slice3A_468 = vector.extract_strided_slice %add3A_445 {offsets = [0, 0], sizes = [256, 16], strides = [1, 1]} : vector<256x64xf32> to vector<256x16xf32>
    %dot_general3A_469 = arith.constant dense<0.000000e+00> : vector<256x16xf32>
    %dot_general3A_470 = tpu.matmul %div3A_467, %slice3A_468, %dot_general3A_469 {dimension_numbers = #tpu.dot_dimension_numbers<[1], [0], [0], [1], [0, 0, 1, 1], [], []>, transpose_lhs_hint = false} : vector<256x256xf32>, vector<256x16xf32>, vector<256x16xf32> -> vector<256x16xf32>
    %slice3A_471 = vector.extract_strided_slice %add3A_437 {offsets = [0, 16], sizes = [256, 16], strides = [1, 1]} : vector<256x64xf32> to vector<256x16xf32>
    %slice3A_472 = vector.extract_strided_slice %add3A_441 {offsets = [0, 16], sizes = [256, 16], strides = [1, 1]} : vector<256x64xf32> to vector<256x16xf32>
    %dot_general3A_473 = arith.constant dense<0.000000e+00> : vector<256x256xf32>
    %dot_general3A_474 = tpu.matmul %slice3A_471, %slice3A_472, %dot_general3A_473 {dimension_numbers = #tpu.dot_dimension_numbers<[1], [1], [0], [0], [0, 0, 1, 0], [], []>, transpose_lhs_hint = false} : vector<256x16xf32>, vector<256x16xf32>, vector<256x256xf32> -> vector<256x256xf32>
    %mul3A_475 = arith.constant 2.500000e-01 : f32
    %mul3A_476 = vector.broadcast %mul3A_475 : f32 to vector<256x256xf32>
    %mul3A_477 = arith.mulf %dot_general3A_474, %mul3A_476 : vector<256x256xf32>
    %add3A_478 = arith.addf %mul3A_477, %add3A_192 : vector<256x256xf32>
    %reduce_max3A_479 = arith.constant dense<0xFF800000> : vector<256xf32>
    %reduce_max3A_480 = vector.multi_reduction <maximumf>, %add3A_478, %reduce_max3A_479 [1] : vector<256x256xf32> to vector<256xf32>
    %max3A_481 = arith.constant 0xFF800000 : f32
    %max3A_482 = vector.broadcast %max3A_481 : f32 to vector<256xf32>
    %max3A_483 = arith.maximumf %max3A_482, %reduce_max3A_480 : vector<256xf32>
    %broadcast_in_dim3A_484 = vector.shape_cast %max3A_483 : vector<256xf32> to vector<256x1xf32>
    %sub3A_485 = vector.broadcast %broadcast_in_dim3A_484 : vector<256x1xf32> to vector<256x256xf32>
    %sub3A_486 = arith.subf %add3A_478, %sub3A_485 : vector<256x256xf32>
    %exp3A_487 = math.exp %sub3A_486 : vector<256x256xf32>
    %reduce_sum3A_488 = arith.constant dense<0.000000e+00> : vector<256xf32>
    %reduce_sum3A_489 = vector.multi_reduction <add>, %exp3A_487, %reduce_sum3A_488 [1] : vector<256x256xf32> to vector<256xf32>
    %broadcast_in_dim3A_490 = vector.shape_cast %reduce_sum3A_489 : vector<256xf32> to vector<256x1xf32>
    %div3A_491 = vector.broadcast %broadcast_in_dim3A_490 : vector<256x1xf32> to vector<256x256xf32>
    %div3A_492 = arith.divf %exp3A_487, %div3A_491 : vector<256x256xf32>
    %slice3A_493 = vector.extract_strided_slice %add3A_445 {offsets = [0, 16], sizes = [256, 16], strides = [1, 1]} : vector<256x64xf32> to vector<256x16xf32>
    %dot_general3A_494 = arith.constant dense<0.000000e+00> : vector<256x16xf32>
    %dot_general3A_495 = tpu.matmul %div3A_492, %slice3A_493, %dot_general3A_494 {dimension_numbers = #tpu.dot_dimension_numbers<[1], [0], [0], [1], [0, 0, 1, 1], [], []>, transpose_lhs_hint = false} : vector<256x256xf32>, vector<256x16xf32>, vector<256x16xf32> -> vector<256x16xf32>
    %slice3A_496 = vector.extract_strided_slice %add3A_437 {offsets = [0, 32], sizes = [256, 16], strides = [1, 1]} : vector<256x64xf32> to vector<256x16xf32>
    %slice3A_497 = vector.extract_strided_slice %add3A_441 {offsets = [0, 32], sizes = [256, 16], strides = [1, 1]} : vector<256x64xf32> to vector<256x16xf32>
    %dot_general3A_498 = arith.constant dense<0.000000e+00> : vector<256x256xf32>
    %dot_general3A_499 = tpu.matmul %slice3A_496, %slice3A_497, %dot_general3A_498 {dimension_numbers = #tpu.dot_dimension_numbers<[1], [1], [0], [0], [0, 0, 1, 0], [], []>, transpose_lhs_hint = false} : vector<256x16xf32>, vector<256x16xf32>, vector<256x256xf32> -> vector<256x256xf32>
    %mul3A_500 = arith.constant 2.500000e-01 : f32
    %mul3A_501 = vector.broadcast %mul3A_500 : f32 to vector<256x256xf32>
    %mul3A_502 = arith.mulf %dot_general3A_499, %mul3A_501 : vector<256x256xf32>
    %add3A_503 = arith.addf %mul3A_502, %add3A_192 : vector<256x256xf32>
    %reduce_max3A_504 = arith.constant dense<0xFF800000> : vector<256xf32>
    %reduce_max3A_505 = vector.multi_reduction <maximumf>, %add3A_503, %reduce_max3A_504 [1] : vector<256x256xf32> to vector<256xf32>
    %max3A_506 = arith.constant 0xFF800000 : f32
    %max3A_507 = vector.broadcast %max3A_506 : f32 to vector<256xf32>
    %max3A_508 = arith.maximumf %max3A_507, %reduce_max3A_505 : vector<256xf32>
    %broadcast_in_dim3A_509 = vector.shape_cast %max3A_508 : vector<256xf32> to vector<256x1xf32>
    %sub3A_510 = vector.broadcast %broadcast_in_dim3A_509 : vector<256x1xf32> to vector<256x256xf32>
    %sub3A_511 = arith.subf %add3A_503, %sub3A_510 : vector<256x256xf32>
    %exp3A_512 = math.exp %sub3A_511 : vector<256x256xf32>
    %reduce_sum3A_513 = arith.constant dense<0.000000e+00> : vector<256xf32>
    %reduce_sum3A_514 = vector.multi_reduction <add>, %exp3A_512, %reduce_sum3A_513 [1] : vector<256x256xf32> to vector<256xf32>
    %broadcast_in_dim3A_515 = vector.shape_cast %reduce_sum3A_514 : vector<256xf32> to vector<256x1xf32>
    %div3A_516 = vector.broadcast %broadcast_in_dim3A_515 : vector<256x1xf32> to vector<256x256xf32>
    %div3A_517 = arith.divf %exp3A_512, %div3A_516 : vector<256x256xf32>
    %slice3A_518 = vector.extract_strided_slice %add3A_445 {offsets = [0, 32], sizes = [256, 16], strides = [1, 1]} : vector<256x64xf32> to vector<256x16xf32>
    %dot_general3A_519 = arith.constant dense<0.000000e+00> : vector<256x16xf32>
    %dot_general3A_520 = tpu.matmul %div3A_517, %slice3A_518, %dot_general3A_519 {dimension_numbers = #tpu.dot_dimension_numbers<[1], [0], [0], [1], [0, 0, 1, 1], [], []>, transpose_lhs_hint = false} : vector<256x256xf32>, vector<256x16xf32>, vector<256x16xf32> -> vector<256x16xf32>
    %slice3A_521 = vector.extract_strided_slice %add3A_437 {offsets = [0, 48], sizes = [256, 16], strides = [1, 1]} : vector<256x64xf32> to vector<256x16xf32>
    %slice3A_522 = vector.extract_strided_slice %add3A_441 {offsets = [0, 48], sizes = [256, 16], strides = [1, 1]} : vector<256x64xf32> to vector<256x16xf32>
    %dot_general3A_523 = arith.constant dense<0.000000e+00> : vector<256x256xf32>
    %dot_general3A_524 = tpu.matmul %slice3A_521, %slice3A_522, %dot_general3A_523 {dimension_numbers = #tpu.dot_dimension_numbers<[1], [1], [0], [0], [0, 0, 1, 0], [], []>, transpose_lhs_hint = false} : vector<256x16xf32>, vector<256x16xf32>, vector<256x256xf32> -> vector<256x256xf32>
    %mul3A_525 = arith.constant 2.500000e-01 : f32
    %mul3A_526 = vector.broadcast %mul3A_525 : f32 to vector<256x256xf32>
    %mul3A_527 = arith.mulf %dot_general3A_524, %mul3A_526 : vector<256x256xf32>
    %add3A_528 = arith.addf %mul3A_527, %add3A_192 : vector<256x256xf32>
    %reduce_max3A_529 = arith.constant dense<0xFF800000> : vector<256xf32>
    %reduce_max3A_530 = vector.multi_reduction <maximumf>, %add3A_528, %reduce_max3A_529 [1] : vector<256x256xf32> to vector<256xf32>
    %max3A_531 = arith.constant 0xFF800000 : f32
    %max3A_532 = vector.broadcast %max3A_531 : f32 to vector<256xf32>
    %max3A_533 = arith.maximumf %max3A_532, %reduce_max3A_530 : vector<256xf32>
    %broadcast_in_dim3A_534 = vector.shape_cast %max3A_533 : vector<256xf32> to vector<256x1xf32>
    %sub3A_535 = vector.broadcast %broadcast_in_dim3A_534 : vector<256x1xf32> to vector<256x256xf32>
    %sub3A_536 = arith.subf %add3A_528, %sub3A_535 : vector<256x256xf32>
    %exp3A_537 = math.exp %sub3A_536 : vector<256x256xf32>
    %reduce_sum3A_538 = arith.constant dense<0.000000e+00> : vector<256xf32>
    %reduce_sum3A_539 = vector.multi_reduction <add>, %exp3A_537, %reduce_sum3A_538 [1] : vector<256x256xf32> to vector<256xf32>
    %broadcast_in_dim3A_540 = vector.shape_cast %reduce_sum3A_539 : vector<256xf32> to vector<256x1xf32>
    %div3A_541 = vector.broadcast %broadcast_in_dim3A_540 : vector<256x1xf32> to vector<256x256xf32>
    %div3A_542 = arith.divf %exp3A_537, %div3A_541 : vector<256x256xf32>
    %slice3A_543 = vector.extract_strided_slice %add3A_445 {offsets = [0, 48], sizes = [256, 16], strides = [1, 1]} : vector<256x64xf32> to vector<256x16xf32>
    %dot_general3A_544 = arith.constant dense<0.000000e+00> : vector<256x16xf32>
    %dot_general3A_545 = tpu.matmul %div3A_542, %slice3A_543, %dot_general3A_544 {dimension_numbers = #tpu.dot_dimension_numbers<[1], [0], [0], [1], [0, 0, 1, 1], [], []>, transpose_lhs_hint = false} : vector<256x256xf32>, vector<256x16xf32>, vector<256x16xf32> -> vector<256x16xf32>
    %concatenate3A_546 = tpu.concatenate %dot_general3A_470, %dot_general3A_495, %dot_general3A_520, %dot_general3A_545 in 1 : vector<256x16xf32>, vector<256x16xf32>, vector<256x16xf32>, vector<256x16xf32> -> vector<256x64xf32>
    %dot_general3A_547 = arith.constant dense<0.000000e+00> : vector<256x64xf32>
    %dot_general3A_548 = tpu.matmul %concatenate3A_546, %slice3A_399, %dot_general3A_547 {dimension_numbers = #tpu.dot_dimension_numbers<[1], [0], [0], [1], [0, 0, 1, 1], [], []>, transpose_lhs_hint = false} : vector<256x64xf32>, vector<64x64xf32>, vector<256x64xf32> -> vector<256x64xf32>
    %add3A_549 = vector.broadcast %slice3A_400 : vector<1x64xf32> to vector<256x64xf32>
    %add3A_550 = arith.addf %dot_general3A_548, %add3A_549 : vector<256x64xf32>
    %add3A_551 = arith.addf %add3A_390, %add3A_550 : vector<256x64xf32>
    %reduce_sum3A_552 = arith.constant dense<0.000000e+00> : vector<256xf32>
    %reduce_sum3A_553 = vector.multi_reduction <add>, %add3A_551, %reduce_sum3A_552 [1] : vector<256x64xf32> to vector<256xf32>
    %broadcast_in_dim3A_554 = vector.shape_cast %reduce_sum3A_553 : vector<256xf32> to vector<256x1xf32>
    %div3A_555 = arith.constant 6.400000e+01 : f32
    %div3A_556 = vector.broadcast %div3A_555 : f32 to vector<256x1xf32>
    %div3A_557 = arith.divf %broadcast_in_dim3A_554, %div3A_556 : vector<256x1xf32>
    %sub3A_558 = vector.broadcast %div3A_557 : vector<256x1xf32> to vector<256x64xf32>
    %sub3A_559 = arith.subf %add3A_551, %sub3A_558 : vector<256x64xf32>
    %integer_pow3A_560 = arith.mulf %sub3A_559, %sub3A_559 : vector<256x64xf32>
    %reduce_sum3A_561 = arith.constant dense<0.000000e+00> : vector<256xf32>
    %reduce_sum3A_562 = vector.multi_reduction <add>, %integer_pow3A_560, %reduce_sum3A_561 [1] : vector<256x64xf32> to vector<256xf32>
    %broadcast_in_dim3A_563 = vector.shape_cast %reduce_sum3A_562 : vector<256xf32> to vector<256x1xf32>
    %div3A_564 = arith.constant 6.400000e+01 : f32
    %div3A_565 = vector.broadcast %div3A_564 : f32 to vector<256x1xf32>
    %div3A_566 = arith.divf %broadcast_in_dim3A_563, %div3A_565 : vector<256x1xf32>
    %sub3A_567 = vector.broadcast %div3A_557 : vector<256x1xf32> to vector<256x64xf32>
    %sub3A_568 = arith.subf %add3A_551, %sub3A_567 : vector<256x64xf32>
    %add3A_569 = arith.constant 9.99999974E-6 : f32
    %add3A_570 = vector.broadcast %add3A_569 : f32 to vector<256x1xf32>
    %add3A_571 = arith.addf %div3A_566, %add3A_570 : vector<256x1xf32>
    %rsqrt3A_572 = math.rsqrt %add3A_571 : vector<256x1xf32>
    %mul3A_573 = vector.broadcast %rsqrt3A_572 : vector<256x1xf32> to vector<256x64xf32>
    %mul3A_574 = arith.mulf %sub3A_568, %mul3A_573 : vector<256x64xf32>
    %mul3A_575 = vector.broadcast %slice3A_401 : vector<1x64xf32> to vector<256x64xf32>
    %mul3A_576 = arith.mulf %mul3A_574, %mul3A_575 : vector<256x64xf32>
    %add3A_577 = vector.broadcast %slice3A_402 : vector<1x64xf32> to vector<256x64xf32>
    %add3A_578 = arith.addf %mul3A_576, %add3A_577 : vector<256x64xf32>
    %dot_general3A_579 = arith.constant dense<0.000000e+00> : vector<256x128xf32>
    %dot_general3A_580 = tpu.matmul %add3A_578, %slice3A_403, %dot_general3A_579 {dimension_numbers = #tpu.dot_dimension_numbers<[1], [0], [0], [1], [0, 0, 1, 1], [], []>, transpose_lhs_hint = false} : vector<256x64xf32>, vector<64x128xf32>, vector<256x128xf32> -> vector<256x128xf32>
    %add3A_581 = vector.broadcast %slice3A_404 : vector<1x128xf32> to vector<256x128xf32>
    %add3A_582 = arith.addf %dot_general3A_580, %add3A_581 : vector<256x128xf32>
    %max3A_583 = arith.constant 0.000000e+00 : f32
    %max3A_584 = vector.broadcast %max3A_583 : f32 to vector<256x128xf32>
    %max3A_585 = arith.maximumf %add3A_582, %max3A_584 : vector<256x128xf32>
    %dot_general3A_586 = arith.constant dense<0.000000e+00> : vector<256x64xf32>
    %dot_general3A_587 = tpu.matmul %max3A_585, %slice3A_405, %dot_general3A_586 {dimension_numbers = #tpu.dot_dimension_numbers<[1], [0], [0], [1], [0, 0, 1, 1], [], []>, transpose_lhs_hint = false} : vector<256x128xf32>, vector<128x64xf32>, vector<256x64xf32> -> vector<256x64xf32>
    %add3A_588 = arith.addf %add3A_551, %dot_general3A_587 : vector<256x64xf32>
    %add3A_589 = vector.broadcast %slice3A_406 : vector<1x64xf32> to vector<256x64xf32>
    %add3A_590 = arith.addf %add3A_588, %add3A_589 : vector<256x64xf32>
    %get3A_591 = arith.constant 0 : index
    %get3A_592 = arith.constant 0 : index
    %get3A_593 = vector.load %arg23[%get3A_591, %get3A_592] : memref<1x64xf32, #tpu.memory_space<vmem>>, vector<1x64xf32>
    %get3A_594 = arith.constant 0 : index
    %get3A_595 = arith.constant 0 : index
    %get3A_596 = vector.load %arg24[%get3A_594, %get3A_595] : memref<1x64xf32, #tpu.memory_space<vmem>>, vector<1x64xf32>
    %reduce_sum3A_597 = arith.constant dense<0.000000e+00> : vector<256xf32>
    %reduce_sum3A_598 = vector.multi_reduction <add>, %add3A_590, %reduce_sum3A_597 [1] : vector<256x64xf32> to vector<256xf32>
    %broadcast_in_dim3A_599 = vector.shape_cast %reduce_sum3A_598 : vector<256xf32> to vector<256x1xf32>
    %div3A_600 = arith.constant 6.400000e+01 : f32
    %div3A_601 = vector.broadcast %div3A_600 : f32 to vector<256x1xf32>
    %div3A_602 = arith.divf %broadcast_in_dim3A_599, %div3A_601 : vector<256x1xf32>
    %sub3A_603 = vector.broadcast %div3A_602 : vector<256x1xf32> to vector<256x64xf32>
    %sub3A_604 = arith.subf %add3A_590, %sub3A_603 : vector<256x64xf32>
    %integer_pow3A_605 = arith.mulf %sub3A_604, %sub3A_604 : vector<256x64xf32>
    %reduce_sum3A_606 = arith.constant dense<0.000000e+00> : vector<256xf32>
    %reduce_sum3A_607 = vector.multi_reduction <add>, %integer_pow3A_605, %reduce_sum3A_606 [1] : vector<256x64xf32> to vector<256xf32>
    %broadcast_in_dim3A_608 = vector.shape_cast %reduce_sum3A_607 : vector<256xf32> to vector<256x1xf32>
    %div3A_609 = arith.constant 6.400000e+01 : f32
    %div3A_610 = vector.broadcast %div3A_609 : f32 to vector<256x1xf32>
    %div3A_611 = arith.divf %broadcast_in_dim3A_608, %div3A_610 : vector<256x1xf32>
    %sub3A_612 = vector.broadcast %div3A_602 : vector<256x1xf32> to vector<256x64xf32>
    %sub3A_613 = arith.subf %add3A_590, %sub3A_612 : vector<256x64xf32>
    %add3A_614 = arith.constant 9.99999974E-6 : f32
    %add3A_615 = vector.broadcast %add3A_614 : f32 to vector<256x1xf32>
    %add3A_616 = arith.addf %div3A_611, %add3A_615 : vector<256x1xf32>
    %rsqrt3A_617 = math.rsqrt %add3A_616 : vector<256x1xf32>
    %mul3A_618 = vector.broadcast %rsqrt3A_617 : vector<256x1xf32> to vector<256x64xf32>
    %mul3A_619 = arith.mulf %sub3A_613, %mul3A_618 : vector<256x64xf32>
    %mul3A_620 = vector.broadcast %get3A_593 : vector<1x64xf32> to vector<256x64xf32>
    %mul3A_621 = arith.mulf %mul3A_619, %mul3A_620 : vector<256x64xf32>
    %add3A_622 = vector.broadcast %get3A_596 : vector<1x64xf32> to vector<256x64xf32>
    %add3A_623 = arith.addf %mul3A_621, %add3A_622 : vector<256x64xf32>
    %mul3A_624 = vector.broadcast %get3A_160 : vector<256x1xf32> to vector<256x64xf32>
    %mul3A_625 = arith.mulf %add3A_623, %mul3A_624 : vector<256x64xf32>
    %reduce_sum3A_626 = arith.constant dense<0.000000e+00> : vector<8xf32>
    %reduce_sum3A_627 = vector.multi_reduction <add>, %get3A_182, %reduce_sum3A_626 [1] : vector<8x32xf32> to vector<8xf32>
    %broadcast_in_dim3A_628 = vector.shape_cast %reduce_sum3A_627 : vector<8xf32> to vector<8x1xf32>
    %max3A_629 = arith.constant 1.000000e+00 : f32
    %max3A_630 = vector.broadcast %max3A_629 : f32 to vector<8x1xf32>
    %max3A_631 = arith.maximumf %broadcast_in_dim3A_628, %max3A_630 : vector<8x1xf32>
    %reshape3A_632 = vector.shape_cast %mul3A_625 : vector<256x64xf32> to vector<8x32x64xf32>
    %reduce_sum3A_633 = arith.constant dense<0.000000e+00> : vector<8x64xf32>
    %reduce_sum3A_634 = vector.multi_reduction <add>, %reshape3A_632, %reduce_sum3A_633 [1] : vector<8x32x64xf32> to vector<8x64xf32>
    %div3A_635 = vector.broadcast %max3A_631 : vector<8x1xf32> to vector<8x64xf32>
    %div3A_636 = arith.divf %reduce_sum3A_634, %div3A_635 : vector<8x64xf32>
    %reshape3A_637 = vector.shape_cast %div3A_636 : vector<8x64xf32> to vector<1x8x64xf32>
    %swap3A_638 = arith.constant 0 : index
    %swap3A_639 = arith.constant 0 : index
    %swap3A_640 = arith.constant 0 : index
    %swap3A_641 = vector.load %arg30[%swap3A_638, %swap3A_639, %swap3A_640] : memref<1x8x64xf32, #tpu.memory_space<vmem>>, vector<1x8x64xf32>
    tpu.vector_store %arg30[%swap3A_638, %swap3A_639, %swap3A_640], %reshape3A_637 {strides = array<i32>} : memref<1x8x64xf32, #tpu.memory_space<vmem>>, vector<1x8x64xf32>,
    %get3A_642 = arith.constant 0 : index
    %get3A_643 = arith.constant 0 : index
    %get3A_644 = vector.load %arg28[%get3A_642, %get3A_643] : memref<64x192xf32, #tpu.memory_space<vmem>>, vector<64x192xf32>
    %dot_general3A_645 = arith.constant dense<0.000000e+00> : vector<8x192xf32>
    %dot_general3A_646 = tpu.matmul %div3A_636, %get3A_644, %dot_general3A_645 {dimension_numbers = #tpu.dot_dimension_numbers<[1], [0], [0], [1], [0, 0, 1, 1], [], []>, transpose_lhs_hint = false} : vector<8x64xf32>, vector<64x192xf32>, vector<8x192xf32> -> vector<8x192xf32>
    %get3A_647 = arith.constant 0 : index
    %get3A_648 = arith.constant 0 : index
    %get3A_649 = vector.load %arg29[%get3A_647, %get3A_648] : memref<1x192xf32, #tpu.memory_space<vmem>>, vector<1x192xf32>
    %add3A_650 = vector.broadcast %get3A_649 : vector<1x192xf32> to vector<8x192xf32>
    %add3A_651 = arith.addf %dot_general3A_646, %add3A_650 : vector<8x192xf32>
    %reshape3A_652 = vector.shape_cast %add3A_651 : vector<8x192xf32> to vector<1x8x192xf32>
    %swap3A_653 = arith.constant 0 : index
    %swap3A_654 = arith.constant 0 : index
    %swap3A_655 = arith.constant 0 : index
    %swap3A_656 = vector.load %arg31[%swap3A_653, %swap3A_654, %swap3A_655] : memref<1x8x192xf32, #tpu.memory_space<vmem>>, vector<1x8x192xf32>
    tpu.vector_store %arg31[%swap3A_653, %swap3A_654, %swap3A_655], %reshape3A_652 {strides = array<i32>} : memref<1x8x192xf32, #tpu.memory_space<vmem>>, vector<1x8x192xf32>,
    %get3A_657 = arith.constant 0 : index
    %get3A_658 = arith.constant 0 : index
    %get3A_659 = vector.load %arg25[%get3A_657, %get3A_658] : memref<32x9xf32, #tpu.memory_space<vmem>>, vector<32x9xf32>
    %dot_general3A_660 = arith.constant dense<0.000000e+00> : vector<256x9xf32>
    %dot_general3A_661 = tpu.matmul %transpose3A_157, %get3A_659, %dot_general3A_660 {dimension_numbers = #tpu.dot_dimension_numbers<[1], [0], [0], [1], [0, 0, 1, 1], [], []>, transpose_lhs_hint = false} : vector<256x32xf32>, vector<32x9xf32>, vector<256x9xf32> -> vector<256x9xf32>
    %get3A_662 = arith.constant 0 : index
    %get3A_663 = arith.constant 0 : index
    %get3A_664 = vector.load %arg26[%get3A_662, %get3A_663] : memref<64x9xf32, #tpu.memory_space<vmem>>, vector<64x9xf32>
    %dot_general3A_665 = arith.constant dense<0.000000e+00> : vector<256x9xf32>
    %dot_general3A_666 = tpu.matmul %mul3A_625, %get3A_664, %dot_general3A_665 {dimension_numbers = #tpu.dot_dimension_numbers<[1], [0], [0], [1], [0, 0, 1, 1], [], []>, transpose_lhs_hint = false} : vector<256x64xf32>, vector<64x9xf32>, vector<256x9xf32> -> vector<256x9xf32>
    %add3A_667 = arith.addf %dot_general3A_661, %dot_general3A_666 : vector<256x9xf32>
    %get3A_668 = arith.constant 0 : index
    %get3A_669 = arith.constant 0 : index
    %get3A_670 = vector.load %arg27[%get3A_668, %get3A_669] : memref<1x9xf32, #tpu.memory_space<vmem>>, vector<1x9xf32>
    %add3A_671 = vector.broadcast %get3A_670 : vector<1x9xf32> to vector<256x9xf32>
    %add3A_672 = arith.addf %add3A_667, %add3A_671 : vector<256x9xf32>
    %reshape3A_673 = vector.shape_cast %add3A_672 : vector<256x9xf32> to vector<8x32x9xf32>
    %swap3A_674 = arith.constant 0 : index
    %swap3A_675 = arith.constant 0 : index
    %swap3A_676 = arith.constant 0 : index
    %swap3A_677 = vector.load %arg32[%swap3A_674, %swap3A_675, %swap3A_676] : memref<8x32x9xf32, #tpu.memory_space<vmem>>, vector<8x32x9xf32>
    tpu.vector_store %arg32[%swap3A_674, %swap3A_675, %swap3A_676], %reshape3A_673 {strides = array<i32>} : memref<8x32x9xf32, #tpu.memory_space<vmem>>, vector<8x32x9xf32>,
    return
  }
  func.func @transform_0(%arg0: i32) -> (i32, i32) {
    %c0_i32 = arith.constant 0 : i32
    %c0_i32_0 = arith.constant 0 : i32
    return %c0_i32, %arg0 : i32, i32
  }
  func.func @transform_1(%arg0: i32) -> (i32, i32, i32) {
    %c0_i32 = arith.constant 0 : i32
    %c0_i32_0 = arith.constant 0 : i32
    %c0_i32_1 = arith.constant 0 : i32
    return %arg0, %c0_i32, %c0_i32_0 : i32, i32, i32
  }
  func.func @transform_2(%arg0: i32) -> (i32, i32) {
    %c0_i32 = arith.constant 0 : i32
    %c0_i32_0 = arith.constant 0 : i32
    return %arg0, %c0_i32 : i32, i32
  }
  func.func @transform_3(%arg0: i32) -> (i32, i32, i32) {
    %c0_i32 = arith.constant 0 : i32
    %c0_i32_0 = arith.constant 0 : i32
    %c0_i32_1 = arith.constant 0 : i32
    return %arg0, %c0_i32, %c0_i32_0 : i32, i32, i32
  }
  func.func @transform_4(%arg0: i32) -> (i32, i32, i32) {
    %c0_i32 = arith.constant 0 : i32
    %c0_i32_0 = arith.constant 0 : i32
    %c0_i32_1 = arith.constant 0 : i32
    return %arg0, %c0_i32, %c0_i32_0 : i32, i32, i32
  }
  func.func @transform_5(%arg0: i32) -> (i32, i32) {
    %c0_i32 = arith.constant 0 : i32
    %c0_i32_0 = arith.constant 0 : i32
    %c0_i32_1 = arith.constant 0 : i32
    return %c0_i32, %c0_i32_0 : i32, i32
  }
  func.func @transform_6(%arg0: i32) -> (i32, i32) {
    %c0_i32 = arith.constant 0 : i32
    %c0_i32_0 = arith.constant 0 : i32
    %c0_i32_1 = arith.constant 0 : i32
    return %c0_i32, %c0_i32_0 : i32, i32
  }
  func.func @transform_7(%arg0: i32) -> (i32, i32) {
    %c0_i32 = arith.constant 0 : i32
    %c0_i32_0 = arith.constant 0 : i32
    %c0_i32_1 = arith.constant 0 : i32
    return %c0_i32, %c0_i32_0 : i32, i32
  }
  func.func @transform_8(%arg0: i32) -> (i32, i32) {
    %c0_i32 = arith.constant 0 : i32
    %c0_i32_0 = arith.constant 0 : i32
    %c0_i32_1 = arith.constant 0 : i32
    return %c0_i32, %c0_i32_0 : i32, i32
  }
  func.func @transform_9(%arg0: i32) -> (i32, i32) {
    %c0_i32 = arith.constant 0 : i32
    %c0_i32_0 = arith.constant 0 : i32
    %c0_i32_1 = arith.constant 0 : i32
    return %c0_i32, %c0_i32_0 : i32, i32
  }
  func.func @transform_10(%arg0: i32) -> (i32, i32) {
    %c0_i32 = arith.constant 0 : i32
    %c0_i32_0 = arith.constant 0 : i32
    %c0_i32_1 = arith.constant 0 : i32
    return %c0_i32, %c0_i32_0 : i32, i32
  }
  func.func @transform_11(%arg0: i32) -> (i32, i32) {
    %c0_i32 = arith.constant 0 : i32
    %c0_i32_0 = arith.constant 0 : i32
    %c0_i32_1 = arith.constant 0 : i32
    return %c0_i32, %c0_i32_0 : i32, i32
  }
  func.func @transform_12(%arg0: i32) -> (i32, i32) {
    %c0_i32 = arith.constant 0 : i32
    %c0_i32_0 = arith.constant 0 : i32
    %c0_i32_1 = arith.constant 0 : i32
    return %c0_i32, %c0_i32_0 : i32, i32
  }
  func.func @transform_13(%arg0: i32) -> (i32, i32) {
    %c0_i32 = arith.constant 0 : i32
    %c0_i32_0 = arith.constant 0 : i32
    %c0_i32_1 = arith.constant 0 : i32
    return %c0_i32, %c0_i32_0 : i32, i32
  }
  func.func @transform_14(%arg0: i32) -> (i32, i32) {
    %c0_i32 = arith.constant 0 : i32
    %c0_i32_0 = arith.constant 0 : i32
    %c0_i32_1 = arith.constant 0 : i32
    return %c0_i32, %c0_i32_0 : i32, i32
  }
  func.func @transform_15(%arg0: i32) -> (i32, i32) {
    %c0_i32 = arith.constant 0 : i32
    %c0_i32_0 = arith.constant 0 : i32
    %c0_i32_1 = arith.constant 0 : i32
    return %c0_i32, %c0_i32_0 : i32, i32
  }
  func.func @transform_16(%arg0: i32) -> (i32, i32) {
    %c0_i32 = arith.constant 0 : i32
    %c0_i32_0 = arith.constant 0 : i32
    %c0_i32_1 = arith.constant 0 : i32
    return %c0_i32, %c0_i32_0 : i32, i32
  }
  func.func @transform_17(%arg0: i32) -> (i32, i32) {
    %c0_i32 = arith.constant 0 : i32
    %c0_i32_0 = arith.constant 0 : i32
    %c0_i32_1 = arith.constant 0 : i32
    return %c0_i32, %c0_i32_0 : i32, i32
  }
  func.func @transform_18(%arg0: i32) -> (i32, i32) {
    %c0_i32 = arith.constant 0 : i32
    %c0_i32_0 = arith.constant 0 : i32
    %c0_i32_1 = arith.constant 0 : i32
    return %c0_i32, %c0_i32_0 : i32, i32
  }
  func.func @transform_19(%arg0: i32) -> (i32, i32) {
    %c0_i32 = arith.constant 0 : i32
    %c0_i32_0 = arith.constant 0 : i32
    %c0_i32_1 = arith.constant 0 : i32
    return %c0_i32, %c0_i32_0 : i32, i32
  }
  func.func @transform_20(%arg0: i32) -> (i32, i32) {
    %c0_i32 = arith.constant 0 : i32
    %c0_i32_0 = arith.constant 0 : i32
    %c0_i32_1 = arith.constant 0 : i32
    return %c0_i32, %c0_i32_0 : i32, i32
  }
  func.func @transform_21(%arg0: i32) -> (i32, i32) {
    %c0_i32 = arith.constant 0 : i32
    %c0_i32_0 = arith.constant 0 : i32
    %c0_i32_1 = arith.constant 0 : i32
    return %c0_i32, %c0_i32_0 : i32, i32
  }
  func.func @transform_22(%arg0: i32) -> (i32, i32) {
    %c0_i32 = arith.constant 0 : i32
    %c0_i32_0 = arith.constant 0 : i32
    %c0_i32_1 = arith.constant 0 : i32
    return %c0_i32, %c0_i32_0 : i32, i32
  }
  func.func @transform_23(%arg0: i32) -> (i32, i32) {
    %c0_i32 = arith.constant 0 : i32
    %c0_i32_0 = arith.constant 0 : i32
    %c0_i32_1 = arith.constant 0 : i32
    return %c0_i32, %c0_i32_0 : i32, i32
  }
  func.func @transform_24(%arg0: i32) -> (i32, i32) {
    %c0_i32 = arith.constant 0 : i32
    %c0_i32_0 = arith.constant 0 : i32
    %c0_i32_1 = arith.constant 0 : i32
    return %c0_i32, %c0_i32_0 : i32, i32
  }
  func.func @transform_25(%arg0: i32) -> (i32, i32) {
    %c0_i32 = arith.constant 0 : i32
    %c0_i32_0 = arith.constant 0 : i32
    %c0_i32_1 = arith.constant 0 : i32
    return %c0_i32, %c0_i32_0 : i32, i32
  }
  func.func @transform_26(%arg0: i32) -> (i32, i32) {
    %c0_i32 = arith.constant 0 : i32
    %c0_i32_0 = arith.constant 0 : i32
    %c0_i32_1 = arith.constant 0 : i32
    return %c0_i32, %c0_i32_0 : i32, i32
  }
  func.func @transform_27(%arg0: i32) -> (i32, i32) {
    %c0_i32 = arith.constant 0 : i32
    %c0_i32_0 = arith.constant 0 : i32
    %c0_i32_1 = arith.constant 0 : i32
    return %c0_i32, %c0_i32_0 : i32, i32
  }
  func.func @transform_28(%arg0: i32) -> (i32, i32) {
    %c0_i32 = arith.constant 0 : i32
    %c0_i32_0 = arith.constant 0 : i32
    %c0_i32_1 = arith.constant 0 : i32
    return %c0_i32, %c0_i32_0 : i32, i32
  }
  func.func @transform_29(%arg0: i32) -> (i32, i32, i32) {
    %c0_i32 = arith.constant 0 : i32
    %c0_i32_0 = arith.constant 0 : i32
    %c0_i32_1 = arith.constant 0 : i32
    return %arg0, %c0_i32, %c0_i32_0 : i32, i32, i32
  }
  func.func @transform_30(%arg0: i32) -> (i32, i32, i32) {
    %c0_i32 = arith.constant 0 : i32
    %c0_i32_0 = arith.constant 0 : i32
    %c0_i32_1 = arith.constant 0 : i32
    return %arg0, %c0_i32, %c0_i32_0 : i32, i32, i32
  }
  func.func @transform_31(%arg0: i32) -> (i32, i32, i32) {
    %c0_i32 = arith.constant 0 : i32
    %c0_i32_0 = arith.constant 0 : i32
    %c0_i32_1 = arith.constant 0 : i32
    return %arg0, %c0_i32, %c0_i32_0 : i32, i32, i32
  }
  func.func @transform_32(%arg0: i32) -> (i32, i32, i32) {
    %c0_i32 = arith.constant 0 : i32
    %c0_i32_0 = arith.constant 0 : i32
    %c0_i32_1 = arith.constant 0 : i32
    return %arg0, %c0_i32, %c0_i32_0 : i32, i32, i32
  }
}

module attributes {stable_mosaic.version = 14 : i64} {
  func.func @_h1_body(%arg0: memref<128x64xf32, #tpu.memory_space<vmem>>, %arg1: memref<64x8192xf32, #tpu.memory_space<vmem>>, %arg2: memref<1x8192xf32, #tpu.memory_space<vmem>>, %arg3: memref<128x8192xf32, #tpu.memory_space<vmem>>) attributes {dimension_semantics = [], scalar_prefetch = 0 : i64, scratch_operands = 0 : i64, tpu.core_type = #tpu.core_type<tc>} {
    %get3A = arith.constant 0 : index
    %get3A_0 = arith.constant 0 : index
    %get3A_1 = vector.load %arg0[%get3A, %get3A_0] : memref<128x64xf32, #tpu.memory_space<vmem>>, vector<128x64xf32>
    %get3A_2 = arith.constant 0 : index
    %get3A_3 = arith.constant 0 : index
    %get3A_4 = vector.load %arg1[%get3A_2, %get3A_3] : memref<64x8192xf32, #tpu.memory_space<vmem>>, vector<64x8192xf32>
    %dot_general3A = arith.constant dense<0.000000e+00> : vector<128x8192xf32>
    %dot_general3A_5 = tpu.matmul %get3A_1, %get3A_4, %dot_general3A {dimension_numbers = #tpu.dot_dimension_numbers<[1], [0], [0], [1], [0, 0, 1, 1], [], []>, transpose_lhs_hint = false} : vector<128x64xf32>, vector<64x8192xf32>, vector<128x8192xf32> -> vector<128x8192xf32>
    %get3A_6 = arith.constant 0 : index
    %get3A_7 = arith.constant 0 : index
    %get3A_8 = vector.load %arg2[%get3A_6, %get3A_7] : memref<1x8192xf32, #tpu.memory_space<vmem>>, vector<1x8192xf32>
    %add3A = vector.broadcast %get3A_8 : vector<1x8192xf32> to vector<128x8192xf32>
    %add3A_9 = arith.addf %dot_general3A_5, %add3A : vector<128x8192xf32>
    %max3A = arith.constant 0.000000e+00 : f32
    %max3A_10 = vector.broadcast %max3A : f32 to vector<128x8192xf32>
    %max3A_11 = arith.maximumf %add3A_9, %max3A_10 : vector<128x8192xf32>
    %swap3A = arith.constant 0 : index
    %swap3A_12 = arith.constant 0 : index
    %swap3A_13 = vector.load %arg3[%swap3A, %swap3A_12] : memref<128x8192xf32, #tpu.memory_space<vmem>>, vector<128x8192xf32>
    tpu.vector_store %arg3[%swap3A, %swap3A_12], %max3A_11 {strides = array<i32>} : memref<128x8192xf32, #tpu.memory_space<vmem>>, vector<128x8192xf32>,
    return
  }
}

module attributes {stable_mosaic.version = 14 : i64} {
  func.func @_moe_body(%arg0: memref<128x8192xf32, #tpu.memory_space<vmem>>, %arg1: memref<128x192xf32, #tpu.memory_space<vmem>>, %arg2: memref<128x32x9xf32, #tpu.memory_space<vmem>>, %arg3: memref<128x32x1xf32, #tpu.memory_space<vmem>>, %arg4: memref<128x32x1xf32, #tpu.memory_space<vmem>>, %arg5: memref<8192x64xbf16, #tpu.memory_space<vmem>>, %arg6: memref<64x64xf32, #tpu.memory_space<vmem>>, %arg7: memref<64x8192xbf16, #tpu.memory_space<vmem>>, %arg8: memref<64x8xf32, #tpu.memory_space<vmem>>, %arg9: memref<1x8xf32, #tpu.memory_space<vmem>>, %arg10: memref<64x3xf32, #tpu.memory_space<vmem>>, %arg11: memref<1x3xf32, #tpu.memory_space<vmem>>, %arg12: memref<64x1xf32, #tpu.memory_space<vmem>>, %arg13: memref<128x32x8xf32, #tpu.memory_space<vmem>>, %arg14: memref<128x3xf32, #tpu.memory_space<vmem>>, %arg15: memref<128x32x1xf32, #tpu.memory_space<vmem>>) attributes {dimension_semantics = [], scalar_prefetch = 0 : i64, scratch_operands = 0 : i64, tpu.core_type = #tpu.core_type<tc>} {
    %get3A = arith.constant 0 : index
    %get3A_0 = arith.constant 0 : index
    %get3A_1 = vector.load %arg0[%get3A, %get3A_0] : memref<128x8192xf32, #tpu.memory_space<vmem>>, vector<128x8192xf32>
    %get3A_2 = arith.constant 0 : index
    %get3A_3 = arith.constant 0 : index
    %get3A_4 = vector.load %arg1[%get3A_2, %get3A_3] : memref<128x192xf32, #tpu.memory_space<vmem>>, vector<128x192xf32>
    %get3A_5 = arith.constant 0 : index
    %get3A_6 = arith.constant 0 : index
    %get3A_7 = vector.load %arg5[%get3A_5, %get3A_6] : memref<8192x64xbf16, #tpu.memory_space<vmem>>, vector<8192x64xbf16>
    %slice3A = vector.extract_strided_slice %get3A_4 {offsets = [0, 0], sizes = [128, 64], strides = [1, 1]} : vector<128x192xf32> to vector<128x64xf32>
    %convert_element_type3A = arith.truncf %slice3A : vector<128x64xf32> to vector<128x64xbf16>
    %get3A_8 = arith.constant 0 : index
    %get3A_9 = arith.constant 0 : index
    %get3A_10 = vector.load %arg7[%get3A_8, %get3A_9] : memref<64x8192xbf16, #tpu.memory_space<vmem>>, vector<64x8192xbf16>
    %dot_general3A = arith.constant dense<0.000000e+00> : vector<128x8192xf32>
    %dot_general3A_11 = tpu.matmul %convert_element_type3A, %get3A_10, %dot_general3A {dimension_numbers = #tpu.dot_dimension_numbers<[1], [0], [0], [1], [0, 0, 1, 1], [], []>, transpose_lhs_hint = false} : vector<128x64xbf16>, vector<64x8192xbf16>, vector<128x8192xf32> -> vector<128x8192xf32>
    %mul3A = arith.mulf %get3A_1, %dot_general3A_11 : vector<128x8192xf32>
    %convert_element_type3A_12 = arith.truncf %mul3A : vector<128x8192xf32> to vector<128x8192xbf16>
    %slice3A_13 = vector.extract_strided_slice %get3A_4 {offsets = [0, 64], sizes = [128, 64], strides = [1, 1]} : vector<128x192xf32> to vector<128x64xf32>
    %convert_element_type3A_14 = arith.truncf %slice3A_13 : vector<128x64xf32> to vector<128x64xbf16>
    %get3A_15 = arith.constant 0 : index
    %get3A_16 = arith.constant 0 : index
    %get3A_17 = vector.load %arg7[%get3A_15, %get3A_16] : memref<64x8192xbf16, #tpu.memory_space<vmem>>, vector<64x8192xbf16>
    %dot_general3A_18 = arith.constant dense<0.000000e+00> : vector<128x8192xf32>
    %dot_general3A_19 = tpu.matmul %convert_element_type3A_14, %get3A_17, %dot_general3A_18 {dimension_numbers = #tpu.dot_dimension_numbers<[1], [0], [0], [1], [0, 0, 1, 1], [], []>, transpose_lhs_hint = false} : vector<128x64xbf16>, vector<64x8192xbf16>, vector<128x8192xf32> -> vector<128x8192xf32>
    %mul3A_20 = arith.mulf %get3A_1, %dot_general3A_19 : vector<128x8192xf32>
    %convert_element_type3A_21 = arith.truncf %mul3A_20 : vector<128x8192xf32> to vector<128x8192xbf16>
    %slice3A_22 = vector.extract_strided_slice %get3A_4 {offsets = [0, 128], sizes = [128, 64], strides = [1, 1]} : vector<128x192xf32> to vector<128x64xf32>
    %convert_element_type3A_23 = arith.truncf %slice3A_22 : vector<128x64xf32> to vector<128x64xbf16>
    %get3A_24 = arith.constant 0 : index
    %get3A_25 = arith.constant 0 : index
    %get3A_26 = vector.load %arg7[%get3A_24, %get3A_25] : memref<64x8192xbf16, #tpu.memory_space<vmem>>, vector<64x8192xbf16>
    %dot_general3A_27 = arith.constant dense<0.000000e+00> : vector<128x8192xf32>
    %dot_general3A_28 = tpu.matmul %convert_element_type3A_23, %get3A_26, %dot_general3A_27 {dimension_numbers = #tpu.dot_dimension_numbers<[1], [0], [0], [1], [0, 0, 1, 1], [], []>, transpose_lhs_hint = false} : vector<128x64xbf16>, vector<64x8192xbf16>, vector<128x8192xf32> -> vector<128x8192xf32>
    %mul3A_29 = arith.mulf %get3A_1, %dot_general3A_28 : vector<128x8192xf32>
    %convert_element_type3A_30 = arith.truncf %mul3A_29 : vector<128x8192xf32> to vector<128x8192xbf16>
    %concatenate3A = tpu.concatenate %convert_element_type3A_12, %convert_element_type3A_21, %convert_element_type3A_30 in 0 : vector<128x8192xbf16>, vector<128x8192xbf16>, vector<128x8192xbf16> -> vector<384x8192xbf16>
    %concatenate3A_31 = tpu.concatenate %slice3A, %slice3A_13, %slice3A_22 in 0 : vector<128x64xf32>, vector<128x64xf32>, vector<128x64xf32> -> vector<384x64xf32>
    %dot_general3A_32 = arith.constant dense<0.000000e+00> : vector<384x64xf32>
    %dot_general3A_33 = tpu.matmul %concatenate3A, %get3A_7, %dot_general3A_32 {dimension_numbers = #tpu.dot_dimension_numbers<[1], [0], [0], [1], [0, 0, 1, 1], [], []>, transpose_lhs_hint = false} : vector<384x8192xbf16>, vector<8192x64xbf16>, vector<384x64xf32> -> vector<384x64xf32>
    %get3A_34 = arith.constant 0 : index
    %get3A_35 = arith.constant 0 : index
    %get3A_36 = vector.load %arg6[%get3A_34, %get3A_35] : memref<64x64xf32, #tpu.memory_space<vmem>>, vector<64x64xf32>
    %dot_general3A_37 = arith.constant dense<0.000000e+00> : vector<384x64xf32>
    %dot_general3A_38 = tpu.matmul %concatenate3A_31, %get3A_36, %dot_general3A_37 {dimension_numbers = #tpu.dot_dimension_numbers<[1], [0], [0], [1], [0, 0, 1, 1], [], []>, transpose_lhs_hint = false} : vector<384x64xf32>, vector<64x64xf32>, vector<384x64xf32> -> vector<384x64xf32>
    %add3A = arith.addf %dot_general3A_33, %dot_general3A_38 : vector<384x64xf32>
    %slice3A_39 = vector.extract_strided_slice %add3A {offsets = [0, 0], sizes = [128, 64], strides = [1, 1]} : vector<384x64xf32> to vector<128x64xf32>
    %slice3A_40 = vector.extract_strided_slice %add3A {offsets = [128, 0], sizes = [128, 64], strides = [1, 1]} : vector<384x64xf32> to vector<128x64xf32>
    %slice3A_41 = vector.extract_strided_slice %add3A {offsets = [256, 0], sizes = [128, 64], strides = [1, 1]} : vector<384x64xf32> to vector<128x64xf32>
    %get3A_42 = arith.constant 0 : index
    %get3A_43 = arith.constant 0 : index
    %get3A_44 = arith.constant 0 : index
    %get3A_45 = vector.load %arg2[%get3A_42, %get3A_43, %get3A_44] : memref<128x32x9xf32, #tpu.memory_space<vmem>>, vector<128x32x9xf32>
    %get3A_46 = arith.constant 0 : index
    %get3A_47 = arith.constant 0 : index
    %get3A_48 = vector.load %arg8[%get3A_46, %get3A_47] : memref<64x8xf32, #tpu.memory_space<vmem>>, vector<64x8xf32>
    %dot_general3A_49 = arith.constant dense<0.000000e+00> : vector<128x8xf32>
    %dot_general3A_50 = tpu.matmul %slice3A_39, %get3A_48, %dot_general3A_49 {dimension_numbers = #tpu.dot_dimension_numbers<[1], [0], [0], [1], [0, 0, 1, 1], [], []>, transpose_lhs_hint = false} : vector<128x64xf32>, vector<64x8xf32>, vector<128x8xf32> -> vector<128x8xf32>
    %get3A_51 = arith.constant 0 : index
    %get3A_52 = arith.constant 0 : index
    %get3A_53 = vector.load %arg9[%get3A_51, %get3A_52] : memref<1x8xf32, #tpu.memory_space<vmem>>, vector<1x8xf32>
    %add3A_54 = vector.broadcast %get3A_53 : vector<1x8xf32> to vector<128x8xf32>
    %add3A_55 = arith.addf %dot_general3A_50, %add3A_54 : vector<128x8xf32>
    %slice3A_56 = vector.extract_strided_slice %get3A_45 {offsets = [0, 0, 0], sizes = [128, 32, 8], strides = [1, 1, 1]} : vector<128x32x9xf32> to vector<128x32x8xf32>
    %broadcast_in_dim3A = vector.shape_cast %add3A_55 : vector<128x8xf32> to vector<128x1x8xf32>
    %add3A_57 = vector.broadcast %broadcast_in_dim3A : vector<128x1x8xf32> to vector<128x32x8xf32>
    %add3A_58 = arith.addf %slice3A_56, %add3A_57 : vector<128x32x8xf32>
    %get3A_59 = arith.constant 0 : index
    %get3A_60 = arith.constant 0 : index
    %get3A_61 = arith.constant 0 : index
    %get3A_62 = vector.load %arg3[%get3A_59, %get3A_60, %get3A_61] : memref<128x32x1xf32, #tpu.memory_space<vmem>>, vector<128x32x1xf32>
    %mul3A_63 = vector.broadcast %get3A_62 : vector<128x32x1xf32> to vector<128x32x8xf32>
    %mul3A_64 = arith.mulf %add3A_58, %mul3A_63 : vector<128x32x8xf32>
    %get3A_65 = arith.constant 0 : index
    %get3A_66 = arith.constant 0 : index
    %get3A_67 = arith.constant 0 : index
    %get3A_68 = vector.load %arg4[%get3A_65, %get3A_66, %get3A_67] : memref<128x32x1xf32, #tpu.memory_space<vmem>>, vector<128x32x1xf32>
    %add3A_69 = vector.broadcast %get3A_68 : vector<128x32x1xf32> to vector<128x32x8xf32>
    %add3A_70 = arith.addf %mul3A_64, %add3A_69 : vector<128x32x8xf32>
    %swap3A = arith.constant 0 : index
    %swap3A_71 = arith.constant 0 : index
    %swap3A_72 = arith.constant 0 : index
    %swap3A_73 = vector.load %arg13[%swap3A, %swap3A_71, %swap3A_72] : memref<128x32x8xf32, #tpu.memory_space<vmem>>, vector<128x32x8xf32>
    tpu.vector_store %arg13[%swap3A, %swap3A_71, %swap3A_72], %add3A_70 {strides = array<i32>} : memref<128x32x8xf32, #tpu.memory_space<vmem>>, vector<128x32x8xf32>,
    %get3A_74 = arith.constant 0 : index
    %get3A_75 = arith.constant 0 : index
    %get3A_76 = vector.load %arg10[%get3A_74, %get3A_75] : memref<64x3xf32, #tpu.memory_space<vmem>>, vector<64x3xf32>
    %dot_general3A_77 = arith.constant dense<0.000000e+00> : vector<128x3xf32>
    %dot_general3A_78 = tpu.matmul %slice3A_40, %get3A_76, %dot_general3A_77 {dimension_numbers = #tpu.dot_dimension_numbers<[1], [0], [0], [1], [0, 0, 1, 1], [], []>, transpose_lhs_hint = false} : vector<128x64xf32>, vector<64x3xf32>, vector<128x3xf32> -> vector<128x3xf32>
    %get3A_79 = arith.constant 0 : index
    %get3A_80 = arith.constant 0 : index
    %get3A_81 = vector.load %arg11[%get3A_79, %get3A_80] : memref<1x3xf32, #tpu.memory_space<vmem>>, vector<1x3xf32>
    %add3A_82 = vector.broadcast %get3A_81 : vector<1x3xf32> to vector<128x3xf32>
    %add3A_83 = arith.addf %dot_general3A_78, %add3A_82 : vector<128x3xf32>
    %swap3A_84 = arith.constant 0 : index
    %swap3A_85 = arith.constant 0 : index
    %swap3A_86 = vector.load %arg14[%swap3A_84, %swap3A_85] : memref<128x3xf32, #tpu.memory_space<vmem>>, vector<128x3xf32>
    tpu.vector_store %arg14[%swap3A_84, %swap3A_85], %add3A_83 {strides = array<i32>} : memref<128x3xf32, #tpu.memory_space<vmem>>, vector<128x3xf32>,
    %get3A_87 = arith.constant 0 : index
    %get3A_88 = arith.constant 0 : index
    %get3A_89 = vector.load %arg12[%get3A_87, %get3A_88] : memref<64x1xf32, #tpu.memory_space<vmem>>, vector<64x1xf32>
    %dot_general3A_90 = arith.constant dense<0.000000e+00> : vector<128x1xf32>
    %dot_general3A_91 = tpu.matmul %slice3A_41, %get3A_89, %dot_general3A_90 {dimension_numbers = #tpu.dot_dimension_numbers<[1], [0], [0], [1], [0, 0, 1, 1], [], []>, transpose_lhs_hint = false} : vector<128x64xf32>, vector<64x1xf32>, vector<128x1xf32> -> vector<128x1xf32>
    %slice3A_92 = vector.extract_strided_slice %get3A_45 {offsets = [0, 0, 8], sizes = [128, 32, 1], strides = [1, 1, 1]} : vector<128x32x9xf32> to vector<128x32x1xf32>
    %broadcast_in_dim3A_93 = vector.shape_cast %dot_general3A_91 : vector<128x1xf32> to vector<128x1x1xf32>
    %add3A_94 = vector.broadcast %broadcast_in_dim3A_93 : vector<128x1x1xf32> to vector<128x32x1xf32>
    %add3A_95 = arith.addf %slice3A_92, %add3A_94 : vector<128x32x1xf32>
    %swap3A_96 = arith.constant 0 : index
    %swap3A_97 = arith.constant 0 : index
    %swap3A_98 = arith.constant 0 : index
    %swap3A_99 = vector.load %arg15[%swap3A_96, %swap3A_97, %swap3A_98] : memref<128x32x1xf32, #tpu.memory_space<vmem>>, vector<128x32x1xf32>
    tpu.vector_store %arg15[%swap3A_96, %swap3A_97, %swap3A_98], %add3A_95 {strides = array<i32>} : memref<128x32x1xf32, #tpu.memory_space<vmem>>, vector<128x32x1xf32>,
    return
  }
}

</mosaic_0001>

<sc_bundles>
// kernel: kernel.6.cloned.1.call-start
scs
__scs_entry_jumppad:
0x0: {  	(pc) =	sbr.rel $0x88, $3  }
0x1: {  	(tag) =	ssettag $0x0;
	lr =	simm.s32 $0x1  }
0x2: {  	[smem:$0x3F5D] =	sst lr;
	_ =	strace $0xD0000000  }
0x3: {  	_ = 	snop  }
0x4: {  	_ = 	snop  }
0x5: {  	_ = 	snop  }
0x6: {  	_ = 	snop  }
0x7: {  	_ = 	snop  }
__scs_overlays_trampoline_lowered:
0x8: {  	[smem:$0x3F6C] =	sst s0  }
0x9: {  	[smem:$0x3F6D] =	sst s1  }
0xa: {  	[smem:$0x3F6E] =	sst s2  }
0xb: {  	[smem:$0x3F6F] =	sst s3  }
0xc: {  	[smem:$0x3F70] =	sst s4  }
0xd: {  	[smem:$0x3F71] =	sst s5  }
0xe: {  	[smem:$0x3F72] =	sst s6  }
0xf: {  	[smem:$0x3F73] =	sst s7  }
0x10: {  	[smem:$0x3F74] =	sst s8  }
0x11: {  	[smem:$0x3F75] =	sst s9;
	s0 =	simm.s32 @!p0 $0x0  }
0x12: {  	s1 =	sld [smem:$0x3F5B];
	s0 =	simm.s32 @p0 $0x1  }
0x13: {  	[smem:$0x3F76] =	sst s0;
	s0 =	simm.s32 @!p1 $0x0  }
0x14: {  	s2 =	sld [smem:$0x3F5A];
	s0 =	simm.s32 @p1 $0x1  }
0x15: {  	[smem:$0x3F77] =	sst s0;
	s0 =	simm.s32 @!p2 $0x0  }
0x16: {  	s3 =	sld [smem:$0x3FDB];
	s0 =	simm.s32 @p2 $0x1  }
0x17: {  	s4 =	simm.s32 $0x1BF5;
	[smem:$0x3F79] =	sst s0  }
0x18: {  	s0 =	sld [smem:$0x3F5C];
	_ =	swait.ge [sflag:s4], $0x0  }
0x19: {  	s7 =	sld [smem:$0x3F5D]  }
0x1a: {  	s8 =	sadd.s32 $0xFFFFE003, lr  }
0x1b: {  	s9 =	sadd.s32 $0xFFFFFEF7, lr;
	s5 =	simm.s32 $0xFFFFFFFF;
	p2 =	slt.u32 s8, $0xFFFFF086  }
0x1c: {  	p1 =	slt.u32 s9, $0xF7A;
	s5 =	simm.s32 @!p2 $0x0  }
0x1d: {  	s5 =	simm.s32 @p1 $0x1;
	p0 =	seq.s32 s7, s2  }
0x1e: {  	s7 =	smul.u32 @!p0 $0xF7A, s2;
	p2 =	seq.s32 @!p0 s5, $0x0  }
0x1f: {  	s9 =	smul.u32 $0xF7A, s1;
	s8 =	simm.s32 @!p0 $0x1BF5;
	p2 =	por !p2, p0  }
0x20: {  	[sflag:s8] =	ssyncset.s32 @!p0 $0xFFFFF086;
	s6 =	sadd.s32 @!p0 s3, s7;
	s7 =	simm.s32 @!p0 $0x108  }
0x21: {  	s3 =	sadd.s32 s3, s9;
	s6 =	sadd.s32 @!p0 $0x88, s6;
	s7 =	simm.s32 @p2 $0x1082  }
0x22: {  	[simem:s7], [sflag:s8] =	dma.local @!p0 [hbm:s6], $0xF7A  }
0x23: {  	s9 =	sor.u32 $0xD0000000, s2;
	s6 =	simm.s32 $0x108;
	_ =	swait.ge @!p0 [sflag:s8], $0x0  }
0x24: {  	s3 =	sadd.s32 $0x88, s3;
	s6 =	simm.s32 @!p1 $0x1082;
	[sflag:s4] =	ssyncset.s32 $0xFFFFF086  }
0x25: {  	[simem:s6], [sflag:s4] =	dma.local [hbm:s3], $0xF7A  }
0x26: {  	[smem:$0x3F5D] =	sst s1;
	(tag) =	ssettag s2;
	_ =	strace s9  }
0x27: {  	s1 =	sld [smem:$0x3F6D]  }
0x28: {  	s2 =	sld [smem:$0x3F6E]  }
0x29: {  	s4 =	sld [smem:$0x3F70]  }
0x2a: {  	p0 =	seq.s32 s5, $0x0;
	s5 =	sld [smem:$0x3F71]  }
0x2b: {  	s6 =	sld [smem:$0x3F72]  }
0x2c: {  	s7 =	sld [smem:$0x3F73]  }
0x2d: {  	s3 =	simm.s32 $0x108;
	s8 =	sld [smem:$0x3F74]  }
0x2e: {  	s3 =	simm.s32 @!p0 $0x1082;
	s9 =	sld [smem:$0x3F75]  }
0x2f: {  	lr =	sadd.s32 s0, s3;
	s0 =	sld [smem:$0x3F6C]  }
0x30: {  	s3 =	sld [smem:$0x3F6F]  }
0x31: {  	[smem:$0x3F78] =	sst s10  }
0x32: {  	s10 =	sld [smem:$0x3F76];
	_ =	sdelay $0x3  }
0x33: {  	p0 =	seq.s32 s10, $0x1;
	s10 =	sld [smem:$0x3F78];
	_ =	sdelay $0x3  }
0x34: {  	[smem:$0x3F78] =	sst s10  }
0x35: {  	s10 =	sld [smem:$0x3F77];
	_ =	sdelay $0x3  }
0x36: {  	p1 =	seq.s32 s10, $0x1;
	s10 =	sld [smem:$0x3F78];
	_ =	sdelay $0x3  }
0x37: {  	[smem:$0x3F78] =	sst s10  }
0x38: {  	s10 =	sld [smem:$0x3F79]  }
0x39: {  	_ = 	snop;
	(pc) =	sbr.ind lr, $3  }
0x3a: {  	_ = 	snop  }
0x3b: {  	_ = 	snop  }
0x3c: {  	p2 =	seq.s32 s10, $0x1;
	s10 =	sld [smem:$0x3F78]  }
0x3d: {  	_ =	shalt  }
0x3e: {  	_ =	shalt  }
0x3f: {  	_ =	shalt  }
0x40: {  	_ =	shalt  }
0x41: {  	_ =	shalt  }
0x42: {  	_ =	shalt  }
0x43: {  	_ =	shalt  }
0x44: {  	_ =	shalt  }
0x45: {  	_ =	shalt  }
0x46: {  	_ =	shalt  }
0x47: {  	_ =	shalt  }
0x48: {  	_ =	shalt  }
0x49: {  	_ =	shalt  }
0x4a: {  	_ =	shalt  }
0x4b: {  	_ =	shalt  }
0x4c: {  	_ =	shalt  }
0x4d: {  	_ =	shalt  }
0x4e: {  	_ =	shalt  }
0x4f: {  	_ =	shalt  }
0x50: {  	_ =	shalt  }
0x51: {  	_ =	shalt  }
0x52: {  	_ =	shalt  }
0x53: {  	_ =	shalt  }
0x54: {  	_ =	shalt  }
0x55: {  	_ =	shalt  }
0x56: {  	_ =	shalt  }
0x57: {  	_ =	shalt  }
0x58: {  	_ =	shalt  }
0x59: {  	_ =	shalt  }
0x5a: {  	_ =	shalt  }
0x5b: {  	_ =	shalt  }
0x5c: {  	_ =	shalt  }
0x5d: {  	_ =	shalt  }
0x5e: {  	_ =	shalt  }
0x5f: {  	_ =	shalt  }
0x60: {  	_ =	shalt  }
0x61: {  	_ =	shalt  }
0x62: {  	_ =	shalt  }
0x63: {  	_ =	shalt  }
0x64: {  	_ =	shalt  }
0x65: {  	_ =	shalt  }
0x66: {  	_ =	shalt  }
0x67: {  	_ =	shalt  }
0x68: {  	_ =	shalt  }
0x69: {  	_ =	shalt  }
0x6a: {  	_ =	shalt  }
0x6b: {  	_ =	shalt  }
0x6c: {  	_ =	shalt  }
0x6d: {  	_ =	shalt  }
0x6e: {  	_ =	shalt  }
0x6f: {  	_ =	shalt  }
0x70: {  	_ =	shalt  }
0x71: {  	_ =	shalt  }
0x72: {  	_ =	shalt  }
0x73: {  	_ =	shalt  }
0x74: {  	_ =	shalt  }
0x75: {  	_ =	shalt  }
0x76: {  	_ =	shalt  }
0x77: {  	_ =	shalt  }
0x78: {  	_ =	shalt  }
0x79: {  	_ =	shalt  }
0x7a: {  	_ =	shalt  }
0x7b: {  	_ =	shalt  }
0x7c: {  	_ =	shalt  }
0x7d: {  	_ =	shalt  }
0x7e: {  	_ =	shalt  }
0x7f: {  	_ =	shalt  }
0x80: {  	_ =	shalt  }
0x81: {  	_ =	shalt  }
0x82: {  	_ =	shalt  }
0x83: {  	_ =	shalt  }
0x84: {  	_ =	shalt  }
0x85: {  	_ =	shalt  }
0x86: {  	_ =	shalt  }
0x87: {  	_ =	shalt  }
.Lfunc_end0:
.L_simem_size_0:
called_computation_lowered:
.L_overlay_start_0:
0x88: {  	s2 =	sld [smem:$0x3FD9]  }
0x89: {  	s3 =	sld [smem:$0x3FFE];
	_ =	sdelay $0x1  }
0x8a: {  	s1 =	srdreg.scid  }
0x8b: {  	s0 =	sand.u32 $0x1, s1  }
0x8c: {  	s14 =	sshll.u32 s0, $0xA;
	s2 =	sadd.s32 s3, s2  }
0x8d: {  	s2 =	sadd.s32 s2, s14  }
0x8e: {  	[smem:$0x3F84] =	sst s2  }
0x8f: {  	_ = 	snop  }
0x90: {  	s2 =	sld [smem:$0x3FD0];
	_ =	sdelay $0x2  }
0x91: {  	s15 =	simm.s32 $0xA;
	s4 =	simm.s32 $0x10  }
0x92: {  	[smem:s4], [sflag:s15] =	dma.local [hbm:s2], $0x1  }
0x93: {  	_ =	swait.eq [sflag:s15], $0x1  }
0x94: {  	[sflag:s15] =	ssyncset.done $0x0  }
0x95: {  	[sflag:s15] =	ssyncadd.s32 $0xFFFFFFFF  }
0x96: {  	s16 =	sld [smem:$0x10];
	(tm) =	ssettm $0x1  }
0x97: {  	s17 =	sld [smem:$0x3FFB];
	_ =	sdelay $0x3  }
0x98: {  	_ =	strace s17  }
0x99: {  	s3 =	sld [smem:$0x3FFC];
	_ =	sdelay $0x3  }
0x9a: {  	_ =	strace s3  }
0x9b: {  	s3 =	sld [smem:$0x3FFD];
	_ =	sdelay $0x3  }
0x9c: {  	_ =	strace s3  }
0x9d: {  	_ =	strace $0x8FFFFFFF  }
0x9e: {  	s18 =	sld [smem:$0x3FDB];
	_ =	sdelay $0x1  }
0x9f: {  	s19 =	simm.s32 $_scs_section_size  }
0xa0: {  	s5 =	simm.s32 $_size__tile_overlayer_lowered;
	s6 =	simm.s32 $_tile_overlayer_lowered  }
0xa1: {  	s22 =	simm.s32 $0x1BFF;
	s21 =	sshll.u32 s6, $0x1;
	s3 =	sadd.s32 s19, s18  }
0xa2: {  	s7 =	simm.s32 $0x0;
	s20 =	sshll.u32 s5, $0x1;
	s5 =	sadd.s32 s21, s3  }
0xa3: {  	[timem:s7], [sflag:s22] =	dma.local [hbm:s5], s20  }
0xa4: {  	_ =	swait.ge [sflag:s22], s20  }
0xa5: {  	s4 =	ssub.s32 $0x0, s20;
	[sflag:s22] =	ssyncset.done $0x0  }
0xa6: {  	[sflag:s22] =	ssyncadd.s32 s4;
	_ =	sdelay $0x1  }
0xa7: {  	s23 =	simm.s32 $0x1B8B  }
0xa8: {  	_ =	swait.ge [sflag:s23], $0x1  }
0xa9: {  	[sflag:s23] =	ssyncset.done $0x0  }
0xaa: {  	s25 =	simm.s32 $0x1B8E;
	s24 =	sld [smem:$0x3FFE];
	[sflag:s23] =	ssyncadd.s32 $0xFFFFFFFF  }
0xab: {  	s26 =	simm.s32 $execute0_lowered;
	[smem:$0x3FD2] =	sst s25  }
0xac: {  	s5 =	sshll.u32 s26, $0x1;
	_ =	strace $0x80000046;
	[dreg:$0x1] =	wrdreg $0xFFFFFFFF  }
0xad: {  	s28 =	simm.s32 $_size_execute0_lowered;
	s3 =	sadd.s32 s3, s5;
	[dreg:$0x0] =	wrdreg $0x0  }
0xae: {  	s5 =	sshll.u32 s28, $0x1;
	[dreg:$0x2] =	wrdreg s3  }
0xaf: {  	[dreg:$0x3] =	wrdreg s5  }
0xb0: {  	[dreg:$0x4] =	wrdreg $0xC0  }
0xb1: {  	_ =	task [dreg:s7], $0x5FFFF  }
0xb2: {  	[dreg:$0x1] =	wrdreg $0xFFFFFFFF  }
0xb3: {  	[dreg:$0x0] =	wrdreg $0x60  }
0xb4: {  	[dreg:$0x2] =	wrdreg s16  }
0xb5: {  	[dreg:$0x3] =	wrdreg s24  }
0xb6: {  	[dreg:$0x4] =	wrdreg $0x9  }
0xb7: {  	_ =	task.clear_ibuf [dreg:s7], $0x5FFFF;
	_ =	strace $0x90000046  }
0xb8: {  	s29 =	simm.s32 $0x9;
	_ =	strace $0x80000048  }
0xb9: {  	_ =	swait.ge [sflag:s29], $0x1  }
0xba: {  	[sflag:s29] =	ssyncadd.s32 $0xFFFFFFFF  }
0xbb: {  	_ =	strace $0x90000048  }
0xbc: {  	_ =	sfence  }
0xbd: {  	s30 =	sld [smem:$0x0];
	_ =	sdelay $0x2  }
0xbe: {  	s31 =	sshll.u32 s1, $0xD;
	s1 =	sshrl.u32 s1, $0x2  }
0xbf: {  	s3 =	sand.u32 $0x4000, s31;
	s1 =	sadd.s32 s1, s30  }
0xc0: {  	s0 =	sor.u32 s3, s0;
	s1 =	sshll.u32 s1, $0x11  }
0xc1: {  	s0 =	sor.u32 s1, s0  }
0xc2: {  	s0 =	sadd.s32 $0x8F2B, s0  }
0xc3: {  	[sflag:s0] =	ssyncadd.remote.s32 $0x1  }
0xc4: {  	_ =	sfence.sel $0xFFFF  }
0xc5: {  	[dreg:$0x0] =	wrdreg $0xFFFFFFFF;
	(pc) =	sbr.abs _section_cstart, $3  }
0xc6: {  	[dreg:$0x1] =	wrdreg $0xFFFFFFFF  }
0xc7: {  	_ =	task.clear_ibuf [dreg:s7], $0x2FFFF;
	_ =	strace $0x9FFFFFFF  }
0xc8: {  	(tm) =	ssettm $0x7FFFFFFF  }
0xc9: {  	_ =	shalt  }
tec
execute0_lowered:
.L_overlay_start_1:
0x0: {  	(tag) =	ssettag $0x1  }
0x1: {  	s0 =	rddreg [dreg:$0x0]  }
0x2: {  	s1 =	rddreg [dreg:$0x1];
	s2 =	srdreg.scid  }
0x3: {  	s4 =	simm.s32 $0x0;
	s3 =	stileid.u32;
	s2 =	sand.u32 $0x1, s2  }
0x4: {  	[smem:$0x7FF] =	sst s4;
	s3 =	sshll.u32 s3, $0x8;
	s29 =	sshll.u32 s2, $0x6  }
0x5: {  	v0 =	vlaneseq.u32;
	_ =	strace $0x80000047;
	s2 =	ssub.s32 $0x2, s2;
	s3 =	sor.u32 s29, s3  }
0x6: {  	v37 =	vor.u32 $0x80000030, v0;
	v2 =	vor.u32 $0x80000020, v0;
	s30 =	sshrl.u32 s2, $0x1;
	s1 =	sadd.s32 s3, s1;
	s0 =	sadd.s32 s0, s3  }
0x7: {  	v39 =	vlaneseq.u32;
	v3 =	vor.u32 $0x80000010, v0;
	v4 =	vor.u32 $0x80000000, v0;
	s2 =	ssub.s32 s2, s30;
	[dreg:$0x3] =	wrdreg s0;
	s31 =	sadd.s32 $0x8600, s1  }
0x8: {  	s6 =	simm.s32 $0x1;
	v5 =	vor.u32 $0x10, v0;
	v6 =	vor.u32 $0x20, v0;
	v7 =	vor.u32 $0x30, v0;
	s3 =	smax.u32 s2, $0x1;
	[dreg:$0x4] =	wrdreg s31  }
.LBB2_1:
0x9: {  	s0 =	rddreg [dreg:$0x3]  }
0xa: {  	s1 =	simm.s32 $0x0;
	s2 =	simm.s32 $0x200;
	s4 =	simm.s32 $0x400  }
0xb: {  	[tilespmem:s1], [sflag:$0x1] =	stream.strided.gather [hbm4b:s0+s2], $0x400, s4, s2, $0x38;
	[tilespmem:$0x800] =	vst v63  }
0xc: {  	_ =	swait.ge [sflag:s6], $0x400  }
0xd: {  	[sflag:s6] =	ssyncset.done $0x0  }
0xe: {  	[sflag:s6] =	ssyncadd.s32 $0xFFFFFC00  }
0xf: {  	v8 =	vld [tilespmem:$0x0]  }
0x10: {  	v9 =	vld [tilespmem:$0x10]  }
0x11: {  	v10 =	vld [tilespmem:$0x20]  }
0x12: {  	v11 =	vld [tilespmem:$0x30];
	_ =	sdelay $0x4  }
0x13: {  	v12 =	vmax.f32 v8, v9;
	v13 =	vmax.f32 v10, v11  }
0x14: {  	v12 =	vmax.f32 v12, v13  }
0x15: {  	(xrf0) =	vmax.scan.msk.f32 $0xffff, v12;
	_ =	sdelay $0x5  }
0x16: {  	v12, _, _ =	vpop (xrf0)  }
0x17: {  	v33 =	vbroadcast v12, $0xF;
	_ =	sdelay $0x1  }
0x18: {  	vm0 =	veq.f32 v11, v33  }
0x19: {  	vm1 =	veq.f32 v10, v33;
	v14 =	vnsel vm0, $0x80000040, v37  }
0x1a: {  	vm10 =	veq.f32 v9, v33;
	v14 =	vsel vm1, v2, v14  }
0x1b: {  	vm11 =	veq.f32 v8, v33;
	v34 =	vsel vm10, v3, v14  }
0x1c: {  	v13 =	vsel vm11, v4, v34  }
0x1d: {  	(xrf0) =	vmin.scan.msk.u32 $0xffff, v13;
	_ =	sdelay $0x5  }
0x1e: {  	(v2sf) =	vpush v12, $0xF;
	v35, _, _ =	vpop (xrf0)  }
0x1f: {  	(v2sf) =	vpush v35, $0xF;
	_ =	sdelay $0xd  }
0x20: {  	s10 =	spop (v2sf)  }
0x21: {  	s26 =	spop (v2sf)  }
0x22: {  	s0 =	sxor.u32 $0x80000000, s26  }
0x23: {  	v36 =	vmov s0  }
0x24: {  	vm15 =	veq.s32 v36, v39;
	vm4 =	veq.s32 v36, v5  }
0x25: {  	vm3 =	veq.s32 v36, v6;
	vm2 =	veq.s32 v36, v7;
	v8 =	vsel vm15, $0xF149F2CA, v8  }
0x26: {  	v9 =	vsel vm4, $0xF149F2CA, v9;
	v10 =	vsel vm3, $0xF149F2CA, v10;
	v11 =	vsel vm2, $0xF149F2CA, v11  }
0x27: {  	v38 =	vmax.f32 v8, v9;
	v40 =	vmax.f32 v10, v11  }
0x28: {  	v12 =	vmax.f32 v38, v40  }
0x29: {  	(xrf0) =	vmax.scan.msk.f32 $0xffff, v12;
	_ =	sdelay $0x4  }
0x2a: {  	v41 =	vld [tilespmem:$0x40]  }
0x2b: {  	v43 =	vld [tilespmem:$0x50];
	v42, _, _ =	vpop (xrf0)  }
0x2c: {  	v16 =	vld [tilespmem:$0x60];
	v15 =	vbroadcast v42, $0xF  }
0x2d: {  	v17 =	vld [tilespmem:$0x70]  }
0x2e: {  	vm12 =	veq.f32 v11, v15  }
0x2f: {  	vm13 =	veq.f32 v10, v15;
	v44 =	vnsel vm12, $0x80000040, v37  }
0x30: {  	vm14 =	veq.f32 v9, v15;
	v45 =	vsel vm13, v2, v44  }
0x31: {  	vm5 =	veq.f32 v8, v15;
	v8 =	vsel vm14, v3, v45  }
0x32: {  	v46 =	vmax.f32 v41, v43;
	v47 =	vmax.f32 v16, v17;
	v8 =	vsel vm5, v4, v8  }
0x33: {  	(xrf0) =	vmin.scan.msk.u32 $0xffff, v8;
	v8 =	vmax.f32 v46, v47  }
0x34: {  	(xrf0) =	vmax.scan.msk.f32 $0xffff, v8;
	_ =	sdelay $0x4  }
0x35: {  	v8, _, _ =	vpop (xrf0)  }
0x36: {  	v48, _, _ =	vpop (xrf0)  }
0x37: {  	v49 =	vbroadcast v48, $0xF;
	_ =	sdelay $0x1  }
0x38: {  	vm6 =	veq.f32 v17, v49  }
0x39: {  	vm7 =	veq.f32 v16, v49;
	v50 =	vnsel vm6, $0x80000040, v37  }
0x3a: {  	vm8 =	veq.f32 v43, v49;
	v11 =	vsel vm7, v2, v50  }
0x3b: {  	vm9 =	veq.f32 v41, v49;
	v51 =	vsel vm8, v3, v11  }
0x3c: {  	v10 =	vsel vm9, v4, v51  }
0x3d: {  	(xrf0) =	vmin.scan.msk.u32 $0xffff, v10;
	_ =	sdelay $0x3  }
0x3e: {  	(v2sf) =	vpush v42, $0xF  }
0x3f: {  	(v2sf) =	vpush v8, $0xF  }
0x40: {  	(v2sf) =	vpush v48, $0xF;
	v8, _, _ =	vpop (xrf0)  }
0x41: {  	(v2sf) =	vpush v8, $0xF;
	_ =	sdelay $0xb  }
0x42: {  	s14 =	spop (v2sf)  }
0x43: {  	s7 =	spop (v2sf)  }
0x44: {  	s12 =	spop (v2sf)  }
0x45: {  	s28 =	spop (v2sf)  }
0x46: {  	s0 =	sxor.u32 $0x80000000, s28  }
0x47: {  	v8 =	vmov s0  }
0x48: {  	vm10 =	veq.s32 v8, v39;
	vm5 =	veq.s32 v8, v5  }
0x49: {  	vm11 =	veq.s32 v8, v6;
	vm12 =	veq.s32 v8, v7;
	v52 =	vsel vm10, $0xF149F2CA, v41  }
0x4a: {  	v8 =	vsel vm5, $0xF149F2CA, v43;
	v53 =	vsel vm11, $0xF149F2CA, v16;
	v54 =	vsel vm12, $0xF149F2CA, v17  }
0x4b: {  	v12 =	vmax.f32 v52, v8;
	v55 =	vmax.f32 v53, v54  }
0x4c: {  	v12 =	vmax.f32 v12, v55  }
0x4d: {  	(xrf0) =	vmax.scan.msk.f32 $0xffff, v12;
	_ =	sdelay $0x4  }
0x4e: {  	v56 =	vld [tilespmem:$0x200]  }
0x4f: {  	v58 =	vld [tilespmem:$0x210];
	v57, _, _ =	vpop (xrf0)  }
0x50: {  	v60 =	vld [tilespmem:$0x220];
	v59 =	vbroadcast v57, $0xF  }
0x51: {  	v61 =	vld [tilespmem:$0x230]  }
0x52: {  	vm0 =	veq.f32 v54, v59  }
0x53: {  	vm1 =	veq.f32 v53, v59;
	v62 =	vnsel vm0, $0x80000040, v37  }
0x54: {  	vm13 =	veq.f32 v8, v59;
	v8 =	vsel vm1, v2, v62  }
0x55: {  	vm14 =	veq.f32 v52, v59;
	v8 =	vsel vm13, v3, v8  }
0x56: {  	v63 =	vmax.f32 v56, v58;
	v15 =	vmax.f32 v60, v61;
	v8 =	vsel vm14, v4, v8  }
0x57: {  	(xrf0) =	vmin.scan.msk.u32 $0xffff, v8;
	v8 =	vmax.f32 v63, v15  }
0x58: {  	(xrf0) =	vmax.scan.msk.f32 $0xffff, v8;
	_ =	sdelay $0x4  }
0x59: {  	v8, _, _ =	vpop (xrf0)  }
0x5a: {  	v0 =	vimm.s32 $0x0;
	v18, _, _ =	vpop (xrf0)  }
0x5b: {  	v0 =	vsel vm10, $0xFFFFFFFF, v0;
	v19 =	vbroadcast v18, $0xF  }
0x5c: {  	[tilespmem:$0x1FD80] =	vst v0;
	v0 =	vimm.s32 $0x0  }
0x5d: {  	v0 =	vsel vm5, $0xFFFFFFFF, v0;
	vm5 =	veq.f32 v61, v19  }
0x5e: {  	vm6 =	veq.f32 v60, v19;
	v20 =	vnsel vm5, $0x80000040, v37  }
0x5f: {  	vm7 =	veq.f32 v58, v19;
	v11 =	vsel vm6, v2, v20  }
0x60: {  	vm8 =	veq.f32 v56, v19;
	v21 =	vsel vm7, v3, v11  }
0x61: {  	v10 =	vsel vm8, v4, v21  }
0x62: {  	(xrf0) =	vmin.scan.msk.u32 $0xffff, v10;
	_ =	sdelay $0x3  }
0x63: {  	(v2sf) =	vpush v57, $0xF  }
0x64: {  	(v2sf) =	vpush v8, $0xF  }
0x65: {  	(v2sf) =	vpush v18, $0xF;
	v8, _, _ =	vpop (xrf0)  }
0x66: {  	(v2sf) =	vpush v8, $0xF;
	_ =	sdelay $0xb  }
0x67: {  	s17 =	spop (v2sf)  }
0x68: {  	s8 =	spop (v2sf)  }
0x69: {  	s15 =	spop (v2sf)  }
0x6a: {  	[tilespmem:$0x1FD90] =	vst v0;
	v0 =	vimm.s32 $0x0;
	s29 =	spop (v2sf)  }
0x6b: {  	v0 =	vsel vm11, $0xFFFFFFFF, v0;
	s0 =	sxor.u32 $0x80000000, s29  }
0x6c: {  	[tilespmem:$0x1FDA0] =	vst v0;
	v0 =	vimm.s32 $0x0;
	v8 =	vmov s0  }
0x6d: {  	v0 =	vsel vm12, $0xFFFFFFFF, v0;
	vm9 =	veq.s32 v8, v39;
	vm10 =	veq.s32 v8, v5  }
0x6e: {  	vm11 =	veq.s32 v8, v6;
	vm12 =	veq.s32 v8, v7;
	v22 =	vsel vm9, $0xF149F2CA, v56  }
0x6f: {  	v8 =	vsel vm10, $0xF149F2CA, v58;
	v23 =	vsel vm11, $0xF149F2CA, v60;
	v24 =	vsel vm12, $0xF149F2CA, v61  }
0x70: {  	v12 =	vmax.f32 v22, v8;
	v25 =	vmax.f32 v23, v24  }
0x71: {  	v12 =	vmax.f32 v12, v25  }
0x72: {  	(xrf0) =	vmax.scan.msk.f32 $0xffff, v12;
	_ =	sdelay $0x4  }
0x73: {  	v26 =	vld [tilespmem:$0x80]  }
0x74: {  	v28 =	vld [tilespmem:$0x90];
	v27, _, _ =	vpop (xrf0)  }
0x75: {  	v30 =	vld [tilespmem:$0xA0];
	v29 =	vbroadcast v27, $0xF  }
0x76: {  	v31 =	vld [tilespmem:$0xB0]  }
0x77: {  	vm0 =	veq.f32 v24, v29  }
0x78: {  	vm1 =	veq.f32 v23, v29;
	v32 =	vnsel vm0, $0x80000040, v37  }
0x79: {  	vm13 =	veq.f32 v8, v29;
	v8 =	vsel vm1, v2, v32  }
0x7a: {  	vm14 =	veq.f32 v22, v29;
	v8 =	vsel vm13, v3, v8  }
0x7b: {  	v33 =	vmax.f32 v26, v28;
	v34 =	vmax.f32 v30, v31;
	v8 =	vsel vm14, v4, v8  }
0x7c: {  	(xrf0) =	vmin.scan.msk.u32 $0xffff, v8;
	v8 =	vmax.f32 v33, v34  }
0x7d: {  	(xrf0) =	vmax.scan.msk.f32 $0xffff, v8;
	_ =	sdelay $0x4  }
0x7e: {  	v8, _, _ =	vpop (xrf0)  }
0x7f: {  	v35, _, _ =	vpop (xrf0)  }
0x80: {  	v36 =	vbroadcast v35, $0xF;
	_ =	sdelay $0x1  }
0x81: {  	vm5 =	veq.f32 v31, v36  }
0x82: {  	vm6 =	veq.f32 v30, v36;
	v38 =	vnsel vm5, $0x80000040, v37  }
0x83: {  	vm7 =	veq.f32 v28, v36;
	v11 =	vsel vm6, v2, v38  }
0x84: {  	vm8 =	veq.f32 v26, v36;
	v40 =	vsel vm7, v3, v11  }
0x85: {  	v10 =	vsel vm8, v4, v40  }
0x86: {  	(xrf0) =	vmin.scan.msk.u32 $0xffff, v10;
	_ =	sdelay $0x3  }
0x87: {  	(v2sf) =	vpush v27, $0xF  }
0x88: {  	(v2sf) =	vpush v8, $0xF  }
0x89: {  	(v2sf) =	vpush v35, $0xF;
	v8, _, _ =	vpop (xrf0)  }
0x8a: {  	(v2sf) =	vpush v8, $0xF;
	_ =	sdelay $0xa  }
0x8b: {  	[tilespmem:$0x1FDB0] =	vst v0;
	v0 =	vimm.s32 $0x0  }
0x8c: {  	v0 =	vsel vm9, $0xFFFFFFFF, v0;
	s22 =	spop (v2sf)  }
0x8d: {  	[tilespmem:$0x1FDC0] =	vst v0;
	v0 =	vimm.s32 $0x0;
	s9 =	spop (v2sf)  }
0x8e: {  	v0 =	vsel vm10, $0xFFFFFFFF, v0;
	s20 =	spop (v2sf)  }
0x8f: {  	[tilespmem:$0x1FDD0] =	vst v0;
	v0 =	vimm.s32 $0x0;
	s30 =	spop (v2sf)  }
0x90: {  	v0 =	vsel vm11, $0xFFFFFFFF, v0;
	s0 =	sxor.u32 $0x80000000, s30  }
0x91: {  	[tilespmem:$0x1FDE0] =	vst v0;
	v0 =	vimm.s32 $0x0;
	v8 =	vmov s0  }
0x92: {  	v0 =	vsel vm12, $0xFFFFFFFF, v0;
	vm9 =	veq.s32 v8, v39;
	vm10 =	veq.s32 v8, v5  }
0x93: {  	vm11 =	veq.s32 v8, v6;
	vm12 =	veq.s32 v8, v7;
	v41 =	vsel vm9, $0xF149F2CA, v26  }
0x94: {  	v8 =	vsel vm10, $0xF149F2CA, v28;
	v42 =	vsel vm11, $0xF149F2CA, v30;
	v43 =	vsel vm12, $0xF149F2CA, v31  }
0x95: {  	v12 =	vmax.f32 v41, v8;
	v44 =	vmax.f32 v42, v43  }
0x96: {  	v12 =	vmax.f32 v12, v44  }
0x97: {  	(xrf0) =	vmax.scan.msk.f32 $0xffff, v12;
	_ =	sdelay $0x4  }
0x98: {  	v45 =	vld [tilespmem:$0xC0]  }
0x99: {  	v47 =	vld [tilespmem:$0xD0];
	v46, _, _ =	vpop (xrf0)  }
0x9a: {  	v49 =	vld [tilespmem:$0xE0];
	v48 =	vbroadcast v46, $0xF  }
0x9b: {  	v50 =	vld [tilespmem:$0xF0]  }
0x9c: {  	vm0 =	veq.f32 v43, v48  }
0x9d: {  	vm13 =	veq.f32 v42, v48;
	v11 =	vnsel vm0, $0x80000040, v37  }
0x9e: {  	vm14 =	veq.f32 v8, v48;
	v10 =	vsel vm13, v2, v11  }
0x9f: {  	vm5 =	veq.f32 v41, v48;
	v8 =	vsel vm14, v3, v10  }
0xa0: {  	v51 =	vmax.f32 v45, v47;
	v52 =	vmax.f32 v49, v50;
	v8 =	vsel vm5, v4, v8  }
0xa1: {  	(xrf0) =	vmin.scan.msk.u32 $0xffff, v8;
	v8 =	vmax.f32 v51, v52  }
0xa2: {  	(xrf0) =	vmax.scan.msk.f32 $0xffff, v8;
	_ =	sdelay $0x4  }
0xa3: {  	v8, _, _ =	vpop (xrf0)  }
0xa4: {  	v53, _, _ =	vpop (xrf0)  }
0xa5: {  	v54 =	vbroadcast v53, $0xF;
	_ =	sdelay $0x1  }
0xa6: {  	vm6 =	veq.f32 v50, v54  }
0xa7: {  	vm7 =	veq.f32 v49, v54;
	v55 =	vnsel vm6, $0x80000040, v37  }
0xa8: {  	[tilespmem:$0x1FDF0] =	vst v0;
	v0 =	vimm.s32 $0x0;
	vm8 =	veq.f32 v47, v54;
	v11 =	vsel vm7, v2, v55  }
0xa9: {  	v0 =	vsel vm9, $0xFFFFFFFF, v0;
	vm9 =	veq.f32 v45, v54;
	v11 =	vsel vm8, v3, v11  }
0xaa: {  	v10 =	vsel vm9, v4, v11  }
0xab: {  	(xrf0) =	vmin.scan.msk.u32 $0xffff, v10;
	_ =	sdelay $0x3  }
0xac: {  	(v2sf) =	vpush v46, $0xF  }
0xad: {  	(v2sf) =	vpush v8, $0xF  }
0xae: {  	(v2sf) =	vpush v53, $0xF;
	v8, _, _ =	vpop (xrf0)  }
0xaf: {  	(v2sf) =	vpush v8, $0xF;
	_ =	sdelay $0xb  }
0xb0: {  	s24 =	spop (v2sf)  }
0xb1: {  	[tilespmem:$0x1FE00] =	vst v0;
	v0 =	vimm.s32 $0x0;
	s11 =	spop (v2sf)  }
0xb2: {  	v0 =	vsel vm10, $0xFFFFFFFF, v0;
	s23 =	spop (v2sf)  }
0xb3: {  	[tilespmem:$0x1FE10] =	vst v0;
	v0 =	vimm.s32 $0x0;
	s31 =	spop (v2sf)  }
0xb4: {  	v0 =	vsel vm11, $0xFFFFFFFF, v0;
	s0 =	sxor.u32 $0x80000000, s31  }
0xb5: {  	[tilespmem:$0x1FE20] =	vst v0;
	v0 =	vimm.s32 $0x0;
	v8 =	vmov s0  }
0xb6: {  	v0 =	vsel vm12, $0xFFFFFFFF, v0;
	vm10 =	veq.s32 v8, v39;
	vm11 =	veq.s32 v8, v5  }
0xb7: {  	vm12 =	veq.s32 v8, v6;
	vm13 =	veq.s32 v8, v7;
	v56 =	vsel vm10, $0xF149F2CA, v45  }
0xb8: {  	v8 =	vsel vm11, $0xF149F2CA, v47;
	v57 =	vsel vm12, $0xF149F2CA, v49;
	v58 =	vsel vm13, $0xF149F2CA, v50  }
0xb9: {  	v12 =	vmax.f32 v56, v8;
	v59 =	vmax.f32 v57, v58  }
0xba: {  	v12 =	vmax.f32 v12, v59  }
0xbb: {  	(xrf0) =	vmax.scan.msk.f32 $0xffff, v12;
	_ =	sdelay $0x4  }
0xbc: {  	v62 =	vld [tilespmem:$0x290]  }
0xbd: {  	v20 =	vld [tilespmem:$0x2A0];
	v61, _, _ =	vpop (xrf0)  }
0xbe: {  	v21 =	vld [tilespmem:$0x2B0];
	v63 =	vbroadcast v61, $0xF  }
0xbf: {  	v60 =	vld [tilespmem:$0x280]  }
0xc0: {  	vm0 =	veq.f32 v58, v63  }
0xc1: {  	vm14 =	veq.f32 v57, v63;
	v11 =	vnsel vm0, $0x80000040, v37  }
0xc2: {  	vm5 =	veq.f32 v8, v63;
	v10 =	vsel vm14, v2, v11  }
0xc3: {  	vm6 =	veq.f32 v56, v63;
	v8 =	vsel vm5, v3, v10  }
0xc4: {  	v22 =	vmax.f32 v60, v62;
	v23 =	vmax.f32 v20, v21;
	v8 =	vsel vm6, v4, v8  }
0xc5: {  	(xrf0) =	vmin.scan.msk.u32 $0xffff, v8;
	v8 =	vmax.f32 v22, v23  }
0xc6: {  	(xrf0) =	vmax.scan.msk.f32 $0xffff, v8;
	_ =	sdelay $0x4  }
0xc7: {  	v8, _, _ =	vpop (xrf0)  }
0xc8: {  	v24, _, _ =	vpop (xrf0)  }
0xc9: {  	v25 =	vbroadcast v24, $0xF;
	_ =	sdelay $0x1  }
0xca: {  	vm7 =	veq.f32 v21, v25  }
0xcb: {  	vm8 =	veq.f32 v20, v25;
	v26 =	vnsel vm7, $0x80000040, v37  }
0xcc: {  	[tilespmem:$0x1FE30] =	vst v0;
	v0 =	vimm.s32 $0x0;
	vm9 =	veq.f32 v62, v25;
	v11 =	vsel vm8, v2, v26  }
0xcd: {  	v0 =	vsel vm10, $0xFFFFFFFF, v0;
	vm10 =	veq.f32 v60, v25;
	v11 =	vsel vm9, v3, v11  }
0xce: {  	v10 =	vsel vm10, v4, v11  }
0xcf: {  	(xrf0) =	vmin.scan.msk.u32 $0xffff, v10;
	_ =	sdelay $0x3  }
0xd0: {  	(v2sf) =	vpush v61, $0xF  }
0xd1: {  	(v2sf) =	vpush v8, $0xF  }
0xd2: {  	(v2sf) =	vpush v24, $0xF;
	v8, _, _ =	vpop (xrf0)  }
0xd3: {  	(v2sf) =	vpush v8, $0xF;
	_ =	sdelay $0xb  }
0xd4: {  	s26 =	spop (v2sf)  }
0xd5: {  	[tilespmem:$0x1FE40] =	vst v0;
	v0 =	vimm.s32 $0x0;
	s13 =	spop (v2sf)  }
0xd6: {  	v0 =	vsel vm11, $0xFFFFFFFF, v0;
	s25 =	spop (v2sf)  }
0xd7: {  	[tilespmem:$0x1FE50] =	vst v0;
	v0 =	vimm.s32 $0x0;
	s1 =	spop (v2sf)  }
0xd8: {  	v0 =	vsel vm12, $0xFFFFFFFF, v0;
	s0 =	sxor.u32 $0x80000000, s1  }
0xd9: {  	[tilespmem:$0x1FE60] =	vst v0;
	v0 =	vimm.s32 $0x0;
	v8 =	vmov s0  }
0xda: {  	v0 =	vsel vm13, $0xFFFFFFFF, v0;
	vm11 =	veq.s32 v8, v39;
	vm12 =	veq.s32 v8, v5  }
0xdb: {  	vm13 =	veq.s32 v8, v6;
	vm14 =	veq.s32 v8, v7;
	v27 =	vsel vm11, $0xF149F2CA, v60  }
0xdc: {  	v8 =	vsel vm12, $0xF149F2CA, v62;
	v28 =	vsel vm13, $0xF149F2CA, v20;
	v29 =	vsel vm14, $0xF149F2CA, v21  }
0xdd: {  	v12 =	vmax.f32 v27, v8;
	v30 =	vmax.f32 v28, v29  }
0xde: {  	v12 =	vmax.f32 v12, v30  }
0xdf: {  	(xrf0) =	vmax.scan.msk.f32 $0xffff, v12;
	_ =	sdelay $0x4  }
0xe0: {  	v33 =	vld [tilespmem:$0x110]  }
0xe1: {  	v35 =	vld [tilespmem:$0x120];
	v32, _, _ =	vpop (xrf0)  }
0xe2: {  	v36 =	vld [tilespmem:$0x130];
	v34 =	vbroadcast v32, $0xF  }
0xe3: {  	v31 =	vld [tilespmem:$0x100]  }
0xe4: {  	vm0 =	veq.f32 v29, v34  }
0xe5: {  	vm6 =	veq.f32 v28, v34;
	v11 =	vnsel vm0, $0x80000040, v37  }
0xe6: {  	vm7 =	veq.f32 v8, v34;
	v10 =	vsel vm6, v2, v11  }
0xe7: {  	vm8 =	veq.f32 v27, v34;
	v8 =	vsel vm7, v3, v10  }
0xe8: {  	v40 =	vmax.f32 v35, v36;
	v38 =	vmax.f32 v31, v33;
	v8 =	vsel vm8, v4, v8  }
0xe9: {  	(xrf0) =	vmin.scan.msk.u32 $0xffff, v8;
	v8 =	vmax.f32 v38, v40  }
0xea: {  	(xrf0) =	vmax.scan.msk.f32 $0xffff, v8;
	_ =	sdelay $0x4  }
0xeb: {  	v8, _, _ =	vpop (xrf0)  }
0xec: {  	v41, _, _ =	vpop (xrf0)  }
0xed: {  	v42 =	vbroadcast v41, $0xF;
	_ =	sdelay $0x1  }
0xee: {  	[tilespmem:$0x1FE70] =	vst v0;
	v0 =	vimm.s32 $0x0;
	vm9 =	veq.f32 v36, v42  }
0xef: {  	v0 =	vsel vm11, $0xFFFFFFFF, v0;
	vm10 =	veq.f32 v35, v42;
	v43 =	vnsel vm9, $0x80000040, v37  }
0xf0: {  	[tilespmem:$0x1FE80] =	vst v0;
	v0 =	vimm.s32 $0x0;
	vm11 =	veq.f32 v33, v42;
	v11 =	vsel vm10, v2, v43  }
0xf1: {  	v0 =	vsel vm12, $0xFFFFFFFF, v0;
	vm12 =	veq.f32 v31, v42;
	v11 =	vsel vm11, v3, v11  }
0xf2: {  	v10 =	vsel vm12, v4, v11  }
0xf3: {  	(xrf0) =	vmin.scan.msk.u32 $0xffff, v10;
	_ =	sdelay $0x3  }
0xf4: {  	(v2sf) =	vpush v32, $0xF  }
0xf5: {  	(v2sf) =	vpush v8, $0xF  }
0xf6: {  	(v2sf) =	vpush v41, $0xF;
	v8, _, _ =	vpop (xrf0)  }
0xf7: {  	(v2sf) =	vpush v8, $0xF;
	_ =	sdelay $0xb  }
0xf8: {  	s30 =	spop (v2sf)  }
0xf9: {  	s16 =	spop (v2sf)  }
0xfa: {  	s28 =	spop (v2sf)  }
0xfb: {  	[tilespmem:$0x1FE90] =	vst v0;
	v0 =	vimm.s32 $0x0;
	s2 =	spop (v2sf)  }
0xfc: {  	v0 =	vsel vm13, $0xFFFFFFFF, v0;
	s0 =	sxor.u32 $0x80000000, s2  }
0xfd: {  	[tilespmem:$0x1FEA0] =	vst v0;
	v0 =	vimm.s32 $0x0;
	v8 =	vmov s0  }
0xfe: {  	v0 =	vsel vm14, $0xFFFFFFFF, v0;
	vm13 =	veq.s32 v8, v39;
	vm14 =	veq.s32 v8, v5  }
0xff: {  	vm6 =	veq.s32 v8, v6;
	vm7 =	veq.s32 v8, v7;
	v44 =	vsel vm13, $0xF149F2CA, v31  }
0x100: {  	v8 =	vsel vm14, $0xF149F2CA, v33;
	v45 =	vsel vm6, $0xF149F2CA, v35;
	v46 =	vsel vm7, $0xF149F2CA, v36  }
0x101: {  	v12 =	vmax.f32 v44, v8;
	v47 =	vmax.f32 v45, v46  }
0x102: {  	v12 =	vmax.f32 v12, v47  }
0x103: {  	(xrf0) =	vmax.scan.msk.f32 $0xffff, v12;
	_ =	sdelay $0x4  }
0x104: {  	v48 =	vld [tilespmem:$0x140]  }
0x105: {  	v52 =	vld [tilespmem:$0x160];
	v49, _, _ =	vpop (xrf0)  }
0x106: {  	v53 =	vld [tilespmem:$0x170];
	v51 =	vbroadcast v49, $0xF  }
0x107: {  	v50 =	vld [tilespmem:$0x150]  }
0x108: {  	vm8 =	veq.f32 v46, v51  }
0x109: {  	vm9 =	veq.f32 v45, v51;
	v11 =	vnsel vm8, $0x80000040, v37  }
0x10a: {  	vm10 =	veq.f32 v8, v51;
	v10 =	vsel vm9, v2, v11  }
0x10b: {  	vm11 =	veq.f32 v44, v51;
	v8 =	vsel vm10, v3, v10  }
0x10c: {  	v55 =	vmax.f32 v52, v53;
	v54 =	vmax.f32 v48, v50;
	v8 =	vsel vm11, v4, v8  }
0x10d: {  	(xrf0) =	vmin.scan.msk.u32 $0xffff, v8;
	v8 =	vmax.f32 v54, v55  }
0x10e: {  	(xrf0) =	vmax.scan.msk.f32 $0xffff, v8;
	_ =	sdelay $0x4  }
0x10f: {  	v8, _, _ =	vpop (xrf0)  }
0x110: {  	v56, _, _ =	vpop (xrf0)  }
0x111: {  	v57 =	vbroadcast v56, $0xF  }
0x112: {  	[tilespmem:$0x1FEB0] =	vst v0;
	v0 =	vimm.s32 $0x0  }
0x113: {  	v0 =	vsel vm13, $0xFFFFFFFF, v0;
	vm12 =	veq.f32 v53, v57  }
0x114: {  	[tilespmem:$0x1FEC0] =	vst v0;
	v0 =	vimm.s32 $0x0;
	vm13 =	veq.f32 v52, v57;
	v58 =	vnsel vm12, $0x80000040, v37  }
0x115: {  	v0 =	vsel vm14, $0xFFFFFFFF, v0;
	vm14 =	veq.f32 v50, v57;
	v11 =	vsel vm13, v2, v58  }
0x116: {  	vm5 =	veq.f32 v48, v57;
	v11 =	vsel vm14, v3, v11  }
0x117: {  	v10 =	vsel vm5, v4, v11  }
0x118: {  	(xrf0) =	vmin.scan.msk.u32 $0xffff, v10;
	_ =	sdelay $0x3  }
0x119: {  	(v2sf) =	vpush v49, $0xF  }
0x11a: {  	(v2sf) =	vpush v8, $0xF  }
0x11b: {  	(v2sf) =	vpush v56, $0xF;
	v8, _, _ =	vpop (xrf0)  }
0x11c: {  	(v2sf) =	vpush v8, $0xF;
	_ =	sdelay $0xb  }
0x11d: {  	s1 =	spop (v2sf)  }
0x11e: {  	s18 =	spop (v2sf)  }
0x11f: {  	s29 =	spop (v2sf)  }
0x120: {  	s4 =	spop (v2sf)  }
0x121: {  	s0 =	sxor.u32 $0x80000000, s4  }
0x122: {  	v8 =	vmov s0  }
0x123: {  	vm10 =	veq.s32 v8, v39;
	vm9 =	veq.s32 v8, v5  }
0x124: {  	vm11 =	veq.s32 v8, v6;
	vm13 =	veq.s32 v8, v7;
	v59 =	vsel vm10, $0xF149F2CA, v48  }
0x125: {  	v8 =	vsel vm9, $0xF149F2CA, v50;
	v60 =	vsel vm11, $0xF149F2CA, v52;
	v61 =	vsel vm13, $0xF149F2CA, v53  }
0x126: {  	v12 =	vmax.f32 v59, v8;
	v62 =	vmax.f32 v60, v61  }
0x127: {  	v12 =	vmax.f32 v12, v62  }
0x128: {  	(xrf0) =	vmax.scan.msk.f32 $0xffff, v12;
	_ =	sdelay $0x4  }
0x129: {  	v63 =	vld [tilespmem:$0x300]  }
0x12a: {  	v23 =	vld [tilespmem:$0x320];
	v20, _, _ =	vpop (xrf0)  }
0x12b: {  	v24 =	vld [tilespmem:$0x330];
	[tilespmem:$0x1FED0] =	vst v0;
	v0 =	vimm.s32 $0x0;
	v22 =	vbroadcast v20, $0xF  }
0x12c: {  	v21 =	vld [tilespmem:$0x310];
	v0 =	vsel vm6, $0xFFFFFFFF, v0  }
0x12d: {  	[tilespmem:$0x1FEE0] =	vst v0;
	v0 =	vimm.s32 $0x0;
	vm6 =	veq.f32 v61, v22  }
0x12e: {  	v0 =	vsel vm7, $0xFFFFFFFF, v0;
	vm7 =	veq.f32 v60, v22;
	v11 =	vnsel vm6, $0x80000040, v37  }
0x12f: {  	vm8 =	veq.f32 v8, v22;
	v10 =	vsel vm7, v2, v11  }
0x130: {  	vm12 =	veq.f32 v59, v22;
	v8 =	vsel vm8, v3, v10  }
0x131: {  	v26 =	vmax.f32 v23, v24;
	v25 =	vmax.f32 v63, v21;
	v8 =	vsel vm12, v4, v8  }
0x132: {  	(xrf0) =	vmin.scan.msk.u32 $0xffff, v8;
	v8 =	vmax.f32 v25, v26  }
0x133: {  	(xrf0) =	vmax.scan.msk.f32 $0xffff, v8;
	_ =	sdelay $0x4  }
0x134: {  	v8, _, _ =	vpop (xrf0)  }
0x135: {  	v27, _, _ =	vpop (xrf0)  }
0x136: {  	v28 =	vbroadcast v27, $0xF;
	_ =	sdelay $0x1  }
0x137: {  	vm14 =	veq.f32 v24, v28  }
0x138: {  	vm5 =	veq.f32 v23, v28;
	v29 =	vnsel vm14, $0x80000040, v37  }
0x139: {  	vm6 =	veq.f32 v21, v28;
	v11 =	vsel vm5, v2, v29  }
0x13a: {  	vm7 =	veq.f32 v63, v28;
	v11 =	vsel vm6, v3, v11  }
0x13b: {  	v10 =	vsel vm7, v4, v11  }
0x13c: {  	(xrf0) =	vmin.scan.msk.u32 $0xffff, v10;
	_ =	sdelay $0x3  }
0x13d: {  	(v2sf) =	vpush v20, $0xF  }
0x13e: {  	(v2sf) =	vpush v8, $0xF  }
0x13f: {  	(v2sf) =	vpush v27, $0xF;
	v8, _, _ =	vpop (xrf0)  }
0x140: {  	(v2sf) =	vpush v8, $0xF;
	_ =	sdelay $0xb  }
0x141: {  	s2 =	spop (v2sf)  }
0x142: {  	s19 =	spop (v2sf)  }
0x143: {  	s31 =	spop (v2sf)  }
0x144: {  	s5 =	spop (v2sf)  }
0x145: {  	s0 =	sxor.u32 $0x80000000, s5  }
0x146: {  	v8 =	vmov s0  }
0x147: {  	vm8 =	veq.s32 v8, v39;
	vm12 =	veq.s32 v8, v5  }
0x148: {  	vm14 =	veq.s32 v8, v6;
	vm6 =	veq.s32 v8, v7;
	v30 =	vsel vm8, $0xF149F2CA, v63  }
0x149: {  	v8 =	vsel vm12, $0xF149F2CA, v21;
	v31 =	vsel vm14, $0xF149F2CA, v23;
	v32 =	vsel vm6, $0xF149F2CA, v24  }
0x14a: {  	v12 =	vmax.f32 v30, v8;
	v33 =	vmax.f32 v31, v32  }
0x14b: {  	v12 =	vmax.f32 v12, v33  }
0x14c: {  	(xrf0) =	vmax.scan.msk.f32 $0xffff, v12;
	_ =	sdelay $0x4  }
0x14d: {  	v34 =	vld [tilespmem:$0x180]  }
0x14e: {  	v40 =	vld [tilespmem:$0x1A0];
	v35, _, _ =	vpop (xrf0)  }
0x14f: {  	v41 =	vld [tilespmem:$0x1B0];
	v38 =	vbroadcast v35, $0xF  }
0x150: {  	v36 =	vld [tilespmem:$0x190]  }
0x151: {  	[tilespmem:$0x1FEF0] =	vst v0;
	v0 =	vimm.s32 $0x0;
	vm0 =	veq.f32 v32, v38  }
0x152: {  	v0 =	vsel vm8, $0xFFFFFFFF, v0;
	vm7 =	veq.f32 v31, v38;
	v11 =	vnsel vm0, $0x80000040, v37  }
0x153: {  	[tilespmem:$0x1FFA0] =	vst v0;
	v0 =	vimm.s32 $0x0;
	vm8 =	veq.f32 v8, v38;
	v10 =	vsel vm7, v2, v11  }
0x154: {  	v0 =	vsel vm12, $0xFFFFFFFF, v0;
	vm12 =	veq.f32 v30, v38;
	v8 =	vsel vm8, v3, v10  }
0x155: {  	v43 =	vmax.f32 v40, v41;
	v42 =	vmax.f32 v34, v36;
	v8 =	vsel vm12, v4, v8  }
0x156: {  	(xrf0) =	vmin.scan.msk.u32 $0xffff, v8;
	v8 =	vmax.f32 v42, v43  }
0x157: {  	(xrf0) =	vmax.scan.msk.f32 $0xffff, v8;
	_ =	sdelay $0x4  }
0x158: {  	v8, _, _ =	vpop (xrf0)  }
0x159: {  	v44, _, _ =	vpop (xrf0)  }
0x15a: {  	v45 =	vbroadcast v44, $0xF  }
0x15b: {  	[tilespmem:$0x1FFB0] =	vst v0;
	v0 =	vimm.s32 $0x0  }
0x15c: {  	v0 =	vsel vm14, $0xFFFFFFFF, v0;
	vm14 =	veq.f32 v41, v45  }
0x15d: {  	[tilespmem:$0x1FFC0] =	vst v0;
	v0 =	vimm.s32 $0x0;
	vm5 =	veq.f32 v40, v45;
	v46 =	vnsel vm14, $0x80000040, v37  }
0x15e: {  	v0 =	vsel vm6, $0xFFFFFFFF, v0;
	vm6 =	veq.f32 v36, v45;
	v11 =	vsel vm5, v2, v46  }
0x15f: {  	vm7 =	veq.f32 v34, v45;
	v11 =	vsel vm6, v3, v11  }
0x160: {  	v10 =	vsel vm7, v4, v11  }
0x161: {  	(xrf0) =	vmin.scan.msk.u32 $0xffff, v10;
	_ =	sdelay $0x3  }
0x162: {  	(v2sf) =	vpush v35, $0xF  }
0x163: {  	(v2sf) =	vpush v8, $0xF  }
0x164: {  	(v2sf) =	vpush v44, $0xF;
	v8, _, _ =	vpop (xrf0)  }
0x165: {  	(v2sf) =	vpush v8, $0xF;
	_ =	sdelay $0xb  }
0x166: {  	s4 =	spop (v2sf)  }
0x167: {  	s21 =	spop (v2sf)  }
0x168: {  	s0 =	spop (v2sf)  }
0x169: {  	s5 =	spop (v2sf)  }
0x16a: {  	s5 =	sxor.u32 $0x80000000, s5  }
0x16b: {  	v8 =	vmov s5  }
0x16c: {  	vm12 =	veq.s32 v8, v39;
	vm14 =	veq.s32 v8, v5  }
0x16d: {  	vm8 =	veq.s32 v8, v6;
	vm5 =	veq.s32 v8, v7;
	v47 =	vsel vm12, $0xF149F2CA, v34  }
0x16e: {  	v8 =	vsel vm14, $0xF149F2CA, v36;
	v48 =	vsel vm8, $0xF149F2CA, v40;
	v49 =	vsel vm5, $0xF149F2CA, v41  }
0x16f: {  	v12 =	vmax.f32 v47, v8;
	v50 =	vmax.f32 v48, v49  }
0x170: {  	v12 =	vmax.f32 v12, v50  }
0x171: {  	(xrf0) =	vmax.scan.msk.f32 $0xffff, v12;
	_ =	sdelay $0x1  }
0x172: {  	s14 =	ssub.f32 s14, s10;
	_ =	sdelay $0x1  }
0x173: {  	v51 =	vmov s14  }
0x174: {  	v18 =	vld [tilespmem:$0x1F0];
	v12 =	vmul.f32 $1.442695020e+00, v51  }
0x175: {  	v54 =	vld [tilespmem:$0x1D0];
	v53, _, _ =	vpop (xrf0)  }
0x176: {  	v56 =	vld [tilespmem:$0x1E0];
	v12 =	vbroadcast v12, $0x0;
	v55 =	vbroadcast v53, $0xF  }
0x177: {  	v52 =	vld [tilespmem:$0x1C0]  }
0x178: {  	(erf) = vpow2.f32 v12;
	vm0 =	veq.f32 v49, v55  }
0x179: {  	vm6 =	veq.f32 v48, v55;
	v11 =	vnsel vm0, $0x80000040, v37  }
0x17a: {  	[tilespmem:$0x1FFD0] =	vst v0;
	v0 =	vimm.s32 $0x0;
	vm7 =	veq.f32 v8, v55;
	v10 =	vsel vm6, v2, v11  }
0x17b: {  	v0 =	vsel vm8, $0xFFFFFFFF, v0;
	vm8 =	veq.f32 v47, v55;
	v8 =	vsel vm7, v3, v10  }
0x17c: {  	v58 =	vmax.f32 v56, v18;
	v57 =	vmax.f32 v52, v54;
	v8 =	vsel vm8, v4, v8  }
0x17d: {  	(xrf0) =	vmin.scan.msk.u32 $0xffff, v8;
	v8 =	vmax.f32 v57, v58  }
0x17e: {  	s17 =	ssub.f32 s17, s12;
	(xrf0) =	vmax.scan.msk.f32 $0xffff, v8;
	_ =	sdelay $0x1  }
0x17f: {  	v8 =	vmov s17  }
0x180: {  	v59 =	vpop (erf);
	v8 =	vmul.f32 $1.442695020e+00, v8  }
0x181: {  	v9 =	vadd.f32 $1.000000000e+00, v59  }
0x182: {  	v8 =	vbroadcast v8, $0x0;
	v60, _, _ =	vpop (xrf0)  }
0x183: {  	(erf) = vrcp.f32 v9;
	v61, _, _ =	vpop (xrf0)  }
0x184: {  	(erf) = vpow2.f32 v8;
	v62 =	vbroadcast v61, $0xF  }
0x185: {  	[tilespmem:$0x1FFE0] =	vst v0;
	v0 =	vimm.s32 $0x0  }
0x186: {  	v0 =	vsel vm5, $0xFFFFFFFF, v0;
	vm5 =	veq.f32 v18, v62  }
0x187: {  	vm6 =	veq.f32 v56, v62;
	v8 =	vnsel vm5, $0x80000040, v37  }
0x188: {  	vm7 =	veq.f32 v54, v62;
	v8 =	vsel vm6, v2, v8  }
0x189: {  	vm8 =	veq.f32 v52, v62;
	v8 =	vsel vm7, v3, v8  }
0x18a: {  	s22 =	ssub.f32 s22, s15;
	v8 =	vsel vm8, v4, v8  }
0x18b: {  	(xrf0) =	vmin.scan.msk.u32 $0xffff, v8  }
0x18c: {  	v63 =	vpop (erf);
	v8 =	vmov s22  }
0x18d: {  	v41 =	vpop (erf);
	v8 =	vmul.f32 $1.442695020e+00, v8  }
0x18e: {  	v9 =	vadd.f32 $1.000000000e+00, v41  }
0x18f: {  	(v2sf) =	vpush v53, $0xF;
	v8 =	vbroadcast v8, $0x0  }
0x190: {  	(v2sf) =	vpush v60, $0xF;
	(erf) = vrcp.f32 v9  }
0x191: {  	(v2sf) =	vpush v61, $0xF;
	(erf) = vpow2.f32 v8;
	v42, _, _ =	vpop (xrf0)  }
0x192: {  	(v2sf) =	vpush v42, $0xF;
	_ =	sdelay $0x4  }
0x193: {  	s10 =	ssub.f32 s24, s20;
	_ =	sdelay $0x1  }
0x194: {  	v8 =	vmov s10;
	v24 =	vpop (erf)  }
0x195: {  	v8 =	vmul.f32 $1.442695020e+00, v8;
	v43 =	vpop (erf)  }
0x196: {  	v9 =	vadd.f32 $1.000000000e+00, v43  }
0x197: {  	v8 =	vbroadcast v8, $0x0  }
0x198: {  	(erf) = vrcp.f32 v9  }
0x199: {  	s12 =	spop (v2sf);
	(erf) = vpow2.f32 v8  }
0x19a: {  	s10 =	spop (v2sf)  }
0x19b: {  	s20 =	spop (v2sf)  }
0x19c: {  	s22 =	spop (v2sf)  }
0x19d: {  	s24 =	ssub.f32 s26, s23;
	s5 =	sxor.u32 $0x80000000, s22  }
0x19e: {  	v8 =	vmov s5  }
0x19f: {  	v44 =	vmov s24;
	vm5 =	veq.s32 v8, v39;
	vm6 =	veq.s32 v8, v5  }
0x1a0: {  	vm7 =	veq.s32 v8, v6;
	vm8 =	veq.s32 v8, v7;
	v45 =	vsel vm5, $0xF149F2CA, v52  }
0x1a1: {  	v27 =	vpop (erf);
	v8 =	vsel vm6, $0xF149F2CA, v54;
	v46 =	vsel vm7, $0xF149F2CA, v56;
	v47 =	vsel vm8, $0xF149F2CA, v18  }
0x1a2: {  	v9 =	vmul.f32 $1.442695020e+00, v44;
	v48 =	vpop (erf);
	v15 =	vmax.f32 v45, v8;
	v49 =	vmax.f32 v46, v47  }
0x1a3: {  	v13 =	vadd.f32 $1.000000000e+00, v48;
	v15 =	vmax.f32 v15, v49  }
0x1a4: {  	v9 =	vbroadcast v9, $0x0;
	(xrf0) =	vmax.scan.msk.f32 $0xffff, v15  }
0x1a5: {  	(erf) = vrcp.f32 v13  }
0x1a6: {  	(erf) = vpow2.f32 v9;
	_ =	sdelay $0x3  }
0x1a7: {  	v19 =	vld [tilespmem:$0x3A0];
	v23, _, _ =	vpop (xrf0)  }
0x1a8: {  	v22 =	vld [tilespmem:$0x3B0];
	v50 =	vbroadcast v23, $0xF  }
0x1a9: {  	s25 =	ssub.f32 s30, s25;
	v18 =	vld [tilespmem:$0x380]  }
0x1aa: {  	v13 =	vld [tilespmem:$0x390];
	vm0 =	veq.f32 v47, v50  }
0x1ab: {  	v51 =	vmov s25;
	v14 =	vnsel vm0, $0x80000040, v37;
	v38 =	vpop (erf);
	vm0 =	veq.f32 v46, v50  }
0x1ac: {  	v11 =	vsel vm0, v2, v14;
	v52 =	vpop (erf);
	v14 =	vmul.f32 $1.442695020e+00, v51;
	vm0 =	veq.f32 v8, v50  }
0x1ad: {  	v15 =	vadd.f32 $1.000000000e+00, v52;
	v8 =	vsel vm0, v3, v11;
	vm0 =	veq.f32 v45, v50  }
0x1ae: {  	v53 =	vbroadcast v14, $0x0;
	v8 =	vsel vm0, v4, v8  }
0x1af: {  	v54 =	vmax.f32 v19, v22;
	(erf) = vrcp.f32 v15;
	(xrf0) =	vmin.scan.msk.u32 $0xffff, v8;
	v8 =	vmax.f32 v18, v13  }
0x1b0: {  	(erf) = vpow2.f32 v53;
	v8 =	vmax.f32 v8, v54  }
0x1b1: {  	(xrf0) =	vmax.scan.msk.f32 $0xffff, v8;
	_ =	sdelay $0x4  }
0x1b2: {  	v25, _, _ =	vpop (xrf0)  }
0x1b3: {  	v26, _, _ =	vpop (xrf0)  }
0x1b4: {  	s26 =	sxor.u32 $0x80000000, s7;
	v43 =	vpop (erf);
	v57 =	vbroadcast v26, $0xF  }
0x1b5: {  	v59 =	vmov s26;
	v55 =	vpop (erf)  }
0x1b6: {  	v16 =	vnsel vm15, $0x0, v63;
	v9 =	vadd.f32 $1.000000000e+00, v55;
	vm15 =	veq.f32 v22, v57  }
0x1b7: {  	v20 =	vsub.f32 $1.000000000e+00, v63;
	v58 =	vnsel vm15, $0x80000040, v37;
	vm15 =	veq.f32 v19, v57  }
0x1b8: {  	(erf) = vrcp.f32 v9;
	v60 =	vsel vm15, v2, v58;
	vm15 =	veq.f32 v13, v57  }
0x1b9: {  	v9 =	vnsel vm4, $0x0, v63;
	v61 =	vsel vm15, v3, v60;
	vm15 =	veq.f32 v18, v57  }
0x1ba: {  	vm4 =	veq.s32 v59, v5;
	v62 =	vsel vm15, v4, v61;
	vm15 =	veq.s32 v59, v6  }
0x1bb: {  	[tilespmem:$0x1FFF0] =	vst v0;
	v14 =	vnsel vm4, $0x0, v20;
	vm4 =	veq.s32 v59, v7;
	v0 =	vnsel vm15, $0x0, v20  }
0x1bc: {  	[tilespmem:$0x1FF00] =	vst v0;
	v0 =	vnsel vm4, $0x0, v20  }
0x1bd: {  	[tilespmem:$0x1FF10] =	vst v0;
	v0 =	vld [tilespmem:$0x1FD80];
	_ =	sdelay $0x3  }
0x1be: {  	s1 =	ssub.f32 s1, s28;
	s28 =	sxor.u32 $0x80000000, s8  }
0x1bf: {  	v29 =	vmov s28;
	v30 =	vsub.f32 $1.000000000e+00, v24;
	vm4 =	vnez.u8 v0  }
0x1c0: {  	vm15 =	veq.s32 v29, v39;
	v0 =	vnsel vm4, $0x0, v24  }
0x1c1: {  	[tilespmem:$0x1FF20] =	vst v0;
	v0 =	vnsel vm15, $0x0, v30  }
0x1c2: {  	[tilespmem:$0x1FF30] =	vst v0;
	v0 =	vld [tilespmem:$0x1FD90];
	_ =	sdelay $0x4  }
0x1c3: {  	vm15 =	vnez.u8 v0  }
0x1c4: {  	vm4 =	veq.s32 v29, v5;
	v0 =	vnsel vm15, $0x0, v24  }
0x1c5: {  	[tilespmem:$0x1FF40] =	vst v0;
	v0 =	vnsel vm4, $0x0, v30  }
0x1c6: {  	[tilespmem:$0x1FF50] =	vst v0;
	v0 =	vld [tilespmem:$0x1FDA0];
	_ =	sdelay $0x4  }
0x1c7: {  	vm4 =	vnez.u8 v0;
	v0 =	vld [tilespmem:$0x1FDB0];
	_ =	sdelay $0x2  }
0x1c8: {  	(v2sf) =	vpush v23, $0xF  }
0x1c9: {  	s30 =	ssub.f32 s2, s29;
	(v2sf) =	vpush v25, $0xF;
	vm15 =	veq.s32 v29, v6  }
0x1ca: {  	(v2sf) =	vpush v26, $0xF;
	v26 =	vnsel vm15, $0x0, v30;
	vm15 =	vnez.u8 v0;
	v0 =	vld [tilespmem:$0x1FDC0]  }
0x1cb: {  	v28 =	vmov s30  }
0x1cc: {  	v28 =	vmul.f32 $1.442695020e+00, v28;
	_ =	sdelay $0x1  }
0x1cd: {  	v11 =	vbroadcast v28, $0x0;
	v28 =	vnsel vm4, $0x0, v24;
	vm4 =	veq.s32 v29, v7  }
0x1ce: {  	v44 =	vnsel vm4, $0x0, v30;
	vm4 =	vnez.u8 v0;
	v0 =	vld [tilespmem:$0x1FDD0];
	_ =	sdelay $0x1  }
0x1cf: {  	s2 =	sxor.u32 $0x80000000, s9  }
0x1d0: {  	v33 =	vmov s2;
	v34 =	vsub.f32 $1.000000000e+00, v27  }
0x1d1: {  	vm0 =	veq.s32 v59, v39;
	v25 =	vnsel vm15, $0x0, v24;
	vm15 =	veq.s32 v33, v39  }
0x1d2: {  	v21 =	vnsel vm0, $0x0, v20;
	v20 =	vnsel vm15, $0x0, v34;
	vm15 =	vnez.u8 v0;
	v0 =	vld [tilespmem:$0x1FDE0];
	_ =	sdelay $0x3  }
0x1d3: {  	v24 =	vnsel vm4, $0x0, v27;
	vm4 =	veq.s32 v33, v5  }
0x1d4: {  	v40 =	vnsel vm4, $0x0, v34;
	vm4 =	vnez.u8 v0  }
0x1d5: {  	v29 =	vnsel vm15, $0x0, v27;
	vm15 =	veq.s32 v33, v6;
	v0 =	vnsel vm4, $0x0, v27  }
0x1d6: {  	[tilespmem:$0x1FF60] =	vst v0;
	v0 =	vnsel vm15, $0x0, v34  }
0x1d7: {  	[tilespmem:$0x1FF70] =	vst v0;
	v0 =	vld [tilespmem:$0x1FDF0];
	_ =	sdelay $0x4  }
0x1d8: {  	vm4 =	vnez.u8 v0;
	v0 =	vld [tilespmem:$0x1FE00];
	_ =	sdelay $0x1  }
0x1d9: {  	v8 =	vmov s1  }
0x1da: {  	v56 =	vmul.f32 $1.442695020e+00, v8;
	_ =	sdelay $0x1  }
0x1db: {  	v10 =	vbroadcast v56, $0x0;
	v23 =	vnsel vm4, $0x0, v27;
	vm4 =	vnez.u8 v0;
	v0 =	vld [tilespmem:$0x1FE10];
	_ =	sdelay $0x1  }
0x1dc: {  	(erf) = vpow2.f32 v10;
	_ =	sdelay $0x2  }
0x1dd: {  	v30 =	vnsel vm4, $0x0, v38;
	vm4 =	vnez.u8 v0  }
0x1de: {  	v0 =	vnsel vm4, $0x0, v38  }
0x1df: {  	[tilespmem:$0x1FF80] =	vst v0;
	v0 =	vld [tilespmem:$0x1FE20]  }
0x1e0: {  	s5 =	sxor.u32 $0x80000000, s11  }
0x1e1: {  	v42 =	vsub.f32 $1.000000000e+00, v38;
	v45 =	vmov s5;
	vm15 =	veq.s32 v33, v7  }
0x1e2: {  	v35 =	vnsel vm3, $0x0, v63;
	v50 =	vpop (erf);
	v41 =	vnsel vm15, $0x0, v34;
	vm15 =	veq.s32 v45, v39  }
0x1e3: {  	v36 =	vnsel vm2, $0x0, v63;
	v31 =	vpop (erf);
	v33 =	vnsel vm15, $0x0, v42;
	vm15 =	veq.s32 v45, v5  }
0x1e4: {  	v63 =	vadd.f32 $1.000000000e+00, v31;
	v31 =	vnsel vm15, $0x0, v42;
	vm15 =	vnez.u8 v0  }
0x1e5: {  	v0 =	vnsel vm15, $0x0, v38  }
0x1e6: {  	[tilespmem:$0x1FF90] =	vst v0;
	v0 =	vld [tilespmem:$0x1FE30];
	_ =	sdelay $0x3  }
0x1e7: {  	vm4 =	veq.s32 v45, v6  }
0x1e8: {  	(xrf0) =	vmin.scan.msk.u32 $0xffff, v62;
	v34 =	vnsel vm4, $0x0, v42;
	vm4 =	vnez.u8 v0;
	v0 =	vld [tilespmem:$0x1FE40];
	_ =	sdelay $0x3  }
0x1e9: {  	vm15 =	veq.s32 v45, v7  }
0x1ea: {  	v42 =	vnsel vm15, $0x0, v42;
	vm15 =	vnez.u8 v0;
	v0 =	vld [tilespmem:$0x1FE50]  }
0x1eb: {  	v10, _, _ =	vpop (xrf0);
	(erf) = vrcp.f32 v63  }
0x1ec: {  	(v2sf) =	vpush v10, $0xF;
	(erf) = vpow2.f32 v11;
	_ =	sdelay $0x2  }
0x1ed: {  	v45 =	vnsel vm15, $0x0, v43;
	vm15 =	vnez.u8 v0;
	v0 =	vld [tilespmem:$0x1FE60]  }
0x1ee: {  	s11 =	sxor.u32 $0x80000000, s13  }
0x1ef: {  	v53 =	vmov s11;
	v52 =	vsub.f32 $1.000000000e+00, v43  }
0x1f0: {  	v38 =	vnsel vm4, $0x0, v38;
	vm4 =	veq.s32 v53, v39  }
0x1f1: {  	v49 =	vnsel vm4, $0x0, v52;
	vm4 =	veq.s32 v53, v5  }
0x1f2: {  	v51 =	vpop (erf);
	v54 =	vnsel vm4, $0x0, v52;
	vm4 =	vnez.u8 v0;
	v0 =	vld [tilespmem:$0x1FE70]  }
0x1f3: {  	s7 =	ssub.f32 s4, s31;
	v46 =	vpop (erf)  }
0x1f4: {  	v46 =	vadd.f32 $1.000000000e+00, v46  }
0x1f5: {  	v12 =	vmov s7  }
0x1f6: {  	s8 =	spop (v2sf);
	(erf) = vrcp.f32 v46;
	v46 =	vnsel vm15, $0x0, v43;
	vm15 =	veq.s32 v53, v6  }
0x1f7: {  	v47 =	vmul.f32 $1.442695020e+00, v12;
	s9 =	spop (v2sf);
	v48 =	vnsel vm15, $0x0, v52;
	vm15 =	vnez.u8 v0;
	v0 =	vld [tilespmem:$0x1FE80]  }
0x1f8: {  	s13 =	spop (v2sf)  }
0x1f9: {  	s17 =	sxor.u32 $0x80000000, s16;
	v47 =	vbroadcast v47, $0x0;
	s15 =	spop (v2sf)  }
0x1fa: {  	vm0 =	veq.s32 v53, v7;
	v56 =	vmov s17;
	s5 =	sxor.u32 $0x80000000, s15  }
0x1fb: {  	v59 =	vsub.f32 $1.000000000e+00, v50;
	(erf) = vpow2.f32 v47;
	v55 =	vmov s5  }
0x1fc: {  	vm2 =	veq.s32 v55, v39;
	v52 =	vnsel vm0, $0x0, v52;
	vm0 =	vnez.u8 v0;
	v0 =	vld [tilespmem:$0x1FE90]  }
0x1fd: {  	vm1 =	veq.s32 v55, v5;
	vm3 =	veq.s32 v55, v6;
	v18 =	vsel vm2, $0xF149F2CA, v18  }
0x1fe: {  	v13 =	vsel vm1, $0xF149F2CA, v13;
	v47 =	vnsel vm4, $0x0, v43;
	vm4 =	veq.s32 v55, v7  }
0x1ff: {  	v19 =	vsel vm3, $0xF149F2CA, v19;
	v57 =	vmax.f32 v18, v13;
	v22 =	vsel vm4, $0xF149F2CA, v22  }
0x200: {  	v58 =	vmax.f32 v19, v22;
	v43 =	vnsel vm15, $0x0, v43;
	vm15 =	veq.s32 v56, v39  }
0x201: {  	v57 =	vmax.f32 v57, v58;
	v58 =	vnsel vm15, $0x0, v59;
	vm15 =	vnez.u8 v0;
	v0 =	vld [tilespmem:$0x1FEA0];
	_ =	sdelay $0x4  }
0x202: {  	v60 =	vpop (erf);
	v61 =	vnsel vm15, $0x0, v50;
	vm15 =	vnez.u8 v0;
	v0 =	vld [tilespmem:$0x1FEB0]  }
0x203: {  	s0 =	ssub.f32 s12, s0;
	v17 =	vpop (erf)  }
0x204: {  	v53 =	vadd.f32 $1.000000000e+00, v17  }
0x205: {  	v15 =	vmov s0  }
0x206: {  	(erf) = vrcp.f32 v53;
	v63 =	vnsel vm15, $0x0, v50;
	vm15 =	veq.s32 v56, v6  }
0x207: {  	v55 =	vmul.f32 $1.442695020e+00, v15;
	v53 =	vnsel vm15, $0x0, v59;
	vm15 =	vnez.u8 v0;
	v0 =	vld [tilespmem:$0x1FEC0];
	_ =	sdelay $0x1  }
0x208: {  	v32 =	vld [tilespmem:$0x1FEE0];
	v55 =	vbroadcast v55, $0x0;
	(xrf0) =	vmax.scan.msk.f32 $0xffff, v57;
	v57 =	vnsel vm0, $0x0, v50;
	vm0 =	veq.s32 v56, v5  }
0x209: {  	s18 =	sxor.u32 $0x80000000, s18;
	v27 =	vld [tilespmem:$0x1FED0];
	v62 =	vnsel vm0, $0x0, v59;
	vm0 =	veq.s32 v56, v7  }
0x20a: {  	v15 =	vld [tilespmem:$0x1FEF0];
	(erf) = vpow2.f32 v55;
	v55 =	vnsel vm0, $0x0, v59;
	v59 =	vmov s18  }
0x20b: {  	v50 =	vnsel vm15, $0x0, v50;
	vm15 =	vnez.u8 v0;
	v0 =	vsub.f32 $1.000000000e+00, v51  }
0x20c: {  	vm0 =	veq.s32 v59, v39  }
0x20d: {  	v56 =	vnsel vm15, $0x0, v51;
	vm15 =	veq.s32 v59, v5;
	v8 =	vnsel vm0, $0x0, v0  }
0x20e: {  	vm0 =	vnez.u8 v27;
	v11 =	vnsel vm15, $0x0, v0;
	vm15 =	vnez.u8 v32;
	v27 =	vld [tilespmem:$0x1FF00]  }
0x20f: {  	v17 =	vnsel vm15, $0x0, v51;
	vm15 =	vnez.u8 v15  }
0x210: {  	v12 =	vnsel vm0, $0x0, v51;
	v51 =	vnsel vm15, $0x0, v51;
	vm15 =	veq.s32 v59, v6  }
0x211: {  	v10 =	vnsel vm15, $0x0, v0;
	vm15 =	veq.s32 v59, v7  }
0x212: {  	v15 =	vnsel vm15, $0x0, v0;
	v0 =	vadd.f32 v14, v9  }
0x213: {  	v9 =	vadd.f32 v27, v35;
	v27 =	vld [tilespmem:$0x1FF30]  }
0x214: {  	[tilespmem:$0x410] =	vst v0;
	v0 =	vld [tilespmem:$0x1FF10]  }
0x215: {  	[tilespmem:$0x420] =	vst v9;
	v9 =	vld [tilespmem:$0x1FF20];
	_ =	sdelay $0x2  }
0x216: {  	v21 =	vadd.f32 v21, v16;
	v1, _, _ =	vpop (xrf0)  }
0x217: {  	(v2sf) =	vpush v1, $0xF;
	v0 =	vadd.f32 v0, v36  }
0x218: {  	[tilespmem:$0x400] =	vst v21;
	v21 =	vadd.f32 v27, v9;
	v27 =	vld [tilespmem:$0x1FF50]  }
0x219: {  	[tilespmem:$0x430] =	vst v0;
	v0 =	vld [tilespmem:$0x1FF40];
	_ =	sdelay $0x1  }
0x21a: {  	v35 =	vpop (erf)  }
0x21b: {  	s20 =	ssub.f32 s8, s20;
	v36 =	vpop (erf)  }
0x21c: {  	v28 =	vadd.f32 v26, v28;
	v36 =	vadd.f32 $1.000000000e+00, v36  }
0x21d: {  	s22 =	sxor.u32 $0x80000000, s19;
	v32 =	vmov s20;
	v0 =	vadd.f32 v27, v0  }
0x21e: {  	[tilespmem:$0x460] =	vst v28;
	v28 =	vmov s22;
	v32 =	vmul.f32 $1.442695020e+00, v32;
	(erf) = vrcp.f32 v36  }
0x21f: {  	v16 =	vnsel vm11, $0x0, v60;
	v1 =	vbroadcast v1, $0xF;
	[tilespmem:$0x450] =	vst v0;
	v0 =	vadd.f32 v44, v25  }
0x220: {  	v20 =	vadd.f32 v20, v24;
	v59 =	vnsel vm10, $0x0, v60;
	v32 =	vbroadcast v32, $0x0  }
0x221: {  	v9 =	vnsel vm13, $0x0, v60;
	vm13 =	veq.f32 v22, v1;
	[tilespmem:$0x470] =	vst v0;
	v0 =	vadd.f32 v40, v29  }
0x222: {  	v14 =	vnsel vm9, $0x0, v60;
	v60 =	vsub.f32 $1.000000000e+00, v60;
	v22 =	vnsel vm13, $0x80000040, v37  }
0x223: {  	vm13 =	veq.f32 v19, v1;
	(erf) = vpow2.f32 v32;
	v32 =	vld [tilespmem:$0x1FF70];
	[tilespmem:$0x610] =	vst v0;
	v0 =	vadd.f32 v41, v23  }
0x224: {  	vm15 =	veq.s32 v28, v39;
	v19 =	vsel vm13, v2, v22;
	v44 =	vadd.f32 v54, v46;
	v54 =	vld [tilespmem:$0x1FFB0]  }
0x225: {  	s23 =	spop (v2sf);
	v22 =	vnsel vm15, $0x0, v60;
	vm15 =	veq.s32 v28, v5;
	vm13 =	veq.s32 v28, v6;
	[tilespmem:$0x630] =	vst v0;
	v0 =	vld [tilespmem:$0x1FF80]  }
0x226: {  	s0 =	ssub.f32 s23, s13;
	v36 =	vadd.f32 v33, v30;
	v25 =	vnsel vm13, $0x0, v60;
	vm13 =	veq.f32 v13, v1;
	v29 =	vld [tilespmem:$0x1FF60]  }
0x227: {  	[tilespmem:$0x600] =	vst v20;
	v52 =	vadd.f32 v52, v43;
	v19 =	vsel vm13, v3, v19;
	v26 =	vpop (erf);
	v23 =	vnsel vm15, $0x0, v60  }
0x228: {  	[tilespmem:$0x480] =	vst v36;
	vm15 =	veq.s32 v28, v7;
	v41 =	vmov s0;
	v36 =	vnsel vm14, $0x0, v26  }
0x229: {  	[tilespmem:$0x440] =	vst v21;
	v13 =	vnsel vm15, $0x0, v60;
	v21 =	vmul.f32 $1.442695020e+00, v41;
	vm15 =	veq.f32 v18, v1  }
0x22a: {  	s24 =	sxor.u32 $0x80000000, s21;
	[tilespmem:$0x4F0] =	vst v52;
	vm11 =	vnez.u8 v54;
	v1 =	vsel vm15, v4, v19;
	v0 =	vadd.f32 v31, v0  }
0x22b: {  	v40 =	vld [tilespmem:$0x1FF90];
	v9 =	vadd.f32 v13, v9;
	v20 =	vadd.f32 v32, v29;
	(xrf0) =	vmin.scan.msk.u32 $0xffff, v1;
	v1 =	vmov s24  }
0x22c: {  	v21 =	vbroadcast v21, $0x0;
	[tilespmem:$0x490] =	vst v0;
	v0 =	vadd.f32 v42, v38;
	v42 =	vadd.f32 v49, v45;
	v45 =	vpop (erf)  }
0x22d: {  	[tilespmem:$0x4D0] =	vst v44;
	v60 =	vld [tilespmem:$0x1FFC0];
	v32 =	vnsel vm12, $0x0, v26;
	vm10 =	veq.s32 v1, v39;
	v46 =	vadd.f32 $1.000000000e+00, v45  }
0x22e: {  	s25 =	sxor.u32 $0x80000000, s10;
	vm13 =	veq.s32 v1, v5;
	vm15 =	veq.s32 v1, v6;
	[tilespmem:$0x4B0] =	vst v0;
	v0 =	vadd.f32 v48, v47;
	v48 =	vld [tilespmem:$0x1FFA0]  }
0x22f: {  	[tilespmem:$0x620] =	vst v20;
	v31 =	vmov s25;
	v47 =	vsub.f32 $1.000000000e+00, v35;
	(erf) = vrcp.f32 v46  }
0x230: {  	v20 =	vadd.f32 v34, v40;
	vm14 =	veq.s32 v31, v6;
	[tilespmem:$0x4C0] =	vst v42;
	(erf) = vpow2.f32 v21  }
0x231: {  	v42 =	vld [tilespmem:$0x1FFE0];
	v49 =	vnsel vm10, $0x0, v47;
	[tilespmem:$0x4E0] =	vst v0;
	v0 =	vadd.f32 v58, v57;
	v21 =	vnsel vm11, $0x0, v35  }
0x232: {  	[tilespmem:$0x570] =	vst v9;
	v57 =	vadd.f32 v62, v61;
	v58 =	vnsel vm13, $0x0, v47;
	vm13 =	vnez.u8 v60  }
0x233: {  	[tilespmem:$0x4A0] =	vst v20;
	v61 =	vnsel vm15, $0x0, v47;
	v62 =	vadd.f32 v55, v50;
	vm9 =	vnez.u8 v48  }
0x234: {  	vm10 =	veq.s32 v31, v39;
	[tilespmem:$0x680] =	vst v0;
	v24 =	vnsel vm9, $0x0, v35;
	vm9 =	veq.s32 v1, v7;
	v1, _, _ =	vpop (xrf0)  }
0x235: {  	v28 =	vnsel vm13, $0x0, v35;
	v0 =	vadd.f32 v53, v63;
	[tilespmem:$0x690] =	vst v57;
	(v2sf) =	vpush v1, $0xF  }
0x236: {  	s26 =	sxor.u32 $0x80000000, s9;
	vm11 =	veq.s32 v31, v5;
	[tilespmem:$0x6B0] =	vst v62;
	v45 =	vadd.f32 v61, v28;
	vm12 =	vnez.u8 v42  }
0x237: {  	v48 =	vmov s26;
	[tilespmem:$0x6A0] =	vst v0;
	v0 =	vadd.f32 v8, v56;
	v8 =	vsub.f32 $1.000000000e+00, v26  }
0x238: {  	v63 =	vld [tilespmem:$0x1FFD0];
	v20 =	vnsel vm12, $0x0, v26;
	[tilespmem:$0x720] =	vst v45;
	v19 =	vnsel vm9, $0x0, v47;
	v1 =	vadd.f32 v11, v12;
	v34 =	vpop (erf)  }
0x239: {  	v43 =	vadd.f32 v49, v24;
	vm9 =	veq.s32 v48, v5;
	[tilespmem:$0x500] =	vst v0;
	v0 =	vadd.f32 v10, v17;
	v38 =	vpop (erf)  }
0x23a: {  	v33 =	vnsel vm10, $0x0, v8;
	v40 =	vnsel vm11, $0x0, v8;
	[tilespmem:$0x510] =	vst v1;
	v41 =	vadd.f32 $1.000000000e+00, v38  }
0x23b: {  	v44 =	vnsel vm14, $0x0, v8;
	vm10 =	veq.s32 v48, v6;
	[tilespmem:$0x520] =	vst v0;
	v0 =	vadd.f32 v23, v14  }
0x23c: {  	vm11 =	veq.s32 v48, v7;
	v1 =	vadd.f32 v15, v51;
	[tilespmem:$0x700] =	vst v43;
	(erf) = vrcp.f32 v41  }
0x23d: {  	vm15 =	vnez.u8 v63;
	v10 =	vadd.f32 v33, v32;
	v50 =	vadd.f32 v44, v20;
	[tilespmem:$0x550] =	vst v0;
	v0 =	vld [tilespmem:$0x1FFF0]  }
0x23e: {  	v30 =	vnsel vm15, $0x0, v35;
	vm15 =	veq.s32 v31, v7;
	[tilespmem:$0x530] =	vst v1;
	v1 =	vadd.f32 v25, v16  }
0x23f: {  	v35 =	vadd.f32 v22, v59;
	v8 =	vnsel vm15, $0x0, v8;
	v47 =	vsub.f32 $1.000000000e+00, v34;
	[tilespmem:$0x580] =	vst v10  }
0x240: {  	v49 =	vnsel vm5, $0x0, v34;
	vm5 =	veq.s32 v48, v39;
	[tilespmem:$0x560] =	vst v1;
	v1 =	vadd.f32 v58, v21  }
0x241: {  	v46 =	vadd.f32 v19, v30;
	[tilespmem:$0x5A0] =	vst v50;
	v55 =	vnsel vm8, $0x0, v34;
	v51 =	vnsel vm5, $0x0, v47  }
0x242: {  	v52 =	vnsel vm9, $0x0, v47;
	[tilespmem:$0x710] =	vst v1;
	v1 =	vadd.f32 v40, v36;
	vm13 =	vnez.u8 v0  }
0x243: {  	[tilespmem:$0x540] =	vst v35;
	v54 =	vnsel vm10, $0x0, v47;
	v53 =	vadd.f32 v51, v49;
	v0 =	vnsel vm13, $0x0, v26  }
0x244: {  	[tilespmem:$0x590] =	vst v1;
	v1 =	vnsel vm7, $0x0, v34;
	v0 =	vadd.f32 v8, v0;
	v8 =	vnsel vm6, $0x0, v34;
	s28 =	spop (v2sf)  }
0x245: {  	[tilespmem:$0x730] =	vst v46;
	v56 =	vnsel vm11, $0x0, v47;
	v1 =	vadd.f32 v54, v1;
	v8 =	vadd.f32 v52, v8;
	s0 =	sxor.u32 $0x80000000, s28;
	v57 =	vpop (erf)  }
0x246: {  	[tilespmem:$0x5B0] =	vst v0;
	v0 =	vadd.f32 v56, v55;
	v58 =	vsub.f32 $1.000000000e+00, v57;
	v59 =	vmov s0  }
0x247: {  	[tilespmem:$0x5D0] =	vst v8;
	v60 =	vnsel vm2, $0x0, v57;
	v61 =	vnsel vm1, $0x0, v57;
	vm12 =	veq.s32 v59, v39  }
0x248: {  	[tilespmem:$0x5F0] =	vst v0;
	v0 =	vnsel vm3, $0x0, v57;
	vm13 =	veq.s32 v59, v5;
	v8 =	vnsel vm12, $0x0, v58  }
0x249: {  	[tilespmem:$0x5E0] =	vst v1;
	vm14 =	veq.s32 v59, v6;
	v62 =	vnsel vm13, $0x0, v58;
	v1 =	vadd.f32 v8, v60  }
0x24a: {  	[tilespmem:$0x5C0] =	vst v53;
	vm15 =	veq.s32 v59, v7;
	v63 =	vnsel vm14, $0x0, v58;
	v8 =	vadd.f32 v62, v61  }
0x24b: {  	v9 =	vnsel vm15, $0x0, v58;
	v0 =	vadd.f32 v63, v0;
	[tilespmem:$0x780] =	vst v1;
	v1 =	vnsel vm4, $0x0, v57  }
0x24c: {  	[tilespmem:$0x790] =	vst v8;
	v1 =	vadd.f32 v9, v1  }
0x24d: {  	p0 =	sne.s32 s3, $0x1;
	s29 =	rddreg [dreg:$0x4];
	[tilespmem:$0x7A0] =	vst v0  }
.Ltmp0:
0x24e: {  	s30 =	simm.s32 $0x400;
	s31 =	simm.s32 $0x200;
	[tilespmem:$0x7B0] =	vst v1;
	(pc) =	sbr.rel @p0 .LBB2_1-.Ltmp0, $4  }
0x24f: {  	[hbm4b:s29+s31] =	stream.strided.scatter [tilespmem:s30], [sflag:$0x1], $0x400, s30, s31, $0x38;
	[tilespmem:$0x800] =	vst v63  }
0x250: {  	_ =	swait.ge [sflag:s6], $0x400  }
0x251: {  	[sflag:s6] =	ssyncset.done $0x0  }
0x252: {  	s3 =	sadd.s32 $0xFFFFFFFF, s3;
	[sflag:s6] =	ssyncadd.s32 $0xFFFFFC00  }
0x253: {  	_ =	sfence.sel $0x180000  }
0x254: {  	[bflag:$0x0] =	sbarrier.arrive $0xFFFF  }
0x255: {  	_ =	strace $0x90000047  }
0x256: {  	s0 =	stileid.u32;
	[bflag:$0x2] =	sbarrier.arrive $0xFFFF  }
0x257: {  	p0 =	sne.s32 s0, $0x0;
	s0 =	rddreg [dreg:$0x2]  }
0x258: {  	s0 =	sadd.s32 @!p0 $0x100000, s0  }
0x259: {  	[sflag:s0] =	ssyncadd.tile.s32 @!p0 $0x1;
	_ =	shalt  }
.Lfunc_end2:
_tile_overlayer_lowered:
.L_overlay_start_2:
0x25a: {  	(tag) =	ssettag $0x2  }
0x25b: {  	s0 =	rddreg [dreg:$0x0];
	s2 =	stileid.u32  }
0x25c: {  	s1 =	rddreg [dreg:$0x1];
	p0 =	sne.s32 s2, $0x0  }
0x25d: {  	s3 =	rddreg [dreg:$0x2];
	[bflag:$0x3] =	sbarrier.arrive $0xFFFF;
	s2 =	simm.s32 @!p0 $0x1C02  }
0x25e: {  	[timem:s3], [sflag:s2] =	dma.local @!p0 [hbm:s0], s1  }
0x25f: {  	s0 =	simm.s32 @!p0 $0x2  }
0x260: {  	_ =	swait.ge @!p0 [sflag:s0], s1  }
0x261: {  	s1 =	ssub.s32 @!p0 $0x0, s1;
	[sflag:s0] =	ssyncset.done @!p0 $0x0  }
0x262: {  	[sflag:s0] =	ssyncadd.s32 @!p0 s1  }
0x263: {  	[bflag:$0x3] =	sbarrier.arrive $0xFFFF  }
0x264: {  	_ =	shalt  }

</sc_bundles>
